<compile_context>
chip_gen: v7x
topology: tpu7x:2x2x1
jax: 0.10.2.dev20260603
libtpu: 0.0.44.dev20260713+nightly
codegen_flags: <defaults>
</compile_context>

<pallas_src>
import functools

import jax
import jax.numpy as jnp
from jax import lax
from jax.experimental import pallas as pl
from jax.experimental.pallas import tpu as pltpu
from jax.experimental.pallas import tpu_sc as plsc

NC = 2
NS = 16
CB = 128
NB_R = 128
NSLOT = 8


def _mlp_body(x_ref, w1_ref, b1_ref, w2_ref, b2_ref, out_ref):
    x = x_ref[...]
    h = lax.dot_general(x, w1_ref[...], (((1,), (1,)), ((), ())),
                        preferred_element_type=jnp.float32)
    h = jnp.maximum(h + b1_ref[...], 0.0)
    h = lax.dot_general(h, w2_ref[...], (((1,), (1,)), ((), ())),
                        preferred_element_type=jnp.float32)
    h = h + b2_ref[...]
    half = h.shape[1] // 2
    out_ref[0] = h[:, :half]
    out_ref[1] = h[:, half:]


def _make_sc_kernel(n_pad, ch, k_steps):
    rpt = n_pad // NS
    nblk = rpt // NB_R
    mesh = plsc.VectorSubcoreMesh(core_axis_name="c", subcore_axis_name="s")

    @functools.partial(
        pl.kernel,
        out_type=jax.ShapeDtypeStruct((NC, n_pad, 64), jnp.float32),
        mesh=mesh,
        compiler_params=pltpu.CompilerParams(use_tc_tiling_on_sc=False),
        scratch_types=[
            pltpu.VMEM_SHARED((n_pad, 64), jnp.float32),
            pltpu.VMEM_SHARED((n_pad, 64), jnp.float32),
            pltpu.VMEM((NSLOT, 2, CB), jnp.int32),
            pltpu.VMEM((rpt, 16), jnp.float32),
            pltpu.VMEM((CB, 64), jnp.float32),
            pltpu.VMEM((CB, 64), jnp.float32),
            pltpu.VMEM((CB, 64), jnp.float32),
            pltpu.VMEM((CB, 64), jnp.float32),
            pltpu.VMEM((16, 16), jnp.float32),
            pltpu.SemaphoreType.DMA,
            pltpu.SemaphoreType.DMA,
            pltpu.SemaphoreType.DMA,
            pltpu.SemaphoreType.DMA,
            pltpu.SemaphoreType.DMA,
            pltpu.SemaphoreType.DMA,
            pltpu.SemaphoreType.DMA,
            pltpu.SemaphoreType.DMA,
            pltpu.SemaphoreType.DMA,
            pltpu.SemaphoreType.DMA,
            pltpu.SemaphoreType.DMA,
            pltpu.SemaphoreType.DMA,
            pltpu.SemaphoreType.DMA,
            pltpu.SemaphoreType.DMA,
            pltpu.SemaphoreType.DMA,
            pltpu.SemaphoreType.DMA,
        ],
    )
    def prop_kernel(h_hbm, idx_hbm, temp_hbm, out_hbm,
                    g_sh, s_sh, icat, dinv_t, msg_a, msg_b, msg_c, msg_d,
                    temp_t, si0, si1, si2, si3, si4, si5, si6, si7,
                    sg0, sg1, sg2, sg3, ss0, ss1, ss2, ss3):
        c = lax.axis_index("c")
        s = lax.axis_index("s")
        base = s * rpt
        pltpu.sync_copy(temp_hbm, temp_t)

        sem_i = (si0, si1, si2, si3, si4, si5, si6, si7)
        sem_g = (sg0, sg1, sg2, sg3)
        sem_s = (ss0, ss1, ss2, ss3)
        msgs = (msg_a, msg_b, msg_c, msg_d)

        ones = jnp.ones((16,), jnp.float32)
        zeros = jnp.zeros((16,), jnp.float32)
        half = jnp.full((16,), 0.5, jnp.float32)
        threehalf = jnp.full((16,), 1.5, jnp.float32)
        magic = jnp.full((16,), 0x5F3759DF, jnp.int32)
        shift1 = jnp.full((16,), 1, jnp.int32)

        def start_idx(j, u):
            pltpu.async_copy(idx_hbm.at[s, j], icat.at[u], sem_i[u])

        def wait_idx(j, u):
            pltpu.make_async_copy(idx_hbm.at[s, j], icat.at[u], sem_i[u]).wait()

        def start_scat(u, p, src=None):
            pltpu.async_copy(msgs[p] if src is None else src,
                             s_sh.at[icat.at[u, 1]], sem_s[p], add=True)

        def wait_scat(u, p, src=None):
            pltpu.make_async_copy(msgs[p] if src is None else src,
                                  s_sh.at[icat.at[u, 1]], sem_s[p]).wait()

        def start_gath(u, p):
            pltpu.async_copy(g_sh.at[icat.at[u, 0]], msgs[p], sem_g[p])

        def wait_gath(u, p):
            pltpu.make_async_copy(g_sh.at[icat.at[u, 0]], msgs[p],
                                  sem_g[p]).wait()

        def fill(buf, vec):
            @pl.loop(0, CB, unroll=4)
            def _(r):
                for q in range(4):
                    buf[r, pl.ds(q * 16, 16)] = vec

        fill(msg_a, ones)
        fill(msg_b, zeros)

        @pl.loop(0, nblk)
        def _(nb):
            pltpu.sync_copy(msg_b, s_sh.at[pl.ds(base + nb * NB_R, NB_R)])

        plsc.subcore_barrier()

        start_idx(0, 0)
        start_idx(1, 1)
        start_idx(2, 2)
        start_idx(3, 3)

        @pl.loop(0, ch, step=NSLOT)
        def _(jo):
            for u in range(NSLOT):
                j = jo + u
                p = u % 4
                wait_idx(j, u)

                @pl.when(j >= 4)
                def _():
                    wait_scat((u + 4) % NSLOT, p, msg_a)

                start_scat(u, p, msg_a)

                @pl.when(j + 4 < ch)
                def _():
                    start_idx(j + 4, (u + 4) % NSLOT)

        wait_scat(4, 0, msg_a)
        wait_scat(5, 1, msg_a)
        wait_scat(6, 2, msg_a)
        wait_scat(7, 3, msg_a)
        plsc.subcore_barrier()

        @pl.loop(0, nblk)
        def _(nb):
            rb = base + nb * NB_R
            ina = pltpu.async_copy(s_sh.at[pl.ds(rb, NB_R)], msg_a, sg0)
            inb = pltpu.async_copy(h_hbm.at[c, pl.ds(rb, NB_R)], msg_b, sg1)
            ina.wait()
            inb.wait()
            t0 = temp_t[0]

            @pl.loop(0, NB_R, unroll=4)
            def _(r):
                deg = msg_a[r, pl.ds(0, 16)] + ones
                i32 = lax.bitcast_convert_type(deg, jnp.int32)
                y = lax.bitcast_convert_type(
                    magic - lax.shift_right_arithmetic(i32, shift1),
                    jnp.float32)
                hx = half * deg
                y = y * (threehalf - hx * y * y)
                y = y * (threehalf - hx * y * y)
                y = y * (threehalf - hx * y * y)
                dinv_t[r + nb * NB_R] = y
                for q in range(4):
                    dq = pl.ds(q * 16, 16)
                    hv = msg_b[r, dq]
                    msg_c[r, dq] = t0 * hv
                    msg_b[r, dq] = y * hv
                    msg_a[r, dq] = zeros

            oa = pltpu.async_copy(msg_b, g_sh.at[pl.ds(rb, NB_R)], ss0)
            ob = pltpu.async_copy(msg_c, out_hbm.at[c, pl.ds(rb, NB_R)], ss1)
            oc = pltpu.async_copy(msg_a, s_sh.at[pl.ds(rb, NB_R)], ss2)
            oa.wait()
            ob.wait()
            oc.wait()

        plsc.subcore_barrier()

        @pl.loop(0, k_steps)
        def _(k):
            start_idx(0, 0)
            start_idx(1, 1)
            start_idx(2, 2)
            start_idx(3, 3)
            start_idx(4, 4)
            start_idx(5, 5)
            wait_idx(0, 0)
            start_gath(0, 0)
            wait_idx(1, 1)
            start_gath(1, 1)

            @pl.loop(0, ch, step=NSLOT)
            def _(jo):
                for u in range(NSLOT):
                    j = jo + u
                    p = u % 4
                    wait_gath(u, p)

                    @pl.when(j >= 2)
                    def _():
                        wait_scat((u + 6) % NSLOT, (u + 2) % 4)

                    start_scat(u, p)

                    @pl.when(j + 2 < ch)
                    def _():
                        wait_idx(j + 2, (u + 2) % NSLOT)
                        start_gath((u + 2) % NSLOT, (u + 2) % 4)

                    @pl.when(j + 6 < ch)
                    def _():
                        start_idx(j + 6, (u + 6) % NSLOT)

            wait_scat(6, 2)
            wait_scat(7, 3)
            plsc.subcore_barrier()
            tk = temp_t[k + 1]

            @pl.loop(0, nblk)
            def _(nb):
                rb = base + nb * NB_R
                ina = pltpu.async_copy(s_sh.at[pl.ds(rb, NB_R)], msg_a, sg0)
                inb = pltpu.async_copy(g_sh.at[pl.ds(rb, NB_R)], msg_b, sg1)
                inc = pltpu.async_copy(out_hbm.at[c, pl.ds(rb, NB_R)],
                                       msg_c, sg2)
                ina.wait()
                inb.wait()
                inc.wait()

                @pl.loop(0, NB_R, unroll=4)
                def _(r):
                    dv = dinv_t[r + nb * NB_R]
                    for q in range(4):
                        dq = pl.ds(q * 16, 16)
                        hn = dv * (msg_a[r, dq] + msg_b[r, dq])
                        msg_c[r, dq] = msg_c[r, dq] + tk * hn
                        msg_b[r, dq] = dv * hn
                        msg_a[r, dq] = zeros

                oa = pltpu.async_copy(msg_b, g_sh.at[pl.ds(rb, NB_R)], ss0)
                ob = pltpu.async_copy(msg_c, out_hbm.at[c, pl.ds(rb, NB_R)],
                                      ss1)
                oc = pltpu.async_copy(msg_a, s_sh.at[pl.ds(rb, NB_R)], ss2)
                oa.wait()
                ob.wait()
                oc.wait()

            plsc.subcore_barrier()

    return prop_kernel


def kernel(x, edge_index, W1, b1, W2, b2, temp):
    n, d = x.shape
    e = edge_index.shape[1]
    assert d == 128
    n_pad = -(-n // (NS * NB_R)) * (NS * NB_R)

    bn = 1000
    assert n % bn == 0
    h2 = pl.pallas_call(
        _mlp_body,
        grid=(n // bn,),
        in_specs=[
            pl.BlockSpec((bn, d), lambda i: (i, 0)),
            pl.BlockSpec((d, d), lambda i: (0, 0)),
            pl.BlockSpec((1, d), lambda i: (0, 0)),
            pl.BlockSpec((d, d), lambda i: (0, 0)),
            pl.BlockSpec((1, d), lambda i: (0, 0)),
        ],
        out_specs=pl.BlockSpec((NC, bn, 64), lambda i: (0, i, 0)),
        out_shape=jax.ShapeDtypeStruct((NC, n_pad, 64), jnp.float32),
    )(x, W1, b1.reshape(1, d), W2, b2.reshape(1, d))

    row = edge_index[0].astype(jnp.int32)
    col = edge_index[1].astype(jnp.int32)
    ch = -(-(-(-e // (NS * CB))) // NSLOT) * NSLOT
    pad = NS * CB * ch - e
    fill = jnp.full((pad,), n, jnp.int32)
    row_p = jnp.concatenate([row, fill]).reshape(NS, ch, CB)
    col_p = jnp.concatenate([col, fill]).reshape(NS, ch, CB)
    idx_p = jnp.stack([row_p, col_p], axis=2)
    kk = temp.shape[0]
    temp_p = jnp.zeros((16, 16), jnp.float32).at[:kk].set(
        jnp.broadcast_to(temp[:, None], (kk, 16)))

    out2 = _make_sc_kernel(n_pad, ch, kk - 1)(h2, idx_p, temp_p)
    return jnp.concatenate([out2[0, :n], out2[1, :n]], axis=1)

# --- scband reference (transcript-rebuilt; emitter-appended) ---
"""Pipeline reference for scband-gprgnn-21784074125532 (READ-ONLY COPY).

The authoritative reference and input builder live on the scoring server;
editing this copy changes nothing except your own understanding.
"""

import jax, jax.numpy as jnp
import numpy as np

N = 10000
E = 320000
D = 128
K = 10
ALPHA = 0.1


def _ppr_temp(k, alpha):
    temp = alpha * (1.0 - alpha) ** np.arange(k + 1)
    temp[-1] = (1.0 - alpha) ** k
    return jnp.asarray(temp, dtype=jnp.float32)


def setup_inputs(seed: int = 0) -> dict:
    key = jax.random.key(seed)
    ks = jax.random.split(key, 6)
    x = jax.random.normal(ks[0], (N, D), dtype=jnp.float32)
    edge_index = jax.random.randint(ks[1], (2, E), 0, N)
    scale = 1.0 / np.sqrt(D)
    W1 = jax.random.uniform(ks[2], (D, D), dtype=jnp.float32, minval=-scale, maxval=scale)
    b1 = jax.random.uniform(ks[3], (D,), dtype=jnp.float32, minval=-scale, maxval=scale)
    W2 = jax.random.uniform(ks[4], (D, D), dtype=jnp.float32, minval=-scale, maxval=scale)
    b2 = jax.random.uniform(ks[5], (D,), dtype=jnp.float32, minval=-scale, maxval=scale)
    temp = _ppr_temp(K, ALPHA)
    return {"x": x, "edge_index": edge_index, "W1": W1, "b1": b1, "W2": W2, "b2": b2, "temp": temp}


def reference(x, edge_index, W1, b1, W2, b2, temp):
    n = x.shape[0]
    row = edge_index[0]
    col = edge_index[1]
    # gcn_norm with self-loops: D^{-1/2} (A + I) D^{-1/2}
    loop = jnp.arange(n, dtype=row.dtype)
    row = jnp.concatenate([row, loop])
    col = jnp.concatenate([col, loop])
    w = jnp.ones(row.shape[0], dtype=x.dtype)
    deg = jnp.zeros((n,), dtype=x.dtype).at[col].add(w)
    dinv = jnp.where(deg > 0, deg ** -0.5, 0.0)
    norm = dinv[row] * w * dinv[col]
    # MLP (eval mode: dropout=0, no BN since with_bn=0)
    h = jax.nn.relu(x @ W1.T + b1)
    h = h @ W2.T + b2
    # GPR propagation
    hidden = h * temp[0]
    for k in range(K):
        msg = norm[:, None] * h[row]
        h = jnp.zeros_like(h).at[col].add(msg)
        hidden = hidden + temp[k + 1] * h
    return hidden

if __name__ == "__main__":
    import jax
    _d = setup_inputs()
    print(jax.jit(kernel)(*tuple(_d.values())))

</pallas_src>

<mosaic_0001>
#map = affine_map<(d0, d1) -> (0, 0, 0)>
#map1 = affine_map<(d0, d1) -> (0, 0, 0, 0)>
#map2 = affine_map<(d0, d1) -> (0, 0)>
module attributes {stable_mosaic.version = 14 : i64} {
  func.func @prop_kernel(%arg0: i32, %arg1: i32, %arg2: memref<2x10240x64xf32, #tpu.memory_space<hbm>>, %arg3: memref<16x160x2x128xi32, #tpu.memory_space<hbm>>, %arg4: memref<16x16xf32, #tpu.memory_space<hbm>>, %arg5: memref<2x10240x64xf32, #tpu.memory_space<hbm>>, %arg6: memref<10240x64xf32, #tpu.memory_space<vmem_shared>>, %arg7: memref<10240x64xf32, #tpu.memory_space<vmem_shared>>, %arg8: memref<8x2x128xi32, #tpu.memory_space<vmem>>, %arg9: memref<640x16xf32, #tpu.memory_space<vmem>>, %arg10: memref<128x64xf32, #tpu.memory_space<vmem>>, %arg11: memref<128x64xf32, #tpu.memory_space<vmem>>, %arg12: memref<128x64xf32, #tpu.memory_space<vmem>>, %arg13: memref<128x64xf32, #tpu.memory_space<vmem>>, %arg14: memref<16x16xf32, #tpu.memory_space<vmem>>, %arg15: memref<!tpu.dma_semaphore, #tpu.memory_space<semaphore_mem>>, %arg16: memref<!tpu.dma_semaphore, #tpu.memory_space<semaphore_mem>>, %arg17: memref<!tpu.dma_semaphore, #tpu.memory_space<semaphore_mem>>, %arg18: memref<!tpu.dma_semaphore, #tpu.memory_space<semaphore_mem>>, %arg19: memref<!tpu.dma_semaphore, #tpu.memory_space<semaphore_mem>>, %arg20: memref<!tpu.dma_semaphore, #tpu.memory_space<semaphore_mem>>, %arg21: memref<!tpu.dma_semaphore, #tpu.memory_space<semaphore_mem>>, %arg22: memref<!tpu.dma_semaphore, #tpu.memory_space<semaphore_mem>>, %arg23: memref<!tpu.dma_semaphore, #tpu.memory_space<semaphore_mem>>, %arg24: memref<!tpu.dma_semaphore, #tpu.memory_space<semaphore_mem>>, %arg25: memref<!tpu.dma_semaphore, #tpu.memory_space<semaphore_mem>>, %arg26: memref<!tpu.dma_semaphore, #tpu.memory_space<semaphore_mem>>, %arg27: memref<!tpu.dma_semaphore, #tpu.memory_space<semaphore_mem>>, %arg28: memref<!tpu.dma_semaphore, #tpu.memory_space<semaphore_mem>>, %arg29: memref<!tpu.dma_semaphore, #tpu.memory_space<semaphore_mem>>, %arg30: memref<!tpu.dma_semaphore, #tpu.memory_space<semaphore_mem>>) attributes {dimension_semantics = [#tpu.dimension_semantics<core_parallel>, #tpu.dimension_semantics<subcore_parallel>], iteration_bounds = array<i64: 2, 16>, scalar_prefetch = 0 : i64, scratch_operands = 25 : i64, tpu.core_type = #tpu.core_type<sc_vector_subcore>, window_params = [{transform_indices = #map}, {transform_indices = #map1}, {transform_indices = #map2}, {transform_indices = #map}]} {
    %mul3A = arith.constant 640 : i32
    %mul3A_0 = arith.muli %arg1, %mul3A : i32
    "tpu.region"() ({
      %run_scoped3A = tpu.sem_alloc : memref<!tpu.dma_semaphore, #tpu.memory_space<semaphore_mem>>
      tpu.enqueue_dma source(%arg4 : memref<16x16xf32, #tpu.memory_space<hbm>>) target(%arg14 : memref<16x16xf32, #tpu.memory_space<vmem>>) target_semaphore(%run_scoped3A : memref<!tpu.dma_semaphore, #tpu.memory_space<semaphore_mem>>)
      tpu.wait_dma2 semaphore(%run_scoped3A : memref<!tpu.dma_semaphore, #tpu.memory_space<semaphore_mem>>) src(%arg4 : memref<16x16xf32, #tpu.memory_space<hbm>>) dst(%arg14 : memref<16x16xf32, #tpu.memory_space<vmem>>)
      tpu.yield
    }) : () -> ()
    %broadcast_in_dim3A = arith.constant 1.000000e+00 : f32
    %broadcast_in_dim3A_1 = vector.broadcast %broadcast_in_dim3A : f32 to vector<16xf32>
    %broadcast_in_dim3A_2 = arith.constant 0.000000e+00 : f32
    %broadcast_in_dim3A_3 = vector.broadcast %broadcast_in_dim3A_2 : f32 to vector<16xf32>
    %broadcast_in_dim3A_4 = arith.constant 5.000000e-01 : f32
    %broadcast_in_dim3A_5 = vector.broadcast %broadcast_in_dim3A_4 : f32 to vector<16xf32>
    %broadcast_in_dim3A_6 = arith.constant 1.500000e+00 : f32
    %broadcast_in_dim3A_7 = vector.broadcast %broadcast_in_dim3A_6 : f32 to vector<16xf32>
    %broadcast_in_dim3A_8 = arith.constant 1597463007 : i32
    %broadcast_in_dim3A_9 = vector.broadcast %broadcast_in_dim3A_8 : i32 to vector<16xi32>
    %broadcast_in_dim3A_10 = arith.constant 1 : i32
    %broadcast_in_dim3A_11 = vector.broadcast %broadcast_in_dim3A_10 : i32 to vector<16xi32>
    %scan3A = arith.constant 0 : i32
    %scan3A_12 = arith.constant 128 : i32
    %scan3A_13 = arith.addi %scan3A, %scan3A_12 : i32
    %scan3A_14 = arith.constant 4 : i32
    scf.for %scan3A_145 = %scan3A to %scan3A_13 step %scan3A_14  : i32 {
      %mul3A_146 = arith.constant 1 : i32
      %mul3A_147 = arith.muli %scan3A_145, %mul3A_146 : i32
      %add3A = arith.constant 0 : i32
      %add3A_148 = arith.addi %add3A, %mul3A_147 : i32
      %swap3A = arith.index_cast %add3A_148 : i32 to index
      %swap3A_149 = arith.constant 0 : index
      %swap3A_150 = tpu.vector_load %arg10[%swap3A, %swap3A_149] {strides = array<i32>} : memref<128x64xf32, #tpu.memory_space<vmem>>, vector<1x16xf32>,
      %swap3A_151 = vector.shape_cast %swap3A_150 : vector<1x16xf32> to vector<16xf32>
      %swap3A_152 = vector.shape_cast %broadcast_in_dim3A_1 : vector<16xf32> to vector<1x16xf32>
      tpu.vector_store %arg10[%swap3A, %swap3A_149], %swap3A_152 {strides = array<i32>} : memref<128x64xf32, #tpu.memory_space<vmem>>, vector<1x16xf32>,
      %swap3A_153 = arith.index_cast %add3A_148 : i32 to index
      %swap3A_154 = arith.constant 16 : index
      %swap3A_155 = tpu.vector_load %arg10[%swap3A_153, %swap3A_154] {strides = array<i32>} : memref<128x64xf32, #tpu.memory_space<vmem>>, vector<1x16xf32>,
      %swap3A_156 = vector.shape_cast %swap3A_155 : vector<1x16xf32> to vector<16xf32>
      %swap3A_157 = vector.shape_cast %broadcast_in_dim3A_1 : vector<16xf32> to vector<1x16xf32>
      tpu.vector_store %arg10[%swap3A_153, %swap3A_154], %swap3A_157 {strides = array<i32>} : memref<128x64xf32, #tpu.memory_space<vmem>>, vector<1x16xf32>,
      %swap3A_158 = arith.index_cast %add3A_148 : i32 to index
      %swap3A_159 = arith.constant 32 : index
      %swap3A_160 = tpu.vector_load %arg10[%swap3A_158, %swap3A_159] {strides = array<i32>} : memref<128x64xf32, #tpu.memory_space<vmem>>, vector<1x16xf32>,
      %swap3A_161 = vector.shape_cast %swap3A_160 : vector<1x16xf32> to vector<16xf32>
      %swap3A_162 = vector.shape_cast %broadcast_in_dim3A_1 : vector<16xf32> to vector<1x16xf32>
      tpu.vector_store %arg10[%swap3A_158, %swap3A_159], %swap3A_162 {strides = array<i32>} : memref<128x64xf32, #tpu.memory_space<vmem>>, vector<1x16xf32>,
      %swap3A_163 = arith.index_cast %add3A_148 : i32 to index
      %swap3A_164 = arith.constant 48 : index
      %swap3A_165 = tpu.vector_load %arg10[%swap3A_163, %swap3A_164] {strides = array<i32>} : memref<128x64xf32, #tpu.memory_space<vmem>>, vector<1x16xf32>,
      %swap3A_166 = vector.shape_cast %swap3A_165 : vector<1x16xf32> to vector<16xf32>
      %swap3A_167 = vector.shape_cast %broadcast_in_dim3A_1 : vector<16xf32> to vector<1x16xf32>
      tpu.vector_store %arg10[%swap3A_163, %swap3A_164], %swap3A_167 {strides = array<i32>} : memref<128x64xf32, #tpu.memory_space<vmem>>, vector<1x16xf32>,
      %scan3A_168 = arith.constant 1 : i32
      %scan3A_169 = arith.addi %scan3A_145, %scan3A_168 : i32
      %mul3A_170 = arith.constant 1 : i32
      %mul3A_171 = arith.muli %scan3A_169, %mul3A_170 : i32
      %add3A_172 = arith.constant 0 : i32
      %add3A_173 = arith.addi %add3A_172, %mul3A_171 : i32
      %swap3A_174 = arith.index_cast %add3A_173 : i32 to index
      %swap3A_175 = arith.constant 0 : index
      %swap3A_176 = tpu.vector_load %arg10[%swap3A_174, %swap3A_175] {strides = array<i32>} : memref<128x64xf32, #tpu.memory_space<vmem>>, vector<1x16xf32>,
      %swap3A_177 = vector.shape_cast %swap3A_176 : vector<1x16xf32> to vector<16xf32>
      %swap3A_178 = vector.shape_cast %broadcast_in_dim3A_1 : vector<16xf32> to vector<1x16xf32>
      tpu.vector_store %arg10[%swap3A_174, %swap3A_175], %swap3A_178 {strides = array<i32>} : memref<128x64xf32, #tpu.memory_space<vmem>>, vector<1x16xf32>,
      %swap3A_179 = arith.index_cast %add3A_173 : i32 to index
      %swap3A_180 = arith.constant 16 : index
      %swap3A_181 = tpu.vector_load %arg10[%swap3A_179, %swap3A_180] {strides = array<i32>} : memref<128x64xf32, #tpu.memory_space<vmem>>, vector<1x16xf32>,
      %swap3A_182 = vector.shape_cast %swap3A_181 : vector<1x16xf32> to vector<16xf32>
      %swap3A_183 = vector.shape_cast %broadcast_in_dim3A_1 : vector<16xf32> to vector<1x16xf32>
      tpu.vector_store %arg10[%swap3A_179, %swap3A_180], %swap3A_183 {strides = array<i32>} : memref<128x64xf32, #tpu.memory_space<vmem>>, vector<1x16xf32>,
      %swap3A_184 = arith.index_cast %add3A_173 : i32 to index
      %swap3A_185 = arith.constant 32 : index
      %swap3A_186 = tpu.vector_load %arg10[%swap3A_184, %swap3A_185] {strides = array<i32>} : memref<128x64xf32, #tpu.memory_space<vmem>>, vector<1x16xf32>,
      %swap3A_187 = vector.shape_cast %swap3A_186 : vector<1x16xf32> to vector<16xf32>
      %swap3A_188 = vector.shape_cast %broadcast_in_dim3A_1 : vector<16xf32> to vector<1x16xf32>
      tpu.vector_store %arg10[%swap3A_184, %swap3A_185], %swap3A_188 {strides = array<i32>} : memref<128x64xf32, #tpu.memory_space<vmem>>, vector<1x16xf32>,
      %swap3A_189 = arith.index_cast %add3A_173 : i32 to index
      %swap3A_190 = arith.constant 48 : index
      %swap3A_191 = tpu.vector_load %arg10[%swap3A_189, %swap3A_190] {strides = array<i32>} : memref<128x64xf32, #tpu.memory_space<vmem>>, vector<1x16xf32>,
      %swap3A_192 = vector.shape_cast %swap3A_191 : vector<1x16xf32> to vector<16xf32>
      %swap3A_193 = vector.shape_cast %broadcast_in_dim3A_1 : vector<16xf32> to vector<1x16xf32>
      tpu.vector_store %arg10[%swap3A_189, %swap3A_190], %swap3A_193 {strides = array<i32>} : memref<128x64xf32, #tpu.memory_space<vmem>>, vector<1x16xf32>,
      %scan3A_194 = arith.constant 2 : i32
      %scan3A_195 = arith.addi %scan3A_145, %scan3A_194 : i32
      %mul3A_196 = arith.constant 1 : i32
      %mul3A_197 = arith.muli %scan3A_195, %mul3A_196 : i32
      %add3A_198 = arith.constant 0 : i32
      %add3A_199 = arith.addi %add3A_198, %mul3A_197 : i32
      %swap3A_200 = arith.index_cast %add3A_199 : i32 to index
      %swap3A_201 = arith.constant 0 : index
      %swap3A_202 = tpu.vector_load %arg10[%swap3A_200, %swap3A_201] {strides = array<i32>} : memref<128x64xf32, #tpu.memory_space<vmem>>, vector<1x16xf32>,
      %swap3A_203 = vector.shape_cast %swap3A_202 : vector<1x16xf32> to vector<16xf32>
      %swap3A_204 = vector.shape_cast %broadcast_in_dim3A_1 : vector<16xf32> to vector<1x16xf32>
      tpu.vector_store %arg10[%swap3A_200, %swap3A_201], %swap3A_204 {strides = array<i32>} : memref<128x64xf32, #tpu.memory_space<vmem>>, vector<1x16xf32>,
      %swap3A_205 = arith.index_cast %add3A_199 : i32 to index
      %swap3A_206 = arith.constant 16 : index
      %swap3A_207 = tpu.vector_load %arg10[%swap3A_205, %swap3A_206] {strides = array<i32>} : memref<128x64xf32, #tpu.memory_space<vmem>>, vector<1x16xf32>,
      %swap3A_208 = vector.shape_cast %swap3A_207 : vector<1x16xf32> to vector<16xf32>
      %swap3A_209 = vector.shape_cast %broadcast_in_dim3A_1 : vector<16xf32> to vector<1x16xf32>
      tpu.vector_store %arg10[%swap3A_205, %swap3A_206], %swap3A_209 {strides = array<i32>} : memref<128x64xf32, #tpu.memory_space<vmem>>, vector<1x16xf32>,
      %swap3A_210 = arith.index_cast %add3A_199 : i32 to index
      %swap3A_211 = arith.constant 32 : index
      %swap3A_212 = tpu.vector_load %arg10[%swap3A_210, %swap3A_211] {strides = array<i32>} : memref<128x64xf32, #tpu.memory_space<vmem>>, vector<1x16xf32>,
      %swap3A_213 = vector.shape_cast %swap3A_212 : vector<1x16xf32> to vector<16xf32>
      %swap3A_214 = vector.shape_cast %broadcast_in_dim3A_1 : vector<16xf32> to vector<1x16xf32>
      tpu.vector_store %arg10[%swap3A_210, %swap3A_211], %swap3A_214 {strides = array<i32>} : memref<128x64xf32, #tpu.memory_space<vmem>>, vector<1x16xf32>,
      %swap3A_215 = arith.index_cast %add3A_199 : i32 to index
      %swap3A_216 = arith.constant 48 : index
      %swap3A_217 = tpu.vector_load %arg10[%swap3A_215, %swap3A_216] {strides = array<i32>} : memref<128x64xf32, #tpu.memory_space<vmem>>, vector<1x16xf32>,
      %swap3A_218 = vector.shape_cast %swap3A_217 : vector<1x16xf32> to vector<16xf32>
      %swap3A_219 = vector.shape_cast %broadcast_in_dim3A_1 : vector<16xf32> to vector<1x16xf32>
      tpu.vector_store %arg10[%swap3A_215, %swap3A_216], %swap3A_219 {strides = array<i32>} : memref<128x64xf32, #tpu.memory_space<vmem>>, vector<1x16xf32>,
      %scan3A_220 = arith.constant 3 : i32
      %scan3A_221 = arith.addi %scan3A_145, %scan3A_220 : i32
      %mul3A_222 = arith.constant 1 : i32
      %mul3A_223 = arith.muli %scan3A_221, %mul3A_222 : i32
      %add3A_224 = arith.constant 0 : i32
      %add3A_225 = arith.addi %add3A_224, %mul3A_223 : i32
      %swap3A_226 = arith.index_cast %add3A_225 : i32 to index
      %swap3A_227 = arith.constant 0 : index
      %swap3A_228 = tpu.vector_load %arg10[%swap3A_226, %swap3A_227] {strides = array<i32>} : memref<128x64xf32, #tpu.memory_space<vmem>>, vector<1x16xf32>,
      %swap3A_229 = vector.shape_cast %swap3A_228 : vector<1x16xf32> to vector<16xf32>
      %swap3A_230 = vector.shape_cast %broadcast_in_dim3A_1 : vector<16xf32> to vector<1x16xf32>
      tpu.vector_store %arg10[%swap3A_226, %swap3A_227], %swap3A_230 {strides = array<i32>} : memref<128x64xf32, #tpu.memory_space<vmem>>, vector<1x16xf32>,
      %swap3A_231 = arith.index_cast %add3A_225 : i32 to index
      %swap3A_232 = arith.constant 16 : index
      %swap3A_233 = tpu.vector_load %arg10[%swap3A_231, %swap3A_232] {strides = array<i32>} : memref<128x64xf32, #tpu.memory_space<vmem>>, vector<1x16xf32>,
      %swap3A_234 = vector.shape_cast %swap3A_233 : vector<1x16xf32> to vector<16xf32>
      %swap3A_235 = vector.shape_cast %broadcast_in_dim3A_1 : vector<16xf32> to vector<1x16xf32>
      tpu.vector_store %arg10[%swap3A_231, %swap3A_232], %swap3A_235 {strides = array<i32>} : memref<128x64xf32, #tpu.memory_space<vmem>>, vector<1x16xf32>,
      %swap3A_236 = arith.index_cast %add3A_225 : i32 to index
      %swap3A_237 = arith.constant 32 : index
      %swap3A_238 = tpu.vector_load %arg10[%swap3A_236, %swap3A_237] {strides = array<i32>} : memref<128x64xf32, #tpu.memory_space<vmem>>, vector<1x16xf32>,
      %swap3A_239 = vector.shape_cast %swap3A_238 : vector<1x16xf32> to vector<16xf32>
      %swap3A_240 = vector.shape_cast %broadcast_in_dim3A_1 : vector<16xf32> to vector<1x16xf32>
      tpu.vector_store %arg10[%swap3A_236, %swap3A_237], %swap3A_240 {strides = array<i32>} : memref<128x64xf32, #tpu.memory_space<vmem>>, vector<1x16xf32>,
      %swap3A_241 = arith.index_cast %add3A_225 : i32 to index
      %swap3A_242 = arith.constant 48 : index
      %swap3A_243 = tpu.vector_load %arg10[%swap3A_241, %swap3A_242] {strides = array<i32>} : memref<128x64xf32, #tpu.memory_space<vmem>>, vector<1x16xf32>,
      %swap3A_244 = vector.shape_cast %swap3A_243 : vector<1x16xf32> to vector<16xf32>
      %swap3A_245 = vector.shape_cast %broadcast_in_dim3A_1 : vector<16xf32> to vector<1x16xf32>
      tpu.vector_store %arg10[%swap3A_241, %swap3A_242], %swap3A_245 {strides = array<i32>} : memref<128x64xf32, #tpu.memory_space<vmem>>, vector<1x16xf32>,
    }
    %scan3A_15 = arith.constant 128 : i32
    %scan3A_16 = arith.constant 0 : i32
    %scan3A_17 = arith.constant 128 : i32
    %scan3A_18 = arith.addi %scan3A_16, %scan3A_17 : i32
    %scan3A_19 = arith.constant 4 : i32
    scf.for %scan3A_145 = %scan3A_16 to %scan3A_18 step %scan3A_19  : i32 {
      %mul3A_146 = arith.constant 1 : i32
      %mul3A_147 = arith.muli %scan3A_145, %mul3A_146 : i32
      %add3A = arith.constant 0 : i32
      %add3A_148 = arith.addi %add3A, %mul3A_147 : i32
      %swap3A = arith.index_cast %add3A_148 : i32 to index
      %swap3A_149 = arith.constant 0 : index
      %swap3A_150 = tpu.vector_load %arg11[%swap3A, %swap3A_149] {strides = array<i32>} : memref<128x64xf32, #tpu.memory_space<vmem>>, vector<1x16xf32>,
      %swap3A_151 = vector.shape_cast %swap3A_150 : vector<1x16xf32> to vector<16xf32>
      %swap3A_152 = vector.shape_cast %broadcast_in_dim3A_3 : vector<16xf32> to vector<1x16xf32>
      tpu.vector_store %arg11[%swap3A, %swap3A_149], %swap3A_152 {strides = array<i32>} : memref<128x64xf32, #tpu.memory_space<vmem>>, vector<1x16xf32>,
      %swap3A_153 = arith.index_cast %add3A_148 : i32 to index
      %swap3A_154 = arith.constant 16 : index
      %swap3A_155 = tpu.vector_load %arg11[%swap3A_153, %swap3A_154] {strides = array<i32>} : memref<128x64xf32, #tpu.memory_space<vmem>>, vector<1x16xf32>,
      %swap3A_156 = vector.shape_cast %swap3A_155 : vector<1x16xf32> to vector<16xf32>
      %swap3A_157 = vector.shape_cast %broadcast_in_dim3A_3 : vector<16xf32> to vector<1x16xf32>
      tpu.vector_store %arg11[%swap3A_153, %swap3A_154], %swap3A_157 {strides = array<i32>} : memref<128x64xf32, #tpu.memory_space<vmem>>, vector<1x16xf32>,
      %swap3A_158 = arith.index_cast %add3A_148 : i32 to index
      %swap3A_159 = arith.constant 32 : index
      %swap3A_160 = tpu.vector_load %arg11[%swap3A_158, %swap3A_159] {strides = array<i32>} : memref<128x64xf32, #tpu.memory_space<vmem>>, vector<1x16xf32>,
      %swap3A_161 = vector.shape_cast %swap3A_160 : vector<1x16xf32> to vector<16xf32>
      %swap3A_162 = vector.shape_cast %broadcast_in_dim3A_3 : vector<16xf32> to vector<1x16xf32>
      tpu.vector_store %arg11[%swap3A_158, %swap3A_159], %swap3A_162 {strides = array<i32>} : memref<128x64xf32, #tpu.memory_space<vmem>>, vector<1x16xf32>,
      %swap3A_163 = arith.index_cast %add3A_148 : i32 to index
      %swap3A_164 = arith.constant 48 : index
      %swap3A_165 = tpu.vector_load %arg11[%swap3A_163, %swap3A_164] {strides = array<i32>} : memref<128x64xf32, #tpu.memory_space<vmem>>, vector<1x16xf32>,
      %swap3A_166 = vector.shape_cast %swap3A_165 : vector<1x16xf32> to vector<16xf32>
      %swap3A_167 = vector.shape_cast %broadcast_in_dim3A_3 : vector<16xf32> to vector<1x16xf32>
      tpu.vector_store %arg11[%swap3A_163, %swap3A_164], %swap3A_167 {strides = array<i32>} : memref<128x64xf32, #tpu.memory_space<vmem>>, vector<1x16xf32>,
      %scan3A_168 = arith.constant 1 : i32
      %scan3A_169 = arith.addi %scan3A_145, %scan3A_168 : i32
      %mul3A_170 = arith.constant 1 : i32
      %mul3A_171 = arith.muli %scan3A_169, %mul3A_170 : i32
      %add3A_172 = arith.constant 0 : i32
      %add3A_173 = arith.addi %add3A_172, %mul3A_171 : i32
      %swap3A_174 = arith.index_cast %add3A_173 : i32 to index
      %swap3A_175 = arith.constant 0 : index
      %swap3A_176 = tpu.vector_load %arg11[%swap3A_174, %swap3A_175] {strides = array<i32>} : memref<128x64xf32, #tpu.memory_space<vmem>>, vector<1x16xf32>,
      %swap3A_177 = vector.shape_cast %swap3A_176 : vector<1x16xf32> to vector<16xf32>
      %swap3A_178 = vector.shape_cast %broadcast_in_dim3A_3 : vector<16xf32> to vector<1x16xf32>
      tpu.vector_store %arg11[%swap3A_174, %swap3A_175], %swap3A_178 {strides = array<i32>} : memref<128x64xf32, #tpu.memory_space<vmem>>, vector<1x16xf32>,
      %swap3A_179 = arith.index_cast %add3A_173 : i32 to index
      %swap3A_180 = arith.constant 16 : index
      %swap3A_181 = tpu.vector_load %arg11[%swap3A_179, %swap3A_180] {strides = array<i32>} : memref<128x64xf32, #tpu.memory_space<vmem>>, vector<1x16xf32>,
      %swap3A_182 = vector.shape_cast %swap3A_181 : vector<1x16xf32> to vector<16xf32>
      %swap3A_183 = vector.shape_cast %broadcast_in_dim3A_3 : vector<16xf32> to vector<1x16xf32>
      tpu.vector_store %arg11[%swap3A_179, %swap3A_180], %swap3A_183 {strides = array<i32>} : memref<128x64xf32, #tpu.memory_space<vmem>>, vector<1x16xf32>,
      %swap3A_184 = arith.index_cast %add3A_173 : i32 to index
      %swap3A_185 = arith.constant 32 : index
      %swap3A_186 = tpu.vector_load %arg11[%swap3A_184, %swap3A_185] {strides = array<i32>} : memref<128x64xf32, #tpu.memory_space<vmem>>, vector<1x16xf32>,
      %swap3A_187 = vector.shape_cast %swap3A_186 : vector<1x16xf32> to vector<16xf32>
      %swap3A_188 = vector.shape_cast %broadcast_in_dim3A_3 : vector<16xf32> to vector<1x16xf32>
      tpu.vector_store %arg11[%swap3A_184, %swap3A_185], %swap3A_188 {strides = array<i32>} : memref<128x64xf32, #tpu.memory_space<vmem>>, vector<1x16xf32>,
      %swap3A_189 = arith.index_cast %add3A_173 : i32 to index
      %swap3A_190 = arith.constant 48 : index
      %swap3A_191 = tpu.vector_load %arg11[%swap3A_189, %swap3A_190] {strides = array<i32>} : memref<128x64xf32, #tpu.memory_space<vmem>>, vector<1x16xf32>,
      %swap3A_192 = vector.shape_cast %swap3A_191 : vector<1x16xf32> to vector<16xf32>
      %swap3A_193 = vector.shape_cast %broadcast_in_dim3A_3 : vector<16xf32> to vector<1x16xf32>
      tpu.vector_store %arg11[%swap3A_189, %swap3A_190], %swap3A_193 {strides = array<i32>} : memref<128x64xf32, #tpu.memory_space<vmem>>, vector<1x16xf32>,
      %scan3A_194 = arith.constant 2 : i32
      %scan3A_195 = arith.addi %scan3A_145, %scan3A_194 : i32
      %mul3A_196 = arith.constant 1 : i32
      %mul3A_197 = arith.muli %scan3A_195, %mul3A_196 : i32
      %add3A_198 = arith.constant 0 : i32
      %add3A_199 = arith.addi %add3A_198, %mul3A_197 : i32
      %swap3A_200 = arith.index_cast %add3A_199 : i32 to index
      %swap3A_201 = arith.constant 0 : index
      %swap3A_202 = tpu.vector_load %arg11[%swap3A_200, %swap3A_201] {strides = array<i32>} : memref<128x64xf32, #tpu.memory_space<vmem>>, vector<1x16xf32>,
      %swap3A_203 = vector.shape_cast %swap3A_202 : vector<1x16xf32> to vector<16xf32>
      %swap3A_204 = vector.shape_cast %broadcast_in_dim3A_3 : vector<16xf32> to vector<1x16xf32>
      tpu.vector_store %arg11[%swap3A_200, %swap3A_201], %swap3A_204 {strides = array<i32>} : memref<128x64xf32, #tpu.memory_space<vmem>>, vector<1x16xf32>,
      %swap3A_205 = arith.index_cast %add3A_199 : i32 to index
      %swap3A_206 = arith.constant 16 : index
      %swap3A_207 = tpu.vector_load %arg11[%swap3A_205, %swap3A_206] {strides = array<i32>} : memref<128x64xf32, #tpu.memory_space<vmem>>, vector<1x16xf32>,
      %swap3A_208 = vector.shape_cast %swap3A_207 : vector<1x16xf32> to vector<16xf32>
      %swap3A_209 = vector.shape_cast %broadcast_in_dim3A_3 : vector<16xf32> to vector<1x16xf32>
      tpu.vector_store %arg11[%swap3A_205, %swap3A_206], %swap3A_209 {strides = array<i32>} : memref<128x64xf32, #tpu.memory_space<vmem>>, vector<1x16xf32>,
      %swap3A_210 = arith.index_cast %add3A_199 : i32 to index
      %swap3A_211 = arith.constant 32 : index
      %swap3A_212 = tpu.vector_load %arg11[%swap3A_210, %swap3A_211] {strides = array<i32>} : memref<128x64xf32, #tpu.memory_space<vmem>>, vector<1x16xf32>,
      %swap3A_213 = vector.shape_cast %swap3A_212 : vector<1x16xf32> to vector<16xf32>
      %swap3A_214 = vector.shape_cast %broadcast_in_dim3A_3 : vector<16xf32> to vector<1x16xf32>
      tpu.vector_store %arg11[%swap3A_210, %swap3A_211], %swap3A_214 {strides = array<i32>} : memref<128x64xf32, #tpu.memory_space<vmem>>, vector<1x16xf32>,
      %swap3A_215 = arith.index_cast %add3A_199 : i32 to index
      %swap3A_216 = arith.constant 48 : index
      %swap3A_217 = tpu.vector_load %arg11[%swap3A_215, %swap3A_216] {strides = array<i32>} : memref<128x64xf32, #tpu.memory_space<vmem>>, vector<1x16xf32>,
      %swap3A_218 = vector.shape_cast %swap3A_217 : vector<1x16xf32> to vector<16xf32>
      %swap3A_219 = vector.shape_cast %broadcast_in_dim3A_3 : vector<16xf32> to vector<1x16xf32>
      tpu.vector_store %arg11[%swap3A_215, %swap3A_216], %swap3A_219 {strides = array<i32>} : memref<128x64xf32, #tpu.memory_space<vmem>>, vector<1x16xf32>,
      %scan3A_220 = arith.constant 3 : i32
      %scan3A_221 = arith.addi %scan3A_145, %scan3A_220 : i32
      %mul3A_222 = arith.constant 1 : i32
      %mul3A_223 = arith.muli %scan3A_221, %mul3A_222 : i32
      %add3A_224 = arith.constant 0 : i32
      %add3A_225 = arith.addi %add3A_224, %mul3A_223 : i32
      %swap3A_226 = arith.index_cast %add3A_225 : i32 to index
      %swap3A_227 = arith.constant 0 : index
      %swap3A_228 = tpu.vector_load %arg11[%swap3A_226, %swap3A_227] {strides = array<i32>} : memref<128x64xf32, #tpu.memory_space<vmem>>, vector<1x16xf32>,
      %swap3A_229 = vector.shape_cast %swap3A_228 : vector<1x16xf32> to vector<16xf32>
      %swap3A_230 = vector.shape_cast %broadcast_in_dim3A_3 : vector<16xf32> to vector<1x16xf32>
      tpu.vector_store %arg11[%swap3A_226, %swap3A_227], %swap3A_230 {strides = array<i32>} : memref<128x64xf32, #tpu.memory_space<vmem>>, vector<1x16xf32>,
      %swap3A_231 = arith.index_cast %add3A_225 : i32 to index
      %swap3A_232 = arith.constant 16 : index
      %swap3A_233 = tpu.vector_load %arg11[%swap3A_231, %swap3A_232] {strides = array<i32>} : memref<128x64xf32, #tpu.memory_space<vmem>>, vector<1x16xf32>,
      %swap3A_234 = vector.shape_cast %swap3A_233 : vector<1x16xf32> to vector<16xf32>
      %swap3A_235 = vector.shape_cast %broadcast_in_dim3A_3 : vector<16xf32> to vector<1x16xf32>
      tpu.vector_store %arg11[%swap3A_231, %swap3A_232], %swap3A_235 {strides = array<i32>} : memref<128x64xf32, #tpu.memory_space<vmem>>, vector<1x16xf32>,
      %swap3A_236 = arith.index_cast %add3A_225 : i32 to index
      %swap3A_237 = arith.constant 32 : index
      %swap3A_238 = tpu.vector_load %arg11[%swap3A_236, %swap3A_237] {strides = array<i32>} : memref<128x64xf32, #tpu.memory_space<vmem>>, vector<1x16xf32>,
      %swap3A_239 = vector.shape_cast %swap3A_238 : vector<1x16xf32> to vector<16xf32>
      %swap3A_240 = vector.shape_cast %broadcast_in_dim3A_3 : vector<16xf32> to vector<1x16xf32>
      tpu.vector_store %arg11[%swap3A_236, %swap3A_237], %swap3A_240 {strides = array<i32>} : memref<128x64xf32, #tpu.memory_space<vmem>>, vector<1x16xf32>,
      %swap3A_241 = arith.index_cast %add3A_225 : i32 to index
      %swap3A_242 = arith.constant 48 : index
      %swap3A_243 = tpu.vector_load %arg11[%swap3A_241, %swap3A_242] {strides = array<i32>} : memref<128x64xf32, #tpu.memory_space<vmem>>, vector<1x16xf32>,
      %swap3A_244 = vector.shape_cast %swap3A_243 : vector<1x16xf32> to vector<16xf32>
      %swap3A_245 = vector.shape_cast %broadcast_in_dim3A_3 : vector<16xf32> to vector<1x16xf32>
      tpu.vector_store %arg11[%swap3A_241, %swap3A_242], %swap3A_245 {strides = array<i32>} : memref<128x64xf32, #tpu.memory_space<vmem>>, vector<1x16xf32>,
    }
    %scan3A_20 = arith.constant 128 : i32
    %scan3A_21 = arith.constant 0 : i32
    %scan3A_22 = arith.constant 5 : i32
    %scan3A_23 = arith.addi %scan3A_21, %scan3A_22 : i32
    %scan3A_24 = arith.constant 1 : i32
    scf.for %scan3A_145 = %scan3A_21 to %scan3A_23 step %scan3A_24  : i32 {
      %mul3A_146 = arith.constant 1 : i32
      %mul3A_147 = arith.muli %scan3A_145, %mul3A_146 : i32
      %add3A = arith.constant 0 : i32
      %add3A_148 = arith.addi %add3A, %mul3A_147 : i32
      %mul3A_149 = arith.constant 128 : i32
      %mul3A_150 = arith.muli %add3A_148, %mul3A_149 : i32
      %add3A_151 = arith.addi %mul3A_0, %mul3A_150 : i32
      "tpu.region"() ({
        %run_scoped3A = tpu.sem_alloc : memref<!tpu.dma_semaphore, #tpu.memory_space<semaphore_mem>>
        %dma_start3A_152 = arith.constant 0 : i32
        %dma_start3A_153 = tpu.memref_slice %arg7[%add3A_151, %dma_start3A_152] : memref<10240x64xf32, #tpu.memory_space<vmem_shared>> -> memref<128x64xf32, #tpu.memory_space<vmem_shared>>
        %dma_start3A_154 = arith.constant 0 : i32
        %dma_start3A_155 = tpu.memref_slice %arg7[%add3A_151, %dma_start3A_154] : memref<10240x64xf32, #tpu.memory_space<vmem_shared>> -> memref<128x64xf32, #tpu.memory_space<vmem_shared>>
        tpu.enqueue_dma source(%arg11 : memref<128x64xf32, #tpu.memory_space<vmem>>) target(%dma_start3A_155 : memref<128x64xf32, #tpu.memory_space<vmem_shared>>) target_semaphore(%run_scoped3A : memref<!tpu.dma_semaphore, #tpu.memory_space<semaphore_mem>>)
        %dma_wait3A_156 = arith.constant 0 : i32
        %dma_wait3A_157 = tpu.memref_slice %arg7[%add3A_151, %dma_wait3A_156] : memref<10240x64xf32, #tpu.memory_space<vmem_shared>> -> memref<128x64xf32, #tpu.memory_space<vmem_shared>>
        %dma_wait3A_158 = arith.constant 0 : i32
        %dma_wait3A_159 = tpu.memref_slice %arg7[%add3A_151, %dma_wait3A_158] : memref<10240x64xf32, #tpu.memory_space<vmem_shared>> -> memref<128x64xf32, #tpu.memory_space<vmem_shared>>
        tpu.wait_dma2 semaphore(%run_scoped3A : memref<!tpu.dma_semaphore, #tpu.memory_space<semaphore_mem>>) src(%arg11 : memref<128x64xf32, #tpu.memory_space<vmem>>) dst(%dma_wait3A_159 : memref<128x64xf32, #tpu.memory_space<vmem_shared>>)
        tpu.yield
      }) : () -> ()
    }
    %scan3A_25 = arith.constant 5 : i32
    %barrier3A = arith.constant 0 : index
    tpu.barrier barrier_id(%barrier3A)
    %dma_start3A = arith.constant 0 : i32
    %dma_start3A_26 = arith.constant 0 : i32
    %dma_start3A_27 = arith.constant 0 : i32
    %dma_start3A_28 = arith.constant 0 : i32
    %dma_start3A_29 = tpu.memref_slice %arg8[%dma_start3A_26, %dma_start3A_27, %dma_start3A_28] : memref<8x2x128xi32, #tpu.memory_space<vmem>> -> memref<1x2x128xi32, #tpu.memory_space<vmem>>
    %dma_start3A_30 = tpu.memref_squeeze %dma_start3A_29 : memref<1x2x128xi32, #tpu.memory_space<vmem>> -> memref<2x128xi32, #tpu.memory_space<vmem>>
    %dma_start3A_31 = arith.constant 0 : i32
    %dma_start3A_32 = arith.constant 0 : i32
    %dma_start3A_33 = tpu.memref_slice %arg3[%arg1, %dma_start3A, %dma_start3A_31, %dma_start3A_32] : memref<16x160x2x128xi32, #tpu.memory_space<hbm>> -> memref<1x1x2x128xi32, #tpu.memory_space<hbm>>
    %dma_start3A_34 = tpu.memref_squeeze %dma_start3A_33 : memref<1x1x2x128xi32, #tpu.memory_space<hbm>> -> memref<2x128xi32, #tpu.memory_space<hbm>>
    %dma_start3A_35 = arith.constant 0 : i32
    %dma_start3A_36 = arith.constant 0 : i32
    %dma_start3A_37 = tpu.memref_slice %arg8[%dma_start3A_26, %dma_start3A_35, %dma_start3A_36] : memref<8x2x128xi32, #tpu.memory_space<vmem>> -> memref<1x2x128xi32, #tpu.memory_space<vmem>>
    %dma_start3A_38 = tpu.memref_squeeze %dma_start3A_37 : memref<1x2x128xi32, #tpu.memory_space<vmem>> -> memref<2x128xi32, #tpu.memory_space<vmem>>
    %dma_start3A_39 = arith.constant 0 : i32
    %dma_start3A_40 = arith.constant 0 : i32
    %dma_start3A_41 = tpu.memref_slice %arg3[%arg1, %dma_start3A, %dma_start3A_39, %dma_start3A_40] : memref<16x160x2x128xi32, #tpu.memory_space<hbm>> -> memref<1x1x2x128xi32, #tpu.memory_space<hbm>>
    %dma_start3A_42 = tpu.memref_squeeze %dma_start3A_41 : memref<1x1x2x128xi32, #tpu.memory_space<hbm>> -> memref<2x128xi32, #tpu.memory_space<hbm>>
    tpu.enqueue_dma source(%dma_start3A_42 : memref<2x128xi32, #tpu.memory_space<hbm>>) target(%dma_start3A_38 : memref<2x128xi32, #tpu.memory_space<vmem>>) target_semaphore(%arg15 : memref<!tpu.dma_semaphore, #tpu.memory_space<semaphore_mem>>)
    %dma_start3A_43 = arith.constant 1 : i32
    %dma_start3A_44 = arith.constant 1 : i32
    %dma_start3A_45 = arith.constant 0 : i32
    %dma_start3A_46 = arith.constant 0 : i32
    %dma_start3A_47 = tpu.memref_slice %arg8[%dma_start3A_44, %dma_start3A_45, %dma_start3A_46] : memref<8x2x128xi32, #tpu.memory_space<vmem>> -> memref<1x2x128xi32, #tpu.memory_space<vmem>>
    %dma_start3A_48 = tpu.memref_squeeze %dma_start3A_47 : memref<1x2x128xi32, #tpu.memory_space<vmem>> -> memref<2x128xi32, #tpu.memory_space<vmem>>
    %dma_start3A_49 = arith.constant 0 : i32
    %dma_start3A_50 = arith.constant 0 : i32
    %dma_start3A_51 = tpu.memref_slice %arg3[%arg1, %dma_start3A_43, %dma_start3A_49, %dma_start3A_50] : memref<16x160x2x128xi32, #tpu.memory_space<hbm>> -> memref<1x1x2x128xi32, #tpu.memory_space<hbm>>
    %dma_start3A_52 = tpu.memref_squeeze %dma_start3A_51 : memref<1x1x2x128xi32, #tpu.memory_space<hbm>> -> memref<2x128xi32, #tpu.memory_space<hbm>>
    %dma_start3A_53 = arith.constant 0 : i32
    %dma_start3A_54 = arith.constant 0 : i32
    %dma_start3A_55 = tpu.memref_slice %arg8[%dma_start3A_44, %dma_start3A_53, %dma_start3A_54] : memref<8x2x128xi32, #tpu.memory_space<vmem>> -> memref<1x2x128xi32, #tpu.memory_space<vmem>>
    %dma_start3A_56 = tpu.memref_squeeze %dma_start3A_55 : memref<1x2x128xi32, #tpu.memory_space<vmem>> -> memref<2x128xi32, #tpu.memory_space<vmem>>
    %dma_start3A_57 = arith.constant 0 : i32
    %dma_start3A_58 = arith.constant 0 : i32
    %dma_start3A_59 = tpu.memref_slice %arg3[%arg1, %dma_start3A_43, %dma_start3A_57, %dma_start3A_58] : memref<16x160x2x128xi32, #tpu.memory_space<hbm>> -> memref<1x1x2x128xi32, #tpu.memory_space<hbm>>
    %dma_start3A_60 = tpu.memref_squeeze %dma_start3A_59 : memref<1x1x2x128xi32, #tpu.memory_space<hbm>> -> memref<2x128xi32, #tpu.memory_space<hbm>>
    tpu.enqueue_dma source(%dma_start3A_60 : memref<2x128xi32, #tpu.memory_space<hbm>>) target(%dma_start3A_56 : memref<2x128xi32, #tpu.memory_space<vmem>>) target_semaphore(%arg16 : memref<!tpu.dma_semaphore, #tpu.memory_space<semaphore_mem>>)
    %dma_start3A_61 = arith.constant 2 : i32
    %dma_start3A_62 = arith.constant 2 : i32
    %dma_start3A_63 = arith.constant 0 : i32
    %dma_start3A_64 = arith.constant 0 : i32
    %dma_start3A_65 = tpu.memref_slice %arg8[%dma_start3A_62, %dma_start3A_63, %dma_start3A_64] : memref<8x2x128xi32, #tpu.memory_space<vmem>> -> memref<1x2x128xi32, #tpu.memory_space<vmem>>
    %dma_start3A_66 = tpu.memref_squeeze %dma_start3A_65 : memref<1x2x128xi32, #tpu.memory_space<vmem>> -> memref<2x128xi32, #tpu.memory_space<vmem>>
    %dma_start3A_67 = arith.constant 0 : i32
    %dma_start3A_68 = arith.constant 0 : i32
    %dma_start3A_69 = tpu.memref_slice %arg3[%arg1, %dma_start3A_61, %dma_start3A_67, %dma_start3A_68] : memref<16x160x2x128xi32, #tpu.memory_space<hbm>> -> memref<1x1x2x128xi32, #tpu.memory_space<hbm>>
    %dma_start3A_70 = tpu.memref_squeeze %dma_start3A_69 : memref<1x1x2x128xi32, #tpu.memory_space<hbm>> -> memref<2x128xi32, #tpu.memory_space<hbm>>
    %dma_start3A_71 = arith.constant 0 : i32
    %dma_start3A_72 = arith.constant 0 : i32
    %dma_start3A_73 = tpu.memref_slice %arg8[%dma_start3A_62, %dma_start3A_71, %dma_start3A_72] : memref<8x2x128xi32, #tpu.memory_space<vmem>> -> memref<1x2x128xi32, #tpu.memory_space<vmem>>
    %dma_start3A_74 = tpu.memref_squeeze %dma_start3A_73 : memref<1x2x128xi32, #tpu.memory_space<vmem>> -> memref<2x128xi32, #tpu.memory_space<vmem>>
    %dma_start3A_75 = arith.constant 0 : i32
    %dma_start3A_76 = arith.constant 0 : i32
    %dma_start3A_77 = tpu.memref_slice %arg3[%arg1, %dma_start3A_61, %dma_start3A_75, %dma_start3A_76] : memref<16x160x2x128xi32, #tpu.memory_space<hbm>> -> memref<1x1x2x128xi32, #tpu.memory_space<hbm>>
    %dma_start3A_78 = tpu.memref_squeeze %dma_start3A_77 : memref<1x1x2x128xi32, #tpu.memory_space<hbm>> -> memref<2x128xi32, #tpu.memory_space<hbm>>
    tpu.enqueue_dma source(%dma_start3A_78 : memref<2x128xi32, #tpu.memory_space<hbm>>) target(%dma_start3A_74 : memref<2x128xi32, #tpu.memory_space<vmem>>) target_semaphore(%arg17 : memref<!tpu.dma_semaphore, #tpu.memory_space<semaphore_mem>>)
    %dma_start3A_79 = arith.constant 3 : i32
    %dma_start3A_80 = arith.constant 3 : i32
    %dma_start3A_81 = arith.constant 0 : i32
    %dma_start3A_82 = arith.constant 0 : i32
    %dma_start3A_83 = tpu.memref_slice %arg8[%dma_start3A_80, %dma_start3A_81, %dma_start3A_82] : memref<8x2x128xi32, #tpu.memory_space<vmem>> -> memref<1x2x128xi32, #tpu.memory_space<vmem>>
    %dma_start3A_84 = tpu.memref_squeeze %dma_start3A_83 : memref<1x2x128xi32, #tpu.memory_space<vmem>> -> memref<2x128xi32, #tpu.memory_space<vmem>>
    %dma_start3A_85 = arith.constant 0 : i32
    %dma_start3A_86 = arith.constant 0 : i32
    %dma_start3A_87 = tpu.memref_slice %arg3[%arg1, %dma_start3A_79, %dma_start3A_85, %dma_start3A_86] : memref<16x160x2x128xi32, #tpu.memory_space<hbm>> -> memref<1x1x2x128xi32, #tpu.memory_space<hbm>>
    %dma_start3A_88 = tpu.memref_squeeze %dma_start3A_87 : memref<1x1x2x128xi32, #tpu.memory_space<hbm>> -> memref<2x128xi32, #tpu.memory_space<hbm>>
    %dma_start3A_89 = arith.constant 0 : i32
    %dma_start3A_90 = arith.constant 0 : i32
    %dma_start3A_91 = tpu.memref_slice %arg8[%dma_start3A_80, %dma_start3A_89, %dma_start3A_90] : memref<8x2x128xi32, #tpu.memory_space<vmem>> -> memref<1x2x128xi32, #tpu.memory_space<vmem>>
    %dma_start3A_92 = tpu.memref_squeeze %dma_start3A_91 : memref<1x2x128xi32, #tpu.memory_space<vmem>> -> memref<2x128xi32, #tpu.memory_space<vmem>>
    %dma_start3A_93 = arith.constant 0 : i32
    %dma_start3A_94 = arith.constant 0 : i32
    %dma_start3A_95 = tpu.memref_slice %arg3[%arg1, %dma_start3A_79, %dma_start3A_93, %dma_start3A_94] : memref<16x160x2x128xi32, #tpu.memory_space<hbm>> -> memref<1x1x2x128xi32, #tpu.memory_space<hbm>>
    %dma_start3A_96 = tpu.memref_squeeze %dma_start3A_95 : memref<1x1x2x128xi32, #tpu.memory_space<hbm>> -> memref<2x128xi32, #tpu.memory_space<hbm>>
    tpu.enqueue_dma source(%dma_start3A_96 : memref<2x128xi32, #tpu.memory_space<hbm>>) target(%dma_start3A_92 : memref<2x128xi32, #tpu.memory_space<vmem>>) target_semaphore(%arg18 : memref<!tpu.dma_semaphore, #tpu.memory_space<semaphore_mem>>)
    %scan3A_97 = arith.constant 0 : i32
    %scan3A_98 = arith.constant 20 : i32
    %scan3A_99 = arith.addi %scan3A_97, %scan3A_98 : i32
    %scan3A_100 = arith.constant 1 : i32
    scf.for %scan3A_145 = %scan3A_97 to %scan3A_99 step %scan3A_100  : i32 {
      %mul3A_146 = arith.constant 8 : i32
      %mul3A_147 = arith.muli %scan3A_145, %mul3A_146 : i32
      %add3A = arith.constant 0 : i32
      %add3A_148 = arith.addi %add3A, %mul3A_147 : i32
      %add3A_149 = arith.constant 0 : i32
      %add3A_150 = arith.addi %add3A_148, %add3A_149 : i32
      %dma_wait3A_151 = arith.constant 0 : i32
      %dma_wait3A_152 = arith.constant 0 : i32
      %dma_wait3A_153 = arith.constant 0 : i32
      %dma_wait3A_154 = tpu.memref_slice %arg8[%dma_wait3A_151, %dma_wait3A_152, %dma_wait3A_153] : memref<8x2x128xi32, #tpu.memory_space<vmem>> -> memref<1x2x128xi32, #tpu.memory_space<vmem>>
      %dma_wait3A_155 = tpu.memref_squeeze %dma_wait3A_154 : memref<1x2x128xi32, #tpu.memory_space<vmem>> -> memref<2x128xi32, #tpu.memory_space<vmem>>
      %dma_wait3A_156 = arith.constant 0 : i32
      %dma_wait3A_157 = arith.constant 0 : i32
      %dma_wait3A_158 = tpu.memref_slice %arg3[%arg1, %add3A_150, %dma_wait3A_156, %dma_wait3A_157] : memref<16x160x2x128xi32, #tpu.memory_space<hbm>> -> memref<1x1x2x128xi32, #tpu.memory_space<hbm>>
      %dma_wait3A_159 = tpu.memref_squeeze %dma_wait3A_158 : memref<1x1x2x128xi32, #tpu.memory_space<hbm>> -> memref<2x128xi32, #tpu.memory_space<hbm>>
      %dma_wait3A_160 = arith.constant 0 : i32
      %dma_wait3A_161 = arith.constant 0 : i32
      %dma_wait3A_162 = tpu.memref_slice %arg8[%dma_wait3A_151, %dma_wait3A_160, %dma_wait3A_161] : memref<8x2x128xi32, #tpu.memory_space<vmem>> -> memref<1x2x128xi32, #tpu.memory_space<vmem>>
      %dma_wait3A_163 = tpu.memref_squeeze %dma_wait3A_162 : memref<1x2x128xi32, #tpu.memory_space<vmem>> -> memref<2x128xi32, #tpu.memory_space<vmem>>
      %dma_wait3A_164 = arith.constant 0 : i32
      %dma_wait3A_165 = arith.constant 0 : i32
      %dma_wait3A_166 = tpu.memref_slice %arg3[%arg1, %add3A_150, %dma_wait3A_164, %dma_wait3A_165] : memref<16x160x2x128xi32, #tpu.memory_space<hbm>> -> memref<1x1x2x128xi32, #tpu.memory_space<hbm>>
      %dma_wait3A_167 = tpu.memref_squeeze %dma_wait3A_166 : memref<1x1x2x128xi32, #tpu.memory_space<hbm>> -> memref<2x128xi32, #tpu.memory_space<hbm>>
      tpu.wait_dma2 semaphore(%arg15 : memref<!tpu.dma_semaphore, #tpu.memory_space<semaphore_mem>>) src(%dma_wait3A_167 : memref<2x128xi32, #tpu.memory_space<hbm>>) dst(%dma_wait3A_163 : memref<2x128xi32, #tpu.memory_space<vmem>>)
      %ge3A = arith.constant 4 : i32
      %ge3A_168 = arith.cmpi sge, %add3A_150, %ge3A : i32
      %convert_element_type3A = arith.extui %ge3A_168 : i1 to i32
      %cond3A = arith.constant 0 : i32
      %cond3A_169 = arith.cmpi ne, %convert_element_type3A, %cond3A : i32
      scf.if %cond3A_169 {
        %dma_wait3A_457 = arith.constant 4 : i32
        %dma_wait3A_458 = arith.constant 1 : i32
        %dma_wait3A_459 = arith.constant 0 : i32
        %dma_wait3A_460 = tpu.memref_slice %arg8[%dma_wait3A_457, %dma_wait3A_458, %dma_wait3A_459] : memref<8x2x128xi32, #tpu.memory_space<vmem>> -> memref<1x1x128xi32, #tpu.memory_space<vmem>>
        %dma_wait3A_461 = tpu.memref_squeeze %dma_wait3A_460 : memref<1x1x128xi32, #tpu.memory_space<vmem>> -> memref<128xi32, #tpu.memory_space<vmem>>
        %dma_wait3A_462 = arith.constant 0 : i32
        %dma_wait3A_463 = arith.constant 0 : i32
        %dma_wait3A_464 = tpu.memref_slice %arg7[%dma_wait3A_462, %dma_wait3A_463] : memref<10240x64xf32, #tpu.memory_space<vmem_shared>> -> memref<10240x64xf32, #tpu.memory_space<vmem_shared>>
        tpu.wait_indirect_dma semaphore(%arg27 : memref<!tpu.dma_semaphore, #tpu.memory_space<semaphore_mem>>) src(%arg10 : memref<128x64xf32, #tpu.memory_space<vmem>>) dst(%dma_wait3A_464 : memref<10240x64xf32, #tpu.memory_space<vmem_shared>>)
      } else {
      }
      %dma_start3A_170 = arith.constant 0 : i32
      %dma_start3A_171 = arith.constant 1 : i32
      %dma_start3A_172 = arith.constant 0 : i32
      %dma_start3A_173 = tpu.memref_slice %arg8[%dma_start3A_170, %dma_start3A_171, %dma_start3A_172] : memref<8x2x128xi32, #tpu.memory_space<vmem>> -> memref<1x1x128xi32, #tpu.memory_space<vmem>>
      %dma_start3A_174 = tpu.memref_squeeze %dma_start3A_173 : memref<1x1x128xi32, #tpu.memory_space<vmem>> -> memref<128xi32, #tpu.memory_space<vmem>>
      %dma_start3A_175 = arith.constant 0 : i32
      %dma_start3A_176 = arith.constant 0 : i32
      %dma_start3A_177 = tpu.memref_slice %arg7[%dma_start3A_175, %dma_start3A_176] : memref<10240x64xf32, #tpu.memory_space<vmem_shared>> -> memref<10240x64xf32, #tpu.memory_space<vmem_shared>>
      tpu.enqueue_indirect_dma source(%arg10 : memref<128x64xf32, #tpu.memory_space<vmem>>) target(%dma_start3A_177 : memref<10240x64xf32, #tpu.memory_space<vmem_shared>>) offsets(%dma_start3A_174 : memref<128xi32, #tpu.memory_space<vmem>>) semaphore(%arg27 : memref<!tpu.dma_semaphore, #tpu.memory_space<semaphore_mem>>) {add = true}
      %add3A_178 = arith.constant 4 : i32
      %add3A_179 = arith.addi %add3A_150, %add3A_178 : i32
      %lt3A = arith.constant 160 : i32
      %lt3A_180 = arith.cmpi slt, %add3A_179, %lt3A : i32
      %convert_element_type3A_181 = arith.extui %lt3A_180 : i1 to i32
      %cond3A_182 = arith.constant 0 : i32
      %cond3A_183 = arith.cmpi ne, %convert_element_type3A_181, %cond3A_182 : i32
      scf.if %cond3A_183 {
        %add3A_457 = arith.constant 4 : i32
        %add3A_458 = arith.addi %add3A_150, %add3A_457 : i32
        %dma_start3A_459 = arith.constant 4 : i32
        %dma_start3A_460 = arith.constant 0 : i32
        %dma_start3A_461 = arith.constant 0 : i32
        %dma_start3A_462 = tpu.memref_slice %arg8[%dma_start3A_459, %dma_start3A_460, %dma_start3A_461] : memref<8x2x128xi32, #tpu.memory_space<vmem>> -> memref<1x2x128xi32, #tpu.memory_space<vmem>>
        %dma_start3A_463 = tpu.memref_squeeze %dma_start3A_462 : memref<1x2x128xi32, #tpu.memory_space<vmem>> -> memref<2x128xi32, #tpu.memory_space<vmem>>
        %dma_start3A_464 = arith.constant 0 : i32
        %dma_start3A_465 = arith.constant 0 : i32
        %dma_start3A_466 = tpu.memref_slice %arg3[%arg1, %add3A_458, %dma_start3A_464, %dma_start3A_465] : memref<16x160x2x128xi32, #tpu.memory_space<hbm>> -> memref<1x1x2x128xi32, #tpu.memory_space<hbm>>
        %dma_start3A_467 = tpu.memref_squeeze %dma_start3A_466 : memref<1x1x2x128xi32, #tpu.memory_space<hbm>> -> memref<2x128xi32, #tpu.memory_space<hbm>>
        %dma_start3A_468 = arith.constant 0 : i32
        %dma_start3A_469 = arith.constant 0 : i32
        %dma_start3A_470 = tpu.memref_slice %arg8[%dma_start3A_459, %dma_start3A_468, %dma_start3A_469] : memref<8x2x128xi32, #tpu.memory_space<vmem>> -> memref<1x2x128xi32, #tpu.memory_space<vmem>>
        %dma_start3A_471 = tpu.memref_squeeze %dma_start3A_470 : memref<1x2x128xi32, #tpu.memory_space<vmem>> -> memref<2x128xi32, #tpu.memory_space<vmem>>
        %dma_start3A_472 = arith.constant 0 : i32
        %dma_start3A_473 = arith.constant 0 : i32
        %dma_start3A_474 = tpu.memref_slice %arg3[%arg1, %add3A_458, %dma_start3A_472, %dma_start3A_473] : memref<16x160x2x128xi32, #tpu.memory_space<hbm>> -> memref<1x1x2x128xi32, #tpu.memory_space<hbm>>
        %dma_start3A_475 = tpu.memref_squeeze %dma_start3A_474 : memref<1x1x2x128xi32, #tpu.memory_space<hbm>> -> memref<2x128xi32, #tpu.memory_space<hbm>>
        tpu.enqueue_dma source(%dma_start3A_475 : memref<2x128xi32, #tpu.memory_space<hbm>>) target(%dma_start3A_471 : memref<2x128xi32, #tpu.memory_space<vmem>>) target_semaphore(%arg19 : memref<!tpu.dma_semaphore, #tpu.memory_space<semaphore_mem>>)
      } else {
      }
      %add3A_184 = arith.constant 1 : i32
      %add3A_185 = arith.addi %add3A_148, %add3A_184 : i32
      %dma_wait3A_186 = arith.constant 1 : i32
      %dma_wait3A_187 = arith.constant 0 : i32
      %dma_wait3A_188 = arith.constant 0 : i32
      %dma_wait3A_189 = tpu.memref_slice %arg8[%dma_wait3A_186, %dma_wait3A_187, %dma_wait3A_188] : memref<8x2x128xi32, #tpu.memory_space<vmem>> -> memref<1x2x128xi32, #tpu.memory_space<vmem>>
      %dma_wait3A_190 = tpu.memref_squeeze %dma_wait3A_189 : memref<1x2x128xi32, #tpu.memory_space<vmem>> -> memref<2x128xi32, #tpu.memory_space<vmem>>
      %dma_wait3A_191 = arith.constant 0 : i32
      %dma_wait3A_192 = arith.constant 0 : i32
      %dma_wait3A_193 = tpu.memref_slice %arg3[%arg1, %add3A_185, %dma_wait3A_191, %dma_wait3A_192] : memref<16x160x2x128xi32, #tpu.memory_space<hbm>> -> memref<1x1x2x128xi32, #tpu.memory_space<hbm>>
      %dma_wait3A_194 = tpu.memref_squeeze %dma_wait3A_193 : memref<1x1x2x128xi32, #tpu.memory_space<hbm>> -> memref<2x128xi32, #tpu.memory_space<hbm>>
      %dma_wait3A_195 = arith.constant 0 : i32
      %dma_wait3A_196 = arith.constant 0 : i32
      %dma_wait3A_197 = tpu.memref_slice %arg8[%dma_wait3A_186, %dma_wait3A_195, %dma_wait3A_196] : memref<8x2x128xi32, #tpu.memory_space<vmem>> -> memref<1x2x128xi32, #tpu.memory_space<vmem>>
      %dma_wait3A_198 = tpu.memref_squeeze %dma_wait3A_197 : memref<1x2x128xi32, #tpu.memory_space<vmem>> -> memref<2x128xi32, #tpu.memory_space<vmem>>
      %dma_wait3A_199 = arith.constant 0 : i32
      %dma_wait3A_200 = arith.constant 0 : i32
      %dma_wait3A_201 = tpu.memref_slice %arg3[%arg1, %add3A_185, %dma_wait3A_199, %dma_wait3A_200] : memref<16x160x2x128xi32, #tpu.memory_space<hbm>> -> memref<1x1x2x128xi32, #tpu.memory_space<hbm>>
      %dma_wait3A_202 = tpu.memref_squeeze %dma_wait3A_201 : memref<1x1x2x128xi32, #tpu.memory_space<hbm>> -> memref<2x128xi32, #tpu.memory_space<hbm>>
      tpu.wait_dma2 semaphore(%arg16 : memref<!tpu.dma_semaphore, #tpu.memory_space<semaphore_mem>>) src(%dma_wait3A_202 : memref<2x128xi32, #tpu.memory_space<hbm>>) dst(%dma_wait3A_198 : memref<2x128xi32, #tpu.memory_space<vmem>>)
      %ge3A_203 = arith.constant 4 : i32
      %ge3A_204 = arith.cmpi sge, %add3A_185, %ge3A_203 : i32
      %convert_element_type3A_205 = arith.extui %ge3A_204 : i1 to i32
      %cond3A_206 = arith.constant 0 : i32
      %cond3A_207 = arith.cmpi ne, %convert_element_type3A_205, %cond3A_206 : i32
      scf.if %cond3A_207 {
        %dma_wait3A_457 = arith.constant 5 : i32
        %dma_wait3A_458 = arith.constant 1 : i32
        %dma_wait3A_459 = arith.constant 0 : i32
        %dma_wait3A_460 = tpu.memref_slice %arg8[%dma_wait3A_457, %dma_wait3A_458, %dma_wait3A_459] : memref<8x2x128xi32, #tpu.memory_space<vmem>> -> memref<1x1x128xi32, #tpu.memory_space<vmem>>
        %dma_wait3A_461 = tpu.memref_squeeze %dma_wait3A_460 : memref<1x1x128xi32, #tpu.memory_space<vmem>> -> memref<128xi32, #tpu.memory_space<vmem>>
        %dma_wait3A_462 = arith.constant 0 : i32
        %dma_wait3A_463 = arith.constant 0 : i32
        %dma_wait3A_464 = tpu.memref_slice %arg7[%dma_wait3A_462, %dma_wait3A_463] : memref<10240x64xf32, #tpu.memory_space<vmem_shared>> -> memref<10240x64xf32, #tpu.memory_space<vmem_shared>>
        tpu.wait_indirect_dma semaphore(%arg28 : memref<!tpu.dma_semaphore, #tpu.memory_space<semaphore_mem>>) src(%arg10 : memref<128x64xf32, #tpu.memory_space<vmem>>) dst(%dma_wait3A_464 : memref<10240x64xf32, #tpu.memory_space<vmem_shared>>)
      } else {
      }
      %dma_start3A_208 = arith.constant 1 : i32
      %dma_start3A_209 = arith.constant 1 : i32
      %dma_start3A_210 = arith.constant 0 : i32
      %dma_start3A_211 = tpu.memref_slice %arg8[%dma_start3A_208, %dma_start3A_209, %dma_start3A_210] : memref<8x2x128xi32, #tpu.memory_space<vmem>> -> memref<1x1x128xi32, #tpu.memory_space<vmem>>
      %dma_start3A_212 = tpu.memref_squeeze %dma_start3A_211 : memref<1x1x128xi32, #tpu.memory_space<vmem>> -> memref<128xi32, #tpu.memory_space<vmem>>
      %dma_start3A_213 = arith.constant 0 : i32
      %dma_start3A_214 = arith.constant 0 : i32
      %dma_start3A_215 = tpu.memref_slice %arg7[%dma_start3A_213, %dma_start3A_214] : memref<10240x64xf32, #tpu.memory_space<vmem_shared>> -> memref<10240x64xf32, #tpu.memory_space<vmem_shared>>
      tpu.enqueue_indirect_dma source(%arg10 : memref<128x64xf32, #tpu.memory_space<vmem>>) target(%dma_start3A_215 : memref<10240x64xf32, #tpu.memory_space<vmem_shared>>) offsets(%dma_start3A_212 : memref<128xi32, #tpu.memory_space<vmem>>) semaphore(%arg28 : memref<!tpu.dma_semaphore, #tpu.memory_space<semaphore_mem>>) {add = true}
      %add3A_216 = arith.constant 4 : i32
      %add3A_217 = arith.addi %add3A_185, %add3A_216 : i32
      %lt3A_218 = arith.constant 160 : i32
      %lt3A_219 = arith.cmpi slt, %add3A_217, %lt3A_218 : i32
      %convert_element_type3A_220 = arith.extui %lt3A_219 : i1 to i32
      %cond3A_221 = arith.constant 0 : i32
      %cond3A_222 = arith.cmpi ne, %convert_element_type3A_220, %cond3A_221 : i32
      scf.if %cond3A_222 {
        %add3A_457 = arith.constant 4 : i32
        %add3A_458 = arith.addi %add3A_185, %add3A_457 : i32
        %dma_start3A_459 = arith.constant 5 : i32
        %dma_start3A_460 = arith.constant 0 : i32
        %dma_start3A_461 = arith.constant 0 : i32
        %dma_start3A_462 = tpu.memref_slice %arg8[%dma_start3A_459, %dma_start3A_460, %dma_start3A_461] : memref<8x2x128xi32, #tpu.memory_space<vmem>> -> memref<1x2x128xi32, #tpu.memory_space<vmem>>
        %dma_start3A_463 = tpu.memref_squeeze %dma_start3A_462 : memref<1x2x128xi32, #tpu.memory_space<vmem>> -> memref<2x128xi32, #tpu.memory_space<vmem>>
        %dma_start3A_464 = arith.constant 0 : i32
        %dma_start3A_465 = arith.constant 0 : i32
        %dma_start3A_466 = tpu.memref_slice %arg3[%arg1, %add3A_458, %dma_start3A_464, %dma_start3A_465] : memref<16x160x2x128xi32, #tpu.memory_space<hbm>> -> memref<1x1x2x128xi32, #tpu.memory_space<hbm>>
        %dma_start3A_467 = tpu.memref_squeeze %dma_start3A_466 : memref<1x1x2x128xi32, #tpu.memory_space<hbm>> -> memref<2x128xi32, #tpu.memory_space<hbm>>
        %dma_start3A_468 = arith.constant 0 : i32
        %dma_start3A_469 = arith.constant 0 : i32
        %dma_start3A_470 = tpu.memref_slice %arg8[%dma_start3A_459, %dma_start3A_468, %dma_start3A_469] : memref<8x2x128xi32, #tpu.memory_space<vmem>> -> memref<1x2x128xi32, #tpu.memory_space<vmem>>
        %dma_start3A_471 = tpu.memref_squeeze %dma_start3A_470 : memref<1x2x128xi32, #tpu.memory_space<vmem>> -> memref<2x128xi32, #tpu.memory_space<vmem>>
        %dma_start3A_472 = arith.constant 0 : i32
        %dma_start3A_473 = arith.constant 0 : i32
        %dma_start3A_474 = tpu.memref_slice %arg3[%arg1, %add3A_458, %dma_start3A_472, %dma_start3A_473] : memref<16x160x2x128xi32, #tpu.memory_space<hbm>> -> memref<1x1x2x128xi32, #tpu.memory_space<hbm>>
        %dma_start3A_475 = tpu.memref_squeeze %dma_start3A_474 : memref<1x1x2x128xi32, #tpu.memory_space<hbm>> -> memref<2x128xi32, #tpu.memory_space<hbm>>
        tpu.enqueue_dma source(%dma_start3A_475 : memref<2x128xi32, #tpu.memory_space<hbm>>) target(%dma_start3A_471 : memref<2x128xi32, #tpu.memory_space<vmem>>) target_semaphore(%arg20 : memref<!tpu.dma_semaphore, #tpu.memory_space<semaphore_mem>>)
      } else {
      }
      %add3A_223 = arith.constant 2 : i32
      %add3A_224 = arith.addi %add3A_148, %add3A_223 : i32
      %dma_wait3A_225 = arith.constant 2 : i32
      %dma_wait3A_226 = arith.constant 0 : i32
      %dma_wait3A_227 = arith.constant 0 : i32
      %dma_wait3A_228 = tpu.memref_slice %arg8[%dma_wait3A_225, %dma_wait3A_226, %dma_wait3A_227] : memref<8x2x128xi32, #tpu.memory_space<vmem>> -> memref<1x2x128xi32, #tpu.memory_space<vmem>>
      %dma_wait3A_229 = tpu.memref_squeeze %dma_wait3A_228 : memref<1x2x128xi32, #tpu.memory_space<vmem>> -> memref<2x128xi32, #tpu.memory_space<vmem>>
      %dma_wait3A_230 = arith.constant 0 : i32
      %dma_wait3A_231 = arith.constant 0 : i32
      %dma_wait3A_232 = tpu.memref_slice %arg3[%arg1, %add3A_224, %dma_wait3A_230, %dma_wait3A_231] : memref<16x160x2x128xi32, #tpu.memory_space<hbm>> -> memref<1x1x2x128xi32, #tpu.memory_space<hbm>>
      %dma_wait3A_233 = tpu.memref_squeeze %dma_wait3A_232 : memref<1x1x2x128xi32, #tpu.memory_space<hbm>> -> memref<2x128xi32, #tpu.memory_space<hbm>>
      %dma_wait3A_234 = arith.constant 0 : i32
      %dma_wait3A_235 = arith.constant 0 : i32
      %dma_wait3A_236 = tpu.memref_slice %arg8[%dma_wait3A_225, %dma_wait3A_234, %dma_wait3A_235] : memref<8x2x128xi32, #tpu.memory_space<vmem>> -> memref<1x2x128xi32, #tpu.memory_space<vmem>>
      %dma_wait3A_237 = tpu.memref_squeeze %dma_wait3A_236 : memref<1x2x128xi32, #tpu.memory_space<vmem>> -> memref<2x128xi32, #tpu.memory_space<vmem>>
      %dma_wait3A_238 = arith.constant 0 : i32
      %dma_wait3A_239 = arith.constant 0 : i32
      %dma_wait3A_240 = tpu.memref_slice %arg3[%arg1, %add3A_224, %dma_wait3A_238, %dma_wait3A_239] : memref<16x160x2x128xi32, #tpu.memory_space<hbm>> -> memref<1x1x2x128xi32, #tpu.memory_space<hbm>>
      %dma_wait3A_241 = tpu.memref_squeeze %dma_wait3A_240 : memref<1x1x2x128xi32, #tpu.memory_space<hbm>> -> memref<2x128xi32, #tpu.memory_space<hbm>>
      tpu.wait_dma2 semaphore(%arg17 : memref<!tpu.dma_semaphore, #tpu.memory_space<semaphore_mem>>) src(%dma_wait3A_241 : memref<2x128xi32, #tpu.memory_space<hbm>>) dst(%dma_wait3A_237 : memref<2x128xi32, #tpu.memory_space<vmem>>)
      %ge3A_242 = arith.constant 4 : i32
      %ge3A_243 = arith.cmpi sge, %add3A_224, %ge3A_242 : i32
      %convert_element_type3A_244 = arith.extui %ge3A_243 : i1 to i32
      %cond3A_245 = arith.constant 0 : i32
      %cond3A_246 = arith.cmpi ne, %convert_element_type3A_244, %cond3A_245 : i32
      scf.if %cond3A_246 {
        %dma_wait3A_457 = arith.constant 6 : i32
        %dma_wait3A_458 = arith.constant 1 : i32
        %dma_wait3A_459 = arith.constant 0 : i32
        %dma_wait3A_460 = tpu.memref_slice %arg8[%dma_wait3A_457, %dma_wait3A_458, %dma_wait3A_459] : memref<8x2x128xi32, #tpu.memory_space<vmem>> -> memref<1x1x128xi32, #tpu.memory_space<vmem>>
        %dma_wait3A_461 = tpu.memref_squeeze %dma_wait3A_460 : memref<1x1x128xi32, #tpu.memory_space<vmem>> -> memref<128xi32, #tpu.memory_space<vmem>>
        %dma_wait3A_462 = arith.constant 0 : i32
        %dma_wait3A_463 = arith.constant 0 : i32
        %dma_wait3A_464 = tpu.memref_slice %arg7[%dma_wait3A_462, %dma_wait3A_463] : memref<10240x64xf32, #tpu.memory_space<vmem_shared>> -> memref<10240x64xf32, #tpu.memory_space<vmem_shared>>
        tpu.wait_indirect_dma semaphore(%arg29 : memref<!tpu.dma_semaphore, #tpu.memory_space<semaphore_mem>>) src(%arg10 : memref<128x64xf32, #tpu.memory_space<vmem>>) dst(%dma_wait3A_464 : memref<10240x64xf32, #tpu.memory_space<vmem_shared>>)
      } else {
      }
      %dma_start3A_247 = arith.constant 2 : i32
      %dma_start3A_248 = arith.constant 1 : i32
      %dma_start3A_249 = arith.constant 0 : i32
      %dma_start3A_250 = tpu.memref_slice %arg8[%dma_start3A_247, %dma_start3A_248, %dma_start3A_249] : memref<8x2x128xi32, #tpu.memory_space<vmem>> -> memref<1x1x128xi32, #tpu.memory_space<vmem>>
      %dma_start3A_251 = tpu.memref_squeeze %dma_start3A_250 : memref<1x1x128xi32, #tpu.memory_space<vmem>> -> memref<128xi32, #tpu.memory_space<vmem>>
      %dma_start3A_252 = arith.constant 0 : i32
      %dma_start3A_253 = arith.constant 0 : i32
      %dma_start3A_254 = tpu.memref_slice %arg7[%dma_start3A_252, %dma_start3A_253] : memref<10240x64xf32, #tpu.memory_space<vmem_shared>> -> memref<10240x64xf32, #tpu.memory_space<vmem_shared>>
      tpu.enqueue_indirect_dma source(%arg10 : memref<128x64xf32, #tpu.memory_space<vmem>>) target(%dma_start3A_254 : memref<10240x64xf32, #tpu.memory_space<vmem_shared>>) offsets(%dma_start3A_251 : memref<128xi32, #tpu.memory_space<vmem>>) semaphore(%arg29 : memref<!tpu.dma_semaphore, #tpu.memory_space<semaphore_mem>>) {add = true}
      %add3A_255 = arith.constant 4 : i32
      %add3A_256 = arith.addi %add3A_224, %add3A_255 : i32
      %lt3A_257 = arith.constant 160 : i32
      %lt3A_258 = arith.cmpi slt, %add3A_256, %lt3A_257 : i32
      %convert_element_type3A_259 = arith.extui %lt3A_258 : i1 to i32
      %cond3A_260 = arith.constant 0 : i32
      %cond3A_261 = arith.cmpi ne, %convert_element_type3A_259, %cond3A_260 : i32
      scf.if %cond3A_261 {
        %add3A_457 = arith.constant 4 : i32
        %add3A_458 = arith.addi %add3A_224, %add3A_457 : i32
        %dma_start3A_459 = arith.constant 6 : i32
        %dma_start3A_460 = arith.constant 0 : i32
        %dma_start3A_461 = arith.constant 0 : i32
        %dma_start3A_462 = tpu.memref_slice %arg8[%dma_start3A_459, %dma_start3A_460, %dma_start3A_461] : memref<8x2x128xi32, #tpu.memory_space<vmem>> -> memref<1x2x128xi32, #tpu.memory_space<vmem>>
        %dma_start3A_463 = tpu.memref_squeeze %dma_start3A_462 : memref<1x2x128xi32, #tpu.memory_space<vmem>> -> memref<2x128xi32, #tpu.memory_space<vmem>>
        %dma_start3A_464 = arith.constant 0 : i32
        %dma_start3A_465 = arith.constant 0 : i32
        %dma_start3A_466 = tpu.memref_slice %arg3[%arg1, %add3A_458, %dma_start3A_464, %dma_start3A_465] : memref<16x160x2x128xi32, #tpu.memory_space<hbm>> -> memref<1x1x2x128xi32, #tpu.memory_space<hbm>>
        %dma_start3A_467 = tpu.memref_squeeze %dma_start3A_466 : memref<1x1x2x128xi32, #tpu.memory_space<hbm>> -> memref<2x128xi32, #tpu.memory_space<hbm>>
        %dma_start3A_468 = arith.constant 0 : i32
        %dma_start3A_469 = arith.constant 0 : i32
        %dma_start3A_470 = tpu.memref_slice %arg8[%dma_start3A_459, %dma_start3A_468, %dma_start3A_469] : memref<8x2x128xi32, #tpu.memory_space<vmem>> -> memref<1x2x128xi32, #tpu.memory_space<vmem>>
        %dma_start3A_471 = tpu.memref_squeeze %dma_start3A_470 : memref<1x2x128xi32, #tpu.memory_space<vmem>> -> memref<2x128xi32, #tpu.memory_space<vmem>>
        %dma_start3A_472 = arith.constant 0 : i32
        %dma_start3A_473 = arith.constant 0 : i32
        %dma_start3A_474 = tpu.memref_slice %arg3[%arg1, %add3A_458, %dma_start3A_472, %dma_start3A_473] : memref<16x160x2x128xi32, #tpu.memory_space<hbm>> -> memref<1x1x2x128xi32, #tpu.memory_space<hbm>>
        %dma_start3A_475 = tpu.memref_squeeze %dma_start3A_474 : memref<1x1x2x128xi32, #tpu.memory_space<hbm>> -> memref<2x128xi32, #tpu.memory_space<hbm>>
        tpu.enqueue_dma source(%dma_start3A_475 : memref<2x128xi32, #tpu.memory_space<hbm>>) target(%dma_start3A_471 : memref<2x128xi32, #tpu.memory_space<vmem>>) target_semaphore(%arg21 : memref<!tpu.dma_semaphore, #tpu.memory_space<semaphore_mem>>)
      } else {
      }
      %add3A_262 = arith.constant 3 : i32
      %add3A_263 = arith.addi %add3A_148, %add3A_262 : i32
      %dma_wait3A_264 = arith.constant 3 : i32
      %dma_wait3A_265 = arith.constant 0 : i32
      %dma_wait3A_266 = arith.constant 0 : i32
      %dma_wait3A_267 = tpu.memref_slice %arg8[%dma_wait3A_264, %dma_wait3A_265, %dma_wait3A_266] : memref<8x2x128xi32, #tpu.memory_space<vmem>> -> memref<1x2x128xi32, #tpu.memory_space<vmem>>
      %dma_wait3A_268 = tpu.memref_squeeze %dma_wait3A_267 : memref<1x2x128xi32, #tpu.memory_space<vmem>> -> memref<2x128xi32, #tpu.memory_space<vmem>>
      %dma_wait3A_269 = arith.constant 0 : i32
      %dma_wait3A_270 = arith.constant 0 : i32
      %dma_wait3A_271 = tpu.memref_slice %arg3[%arg1, %add3A_263, %dma_wait3A_269, %dma_wait3A_270] : memref<16x160x2x128xi32, #tpu.memory_space<hbm>> -> memref<1x1x2x128xi32, #tpu.memory_space<hbm>>
      %dma_wait3A_272 = tpu.memref_squeeze %dma_wait3A_271 : memref<1x1x2x128xi32, #tpu.memory_space<hbm>> -> memref<2x128xi32, #tpu.memory_space<hbm>>
      %dma_wait3A_273 = arith.constant 0 : i32
      %dma_wait3A_274 = arith.constant 0 : i32
      %dma_wait3A_275 = tpu.memref_slice %arg8[%dma_wait3A_264, %dma_wait3A_273, %dma_wait3A_274] : memref<8x2x128xi32, #tpu.memory_space<vmem>> -> memref<1x2x128xi32, #tpu.memory_space<vmem>>
      %dma_wait3A_276 = tpu.memref_squeeze %dma_wait3A_275 : memref<1x2x128xi32, #tpu.memory_space<vmem>> -> memref<2x128xi32, #tpu.memory_space<vmem>>
      %dma_wait3A_277 = arith.constant 0 : i32
      %dma_wait3A_278 = arith.constant 0 : i32
      %dma_wait3A_279 = tpu.memref_slice %arg3[%arg1, %add3A_263, %dma_wait3A_277, %dma_wait3A_278] : memref<16x160x2x128xi32, #tpu.memory_space<hbm>> -> memref<1x1x2x128xi32, #tpu.memory_space<hbm>>
      %dma_wait3A_280 = tpu.memref_squeeze %dma_wait3A_279 : memref<1x1x2x128xi32, #tpu.memory_space<hbm>> -> memref<2x128xi32, #tpu.memory_space<hbm>>
      tpu.wait_dma2 semaphore(%arg18 : memref<!tpu.dma_semaphore, #tpu.memory_space<semaphore_mem>>) src(%dma_wait3A_280 : memref<2x128xi32, #tpu.memory_space<hbm>>) dst(%dma_wait3A_276 : memref<2x128xi32, #tpu.memory_space<vmem>>)
      %ge3A_281 = arith.constant 4 : i32
      %ge3A_282 = arith.cmpi sge, %add3A_263, %ge3A_281 : i32
      %convert_element_type3A_283 = arith.extui %ge3A_282 : i1 to i32
      %cond3A_284 = arith.constant 0 : i32
      %cond3A_285 = arith.cmpi ne, %convert_element_type3A_283, %cond3A_284 : i32
      scf.if %cond3A_285 {
        %dma_wait3A_457 = arith.constant 7 : i32
        %dma_wait3A_458 = arith.constant 1 : i32
        %dma_wait3A_459 = arith.constant 0 : i32
        %dma_wait3A_460 = tpu.memref_slice %arg8[%dma_wait3A_457, %dma_wait3A_458, %dma_wait3A_459] : memref<8x2x128xi32, #tpu.memory_space<vmem>> -> memref<1x1x128xi32, #tpu.memory_space<vmem>>
        %dma_wait3A_461 = tpu.memref_squeeze %dma_wait3A_460 : memref<1x1x128xi32, #tpu.memory_space<vmem>> -> memref<128xi32, #tpu.memory_space<vmem>>
        %dma_wait3A_462 = arith.constant 0 : i32
        %dma_wait3A_463 = arith.constant 0 : i32
        %dma_wait3A_464 = tpu.memref_slice %arg7[%dma_wait3A_462, %dma_wait3A_463] : memref<10240x64xf32, #tpu.memory_space<vmem_shared>> -> memref<10240x64xf32, #tpu.memory_space<vmem_shared>>
        tpu.wait_indirect_dma semaphore(%arg30 : memref<!tpu.dma_semaphore, #tpu.memory_space<semaphore_mem>>) src(%arg10 : memref<128x64xf32, #tpu.memory_space<vmem>>) dst(%dma_wait3A_464 : memref<10240x64xf32, #tpu.memory_space<vmem_shared>>)
      } else {
      }
      %dma_start3A_286 = arith.constant 3 : i32
      %dma_start3A_287 = arith.constant 1 : i32
      %dma_start3A_288 = arith.constant 0 : i32
      %dma_start3A_289 = tpu.memref_slice %arg8[%dma_start3A_286, %dma_start3A_287, %dma_start3A_288] : memref<8x2x128xi32, #tpu.memory_space<vmem>> -> memref<1x1x128xi32, #tpu.memory_space<vmem>>
      %dma_start3A_290 = tpu.memref_squeeze %dma_start3A_289 : memref<1x1x128xi32, #tpu.memory_space<vmem>> -> memref<128xi32, #tpu.memory_space<vmem>>
      %dma_start3A_291 = arith.constant 0 : i32
      %dma_start3A_292 = arith.constant 0 : i32
      %dma_start3A_293 = tpu.memref_slice %arg7[%dma_start3A_291, %dma_start3A_292] : memref<10240x64xf32, #tpu.memory_space<vmem_shared>> -> memref<10240x64xf32, #tpu.memory_space<vmem_shared>>
      tpu.enqueue_indirect_dma source(%arg10 : memref<128x64xf32, #tpu.memory_space<vmem>>) target(%dma_start3A_293 : memref<10240x64xf32, #tpu.memory_space<vmem_shared>>) offsets(%dma_start3A_290 : memref<128xi32, #tpu.memory_space<vmem>>) semaphore(%arg30 : memref<!tpu.dma_semaphore, #tpu.memory_space<semaphore_mem>>) {add = true}
      %add3A_294 = arith.constant 4 : i32
      %add3A_295 = arith.addi %add3A_263, %add3A_294 : i32
      %lt3A_296 = arith.constant 160 : i32
      %lt3A_297 = arith.cmpi slt, %add3A_295, %lt3A_296 : i32
      %convert_element_type3A_298 = arith.extui %lt3A_297 : i1 to i32
      %cond3A_299 = arith.constant 0 : i32
      %cond3A_300 = arith.cmpi ne, %convert_element_type3A_298, %cond3A_299 : i32
      scf.if %cond3A_300 {
        %add3A_457 = arith.constant 4 : i32
        %add3A_458 = arith.addi %add3A_263, %add3A_457 : i32
        %dma_start3A_459 = arith.constant 7 : i32
        %dma_start3A_460 = arith.constant 0 : i32
        %dma_start3A_461 = arith.constant 0 : i32
        %dma_start3A_462 = tpu.memref_slice %arg8[%dma_start3A_459, %dma_start3A_460, %dma_start3A_461] : memref<8x2x128xi32, #tpu.memory_space<vmem>> -> memref<1x2x128xi32, #tpu.memory_space<vmem>>
        %dma_start3A_463 = tpu.memref_squeeze %dma_start3A_462 : memref<1x2x128xi32, #tpu.memory_space<vmem>> -> memref<2x128xi32, #tpu.memory_space<vmem>>
        %dma_start3A_464 = arith.constant 0 : i32
        %dma_start3A_465 = arith.constant 0 : i32
        %dma_start3A_466 = tpu.memref_slice %arg3[%arg1, %add3A_458, %dma_start3A_464, %dma_start3A_465] : memref<16x160x2x128xi32, #tpu.memory_space<hbm>> -> memref<1x1x2x128xi32, #tpu.memory_space<hbm>>
        %dma_start3A_467 = tpu.memref_squeeze %dma_start3A_466 : memref<1x1x2x128xi32, #tpu.memory_space<hbm>> -> memref<2x128xi32, #tpu.memory_space<hbm>>
        %dma_start3A_468 = arith.constant 0 : i32
        %dma_start3A_469 = arith.constant 0 : i32
        %dma_start3A_470 = tpu.memref_slice %arg8[%dma_start3A_459, %dma_start3A_468, %dma_start3A_469] : memref<8x2x128xi32, #tpu.memory_space<vmem>> -> memref<1x2x128xi32, #tpu.memory_space<vmem>>
        %dma_start3A_471 = tpu.memref_squeeze %dma_start3A_470 : memref<1x2x128xi32, #tpu.memory_space<vmem>> -> memref<2x128xi32, #tpu.memory_space<vmem>>
        %dma_start3A_472 = arith.constant 0 : i32
        %dma_start3A_473 = arith.constant 0 : i32
        %dma_start3A_474 = tpu.memref_slice %arg3[%arg1, %add3A_458, %dma_start3A_472, %dma_start3A_473] : memref<16x160x2x128xi32, #tpu.memory_space<hbm>> -> memref<1x1x2x128xi32, #tpu.memory_space<hbm>>
        %dma_start3A_475 = tpu.memref_squeeze %dma_start3A_474 : memref<1x1x2x128xi32, #tpu.memory_space<hbm>> -> memref<2x128xi32, #tpu.memory_space<hbm>>
        tpu.enqueue_dma source(%dma_start3A_475 : memref<2x128xi32, #tpu.memory_space<hbm>>) target(%dma_start3A_471 : memref<2x128xi32, #tpu.memory_space<vmem>>) target_semaphore(%arg22 : memref<!tpu.dma_semaphore, #tpu.memory_space<semaphore_mem>>)
      } else {
      }
      %add3A_301 = arith.constant 4 : i32
      %add3A_302 = arith.addi %add3A_148, %add3A_301 : i32
      %dma_wait3A_303 = arith.constant 4 : i32
      %dma_wait3A_304 = arith.constant 0 : i32
      %dma_wait3A_305 = arith.constant 0 : i32
      %dma_wait3A_306 = tpu.memref_slice %arg8[%dma_wait3A_303, %dma_wait3A_304, %dma_wait3A_305] : memref<8x2x128xi32, #tpu.memory_space<vmem>> -> memref<1x2x128xi32, #tpu.memory_space<vmem>>
      %dma_wait3A_307 = tpu.memref_squeeze %dma_wait3A_306 : memref<1x2x128xi32, #tpu.memory_space<vmem>> -> memref<2x128xi32, #tpu.memory_space<vmem>>
      %dma_wait3A_308 = arith.constant 0 : i32
      %dma_wait3A_309 = arith.constant 0 : i32
      %dma_wait3A_310 = tpu.memref_slice %arg3[%arg1, %add3A_302, %dma_wait3A_308, %dma_wait3A_309] : memref<16x160x2x128xi32, #tpu.memory_space<hbm>> -> memref<1x1x2x128xi32, #tpu.memory_space<hbm>>
      %dma_wait3A_311 = tpu.memref_squeeze %dma_wait3A_310 : memref<1x1x2x128xi32, #tpu.memory_space<hbm>> -> memref<2x128xi32, #tpu.memory_space<hbm>>
      %dma_wait3A_312 = arith.constant 0 : i32
      %dma_wait3A_313 = arith.constant 0 : i32
      %dma_wait3A_314 = tpu.memref_slice %arg8[%dma_wait3A_303, %dma_wait3A_312, %dma_wait3A_313] : memref<8x2x128xi32, #tpu.memory_space<vmem>> -> memref<1x2x128xi32, #tpu.memory_space<vmem>>
      %dma_wait3A_315 = tpu.memref_squeeze %dma_wait3A_314 : memref<1x2x128xi32, #tpu.memory_space<vmem>> -> memref<2x128xi32, #tpu.memory_space<vmem>>
      %dma_wait3A_316 = arith.constant 0 : i32
      %dma_wait3A_317 = arith.constant 0 : i32
      %dma_wait3A_318 = tpu.memref_slice %arg3[%arg1, %add3A_302, %dma_wait3A_316, %dma_wait3A_317] : memref<16x160x2x128xi32, #tpu.memory_space<hbm>> -> memref<1x1x2x128xi32, #tpu.memory_space<hbm>>
      %dma_wait3A_319 = tpu.memref_squeeze %dma_wait3A_318 : memref<1x1x2x128xi32, #tpu.memory_space<hbm>> -> memref<2x128xi32, #tpu.memory_space<hbm>>
      tpu.wait_dma2 semaphore(%arg19 : memref<!tpu.dma_semaphore, #tpu.memory_space<semaphore_mem>>) src(%dma_wait3A_319 : memref<2x128xi32, #tpu.memory_space<hbm>>) dst(%dma_wait3A_315 : memref<2x128xi32, #tpu.memory_space<vmem>>)
      %ge3A_320 = arith.constant 4 : i32
      %ge3A_321 = arith.cmpi sge, %add3A_302, %ge3A_320 : i32
      %convert_element_type3A_322 = arith.extui %ge3A_321 : i1 to i32
      %cond3A_323 = arith.constant 0 : i32
      %cond3A_324 = arith.cmpi ne, %convert_element_type3A_322, %cond3A_323 : i32
      scf.if %cond3A_324 {
        %dma_wait3A_457 = arith.constant 0 : i32
        %dma_wait3A_458 = arith.constant 1 : i32
        %dma_wait3A_459 = arith.constant 0 : i32
        %dma_wait3A_460 = tpu.memref_slice %arg8[%dma_wait3A_457, %dma_wait3A_458, %dma_wait3A_459] : memref<8x2x128xi32, #tpu.memory_space<vmem>> -> memref<1x1x128xi32, #tpu.memory_space<vmem>>
        %dma_wait3A_461 = tpu.memref_squeeze %dma_wait3A_460 : memref<1x1x128xi32, #tpu.memory_space<vmem>> -> memref<128xi32, #tpu.memory_space<vmem>>
        %dma_wait3A_462 = arith.constant 0 : i32
        %dma_wait3A_463 = arith.constant 0 : i32
        %dma_wait3A_464 = tpu.memref_slice %arg7[%dma_wait3A_462, %dma_wait3A_463] : memref<10240x64xf32, #tpu.memory_space<vmem_shared>> -> memref<10240x64xf32, #tpu.memory_space<vmem_shared>>
        tpu.wait_indirect_dma semaphore(%arg27 : memref<!tpu.dma_semaphore, #tpu.memory_space<semaphore_mem>>) src(%arg10 : memref<128x64xf32, #tpu.memory_space<vmem>>) dst(%dma_wait3A_464 : memref<10240x64xf32, #tpu.memory_space<vmem_shared>>)
      } else {
      }
      %dma_start3A_325 = arith.constant 4 : i32
      %dma_start3A_326 = arith.constant 1 : i32
      %dma_start3A_327 = arith.constant 0 : i32
      %dma_start3A_328 = tpu.memref_slice %arg8[%dma_start3A_325, %dma_start3A_326, %dma_start3A_327] : memref<8x2x128xi32, #tpu.memory_space<vmem>> -> memref<1x1x128xi32, #tpu.memory_space<vmem>>
      %dma_start3A_329 = tpu.memref_squeeze %dma_start3A_328 : memref<1x1x128xi32, #tpu.memory_space<vmem>> -> memref<128xi32, #tpu.memory_space<vmem>>
      %dma_start3A_330 = arith.constant 0 : i32
      %dma_start3A_331 = arith.constant 0 : i32
      %dma_start3A_332 = tpu.memref_slice %arg7[%dma_start3A_330, %dma_start3A_331] : memref<10240x64xf32, #tpu.memory_space<vmem_shared>> -> memref<10240x64xf32, #tpu.memory_space<vmem_shared>>
      tpu.enqueue_indirect_dma source(%arg10 : memref<128x64xf32, #tpu.memory_space<vmem>>) target(%dma_start3A_332 : memref<10240x64xf32, #tpu.memory_space<vmem_shared>>) offsets(%dma_start3A_329 : memref<128xi32, #tpu.memory_space<vmem>>) semaphore(%arg27 : memref<!tpu.dma_semaphore, #tpu.memory_space<semaphore_mem>>) {add = true}
      %add3A_333 = arith.constant 4 : i32
      %add3A_334 = arith.addi %add3A_302, %add3A_333 : i32
      %lt3A_335 = arith.constant 160 : i32
      %lt3A_336 = arith.cmpi slt, %add3A_334, %lt3A_335 : i32
      %convert_element_type3A_337 = arith.extui %lt3A_336 : i1 to i32
      %cond3A_338 = arith.constant 0 : i32
      %cond3A_339 = arith.cmpi ne, %convert_element_type3A_337, %cond3A_338 : i32
      scf.if %cond3A_339 {
        %add3A_457 = arith.constant 4 : i32
        %add3A_458 = arith.addi %add3A_302, %add3A_457 : i32
        %dma_start3A_459 = arith.constant 0 : i32
        %dma_start3A_460 = arith.constant 0 : i32
        %dma_start3A_461 = arith.constant 0 : i32
        %dma_start3A_462 = tpu.memref_slice %arg8[%dma_start3A_459, %dma_start3A_460, %dma_start3A_461] : memref<8x2x128xi32, #tpu.memory_space<vmem>> -> memref<1x2x128xi32, #tpu.memory_space<vmem>>
        %dma_start3A_463 = tpu.memref_squeeze %dma_start3A_462 : memref<1x2x128xi32, #tpu.memory_space<vmem>> -> memref<2x128xi32, #tpu.memory_space<vmem>>
        %dma_start3A_464 = arith.constant 0 : i32
        %dma_start3A_465 = arith.constant 0 : i32
        %dma_start3A_466 = tpu.memref_slice %arg3[%arg1, %add3A_458, %dma_start3A_464, %dma_start3A_465] : memref<16x160x2x128xi32, #tpu.memory_space<hbm>> -> memref<1x1x2x128xi32, #tpu.memory_space<hbm>>
        %dma_start3A_467 = tpu.memref_squeeze %dma_start3A_466 : memref<1x1x2x128xi32, #tpu.memory_space<hbm>> -> memref<2x128xi32, #tpu.memory_space<hbm>>
        %dma_start3A_468 = arith.constant 0 : i32
        %dma_start3A_469 = arith.constant 0 : i32
        %dma_start3A_470 = tpu.memref_slice %arg8[%dma_start3A_459, %dma_start3A_468, %dma_start3A_469] : memref<8x2x128xi32, #tpu.memory_space<vmem>> -> memref<1x2x128xi32, #tpu.memory_space<vmem>>
        %dma_start3A_471 = tpu.memref_squeeze %dma_start3A_470 : memref<1x2x128xi32, #tpu.memory_space<vmem>> -> memref<2x128xi32, #tpu.memory_space<vmem>>
        %dma_start3A_472 = arith.constant 0 : i32
        %dma_start3A_473 = arith.constant 0 : i32
        %dma_start3A_474 = tpu.memref_slice %arg3[%arg1, %add3A_458, %dma_start3A_472, %dma_start3A_473] : memref<16x160x2x128xi32, #tpu.memory_space<hbm>> -> memref<1x1x2x128xi32, #tpu.memory_space<hbm>>
        %dma_start3A_475 = tpu.memref_squeeze %dma_start3A_474 : memref<1x1x2x128xi32, #tpu.memory_space<hbm>> -> memref<2x128xi32, #tpu.memory_space<hbm>>
        tpu.enqueue_dma source(%dma_start3A_475 : memref<2x128xi32, #tpu.memory_space<hbm>>) target(%dma_start3A_471 : memref<2x128xi32, #tpu.memory_space<vmem>>) target_semaphore(%arg15 : memref<!tpu.dma_semaphore, #tpu.memory_space<semaphore_mem>>)
      } else {
      }
      %add3A_340 = arith.constant 5 : i32
      %add3A_341 = arith.addi %add3A_148, %add3A_340 : i32
      %dma_wait3A_342 = arith.constant 5 : i32
      %dma_wait3A_343 = arith.constant 0 : i32
      %dma_wait3A_344 = arith.constant 0 : i32
      %dma_wait3A_345 = tpu.memref_slice %arg8[%dma_wait3A_342, %dma_wait3A_343, %dma_wait3A_344] : memref<8x2x128xi32, #tpu.memory_space<vmem>> -> memref<1x2x128xi32, #tpu.memory_space<vmem>>
      %dma_wait3A_346 = tpu.memref_squeeze %dma_wait3A_345 : memref<1x2x128xi32, #tpu.memory_space<vmem>> -> memref<2x128xi32, #tpu.memory_space<vmem>>
      %dma_wait3A_347 = arith.constant 0 : i32
      %dma_wait3A_348 = arith.constant 0 : i32
      %dma_wait3A_349 = tpu.memref_slice %arg3[%arg1, %add3A_341, %dma_wait3A_347, %dma_wait3A_348] : memref<16x160x2x128xi32, #tpu.memory_space<hbm>> -> memref<1x1x2x128xi32, #tpu.memory_space<hbm>>
      %dma_wait3A_350 = tpu.memref_squeeze %dma_wait3A_349 : memref<1x1x2x128xi32, #tpu.memory_space<hbm>> -> memref<2x128xi32, #tpu.memory_space<hbm>>
      %dma_wait3A_351 = arith.constant 0 : i32
      %dma_wait3A_352 = arith.constant 0 : i32
      %dma_wait3A_353 = tpu.memref_slice %arg8[%dma_wait3A_342, %dma_wait3A_351, %dma_wait3A_352] : memref<8x2x128xi32, #tpu.memory_space<vmem>> -> memref<1x2x128xi32, #tpu.memory_space<vmem>>
      %dma_wait3A_354 = tpu.memref_squeeze %dma_wait3A_353 : memref<1x2x128xi32, #tpu.memory_space<vmem>> -> memref<2x128xi32, #tpu.memory_space<vmem>>
      %dma_wait3A_355 = arith.constant 0 : i32
      %dma_wait3A_356 = arith.constant 0 : i32
      %dma_wait3A_357 = tpu.memref_slice %arg3[%arg1, %add3A_341, %dma_wait3A_355, %dma_wait3A_356] : memref<16x160x2x128xi32, #tpu.memory_space<hbm>> -> memref<1x1x2x128xi32, #tpu.memory_space<hbm>>
      %dma_wait3A_358 = tpu.memref_squeeze %dma_wait3A_357 : memref<1x1x2x128xi32, #tpu.memory_space<hbm>> -> memref<2x128xi32, #tpu.memory_space<hbm>>
      tpu.wait_dma2 semaphore(%arg20 : memref<!tpu.dma_semaphore, #tpu.memory_space<semaphore_mem>>) src(%dma_wait3A_358 : memref<2x128xi32, #tpu.memory_space<hbm>>) dst(%dma_wait3A_354 : memref<2x128xi32, #tpu.memory_space<vmem>>)
      %ge3A_359 = arith.constant 4 : i32
      %ge3A_360 = arith.cmpi sge, %add3A_341, %ge3A_359 : i32
      %convert_element_type3A_361 = arith.extui %ge3A_360 : i1 to i32
      %cond3A_362 = arith.constant 0 : i32
      %cond3A_363 = arith.cmpi ne, %convert_element_type3A_361, %cond3A_362 : i32
      scf.if %cond3A_363 {
        %dma_wait3A_457 = arith.constant 1 : i32
        %dma_wait3A_458 = arith.constant 1 : i32
        %dma_wait3A_459 = arith.constant 0 : i32
        %dma_wait3A_460 = tpu.memref_slice %arg8[%dma_wait3A_457, %dma_wait3A_458, %dma_wait3A_459] : memref<8x2x128xi32, #tpu.memory_space<vmem>> -> memref<1x1x128xi32, #tpu.memory_space<vmem>>
        %dma_wait3A_461 = tpu.memref_squeeze %dma_wait3A_460 : memref<1x1x128xi32, #tpu.memory_space<vmem>> -> memref<128xi32, #tpu.memory_space<vmem>>
        %dma_wait3A_462 = arith.constant 0 : i32
        %dma_wait3A_463 = arith.constant 0 : i32
        %dma_wait3A_464 = tpu.memref_slice %arg7[%dma_wait3A_462, %dma_wait3A_463] : memref<10240x64xf32, #tpu.memory_space<vmem_shared>> -> memref<10240x64xf32, #tpu.memory_space<vmem_shared>>
        tpu.wait_indirect_dma semaphore(%arg28 : memref<!tpu.dma_semaphore, #tpu.memory_space<semaphore_mem>>) src(%arg10 : memref<128x64xf32, #tpu.memory_space<vmem>>) dst(%dma_wait3A_464 : memref<10240x64xf32, #tpu.memory_space<vmem_shared>>)
      } else {
      }
      %dma_start3A_364 = arith.constant 5 : i32
      %dma_start3A_365 = arith.constant 1 : i32
      %dma_start3A_366 = arith.constant 0 : i32
      %dma_start3A_367 = tpu.memref_slice %arg8[%dma_start3A_364, %dma_start3A_365, %dma_start3A_366] : memref<8x2x128xi32, #tpu.memory_space<vmem>> -> memref<1x1x128xi32, #tpu.memory_space<vmem>>
      %dma_start3A_368 = tpu.memref_squeeze %dma_start3A_367 : memref<1x1x128xi32, #tpu.memory_space<vmem>> -> memref<128xi32, #tpu.memory_space<vmem>>
      %dma_start3A_369 = arith.constant 0 : i32
      %dma_start3A_370 = arith.constant 0 : i32
      %dma_start3A_371 = tpu.memref_slice %arg7[%dma_start3A_369, %dma_start3A_370] : memref<10240x64xf32, #tpu.memory_space<vmem_shared>> -> memref<10240x64xf32, #tpu.memory_space<vmem_shared>>
      tpu.enqueue_indirect_dma source(%arg10 : memref<128x64xf32, #tpu.memory_space<vmem>>) target(%dma_start3A_371 : memref<10240x64xf32, #tpu.memory_space<vmem_shared>>) offsets(%dma_start3A_368 : memref<128xi32, #tpu.memory_space<vmem>>) semaphore(%arg28 : memref<!tpu.dma_semaphore, #tpu.memory_space<semaphore_mem>>) {add = true}
      %add3A_372 = arith.constant 4 : i32
      %add3A_373 = arith.addi %add3A_341, %add3A_372 : i32
      %lt3A_374 = arith.constant 160 : i32
      %lt3A_375 = arith.cmpi slt, %add3A_373, %lt3A_374 : i32
      %convert_element_type3A_376 = arith.extui %lt3A_375 : i1 to i32
      %cond3A_377 = arith.constant 0 : i32
      %cond3A_378 = arith.cmpi ne, %convert_element_type3A_376, %cond3A_377 : i32
      scf.if %cond3A_378 {
        %add3A_457 = arith.constant 4 : i32
        %add3A_458 = arith.addi %add3A_341, %add3A_457 : i32
        %dma_start3A_459 = arith.constant 1 : i32
        %dma_start3A_460 = arith.constant 0 : i32
        %dma_start3A_461 = arith.constant 0 : i32
        %dma_start3A_462 = tpu.memref_slice %arg8[%dma_start3A_459, %dma_start3A_460, %dma_start3A_461] : memref<8x2x128xi32, #tpu.memory_space<vmem>> -> memref<1x2x128xi32, #tpu.memory_space<vmem>>
        %dma_start3A_463 = tpu.memref_squeeze %dma_start3A_462 : memref<1x2x128xi32, #tpu.memory_space<vmem>> -> memref<2x128xi32, #tpu.memory_space<vmem>>
        %dma_start3A_464 = arith.constant 0 : i32
        %dma_start3A_465 = arith.constant 0 : i32
        %dma_start3A_466 = tpu.memref_slice %arg3[%arg1, %add3A_458, %dma_start3A_464, %dma_start3A_465] : memref<16x160x2x128xi32, #tpu.memory_space<hbm>> -> memref<1x1x2x128xi32, #tpu.memory_space<hbm>>
        %dma_start3A_467 = tpu.memref_squeeze %dma_start3A_466 : memref<1x1x2x128xi32, #tpu.memory_space<hbm>> -> memref<2x128xi32, #tpu.memory_space<hbm>>
        %dma_start3A_468 = arith.constant 0 : i32
        %dma_start3A_469 = arith.constant 0 : i32
        %dma_start3A_470 = tpu.memref_slice %arg8[%dma_start3A_459, %dma_start3A_468, %dma_start3A_469] : memref<8x2x128xi32, #tpu.memory_space<vmem>> -> memref<1x2x128xi32, #tpu.memory_space<vmem>>
        %dma_start3A_471 = tpu.memref_squeeze %dma_start3A_470 : memref<1x2x128xi32, #tpu.memory_space<vmem>> -> memref<2x128xi32, #tpu.memory_space<vmem>>
        %dma_start3A_472 = arith.constant 0 : i32
        %dma_start3A_473 = arith.constant 0 : i32
        %dma_start3A_474 = tpu.memref_slice %arg3[%arg1, %add3A_458, %dma_start3A_472, %dma_start3A_473] : memref<16x160x2x128xi32, #tpu.memory_space<hbm>> -> memref<1x1x2x128xi32, #tpu.memory_space<hbm>>
        %dma_start3A_475 = tpu.memref_squeeze %dma_start3A_474 : memref<1x1x2x128xi32, #tpu.memory_space<hbm>> -> memref<2x128xi32, #tpu.memory_space<hbm>>
        tpu.enqueue_dma source(%dma_start3A_475 : memref<2x128xi32, #tpu.memory_space<hbm>>) target(%dma_start3A_471 : memref<2x128xi32, #tpu.memory_space<vmem>>) target_semaphore(%arg16 : memref<!tpu.dma_semaphore, #tpu.memory_space<semaphore_mem>>)
      } else {
      }
      %add3A_379 = arith.constant 6 : i32
      %add3A_380 = arith.addi %add3A_148, %add3A_379 : i32
      %dma_wait3A_381 = arith.constant 6 : i32
      %dma_wait3A_382 = arith.constant 0 : i32
      %dma_wait3A_383 = arith.constant 0 : i32
      %dma_wait3A_384 = tpu.memref_slice %arg8[%dma_wait3A_381, %dma_wait3A_382, %dma_wait3A_383] : memref<8x2x128xi32, #tpu.memory_space<vmem>> -> memref<1x2x128xi32, #tpu.memory_space<vmem>>
      %dma_wait3A_385 = tpu.memref_squeeze %dma_wait3A_384 : memref<1x2x128xi32, #tpu.memory_space<vmem>> -> memref<2x128xi32, #tpu.memory_space<vmem>>
      %dma_wait3A_386 = arith.constant 0 : i32
      %dma_wait3A_387 = arith.constant 0 : i32
      %dma_wait3A_388 = tpu.memref_slice %arg3[%arg1, %add3A_380, %dma_wait3A_386, %dma_wait3A_387] : memref<16x160x2x128xi32, #tpu.memory_space<hbm>> -> memref<1x1x2x128xi32, #tpu.memory_space<hbm>>
      %dma_wait3A_389 = tpu.memref_squeeze %dma_wait3A_388 : memref<1x1x2x128xi32, #tpu.memory_space<hbm>> -> memref<2x128xi32, #tpu.memory_space<hbm>>
      %dma_wait3A_390 = arith.constant 0 : i32
      %dma_wait3A_391 = arith.constant 0 : i32
      %dma_wait3A_392 = tpu.memref_slice %arg8[%dma_wait3A_381, %dma_wait3A_390, %dma_wait3A_391] : memref<8x2x128xi32, #tpu.memory_space<vmem>> -> memref<1x2x128xi32, #tpu.memory_space<vmem>>
      %dma_wait3A_393 = tpu.memref_squeeze %dma_wait3A_392 : memref<1x2x128xi32, #tpu.memory_space<vmem>> -> memref<2x128xi32, #tpu.memory_space<vmem>>
      %dma_wait3A_394 = arith.constant 0 : i32
      %dma_wait3A_395 = arith.constant 0 : i32
      %dma_wait3A_396 = tpu.memref_slice %arg3[%arg1, %add3A_380, %dma_wait3A_394, %dma_wait3A_395] : memref<16x160x2x128xi32, #tpu.memory_space<hbm>> -> memref<1x1x2x128xi32, #tpu.memory_space<hbm>>
      %dma_wait3A_397 = tpu.memref_squeeze %dma_wait3A_396 : memref<1x1x2x128xi32, #tpu.memory_space<hbm>> -> memref<2x128xi32, #tpu.memory_space<hbm>>
      tpu.wait_dma2 semaphore(%arg21 : memref<!tpu.dma_semaphore, #tpu.memory_space<semaphore_mem>>) src(%dma_wait3A_397 : memref<2x128xi32, #tpu.memory_space<hbm>>) dst(%dma_wait3A_393 : memref<2x128xi32, #tpu.memory_space<vmem>>)
      %ge3A_398 = arith.constant 4 : i32
      %ge3A_399 = arith.cmpi sge, %add3A_380, %ge3A_398 : i32
      %convert_element_type3A_400 = arith.extui %ge3A_399 : i1 to i32
      %cond3A_401 = arith.constant 0 : i32
      %cond3A_402 = arith.cmpi ne, %convert_element_type3A_400, %cond3A_401 : i32
      scf.if %cond3A_402 {
        %dma_wait3A_457 = arith.constant 2 : i32
        %dma_wait3A_458 = arith.constant 1 : i32
        %dma_wait3A_459 = arith.constant 0 : i32
        %dma_wait3A_460 = tpu.memref_slice %arg8[%dma_wait3A_457, %dma_wait3A_458, %dma_wait3A_459] : memref<8x2x128xi32, #tpu.memory_space<vmem>> -> memref<1x1x128xi32, #tpu.memory_space<vmem>>
        %dma_wait3A_461 = tpu.memref_squeeze %dma_wait3A_460 : memref<1x1x128xi32, #tpu.memory_space<vmem>> -> memref<128xi32, #tpu.memory_space<vmem>>
        %dma_wait3A_462 = arith.constant 0 : i32
        %dma_wait3A_463 = arith.constant 0 : i32
        %dma_wait3A_464 = tpu.memref_slice %arg7[%dma_wait3A_462, %dma_wait3A_463] : memref<10240x64xf32, #tpu.memory_space<vmem_shared>> -> memref<10240x64xf32, #tpu.memory_space<vmem_shared>>
        tpu.wait_indirect_dma semaphore(%arg29 : memref<!tpu.dma_semaphore, #tpu.memory_space<semaphore_mem>>) src(%arg10 : memref<128x64xf32, #tpu.memory_space<vmem>>) dst(%dma_wait3A_464 : memref<10240x64xf32, #tpu.memory_space<vmem_shared>>)
      } else {
      }
      %dma_start3A_403 = arith.constant 6 : i32
      %dma_start3A_404 = arith.constant 1 : i32
      %dma_start3A_405 = arith.constant 0 : i32
      %dma_start3A_406 = tpu.memref_slice %arg8[%dma_start3A_403, %dma_start3A_404, %dma_start3A_405] : memref<8x2x128xi32, #tpu.memory_space<vmem>> -> memref<1x1x128xi32, #tpu.memory_space<vmem>>
      %dma_start3A_407 = tpu.memref_squeeze %dma_start3A_406 : memref<1x1x128xi32, #tpu.memory_space<vmem>> -> memref<128xi32, #tpu.memory_space<vmem>>
      %dma_start3A_408 = arith.constant 0 : i32
      %dma_start3A_409 = arith.constant 0 : i32
      %dma_start3A_410 = tpu.memref_slice %arg7[%dma_start3A_408, %dma_start3A_409] : memref<10240x64xf32, #tpu.memory_space<vmem_shared>> -> memref<10240x64xf32, #tpu.memory_space<vmem_shared>>
      tpu.enqueue_indirect_dma source(%arg10 : memref<128x64xf32, #tpu.memory_space<vmem>>) target(%dma_start3A_410 : memref<10240x64xf32, #tpu.memory_space<vmem_shared>>) offsets(%dma_start3A_407 : memref<128xi32, #tpu.memory_space<vmem>>) semaphore(%arg29 : memref<!tpu.dma_semaphore, #tpu.memory_space<semaphore_mem>>) {add = true}
      %add3A_411 = arith.constant 4 : i32
      %add3A_412 = arith.addi %add3A_380, %add3A_411 : i32
      %lt3A_413 = arith.constant 160 : i32
      %lt3A_414 = arith.cmpi slt, %add3A_412, %lt3A_413 : i32
      %convert_element_type3A_415 = arith.extui %lt3A_414 : i1 to i32
      %cond3A_416 = arith.constant 0 : i32
      %cond3A_417 = arith.cmpi ne, %convert_element_type3A_415, %cond3A_416 : i32
      scf.if %cond3A_417 {
        %add3A_457 = arith.constant 4 : i32
        %add3A_458 = arith.addi %add3A_380, %add3A_457 : i32
        %dma_start3A_459 = arith.constant 2 : i32
        %dma_start3A_460 = arith.constant 0 : i32
        %dma_start3A_461 = arith.constant 0 : i32
        %dma_start3A_462 = tpu.memref_slice %arg8[%dma_start3A_459, %dma_start3A_460, %dma_start3A_461] : memref<8x2x128xi32, #tpu.memory_space<vmem>> -> memref<1x2x128xi32, #tpu.memory_space<vmem>>
        %dma_start3A_463 = tpu.memref_squeeze %dma_start3A_462 : memref<1x2x128xi32, #tpu.memory_space<vmem>> -> memref<2x128xi32, #tpu.memory_space<vmem>>
        %dma_start3A_464 = arith.constant 0 : i32
        %dma_start3A_465 = arith.constant 0 : i32
        %dma_start3A_466 = tpu.memref_slice %arg3[%arg1, %add3A_458, %dma_start3A_464, %dma_start3A_465] : memref<16x160x2x128xi32, #tpu.memory_space<hbm>> -> memref<1x1x2x128xi32, #tpu.memory_space<hbm>>
        %dma_start3A_467 = tpu.memref_squeeze %dma_start3A_466 : memref<1x1x2x128xi32, #tpu.memory_space<hbm>> -> memref<2x128xi32, #tpu.memory_space<hbm>>
        %dma_start3A_468 = arith.constant 0 : i32
        %dma_start3A_469 = arith.constant 0 : i32
        %dma_start3A_470 = tpu.memref_slice %arg8[%dma_start3A_459, %dma_start3A_468, %dma_start3A_469] : memref<8x2x128xi32, #tpu.memory_space<vmem>> -> memref<1x2x128xi32, #tpu.memory_space<vmem>>
        %dma_start3A_471 = tpu.memref_squeeze %dma_start3A_470 : memref<1x2x128xi32, #tpu.memory_space<vmem>> -> memref<2x128xi32, #tpu.memory_space<vmem>>
        %dma_start3A_472 = arith.constant 0 : i32
        %dma_start3A_473 = arith.constant 0 : i32
        %dma_start3A_474 = tpu.memref_slice %arg3[%arg1, %add3A_458, %dma_start3A_472, %dma_start3A_473] : memref<16x160x2x128xi32, #tpu.memory_space<hbm>> -> memref<1x1x2x128xi32, #tpu.memory_space<hbm>>
        %dma_start3A_475 = tpu.memref_squeeze %dma_start3A_474 : memref<1x1x2x128xi32, #tpu.memory_space<hbm>> -> memref<2x128xi32, #tpu.memory_space<hbm>>
        tpu.enqueue_dma source(%dma_start3A_475 : memref<2x128xi32, #tpu.memory_space<hbm>>) target(%dma_start3A_471 : memref<2x128xi32, #tpu.memory_space<vmem>>) target_semaphore(%arg17 : memref<!tpu.dma_semaphore, #tpu.memory_space<semaphore_mem>>)
      } else {
      }
      %add3A_418 = arith.constant 7 : i32
      %add3A_419 = arith.addi %add3A_148, %add3A_418 : i32
      %dma_wait3A_420 = arith.constant 7 : i32
      %dma_wait3A_421 = arith.constant 0 : i32
      %dma_wait3A_422 = arith.constant 0 : i32
      %dma_wait3A_423 = tpu.memref_slice %arg8[%dma_wait3A_420, %dma_wait3A_421, %dma_wait3A_422] : memref<8x2x128xi32, #tpu.memory_space<vmem>> -> memref<1x2x128xi32, #tpu.memory_space<vmem>>
      %dma_wait3A_424 = tpu.memref_squeeze %dma_wait3A_423 : memref<1x2x128xi32, #tpu.memory_space<vmem>> -> memref<2x128xi32, #tpu.memory_space<vmem>>
      %dma_wait3A_425 = arith.constant 0 : i32
      %dma_wait3A_426 = arith.constant 0 : i32
      %dma_wait3A_427 = tpu.memref_slice %arg3[%arg1, %add3A_419, %dma_wait3A_425, %dma_wait3A_426] : memref<16x160x2x128xi32, #tpu.memory_space<hbm>> -> memref<1x1x2x128xi32, #tpu.memory_space<hbm>>
      %dma_wait3A_428 = tpu.memref_squeeze %dma_wait3A_427 : memref<1x1x2x128xi32, #tpu.memory_space<hbm>> -> memref<2x128xi32, #tpu.memory_space<hbm>>
      %dma_wait3A_429 = arith.constant 0 : i32
      %dma_wait3A_430 = arith.constant 0 : i32
      %dma_wait3A_431 = tpu.memref_slice %arg8[%dma_wait3A_420, %dma_wait3A_429, %dma_wait3A_430] : memref<8x2x128xi32, #tpu.memory_space<vmem>> -> memref<1x2x128xi32, #tpu.memory_space<vmem>>
      %dma_wait3A_432 = tpu.memref_squeeze %dma_wait3A_431 : memref<1x2x128xi32, #tpu.memory_space<vmem>> -> memref<2x128xi32, #tpu.memory_space<vmem>>
      %dma_wait3A_433 = arith.constant 0 : i32
      %dma_wait3A_434 = arith.constant 0 : i32
      %dma_wait3A_435 = tpu.memref_slice %arg3[%arg1, %add3A_419, %dma_wait3A_433, %dma_wait3A_434] : memref<16x160x2x128xi32, #tpu.memory_space<hbm>> -> memref<1x1x2x128xi32, #tpu.memory_space<hbm>>
      %dma_wait3A_436 = tpu.memref_squeeze %dma_wait3A_435 : memref<1x1x2x128xi32, #tpu.memory_space<hbm>> -> memref<2x128xi32, #tpu.memory_space<hbm>>
      tpu.wait_dma2 semaphore(%arg22 : memref<!tpu.dma_semaphore, #tpu.memory_space<semaphore_mem>>) src(%dma_wait3A_436 : memref<2x128xi32, #tpu.memory_space<hbm>>) dst(%dma_wait3A_432 : memref<2x128xi32, #tpu.memory_space<vmem>>)
      %ge3A_437 = arith.constant 4 : i32
      %ge3A_438 = arith.cmpi sge, %add3A_419, %ge3A_437 : i32
      %convert_element_type3A_439 = arith.extui %ge3A_438 : i1 to i32
      %cond3A_440 = arith.constant 0 : i32
      %cond3A_441 = arith.cmpi ne, %convert_element_type3A_439, %cond3A_440 : i32
      scf.if %cond3A_441 {
        %dma_wait3A_457 = arith.constant 3 : i32
        %dma_wait3A_458 = arith.constant 1 : i32
        %dma_wait3A_459 = arith.constant 0 : i32
        %dma_wait3A_460 = tpu.memref_slice %arg8[%dma_wait3A_457, %dma_wait3A_458, %dma_wait3A_459] : memref<8x2x128xi32, #tpu.memory_space<vmem>> -> memref<1x1x128xi32, #tpu.memory_space<vmem>>
        %dma_wait3A_461 = tpu.memref_squeeze %dma_wait3A_460 : memref<1x1x128xi32, #tpu.memory_space<vmem>> -> memref<128xi32, #tpu.memory_space<vmem>>
        %dma_wait3A_462 = arith.constant 0 : i32
        %dma_wait3A_463 = arith.constant 0 : i32
        %dma_wait3A_464 = tpu.memref_slice %arg7[%dma_wait3A_462, %dma_wait3A_463] : memref<10240x64xf32, #tpu.memory_space<vmem_shared>> -> memref<10240x64xf32, #tpu.memory_space<vmem_shared>>
        tpu.wait_indirect_dma semaphore(%arg30 : memref<!tpu.dma_semaphore, #tpu.memory_space<semaphore_mem>>) src(%arg10 : memref<128x64xf32, #tpu.memory_space<vmem>>) dst(%dma_wait3A_464 : memref<10240x64xf32, #tpu.memory_space<vmem_shared>>)
      } else {
      }
      %dma_start3A_442 = arith.constant 7 : i32
      %dma_start3A_443 = arith.constant 1 : i32
      %dma_start3A_444 = arith.constant 0 : i32
      %dma_start3A_445 = tpu.memref_slice %arg8[%dma_start3A_442, %dma_start3A_443, %dma_start3A_444] : memref<8x2x128xi32, #tpu.memory_space<vmem>> -> memref<1x1x128xi32, #tpu.memory_space<vmem>>
      %dma_start3A_446 = tpu.memref_squeeze %dma_start3A_445 : memref<1x1x128xi32, #tpu.memory_space<vmem>> -> memref<128xi32, #tpu.memory_space<vmem>>
      %dma_start3A_447 = arith.constant 0 : i32
      %dma_start3A_448 = arith.constant 0 : i32
      %dma_start3A_449 = tpu.memref_slice %arg7[%dma_start3A_447, %dma_start3A_448] : memref<10240x64xf32, #tpu.memory_space<vmem_shared>> -> memref<10240x64xf32, #tpu.memory_space<vmem_shared>>
      tpu.enqueue_indirect_dma source(%arg10 : memref<128x64xf32, #tpu.memory_space<vmem>>) target(%dma_start3A_449 : memref<10240x64xf32, #tpu.memory_space<vmem_shared>>) offsets(%dma_start3A_446 : memref<128xi32, #tpu.memory_space<vmem>>) semaphore(%arg30 : memref<!tpu.dma_semaphore, #tpu.memory_space<semaphore_mem>>) {add = true}
      %add3A_450 = arith.constant 4 : i32
      %add3A_451 = arith.addi %add3A_419, %add3A_450 : i32
      %lt3A_452 = arith.constant 160 : i32
      %lt3A_453 = arith.cmpi slt, %add3A_451, %lt3A_452 : i32
      %convert_element_type3A_454 = arith.extui %lt3A_453 : i1 to i32
      %cond3A_455 = arith.constant 0 : i32
      %cond3A_456 = arith.cmpi ne, %convert_element_type3A_454, %cond3A_455 : i32
      scf.if %cond3A_456 {
        %add3A_457 = arith.constant 4 : i32
        %add3A_458 = arith.addi %add3A_419, %add3A_457 : i32
        %dma_start3A_459 = arith.constant 3 : i32
        %dma_start3A_460 = arith.constant 0 : i32
        %dma_start3A_461 = arith.constant 0 : i32
        %dma_start3A_462 = tpu.memref_slice %arg8[%dma_start3A_459, %dma_start3A_460, %dma_start3A_461] : memref<8x2x128xi32, #tpu.memory_space<vmem>> -> memref<1x2x128xi32, #tpu.memory_space<vmem>>
        %dma_start3A_463 = tpu.memref_squeeze %dma_start3A_462 : memref<1x2x128xi32, #tpu.memory_space<vmem>> -> memref<2x128xi32, #tpu.memory_space<vmem>>
        %dma_start3A_464 = arith.constant 0 : i32
        %dma_start3A_465 = arith.constant 0 : i32
        %dma_start3A_466 = tpu.memref_slice %arg3[%arg1, %add3A_458, %dma_start3A_464, %dma_start3A_465] : memref<16x160x2x128xi32, #tpu.memory_space<hbm>> -> memref<1x1x2x128xi32, #tpu.memory_space<hbm>>
        %dma_start3A_467 = tpu.memref_squeeze %dma_start3A_466 : memref<1x1x2x128xi32, #tpu.memory_space<hbm>> -> memref<2x128xi32, #tpu.memory_space<hbm>>
        %dma_start3A_468 = arith.constant 0 : i32
        %dma_start3A_469 = arith.constant 0 : i32
        %dma_start3A_470 = tpu.memref_slice %arg8[%dma_start3A_459, %dma_start3A_468, %dma_start3A_469] : memref<8x2x128xi32, #tpu.memory_space<vmem>> -> memref<1x2x128xi32, #tpu.memory_space<vmem>>
        %dma_start3A_471 = tpu.memref_squeeze %dma_start3A_470 : memref<1x2x128xi32, #tpu.memory_space<vmem>> -> memref<2x128xi32, #tpu.memory_space<vmem>>
        %dma_start3A_472 = arith.constant 0 : i32
        %dma_start3A_473 = arith.constant 0 : i32
        %dma_start3A_474 = tpu.memref_slice %arg3[%arg1, %add3A_458, %dma_start3A_472, %dma_start3A_473] : memref<16x160x2x128xi32, #tpu.memory_space<hbm>> -> memref<1x1x2x128xi32, #tpu.memory_space<hbm>>
        %dma_start3A_475 = tpu.memref_squeeze %dma_start3A_474 : memref<1x1x2x128xi32, #tpu.memory_space<hbm>> -> memref<2x128xi32, #tpu.memory_space<hbm>>
        tpu.enqueue_dma source(%dma_start3A_475 : memref<2x128xi32, #tpu.memory_space<hbm>>) target(%dma_start3A_471 : memref<2x128xi32, #tpu.memory_space<vmem>>) target_semaphore(%arg18 : memref<!tpu.dma_semaphore, #tpu.memory_space<semaphore_mem>>)
      } else {
      }
    }
    %scan3A_101 = arith.constant 20 : i32
    %dma_wait3A = arith.constant 4 : i32
    %dma_wait3A_102 = arith.constant 1 : i32
    %dma_wait3A_103 = arith.constant 0 : i32
    %dma_wait3A_104 = tpu.memref_slice %arg8[%dma_wait3A, %dma_wait3A_102, %dma_wait3A_103] : memref<8x2x128xi32, #tpu.memory_space<vmem>> -> memref<1x1x128xi32, #tpu.memory_space<vmem>>
    %dma_wait3A_105 = tpu.memref_squeeze %dma_wait3A_104 : memref<1x1x128xi32, #tpu.memory_space<vmem>> -> memref<128xi32, #tpu.memory_space<vmem>>
    %dma_wait3A_106 = arith.constant 0 : i32
    %dma_wait3A_107 = arith.constant 0 : i32
    %dma_wait3A_108 = tpu.memref_slice %arg7[%dma_wait3A_106, %dma_wait3A_107] : memref<10240x64xf32, #tpu.memory_space<vmem_shared>> -> memref<10240x64xf32, #tpu.memory_space<vmem_shared>>
    tpu.wait_indirect_dma semaphore(%arg27 : memref<!tpu.dma_semaphore, #tpu.memory_space<semaphore_mem>>) src(%arg10 : memref<128x64xf32, #tpu.memory_space<vmem>>) dst(%dma_wait3A_108 : memref<10240x64xf32, #tpu.memory_space<vmem_shared>>)
    %dma_wait3A_109 = arith.constant 5 : i32
    %dma_wait3A_110 = arith.constant 1 : i32
    %dma_wait3A_111 = arith.constant 0 : i32
    %dma_wait3A_112 = tpu.memref_slice %arg8[%dma_wait3A_109, %dma_wait3A_110, %dma_wait3A_111] : memref<8x2x128xi32, #tpu.memory_space<vmem>> -> memref<1x1x128xi32, #tpu.memory_space<vmem>>
    %dma_wait3A_113 = tpu.memref_squeeze %dma_wait3A_112 : memref<1x1x128xi32, #tpu.memory_space<vmem>> -> memref<128xi32, #tpu.memory_space<vmem>>
    %dma_wait3A_114 = arith.constant 0 : i32
    %dma_wait3A_115 = arith.constant 0 : i32
    %dma_wait3A_116 = tpu.memref_slice %arg7[%dma_wait3A_114, %dma_wait3A_115] : memref<10240x64xf32, #tpu.memory_space<vmem_shared>> -> memref<10240x64xf32, #tpu.memory_space<vmem_shared>>
    tpu.wait_indirect_dma semaphore(%arg28 : memref<!tpu.dma_semaphore, #tpu.memory_space<semaphore_mem>>) src(%arg10 : memref<128x64xf32, #tpu.memory_space<vmem>>) dst(%dma_wait3A_116 : memref<10240x64xf32, #tpu.memory_space<vmem_shared>>)
    %dma_wait3A_117 = arith.constant 6 : i32
    %dma_wait3A_118 = arith.constant 1 : i32
    %dma_wait3A_119 = arith.constant 0 : i32
    %dma_wait3A_120 = tpu.memref_slice %arg8[%dma_wait3A_117, %dma_wait3A_118, %dma_wait3A_119] : memref<8x2x128xi32, #tpu.memory_space<vmem>> -> memref<1x1x128xi32, #tpu.memory_space<vmem>>
    %dma_wait3A_121 = tpu.memref_squeeze %dma_wait3A_120 : memref<1x1x128xi32, #tpu.memory_space<vmem>> -> memref<128xi32, #tpu.memory_space<vmem>>
    %dma_wait3A_122 = arith.constant 0 : i32
    %dma_wait3A_123 = arith.constant 0 : i32
    %dma_wait3A_124 = tpu.memref_slice %arg7[%dma_wait3A_122, %dma_wait3A_123] : memref<10240x64xf32, #tpu.memory_space<vmem_shared>> -> memref<10240x64xf32, #tpu.memory_space<vmem_shared>>
    tpu.wait_indirect_dma semaphore(%arg29 : memref<!tpu.dma_semaphore, #tpu.memory_space<semaphore_mem>>) src(%arg10 : memref<128x64xf32, #tpu.memory_space<vmem>>) dst(%dma_wait3A_124 : memref<10240x64xf32, #tpu.memory_space<vmem_shared>>)
    %dma_wait3A_125 = arith.constant 7 : i32
    %dma_wait3A_126 = arith.constant 1 : i32
    %dma_wait3A_127 = arith.constant 0 : i32
    %dma_wait3A_128 = tpu.memref_slice %arg8[%dma_wait3A_125, %dma_wait3A_126, %dma_wait3A_127] : memref<8x2x128xi32, #tpu.memory_space<vmem>> -> memref<1x1x128xi32, #tpu.memory_space<vmem>>
    %dma_wait3A_129 = tpu.memref_squeeze %dma_wait3A_128 : memref<1x1x128xi32, #tpu.memory_space<vmem>> -> memref<128xi32, #tpu.memory_space<vmem>>
    %dma_wait3A_130 = arith.constant 0 : i32
    %dma_wait3A_131 = arith.constant 0 : i32
    %dma_wait3A_132 = tpu.memref_slice %arg7[%dma_wait3A_130, %dma_wait3A_131] : memref<10240x64xf32, #tpu.memory_space<vmem_shared>> -> memref<10240x64xf32, #tpu.memory_space<vmem_shared>>
    tpu.wait_indirect_dma semaphore(%arg30 : memref<!tpu.dma_semaphore, #tpu.memory_space<semaphore_mem>>) src(%arg10 : memref<128x64xf32, #tpu.memory_space<vmem>>) dst(%dma_wait3A_132 : memref<10240x64xf32, #tpu.memory_space<vmem_shared>>)
    %barrier3A_133 = arith.constant 0 : index
    tpu.barrier barrier_id(%barrier3A_133)
    %scan3A_134 = arith.constant 0 : i32
    %scan3A_135 = arith.constant 5 : i32
    %scan3A_136 = arith.addi %scan3A_134, %scan3A_135 : i32
    %scan3A_137 = arith.constant 1 : i32
    scf.for %scan3A_145 = %scan3A_134 to %scan3A_136 step %scan3A_137  : i32 {
      %mul3A_146 = arith.constant 1 : i32
      %mul3A_147 = arith.muli %scan3A_145, %mul3A_146 : i32
      %add3A = arith.constant 0 : i32
      %add3A_148 = arith.addi %add3A, %mul3A_147 : i32
      %mul3A_149 = arith.constant 128 : i32
      %mul3A_150 = arith.muli %add3A_148, %mul3A_149 : i32
      %add3A_151 = arith.addi %mul3A_0, %mul3A_150 : i32
      %dma_start3A_152 = arith.constant 0 : i32
      %dma_start3A_153 = tpu.memref_slice %arg7[%add3A_151, %dma_start3A_152] : memref<10240x64xf32, #tpu.memory_space<vmem_shared>> -> memref<128x64xf32, #tpu.memory_space<vmem_shared>>
      %dma_start3A_154 = arith.constant 0 : i32
      %dma_start3A_155 = tpu.memref_slice %arg7[%add3A_151, %dma_start3A_154] : memref<10240x64xf32, #tpu.memory_space<vmem_shared>> -> memref<128x64xf32, #tpu.memory_space<vmem_shared>>
      tpu.enqueue_dma source(%dma_start3A_155 : memref<128x64xf32, #tpu.memory_space<vmem_shared>>) target(%arg10 : memref<128x64xf32, #tpu.memory_space<vmem>>) target_semaphore(%arg23 : memref<!tpu.dma_semaphore, #tpu.memory_space<semaphore_mem>>)
      %dma_start3A_156 = arith.constant 0 : i32
      %dma_start3A_157 = tpu.memref_slice %arg2[%arg0, %add3A_151, %dma_start3A_156] : memref<2x10240x64xf32, #tpu.memory_space<hbm>> -> memref<1x128x64xf32, #tpu.memory_space<hbm>>
      %dma_start3A_158 = tpu.memref_squeeze %dma_start3A_157 : memref<1x128x64xf32, #tpu.memory_space<hbm>> -> memref<128x64xf32, #tpu.memory_space<hbm>>
      %dma_start3A_159 = arith.constant 0 : i32
      %dma_start3A_160 = tpu.memref_slice %arg2[%arg0, %add3A_151, %dma_start3A_159] : memref<2x10240x64xf32, #tpu.memory_space<hbm>> -> memref<1x128x64xf32, #tpu.memory_space<hbm>>
      %dma_start3A_161 = tpu.memref_squeeze %dma_start3A_160 : memref<1x128x64xf32, #tpu.memory_space<hbm>> -> memref<128x64xf32, #tpu.memory_space<hbm>>
      tpu.enqueue_dma source(%dma_start3A_161 : memref<128x64xf32, #tpu.memory_space<hbm>>) target(%arg11 : memref<128x64xf32, #tpu.memory_space<vmem>>) target_semaphore(%arg24 : memref<!tpu.dma_semaphore, #tpu.memory_space<semaphore_mem>>)
      %dma_wait3A_162 = arith.constant 0 : i32
      %dma_wait3A_163 = tpu.memref_slice %arg7[%add3A_151, %dma_wait3A_162] : memref<10240x64xf32, #tpu.memory_space<vmem_shared>> -> memref<128x64xf32, #tpu.memory_space<vmem_shared>>
      %dma_wait3A_164 = arith.constant 0 : i32
      %dma_wait3A_165 = tpu.memref_slice %arg7[%add3A_151, %dma_wait3A_164] : memref<10240x64xf32, #tpu.memory_space<vmem_shared>> -> memref<128x64xf32, #tpu.memory_space<vmem_shared>>
      tpu.wait_dma2 semaphore(%arg23 : memref<!tpu.dma_semaphore, #tpu.memory_space<semaphore_mem>>) src(%dma_wait3A_165 : memref<128x64xf32, #tpu.memory_space<vmem_shared>>) dst(%arg10 : memref<128x64xf32, #tpu.memory_space<vmem>>)
      %dma_wait3A_166 = arith.constant 0 : i32
      %dma_wait3A_167 = tpu.memref_slice %arg2[%arg0, %add3A_151, %dma_wait3A_166] : memref<2x10240x64xf32, #tpu.memory_space<hbm>> -> memref<1x128x64xf32, #tpu.memory_space<hbm>>
      %dma_wait3A_168 = tpu.memref_squeeze %dma_wait3A_167 : memref<1x128x64xf32, #tpu.memory_space<hbm>> -> memref<128x64xf32, #tpu.memory_space<hbm>>
      %dma_wait3A_169 = arith.constant 0 : i32
      %dma_wait3A_170 = tpu.memref_slice %arg2[%arg0, %add3A_151, %dma_wait3A_169] : memref<2x10240x64xf32, #tpu.memory_space<hbm>> -> memref<1x128x64xf32, #tpu.memory_space<hbm>>
      %dma_wait3A_171 = tpu.memref_squeeze %dma_wait3A_170 : memref<1x128x64xf32, #tpu.memory_space<hbm>> -> memref<128x64xf32, #tpu.memory_space<hbm>>
      tpu.wait_dma2 semaphore(%arg24 : memref<!tpu.dma_semaphore, #tpu.memory_space<semaphore_mem>>) src(%dma_wait3A_171 : memref<128x64xf32, #tpu.memory_space<hbm>>) dst(%arg11 : memref<128x64xf32, #tpu.memory_space<vmem>>)
      %get3A = arith.constant 0 : i32
      %get3A_172 = arith.index_cast %get3A : i32 to index
      %get3A_173 = arith.constant 0 : index
      %get3A_174 = tpu.vector_load %arg14[%get3A_172, %get3A_173] {strides = array<i32>} : memref<16x16xf32, #tpu.memory_space<vmem>>, vector<1x16xf32>,
      %get3A_175 = vector.shape_cast %get3A_174 : vector<1x16xf32> to vector<16xf32>
      %scan3A_176 = arith.constant 0 : i32
      %scan3A_177 = arith.constant 128 : i32
      %scan3A_178 = arith.addi %scan3A_176, %scan3A_177 : i32
      %scan3A_179 = arith.constant 4 : i32
      scf.for %scan3A_209 = %scan3A_176 to %scan3A_178 step %scan3A_179  : i32 {
        %mul3A_210 = arith.constant 1 : i32
        %mul3A_211 = arith.muli %scan3A_209, %mul3A_210 : i32
        %add3A_212 = arith.constant 0 : i32
        %add3A_213 = arith.addi %add3A_212, %mul3A_211 : i32
        %get3A_214 = arith.index_cast %add3A_213 : i32 to index
        %get3A_215 = arith.constant 0 : index
        %get3A_216 = tpu.vector_load %arg10[%get3A_214, %get3A_215] {strides = array<i32>} : memref<128x64xf32, #tpu.memory_space<vmem>>, vector<1x16xf32>,
        %get3A_217 = vector.shape_cast %get3A_216 : vector<1x16xf32> to vector<16xf32>
        %add3A_218 = arith.addf %get3A_217, %broadcast_in_dim3A_1 : vector<16xf32>
        %bitcast_convert_type3A = tpu.bitcast %add3A_218 : vector<16xf32> -> vector<16xi32>
        %shift_right_arithmetic3A = arith.shrsi %bitcast_convert_type3A, %broadcast_in_dim3A_11 : vector<16xi32>
        %sub3A = arith.subi %broadcast_in_dim3A_9, %shift_right_arithmetic3A : vector<16xi32>
        %bitcast_convert_type3A_219 = tpu.bitcast %sub3A : vector<16xi32> -> vector<16xf32>
        %mul3A_220 = arith.mulf %broadcast_in_dim3A_5, %add3A_218 : vector<16xf32>
        %mul3A_221 = arith.mulf %mul3A_220, %bitcast_convert_type3A_219 : vector<16xf32>
        %mul3A_222 = arith.mulf %mul3A_221, %bitcast_convert_type3A_219 : vector<16xf32>
        %sub3A_223 = arith.subf %broadcast_in_dim3A_7, %mul3A_222 : vector<16xf32>
        %mul3A_224 = arith.mulf %bitcast_convert_type3A_219, %sub3A_223 : vector<16xf32>
        %mul3A_225 = arith.mulf %mul3A_220, %mul3A_224 : vector<16xf32>
        %mul3A_226 = arith.mulf %mul3A_225, %mul3A_224 : vector<16xf32>
        %sub3A_227 = arith.subf %broadcast_in_dim3A_7, %mul3A_226 : vector<16xf32>
        %mul3A_228 = arith.mulf %mul3A_224, %sub3A_227 : vector<16xf32>
        %mul3A_229 = arith.mulf %mul3A_220, %mul3A_228 : vector<16xf32>
        %mul3A_230 = arith.mulf %mul3A_229, %mul3A_228 : vector<16xf32>
        %sub3A_231 = arith.subf %broadcast_in_dim3A_7, %mul3A_230 : vector<16xf32>
        %mul3A_232 = arith.mulf %mul3A_228, %sub3A_231 : vector<16xf32>
        %mul3A_233 = arith.constant 128 : i32
        %mul3A_234 = arith.muli %add3A_148, %mul3A_233 : i32
        %add3A_235 = arith.addi %add3A_213, %mul3A_234 : i32
        %swap3A = arith.index_cast %add3A_235 : i32 to index
        %swap3A_236 = arith.constant 0 : index
        %swap3A_237 = tpu.vector_load %arg9[%swap3A, %swap3A_236] {strides = array<i32>} : memref<640x16xf32, #tpu.memory_space<vmem>>, vector<1x16xf32>,
        %swap3A_238 = vector.shape_cast %swap3A_237 : vector<1x16xf32> to vector<16xf32>
        %swap3A_239 = vector.shape_cast %mul3A_232 : vector<16xf32> to vector<1x16xf32>
        tpu.vector_store %arg9[%swap3A, %swap3A_236], %swap3A_239 {strides = array<i32>} : memref<640x16xf32, #tpu.memory_space<vmem>>, vector<1x16xf32>,
        %get3A_240 = arith.index_cast %add3A_213 : i32 to index
        %get3A_241 = arith.constant 0 : index
        %get3A_242 = tpu.vector_load %arg11[%get3A_240, %get3A_241] {strides = array<i32>} : memref<128x64xf32, #tpu.memory_space<vmem>>, vector<1x16xf32>,
        %get3A_243 = vector.shape_cast %get3A_242 : vector<1x16xf32> to vector<16xf32>
        %mul3A_244 = arith.mulf %get3A_175, %get3A_243 : vector<16xf32>
        %swap3A_245 = arith.index_cast %add3A_213 : i32 to index
        %swap3A_246 = arith.constant 0 : index
        %swap3A_247 = tpu.vector_load %arg12[%swap3A_245, %swap3A_246] {strides = array<i32>} : memref<128x64xf32, #tpu.memory_space<vmem>>, vector<1x16xf32>,
        %swap3A_248 = vector.shape_cast %swap3A_247 : vector<1x16xf32> to vector<16xf32>
        %swap3A_249 = vector.shape_cast %mul3A_244 : vector<16xf32> to vector<1x16xf32>
        tpu.vector_store %arg12[%swap3A_245, %swap3A_246], %swap3A_249 {strides = array<i32>} : memref<128x64xf32, #tpu.memory_space<vmem>>, vector<1x16xf32>,
        %mul3A_250 = arith.mulf %mul3A_232, %get3A_243 : vector<16xf32>
        %swap3A_251 = arith.index_cast %add3A_213 : i32 to index
        %swap3A_252 = arith.constant 0 : index
        %swap3A_253 = tpu.vector_load %arg11[%swap3A_251, %swap3A_252] {strides = array<i32>} : memref<128x64xf32, #tpu.memory_space<vmem>>, vector<1x16xf32>,
        %swap3A_254 = vector.shape_cast %swap3A_253 : vector<1x16xf32> to vector<16xf32>
        %swap3A_255 = vector.shape_cast %mul3A_250 : vector<16xf32> to vector<1x16xf32>
        tpu.vector_store %arg11[%swap3A_251, %swap3A_252], %swap3A_255 {strides = array<i32>} : memref<128x64xf32, #tpu.memory_space<vmem>>, vector<1x16xf32>,
        %swap3A_256 = arith.index_cast %add3A_213 : i32 to index
        %swap3A_257 = arith.constant 0 : index
        %swap3A_258 = tpu.vector_load %arg10[%swap3A_256, %swap3A_257] {strides = array<i32>} : memref<128x64xf32, #tpu.memory_space<vmem>>, vector<1x16xf32>,
        %swap3A_259 = vector.shape_cast %swap3A_258 : vector<1x16xf32> to vector<16xf32>
        %swap3A_260 = vector.shape_cast %broadcast_in_dim3A_3 : vector<16xf32> to vector<1x16xf32>
        tpu.vector_store %arg10[%swap3A_256, %swap3A_257], %swap3A_260 {strides = array<i32>} : memref<128x64xf32, #tpu.memory_space<vmem>>, vector<1x16xf32>,
        %get3A_261 = arith.index_cast %add3A_213 : i32 to index
        %get3A_262 = arith.constant 16 : index
        %get3A_263 = tpu.vector_load %arg11[%get3A_261, %get3A_262] {strides = array<i32>} : memref<128x64xf32, #tpu.memory_space<vmem>>, vector<1x16xf32>,
        %get3A_264 = vector.shape_cast %get3A_263 : vector<1x16xf32> to vector<16xf32>
        %mul3A_265 = arith.mulf %get3A_175, %get3A_264 : vector<16xf32>
        %swap3A_266 = arith.index_cast %add3A_213 : i32 to index
        %swap3A_267 = arith.constant 16 : index
        %swap3A_268 = tpu.vector_load %arg12[%swap3A_266, %swap3A_267] {strides = array<i32>} : memref<128x64xf32, #tpu.memory_space<vmem>>, vector<1x16xf32>,
        %swap3A_269 = vector.shape_cast %swap3A_268 : vector<1x16xf32> to vector<16xf32>
        %swap3A_270 = vector.shape_cast %mul3A_265 : vector<16xf32> to vector<1x16xf32>
        tpu.vector_store %arg12[%swap3A_266, %swap3A_267], %swap3A_270 {strides = array<i32>} : memref<128x64xf32, #tpu.memory_space<vmem>>, vector<1x16xf32>,
        %mul3A_271 = arith.mulf %mul3A_232, %get3A_264 : vector<16xf32>
        %swap3A_272 = arith.index_cast %add3A_213 : i32 to index
        %swap3A_273 = arith.constant 16 : index
        %swap3A_274 = tpu.vector_load %arg11[%swap3A_272, %swap3A_273] {strides = array<i32>} : memref<128x64xf32, #tpu.memory_space<vmem>>, vector<1x16xf32>,
        %swap3A_275 = vector.shape_cast %swap3A_274 : vector<1x16xf32> to vector<16xf32>
        %swap3A_276 = vector.shape_cast %mul3A_271 : vector<16xf32> to vector<1x16xf32>
        tpu.vector_store %arg11[%swap3A_272, %swap3A_273], %swap3A_276 {strides = array<i32>} : memref<128x64xf32, #tpu.memory_space<vmem>>, vector<1x16xf32>,
        %swap3A_277 = arith.index_cast %add3A_213 : i32 to index
        %swap3A_278 = arith.constant 16 : index
        %swap3A_279 = tpu.vector_load %arg10[%swap3A_277, %swap3A_278] {strides = array<i32>} : memref<128x64xf32, #tpu.memory_space<vmem>>, vector<1x16xf32>,
        %swap3A_280 = vector.shape_cast %swap3A_279 : vector<1x16xf32> to vector<16xf32>
        %swap3A_281 = vector.shape_cast %broadcast_in_dim3A_3 : vector<16xf32> to vector<1x16xf32>
        tpu.vector_store %arg10[%swap3A_277, %swap3A_278], %swap3A_281 {strides = array<i32>} : memref<128x64xf32, #tpu.memory_space<vmem>>, vector<1x16xf32>,
        %get3A_282 = arith.index_cast %add3A_213 : i32 to index
        %get3A_283 = arith.constant 32 : index
        %get3A_284 = tpu.vector_load %arg11[%get3A_282, %get3A_283] {strides = array<i32>} : memref<128x64xf32, #tpu.memory_space<vmem>>, vector<1x16xf32>,
        %get3A_285 = vector.shape_cast %get3A_284 : vector<1x16xf32> to vector<16xf32>
        %mul3A_286 = arith.mulf %get3A_175, %get3A_285 : vector<16xf32>
        %swap3A_287 = arith.index_cast %add3A_213 : i32 to index
        %swap3A_288 = arith.constant 32 : index
        %swap3A_289 = tpu.vector_load %arg12[%swap3A_287, %swap3A_288] {strides = array<i32>} : memref<128x64xf32, #tpu.memory_space<vmem>>, vector<1x16xf32>,
        %swap3A_290 = vector.shape_cast %swap3A_289 : vector<1x16xf32> to vector<16xf32>
        %swap3A_291 = vector.shape_cast %mul3A_286 : vector<16xf32> to vector<1x16xf32>
        tpu.vector_store %arg12[%swap3A_287, %swap3A_288], %swap3A_291 {strides = array<i32>} : memref<128x64xf32, #tpu.memory_space<vmem>>, vector<1x16xf32>,
        %mul3A_292 = arith.mulf %mul3A_232, %get3A_285 : vector<16xf32>
        %swap3A_293 = arith.index_cast %add3A_213 : i32 to index
        %swap3A_294 = arith.constant 32 : index
        %swap3A_295 = tpu.vector_load %arg11[%swap3A_293, %swap3A_294] {strides = array<i32>} : memref<128x64xf32, #tpu.memory_space<vmem>>, vector<1x16xf32>,
        %swap3A_296 = vector.shape_cast %swap3A_295 : vector<1x16xf32> to vector<16xf32>
        %swap3A_297 = vector.shape_cast %mul3A_292 : vector<16xf32> to vector<1x16xf32>
        tpu.vector_store %arg11[%swap3A_293, %swap3A_294], %swap3A_297 {strides = array<i32>} : memref<128x64xf32, #tpu.memory_space<vmem>>, vector<1x16xf32>,
        %swap3A_298 = arith.index_cast %add3A_213 : i32 to index
        %swap3A_299 = arith.constant 32 : index
        %swap3A_300 = tpu.vector_load %arg10[%swap3A_298, %swap3A_299] {strides = array<i32>} : memref<128x64xf32, #tpu.memory_space<vmem>>, vector<1x16xf32>,
        %swap3A_301 = vector.shape_cast %swap3A_300 : vector<1x16xf32> to vector<16xf32>
        %swap3A_302 = vector.shape_cast %broadcast_in_dim3A_3 : vector<16xf32> to vector<1x16xf32>
        tpu.vector_store %arg10[%swap3A_298, %swap3A_299], %swap3A_302 {strides = array<i32>} : memref<128x64xf32, #tpu.memory_space<vmem>>, vector<1x16xf32>,
        %get3A_303 = arith.index_cast %add3A_213 : i32 to index
        %get3A_304 = arith.constant 48 : index
        %get3A_305 = tpu.vector_load %arg11[%get3A_303, %get3A_304] {strides = array<i32>} : memref<128x64xf32, #tpu.memory_space<vmem>>, vector<1x16xf32>,
        %get3A_306 = vector.shape_cast %get3A_305 : vector<1x16xf32> to vector<16xf32>
        %mul3A_307 = arith.mulf %get3A_175, %get3A_306 : vector<16xf32>
        %swap3A_308 = arith.index_cast %add3A_213 : i32 to index
        %swap3A_309 = arith.constant 48 : index
        %swap3A_310 = tpu.vector_load %arg12[%swap3A_308, %swap3A_309] {strides = array<i32>} : memref<128x64xf32, #tpu.memory_space<vmem>>, vector<1x16xf32>,
        %swap3A_311 = vector.shape_cast %swap3A_310 : vector<1x16xf32> to vector<16xf32>
        %swap3A_312 = vector.shape_cast %mul3A_307 : vector<16xf32> to vector<1x16xf32>
        tpu.vector_store %arg12[%swap3A_308, %swap3A_309], %swap3A_312 {strides = array<i32>} : memref<128x64xf32, #tpu.memory_space<vmem>>, vector<1x16xf32>,
        %mul3A_313 = arith.mulf %mul3A_232, %get3A_306 : vector<16xf32>
        %swap3A_314 = arith.index_cast %add3A_213 : i32 to index
        %swap3A_315 = arith.constant 48 : index
        %swap3A_316 = tpu.vector_load %arg11[%swap3A_314, %swap3A_315] {strides = array<i32>} : memref<128x64xf32, #tpu.memory_space<vmem>>, vector<1x16xf32>,
        %swap3A_317 = vector.shape_cast %swap3A_316 : vector<1x16xf32> to vector<16xf32>
        %swap3A_318 = vector.shape_cast %mul3A_313 : vector<16xf32> to vector<1x16xf32>
        tpu.vector_store %arg11[%swap3A_314, %swap3A_315], %swap3A_318 {strides = array<i32>} : memref<128x64xf32, #tpu.memory_space<vmem>>, vector<1x16xf32>,
        %swap3A_319 = arith.index_cast %add3A_213 : i32 to index
        %swap3A_320 = arith.constant 48 : index
        %swap3A_321 = tpu.vector_load %arg10[%swap3A_319, %swap3A_320] {strides = array<i32>} : memref<128x64xf32, #tpu.memory_space<vmem>>, vector<1x16xf32>,
        %swap3A_322 = vector.shape_cast %swap3A_321 : vector<1x16xf32> to vector<16xf32>
        %swap3A_323 = vector.shape_cast %broadcast_in_dim3A_3 : vector<16xf32> to vector<1x16xf32>
        tpu.vector_store %arg10[%swap3A_319, %swap3A_320], %swap3A_323 {strides = array<i32>} : memref<128x64xf32, #tpu.memory_space<vmem>>, vector<1x16xf32>,
        %scan3A_324 = arith.constant 1 : i32
        %scan3A_325 = arith.addi %scan3A_209, %scan3A_324 : i32
        %mul3A_326 = arith.constant 1 : i32
        %mul3A_327 = arith.muli %scan3A_325, %mul3A_326 : i32
        %add3A_328 = arith.constant 0 : i32
        %add3A_329 = arith.addi %add3A_328, %mul3A_327 : i32
        %get3A_330 = arith.index_cast %add3A_329 : i32 to index
        %get3A_331 = arith.constant 0 : index
        %get3A_332 = tpu.vector_load %arg10[%get3A_330, %get3A_331] {strides = array<i32>} : memref<128x64xf32, #tpu.memory_space<vmem>>, vector<1x16xf32>,
        %get3A_333 = vector.shape_cast %get3A_332 : vector<1x16xf32> to vector<16xf32>
        %add3A_334 = arith.addf %get3A_333, %broadcast_in_dim3A_1 : vector<16xf32>
        %bitcast_convert_type3A_335 = tpu.bitcast %add3A_334 : vector<16xf32> -> vector<16xi32>
        %shift_right_arithmetic3A_336 = arith.shrsi %bitcast_convert_type3A_335, %broadcast_in_dim3A_11 : vector<16xi32>
        %sub3A_337 = arith.subi %broadcast_in_dim3A_9, %shift_right_arithmetic3A_336 : vector<16xi32>
        %bitcast_convert_type3A_338 = tpu.bitcast %sub3A_337 : vector<16xi32> -> vector<16xf32>
        %mul3A_339 = arith.mulf %broadcast_in_dim3A_5, %add3A_334 : vector<16xf32>
        %mul3A_340 = arith.mulf %mul3A_339, %bitcast_convert_type3A_338 : vector<16xf32>
        %mul3A_341 = arith.mulf %mul3A_340, %bitcast_convert_type3A_338 : vector<16xf32>
        %sub3A_342 = arith.subf %broadcast_in_dim3A_7, %mul3A_341 : vector<16xf32>
        %mul3A_343 = arith.mulf %bitcast_convert_type3A_338, %sub3A_342 : vector<16xf32>
        %mul3A_344 = arith.mulf %mul3A_339, %mul3A_343 : vector<16xf32>
        %mul3A_345 = arith.mulf %mul3A_344, %mul3A_343 : vector<16xf32>
        %sub3A_346 = arith.subf %broadcast_in_dim3A_7, %mul3A_345 : vector<16xf32>
        %mul3A_347 = arith.mulf %mul3A_343, %sub3A_346 : vector<16xf32>
        %mul3A_348 = arith.mulf %mul3A_339, %mul3A_347 : vector<16xf32>
        %mul3A_349 = arith.mulf %mul3A_348, %mul3A_347 : vector<16xf32>
        %sub3A_350 = arith.subf %broadcast_in_dim3A_7, %mul3A_349 : vector<16xf32>
        %mul3A_351 = arith.mulf %mul3A_347, %sub3A_350 : vector<16xf32>
        %mul3A_352 = arith.constant 128 : i32
        %mul3A_353 = arith.muli %add3A_148, %mul3A_352 : i32
        %add3A_354 = arith.addi %add3A_329, %mul3A_353 : i32
        %swap3A_355 = arith.index_cast %add3A_354 : i32 to index
        %swap3A_356 = arith.constant 0 : index
        %swap3A_357 = tpu.vector_load %arg9[%swap3A_355, %swap3A_356] {strides = array<i32>} : memref<640x16xf32, #tpu.memory_space<vmem>>, vector<1x16xf32>,
        %swap3A_358 = vector.shape_cast %swap3A_357 : vector<1x16xf32> to vector<16xf32>
        %swap3A_359 = vector.shape_cast %mul3A_351 : vector<16xf32> to vector<1x16xf32>
        tpu.vector_store %arg9[%swap3A_355, %swap3A_356], %swap3A_359 {strides = array<i32>} : memref<640x16xf32, #tpu.memory_space<vmem>>, vector<1x16xf32>,
        %get3A_360 = arith.index_cast %add3A_329 : i32 to index
        %get3A_361 = arith.constant 0 : index
        %get3A_362 = tpu.vector_load %arg11[%get3A_360, %get3A_361] {strides = array<i32>} : memref<128x64xf32, #tpu.memory_space<vmem>>, vector<1x16xf32>,
        %get3A_363 = vector.shape_cast %get3A_362 : vector<1x16xf32> to vector<16xf32>
        %mul3A_364 = arith.mulf %get3A_175, %get3A_363 : vector<16xf32>
        %swap3A_365 = arith.index_cast %add3A_329 : i32 to index
        %swap3A_366 = arith.constant 0 : index
        %swap3A_367 = tpu.vector_load %arg12[%swap3A_365, %swap3A_366] {strides = array<i32>} : memref<128x64xf32, #tpu.memory_space<vmem>>, vector<1x16xf32>,
        %swap3A_368 = vector.shape_cast %swap3A_367 : vector<1x16xf32> to vector<16xf32>
        %swap3A_369 = vector.shape_cast %mul3A_364 : vector<16xf32> to vector<1x16xf32>
        tpu.vector_store %arg12[%swap3A_365, %swap3A_366], %swap3A_369 {strides = array<i32>} : memref<128x64xf32, #tpu.memory_space<vmem>>, vector<1x16xf32>,
        %mul3A_370 = arith.mulf %mul3A_351, %get3A_363 : vector<16xf32>
        %swap3A_371 = arith.index_cast %add3A_329 : i32 to index
        %swap3A_372 = arith.constant 0 : index
        %swap3A_373 = tpu.vector_load %arg11[%swap3A_371, %swap3A_372] {strides = array<i32>} : memref<128x64xf32, #tpu.memory_space<vmem>>, vector<1x16xf32>,
        %swap3A_374 = vector.shape_cast %swap3A_373 : vector<1x16xf32> to vector<16xf32>
        %swap3A_375 = vector.shape_cast %mul3A_370 : vector<16xf32> to vector<1x16xf32>
        tpu.vector_store %arg11[%swap3A_371, %swap3A_372], %swap3A_375 {strides = array<i32>} : memref<128x64xf32, #tpu.memory_space<vmem>>, vector<1x16xf32>,
        %swap3A_376 = arith.index_cast %add3A_329 : i32 to index
        %swap3A_377 = arith.constant 0 : index
        %swap3A_378 = tpu.vector_load %arg10[%swap3A_376, %swap3A_377] {strides = array<i32>} : memref<128x64xf32, #tpu.memory_space<vmem>>, vector<1x16xf32>,
        %swap3A_379 = vector.shape_cast %swap3A_378 : vector<1x16xf32> to vector<16xf32>
        %swap3A_380 = vector.shape_cast %broadcast_in_dim3A_3 : vector<16xf32> to vector<1x16xf32>
        tpu.vector_store %arg10[%swap3A_376, %swap3A_377], %swap3A_380 {strides = array<i32>} : memref<128x64xf32, #tpu.memory_space<vmem>>, vector<1x16xf32>,
        %get3A_381 = arith.index_cast %add3A_329 : i32 to index
        %get3A_382 = arith.constant 16 : index
        %get3A_383 = tpu.vector_load %arg11[%get3A_381, %get3A_382] {strides = array<i32>} : memref<128x64xf32, #tpu.memory_space<vmem>>, vector<1x16xf32>,
        %get3A_384 = vector.shape_cast %get3A_383 : vector<1x16xf32> to vector<16xf32>
        %mul3A_385 = arith.mulf %get3A_175, %get3A_384 : vector<16xf32>
        %swap3A_386 = arith.index_cast %add3A_329 : i32 to index
        %swap3A_387 = arith.constant 16 : index
        %swap3A_388 = tpu.vector_load %arg12[%swap3A_386, %swap3A_387] {strides = array<i32>} : memref<128x64xf32, #tpu.memory_space<vmem>>, vector<1x16xf32>,
        %swap3A_389 = vector.shape_cast %swap3A_388 : vector<1x16xf32> to vector<16xf32>
        %swap3A_390 = vector.shape_cast %mul3A_385 : vector<16xf32> to vector<1x16xf32>
        tpu.vector_store %arg12[%swap3A_386, %swap3A_387], %swap3A_390 {strides = array<i32>} : memref<128x64xf32, #tpu.memory_space<vmem>>, vector<1x16xf32>,
        %mul3A_391 = arith.mulf %mul3A_351, %get3A_384 : vector<16xf32>
        %swap3A_392 = arith.index_cast %add3A_329 : i32 to index
        %swap3A_393 = arith.constant 16 : index
        %swap3A_394 = tpu.vector_load %arg11[%swap3A_392, %swap3A_393] {strides = array<i32>} : memref<128x64xf32, #tpu.memory_space<vmem>>, vector<1x16xf32>,
        %swap3A_395 = vector.shape_cast %swap3A_394 : vector<1x16xf32> to vector<16xf32>
        %swap3A_396 = vector.shape_cast %mul3A_391 : vector<16xf32> to vector<1x16xf32>
        tpu.vector_store %arg11[%swap3A_392, %swap3A_393], %swap3A_396 {strides = array<i32>} : memref<128x64xf32, #tpu.memory_space<vmem>>, vector<1x16xf32>,
        %swap3A_397 = arith.index_cast %add3A_329 : i32 to index
        %swap3A_398 = arith.constant 16 : index
        %swap3A_399 = tpu.vector_load %arg10[%swap3A_397, %swap3A_398] {strides = array<i32>} : memref<128x64xf32, #tpu.memory_space<vmem>>, vector<1x16xf32>,
        %swap3A_400 = vector.shape_cast %swap3A_399 : vector<1x16xf32> to vector<16xf32>
        %swap3A_401 = vector.shape_cast %broadcast_in_dim3A_3 : vector<16xf32> to vector<1x16xf32>
        tpu.vector_store %arg10[%swap3A_397, %swap3A_398], %swap3A_401 {strides = array<i32>} : memref<128x64xf32, #tpu.memory_space<vmem>>, vector<1x16xf32>,
        %get3A_402 = arith.index_cast %add3A_329 : i32 to index
        %get3A_403 = arith.constant 32 : index
        %get3A_404 = tpu.vector_load %arg11[%get3A_402, %get3A_403] {strides = array<i32>} : memref<128x64xf32, #tpu.memory_space<vmem>>, vector<1x16xf32>,
        %get3A_405 = vector.shape_cast %get3A_404 : vector<1x16xf32> to vector<16xf32>
        %mul3A_406 = arith.mulf %get3A_175, %get3A_405 : vector<16xf32>
        %swap3A_407 = arith.index_cast %add3A_329 : i32 to index
        %swap3A_408 = arith.constant 32 : index
        %swap3A_409 = tpu.vector_load %arg12[%swap3A_407, %swap3A_408] {strides = array<i32>} : memref<128x64xf32, #tpu.memory_space<vmem>>, vector<1x16xf32>,
        %swap3A_410 = vector.shape_cast %swap3A_409 : vector<1x16xf32> to vector<16xf32>
        %swap3A_411 = vector.shape_cast %mul3A_406 : vector<16xf32> to vector<1x16xf32>
        tpu.vector_store %arg12[%swap3A_407, %swap3A_408], %swap3A_411 {strides = array<i32>} : memref<128x64xf32, #tpu.memory_space<vmem>>, vector<1x16xf32>,
        %mul3A_412 = arith.mulf %mul3A_351, %get3A_405 : vector<16xf32>
        %swap3A_413 = arith.index_cast %add3A_329 : i32 to index
        %swap3A_414 = arith.constant 32 : index
        %swap3A_415 = tpu.vector_load %arg11[%swap3A_413, %swap3A_414] {strides = array<i32>} : memref<128x64xf32, #tpu.memory_space<vmem>>, vector<1x16xf32>,
        %swap3A_416 = vector.shape_cast %swap3A_415 : vector<1x16xf32> to vector<16xf32>
        %swap3A_417 = vector.shape_cast %mul3A_412 : vector<16xf32> to vector<1x16xf32>
        tpu.vector_store %arg11[%swap3A_413, %swap3A_414], %swap3A_417 {strides = array<i32>} : memref<128x64xf32, #tpu.memory_space<vmem>>, vector<1x16xf32>,
        %swap3A_418 = arith.index_cast %add3A_329 : i32 to index
        %swap3A_419 = arith.constant 32 : index
        %swap3A_420 = tpu.vector_load %arg10[%swap3A_418, %swap3A_419] {strides = array<i32>} : memref<128x64xf32, #tpu.memory_space<vmem>>, vector<1x16xf32>,
        %swap3A_421 = vector.shape_cast %swap3A_420 : vector<1x16xf32> to vector<16xf32>
        %swap3A_422 = vector.shape_cast %broadcast_in_dim3A_3 : vector<16xf32> to vector<1x16xf32>
        tpu.vector_store %arg10[%swap3A_418, %swap3A_419], %swap3A_422 {strides = array<i32>} : memref<128x64xf32, #tpu.memory_space<vmem>>, vector<1x16xf32>,
        %get3A_423 = arith.index_cast %add3A_329 : i32 to index
        %get3A_424 = arith.constant 48 : index
        %get3A_425 = tpu.vector_load %arg11[%get3A_423, %get3A_424] {strides = array<i32>} : memref<128x64xf32, #tpu.memory_space<vmem>>, vector<1x16xf32>,
        %get3A_426 = vector.shape_cast %get3A_425 : vector<1x16xf32> to vector<16xf32>
        %mul3A_427 = arith.mulf %get3A_175, %get3A_426 : vector<16xf32>
        %swap3A_428 = arith.index_cast %add3A_329 : i32 to index
        %swap3A_429 = arith.constant 48 : index
        %swap3A_430 = tpu.vector_load %arg12[%swap3A_428, %swap3A_429] {strides = array<i32>} : memref<128x64xf32, #tpu.memory_space<vmem>>, vector<1x16xf32>,
        %swap3A_431 = vector.shape_cast %swap3A_430 : vector<1x16xf32> to vector<16xf32>
        %swap3A_432 = vector.shape_cast %mul3A_427 : vector<16xf32> to vector<1x16xf32>
        tpu.vector_store %arg12[%swap3A_428, %swap3A_429], %swap3A_432 {strides = array<i32>} : memref<128x64xf32, #tpu.memory_space<vmem>>, vector<1x16xf32>,
        %mul3A_433 = arith.mulf %mul3A_351, %get3A_426 : vector<16xf32>
        %swap3A_434 = arith.index_cast %add3A_329 : i32 to index
        %swap3A_435 = arith.constant 48 : index
        %swap3A_436 = tpu.vector_load %arg11[%swap3A_434, %swap3A_435] {strides = array<i32>} : memref<128x64xf32, #tpu.memory_space<vmem>>, vector<1x16xf32>,
        %swap3A_437 = vector.shape_cast %swap3A_436 : vector<1x16xf32> to vector<16xf32>
        %swap3A_438 = vector.shape_cast %mul3A_433 : vector<16xf32> to vector<1x16xf32>
        tpu.vector_store %arg11[%swap3A_434, %swap3A_435], %swap3A_438 {strides = array<i32>} : memref<128x64xf32, #tpu.memory_space<vmem>>, vector<1x16xf32>,
        %swap3A_439 = arith.index_cast %add3A_329 : i32 to index
        %swap3A_440 = arith.constant 48 : index
        %swap3A_441 = tpu.vector_load %arg10[%swap3A_439, %swap3A_440] {strides = array<i32>} : memref<128x64xf32, #tpu.memory_space<vmem>>, vector<1x16xf32>,
        %swap3A_442 = vector.shape_cast %swap3A_441 : vector<1x16xf32> to vector<16xf32>
        %swap3A_443 = vector.shape_cast %broadcast_in_dim3A_3 : vector<16xf32> to vector<1x16xf32>
        tpu.vector_store %arg10[%swap3A_439, %swap3A_440], %swap3A_443 {strides = array<i32>} : memref<128x64xf32, #tpu.memory_space<vmem>>, vector<1x16xf32>,
        %scan3A_444 = arith.constant 2 : i32
        %scan3A_445 = arith.addi %scan3A_209, %scan3A_444 : i32
        %mul3A_446 = arith.constant 1 : i32
        %mul3A_447 = arith.muli %scan3A_445, %mul3A_446 : i32
        %add3A_448 = arith.constant 0 : i32
        %add3A_449 = arith.addi %add3A_448, %mul3A_447 : i32
        %get3A_450 = arith.index_cast %add3A_449 : i32 to index
        %get3A_451 = arith.constant 0 : index
        %get3A_452 = tpu.vector_load %arg10[%get3A_450, %get3A_451] {strides = array<i32>} : memref<128x64xf32, #tpu.memory_space<vmem>>, vector<1x16xf32>,
        %get3A_453 = vector.shape_cast %get3A_452 : vector<1x16xf32> to vector<16xf32>
        %add3A_454 = arith.addf %get3A_453, %broadcast_in_dim3A_1 : vector<16xf32>
        %bitcast_convert_type3A_455 = tpu.bitcast %add3A_454 : vector<16xf32> -> vector<16xi32>
        %shift_right_arithmetic3A_456 = arith.shrsi %bitcast_convert_type3A_455, %broadcast_in_dim3A_11 : vector<16xi32>
        %sub3A_457 = arith.subi %broadcast_in_dim3A_9, %shift_right_arithmetic3A_456 : vector<16xi32>
        %bitcast_convert_type3A_458 = tpu.bitcast %sub3A_457 : vector<16xi32> -> vector<16xf32>
        %mul3A_459 = arith.mulf %broadcast_in_dim3A_5, %add3A_454 : vector<16xf32>
        %mul3A_460 = arith.mulf %mul3A_459, %bitcast_convert_type3A_458 : vector<16xf32>
        %mul3A_461 = arith.mulf %mul3A_460, %bitcast_convert_type3A_458 : vector<16xf32>
        %sub3A_462 = arith.subf %broadcast_in_dim3A_7, %mul3A_461 : vector<16xf32>
        %mul3A_463 = arith.mulf %bitcast_convert_type3A_458, %sub3A_462 : vector<16xf32>
        %mul3A_464 = arith.mulf %mul3A_459, %mul3A_463 : vector<16xf32>
        %mul3A_465 = arith.mulf %mul3A_464, %mul3A_463 : vector<16xf32>
        %sub3A_466 = arith.subf %broadcast_in_dim3A_7, %mul3A_465 : vector<16xf32>
        %mul3A_467 = arith.mulf %mul3A_463, %sub3A_466 : vector<16xf32>
        %mul3A_468 = arith.mulf %mul3A_459, %mul3A_467 : vector<16xf32>
        %mul3A_469 = arith.mulf %mul3A_468, %mul3A_467 : vector<16xf32>
        %sub3A_470 = arith.subf %broadcast_in_dim3A_7, %mul3A_469 : vector<16xf32>
        %mul3A_471 = arith.mulf %mul3A_467, %sub3A_470 : vector<16xf32>
        %mul3A_472 = arith.constant 128 : i32
        %mul3A_473 = arith.muli %add3A_148, %mul3A_472 : i32
        %add3A_474 = arith.addi %add3A_449, %mul3A_473 : i32
        %swap3A_475 = arith.index_cast %add3A_474 : i32 to index
        %swap3A_476 = arith.constant 0 : index
        %swap3A_477 = tpu.vector_load %arg9[%swap3A_475, %swap3A_476] {strides = array<i32>} : memref<640x16xf32, #tpu.memory_space<vmem>>, vector<1x16xf32>,
        %swap3A_478 = vector.shape_cast %swap3A_477 : vector<1x16xf32> to vector<16xf32>
        %swap3A_479 = vector.shape_cast %mul3A_471 : vector<16xf32> to vector<1x16xf32>
        tpu.vector_store %arg9[%swap3A_475, %swap3A_476], %swap3A_479 {strides = array<i32>} : memref<640x16xf32, #tpu.memory_space<vmem>>, vector<1x16xf32>,
        %get3A_480 = arith.index_cast %add3A_449 : i32 to index
        %get3A_481 = arith.constant 0 : index
        %get3A_482 = tpu.vector_load %arg11[%get3A_480, %get3A_481] {strides = array<i32>} : memref<128x64xf32, #tpu.memory_space<vmem>>, vector<1x16xf32>,
        %get3A_483 = vector.shape_cast %get3A_482 : vector<1x16xf32> to vector<16xf32>
        %mul3A_484 = arith.mulf %get3A_175, %get3A_483 : vector<16xf32>
        %swap3A_485 = arith.index_cast %add3A_449 : i32 to index
        %swap3A_486 = arith.constant 0 : index
        %swap3A_487 = tpu.vector_load %arg12[%swap3A_485, %swap3A_486] {strides = array<i32>} : memref<128x64xf32, #tpu.memory_space<vmem>>, vector<1x16xf32>,
        %swap3A_488 = vector.shape_cast %swap3A_487 : vector<1x16xf32> to vector<16xf32>
        %swap3A_489 = vector.shape_cast %mul3A_484 : vector<16xf32> to vector<1x16xf32>
        tpu.vector_store %arg12[%swap3A_485, %swap3A_486], %swap3A_489 {strides = array<i32>} : memref<128x64xf32, #tpu.memory_space<vmem>>, vector<1x16xf32>,
        %mul3A_490 = arith.mulf %mul3A_471, %get3A_483 : vector<16xf32>
        %swap3A_491 = arith.index_cast %add3A_449 : i32 to index
        %swap3A_492 = arith.constant 0 : index
        %swap3A_493 = tpu.vector_load %arg11[%swap3A_491, %swap3A_492] {strides = array<i32>} : memref<128x64xf32, #tpu.memory_space<vmem>>, vector<1x16xf32>,
        %swap3A_494 = vector.shape_cast %swap3A_493 : vector<1x16xf32> to vector<16xf32>
        %swap3A_495 = vector.shape_cast %mul3A_490 : vector<16xf32> to vector<1x16xf32>
        tpu.vector_store %arg11[%swap3A_491, %swap3A_492], %swap3A_495 {strides = array<i32>} : memref<128x64xf32, #tpu.memory_space<vmem>>, vector<1x16xf32>,
        %swap3A_496 = arith.index_cast %add3A_449 : i32 to index
        %swap3A_497 = arith.constant 0 : index
        %swap3A_498 = tpu.vector_load %arg10[%swap3A_496, %swap3A_497] {strides = array<i32>} : memref<128x64xf32, #tpu.memory_space<vmem>>, vector<1x16xf32>,
        %swap3A_499 = vector.shape_cast %swap3A_498 : vector<1x16xf32> to vector<16xf32>
        %swap3A_500 = vector.shape_cast %broadcast_in_dim3A_3 : vector<16xf32> to vector<1x16xf32>
        tpu.vector_store %arg10[%swap3A_496, %swap3A_497], %swap3A_500 {strides = array<i32>} : memref<128x64xf32, #tpu.memory_space<vmem>>, vector<1x16xf32>,
        %get3A_501 = arith.index_cast %add3A_449 : i32 to index
        %get3A_502 = arith.constant 16 : index
        %get3A_503 = tpu.vector_load %arg11[%get3A_501, %get3A_502] {strides = array<i32>} : memref<128x64xf32, #tpu.memory_space<vmem>>, vector<1x16xf32>,
        %get3A_504 = vector.shape_cast %get3A_503 : vector<1x16xf32> to vector<16xf32>
        %mul3A_505 = arith.mulf %get3A_175, %get3A_504 : vector<16xf32>
        %swap3A_506 = arith.index_cast %add3A_449 : i32 to index
        %swap3A_507 = arith.constant 16 : index
        %swap3A_508 = tpu.vector_load %arg12[%swap3A_506, %swap3A_507] {strides = array<i32>} : memref<128x64xf32, #tpu.memory_space<vmem>>, vector<1x16xf32>,
        %swap3A_509 = vector.shape_cast %swap3A_508 : vector<1x16xf32> to vector<16xf32>
        %swap3A_510 = vector.shape_cast %mul3A_505 : vector<16xf32> to vector<1x16xf32>
        tpu.vector_store %arg12[%swap3A_506, %swap3A_507], %swap3A_510 {strides = array<i32>} : memref<128x64xf32, #tpu.memory_space<vmem>>, vector<1x16xf32>,
        %mul3A_511 = arith.mulf %mul3A_471, %get3A_504 : vector<16xf32>
        %swap3A_512 = arith.index_cast %add3A_449 : i32 to index
        %swap3A_513 = arith.constant 16 : index
        %swap3A_514 = tpu.vector_load %arg11[%swap3A_512, %swap3A_513] {strides = array<i32>} : memref<128x64xf32, #tpu.memory_space<vmem>>, vector<1x16xf32>,
        %swap3A_515 = vector.shape_cast %swap3A_514 : vector<1x16xf32> to vector<16xf32>
        %swap3A_516 = vector.shape_cast %mul3A_511 : vector<16xf32> to vector<1x16xf32>
        tpu.vector_store %arg11[%swap3A_512, %swap3A_513], %swap3A_516 {strides = array<i32>} : memref<128x64xf32, #tpu.memory_space<vmem>>, vector<1x16xf32>,
        %swap3A_517 = arith.index_cast %add3A_449 : i32 to index
        %swap3A_518 = arith.constant 16 : index
        %swap3A_519 = tpu.vector_load %arg10[%swap3A_517, %swap3A_518] {strides = array<i32>} : memref<128x64xf32, #tpu.memory_space<vmem>>, vector<1x16xf32>,
        %swap3A_520 = vector.shape_cast %swap3A_519 : vector<1x16xf32> to vector<16xf32>
        %swap3A_521 = vector.shape_cast %broadcast_in_dim3A_3 : vector<16xf32> to vector<1x16xf32>
        tpu.vector_store %arg10[%swap3A_517, %swap3A_518], %swap3A_521 {strides = array<i32>} : memref<128x64xf32, #tpu.memory_space<vmem>>, vector<1x16xf32>,
        %get3A_522 = arith.index_cast %add3A_449 : i32 to index
        %get3A_523 = arith.constant 32 : index
        %get3A_524 = tpu.vector_load %arg11[%get3A_522, %get3A_523] {strides = array<i32>} : memref<128x64xf32, #tpu.memory_space<vmem>>, vector<1x16xf32>,
        %get3A_525 = vector.shape_cast %get3A_524 : vector<1x16xf32> to vector<16xf32>
        %mul3A_526 = arith.mulf %get3A_175, %get3A_525 : vector<16xf32>
        %swap3A_527 = arith.index_cast %add3A_449 : i32 to index
        %swap3A_528 = arith.constant 32 : index
        %swap3A_529 = tpu.vector_load %arg12[%swap3A_527, %swap3A_528] {strides = array<i32>} : memref<128x64xf32, #tpu.memory_space<vmem>>, vector<1x16xf32>,
        %swap3A_530 = vector.shape_cast %swap3A_529 : vector<1x16xf32> to vector<16xf32>
        %swap3A_531 = vector.shape_cast %mul3A_526 : vector<16xf32> to vector<1x16xf32>
        tpu.vector_store %arg12[%swap3A_527, %swap3A_528], %swap3A_531 {strides = array<i32>} : memref<128x64xf32, #tpu.memory_space<vmem>>, vector<1x16xf32>,
        %mul3A_532 = arith.mulf %mul3A_471, %get3A_525 : vector<16xf32>
        %swap3A_533 = arith.index_cast %add3A_449 : i32 to index
        %swap3A_534 = arith.constant 32 : index
        %swap3A_535 = tpu.vector_load %arg11[%swap3A_533, %swap3A_534] {strides = array<i32>} : memref<128x64xf32, #tpu.memory_space<vmem>>, vector<1x16xf32>,
        %swap3A_536 = vector.shape_cast %swap3A_535 : vector<1x16xf32> to vector<16xf32>
        %swap3A_537 = vector.shape_cast %mul3A_532 : vector<16xf32> to vector<1x16xf32>
        tpu.vector_store %arg11[%swap3A_533, %swap3A_534], %swap3A_537 {strides = array<i32>} : memref<128x64xf32, #tpu.memory_space<vmem>>, vector<1x16xf32>,
        %swap3A_538 = arith.index_cast %add3A_449 : i32 to index
        %swap3A_539 = arith.constant 32 : index
        %swap3A_540 = tpu.vector_load %arg10[%swap3A_538, %swap3A_539] {strides = array<i32>} : memref<128x64xf32, #tpu.memory_space<vmem>>, vector<1x16xf32>,
        %swap3A_541 = vector.shape_cast %swap3A_540 : vector<1x16xf32> to vector<16xf32>
        %swap3A_542 = vector.shape_cast %broadcast_in_dim3A_3 : vector<16xf32> to vector<1x16xf32>
        tpu.vector_store %arg10[%swap3A_538, %swap3A_539], %swap3A_542 {strides = array<i32>} : memref<128x64xf32, #tpu.memory_space<vmem>>, vector<1x16xf32>,
        %get3A_543 = arith.index_cast %add3A_449 : i32 to index
        %get3A_544 = arith.constant 48 : index
        %get3A_545 = tpu.vector_load %arg11[%get3A_543, %get3A_544] {strides = array<i32>} : memref<128x64xf32, #tpu.memory_space<vmem>>, vector<1x16xf32>,
        %get3A_546 = vector.shape_cast %get3A_545 : vector<1x16xf32> to vector<16xf32>
        %mul3A_547 = arith.mulf %get3A_175, %get3A_546 : vector<16xf32>
        %swap3A_548 = arith.index_cast %add3A_449 : i32 to index
        %swap3A_549 = arith.constant 48 : index
        %swap3A_550 = tpu.vector_load %arg12[%swap3A_548, %swap3A_549] {strides = array<i32>} : memref<128x64xf32, #tpu.memory_space<vmem>>, vector<1x16xf32>,
        %swap3A_551 = vector.shape_cast %swap3A_550 : vector<1x16xf32> to vector<16xf32>
        %swap3A_552 = vector.shape_cast %mul3A_547 : vector<16xf32> to vector<1x16xf32>
        tpu.vector_store %arg12[%swap3A_548, %swap3A_549], %swap3A_552 {strides = array<i32>} : memref<128x64xf32, #tpu.memory_space<vmem>>, vector<1x16xf32>,
        %mul3A_553 = arith.mulf %mul3A_471, %get3A_546 : vector<16xf32>
        %swap3A_554 = arith.index_cast %add3A_449 : i32 to index
        %swap3A_555 = arith.constant 48 : index
        %swap3A_556 = tpu.vector_load %arg11[%swap3A_554, %swap3A_555] {strides = array<i32>} : memref<128x64xf32, #tpu.memory_space<vmem>>, vector<1x16xf32>,
        %swap3A_557 = vector.shape_cast %swap3A_556 : vector<1x16xf32> to vector<16xf32>
        %swap3A_558 = vector.shape_cast %mul3A_553 : vector<16xf32> to vector<1x16xf32>
        tpu.vector_store %arg11[%swap3A_554, %swap3A_555], %swap3A_558 {strides = array<i32>} : memref<128x64xf32, #tpu.memory_space<vmem>>, vector<1x16xf32>,
        %swap3A_559 = arith.index_cast %add3A_449 : i32 to index
        %swap3A_560 = arith.constant 48 : index
        %swap3A_561 = tpu.vector_load %arg10[%swap3A_559, %swap3A_560] {strides = array<i32>} : memref<128x64xf32, #tpu.memory_space<vmem>>, vector<1x16xf32>,
        %swap3A_562 = vector.shape_cast %swap3A_561 : vector<1x16xf32> to vector<16xf32>
        %swap3A_563 = vector.shape_cast %broadcast_in_dim3A_3 : vector<16xf32> to vector<1x16xf32>
        tpu.vector_store %arg10[%swap3A_559, %swap3A_560], %swap3A_563 {strides = array<i32>} : memref<128x64xf32, #tpu.memory_space<vmem>>, vector<1x16xf32>,
        %scan3A_564 = arith.constant 3 : i32
        %scan3A_565 = arith.addi %scan3A_209, %scan3A_564 : i32
        %mul3A_566 = arith.constant 1 : i32
        %mul3A_567 = arith.muli %scan3A_565, %mul3A_566 : i32
        %add3A_568 = arith.constant 0 : i32
        %add3A_569 = arith.addi %add3A_568, %mul3A_567 : i32
        %get3A_570 = arith.index_cast %add3A_569 : i32 to index
        %get3A_571 = arith.constant 0 : index
        %get3A_572 = tpu.vector_load %arg10[%get3A_570, %get3A_571] {strides = array<i32>} : memref<128x64xf32, #tpu.memory_space<vmem>>, vector<1x16xf32>,
        %get3A_573 = vector.shape_cast %get3A_572 : vector<1x16xf32> to vector<16xf32>
        %add3A_574 = arith.addf %get3A_573, %broadcast_in_dim3A_1 : vector<16xf32>
        %bitcast_convert_type3A_575 = tpu.bitcast %add3A_574 : vector<16xf32> -> vector<16xi32>
        %shift_right_arithmetic3A_576 = arith.shrsi %bitcast_convert_type3A_575, %broadcast_in_dim3A_11 : vector<16xi32>
        %sub3A_577 = arith.subi %broadcast_in_dim3A_9, %shift_right_arithmetic3A_576 : vector<16xi32>
        %bitcast_convert_type3A_578 = tpu.bitcast %sub3A_577 : vector<16xi32> -> vector<16xf32>
        %mul3A_579 = arith.mulf %broadcast_in_dim3A_5, %add3A_574 : vector<16xf32>
        %mul3A_580 = arith.mulf %mul3A_579, %bitcast_convert_type3A_578 : vector<16xf32>
        %mul3A_581 = arith.mulf %mul3A_580, %bitcast_convert_type3A_578 : vector<16xf32>
        %sub3A_582 = arith.subf %broadcast_in_dim3A_7, %mul3A_581 : vector<16xf32>
        %mul3A_583 = arith.mulf %bitcast_convert_type3A_578, %sub3A_582 : vector<16xf32>
        %mul3A_584 = arith.mulf %mul3A_579, %mul3A_583 : vector<16xf32>
        %mul3A_585 = arith.mulf %mul3A_584, %mul3A_583 : vector<16xf32>
        %sub3A_586 = arith.subf %broadcast_in_dim3A_7, %mul3A_585 : vector<16xf32>
        %mul3A_587 = arith.mulf %mul3A_583, %sub3A_586 : vector<16xf32>
        %mul3A_588 = arith.mulf %mul3A_579, %mul3A_587 : vector<16xf32>
        %mul3A_589 = arith.mulf %mul3A_588, %mul3A_587 : vector<16xf32>
        %sub3A_590 = arith.subf %broadcast_in_dim3A_7, %mul3A_589 : vector<16xf32>
        %mul3A_591 = arith.mulf %mul3A_587, %sub3A_590 : vector<16xf32>
        %mul3A_592 = arith.constant 128 : i32
        %mul3A_593 = arith.muli %add3A_148, %mul3A_592 : i32
        %add3A_594 = arith.addi %add3A_569, %mul3A_593 : i32
        %swap3A_595 = arith.index_cast %add3A_594 : i32 to index
        %swap3A_596 = arith.constant 0 : index
        %swap3A_597 = tpu.vector_load %arg9[%swap3A_595, %swap3A_596] {strides = array<i32>} : memref<640x16xf32, #tpu.memory_space<vmem>>, vector<1x16xf32>,
        %swap3A_598 = vector.shape_cast %swap3A_597 : vector<1x16xf32> to vector<16xf32>
        %swap3A_599 = vector.shape_cast %mul3A_591 : vector<16xf32> to vector<1x16xf32>
        tpu.vector_store %arg9[%swap3A_595, %swap3A_596], %swap3A_599 {strides = array<i32>} : memref<640x16xf32, #tpu.memory_space<vmem>>, vector<1x16xf32>,
        %get3A_600 = arith.index_cast %add3A_569 : i32 to index
        %get3A_601 = arith.constant 0 : index
        %get3A_602 = tpu.vector_load %arg11[%get3A_600, %get3A_601] {strides = array<i32>} : memref<128x64xf32, #tpu.memory_space<vmem>>, vector<1x16xf32>,
        %get3A_603 = vector.shape_cast %get3A_602 : vector<1x16xf32> to vector<16xf32>
        %mul3A_604 = arith.mulf %get3A_175, %get3A_603 : vector<16xf32>
        %swap3A_605 = arith.index_cast %add3A_569 : i32 to index
        %swap3A_606 = arith.constant 0 : index
        %swap3A_607 = tpu.vector_load %arg12[%swap3A_605, %swap3A_606] {strides = array<i32>} : memref<128x64xf32, #tpu.memory_space<vmem>>, vector<1x16xf32>,
        %swap3A_608 = vector.shape_cast %swap3A_607 : vector<1x16xf32> to vector<16xf32>
        %swap3A_609 = vector.shape_cast %mul3A_604 : vector<16xf32> to vector<1x16xf32>
        tpu.vector_store %arg12[%swap3A_605, %swap3A_606], %swap3A_609 {strides = array<i32>} : memref<128x64xf32, #tpu.memory_space<vmem>>, vector<1x16xf32>,
        %mul3A_610 = arith.mulf %mul3A_591, %get3A_603 : vector<16xf32>
        %swap3A_611 = arith.index_cast %add3A_569 : i32 to index
        %swap3A_612 = arith.constant 0 : index
        %swap3A_613 = tpu.vector_load %arg11[%swap3A_611, %swap3A_612] {strides = array<i32>} : memref<128x64xf32, #tpu.memory_space<vmem>>, vector<1x16xf32>,
        %swap3A_614 = vector.shape_cast %swap3A_613 : vector<1x16xf32> to vector<16xf32>
        %swap3A_615 = vector.shape_cast %mul3A_610 : vector<16xf32> to vector<1x16xf32>
        tpu.vector_store %arg11[%swap3A_611, %swap3A_612], %swap3A_615 {strides = array<i32>} : memref<128x64xf32, #tpu.memory_space<vmem>>, vector<1x16xf32>,
        %swap3A_616 = arith.index_cast %add3A_569 : i32 to index
        %swap3A_617 = arith.constant 0 : index
        %swap3A_618 = tpu.vector_load %arg10[%swap3A_616, %swap3A_617] {strides = array<i32>} : memref<128x64xf32, #tpu.memory_space<vmem>>, vector<1x16xf32>,
        %swap3A_619 = vector.shape_cast %swap3A_618 : vector<1x16xf32> to vector<16xf32>
        %swap3A_620 = vector.shape_cast %broadcast_in_dim3A_3 : vector<16xf32> to vector<1x16xf32>
        tpu.vector_store %arg10[%swap3A_616, %swap3A_617], %swap3A_620 {strides = array<i32>} : memref<128x64xf32, #tpu.memory_space<vmem>>, vector<1x16xf32>,
        %get3A_621 = arith.index_cast %add3A_569 : i32 to index
        %get3A_622 = arith.constant 16 : index
        %get3A_623 = tpu.vector_load %arg11[%get3A_621, %get3A_622] {strides = array<i32>} : memref<128x64xf32, #tpu.memory_space<vmem>>, vector<1x16xf32>,
        %get3A_624 = vector.shape_cast %get3A_623 : vector<1x16xf32> to vector<16xf32>
        %mul3A_625 = arith.mulf %get3A_175, %get3A_624 : vector<16xf32>
        %swap3A_626 = arith.index_cast %add3A_569 : i32 to index
        %swap3A_627 = arith.constant 16 : index
        %swap3A_628 = tpu.vector_load %arg12[%swap3A_626, %swap3A_627] {strides = array<i32>} : memref<128x64xf32, #tpu.memory_space<vmem>>, vector<1x16xf32>,
        %swap3A_629 = vector.shape_cast %swap3A_628 : vector<1x16xf32> to vector<16xf32>
        %swap3A_630 = vector.shape_cast %mul3A_625 : vector<16xf32> to vector<1x16xf32>
        tpu.vector_store %arg12[%swap3A_626, %swap3A_627], %swap3A_630 {strides = array<i32>} : memref<128x64xf32, #tpu.memory_space<vmem>>, vector<1x16xf32>,
        %mul3A_631 = arith.mulf %mul3A_591, %get3A_624 : vector<16xf32>
        %swap3A_632 = arith.index_cast %add3A_569 : i32 to index
        %swap3A_633 = arith.constant 16 : index
        %swap3A_634 = tpu.vector_load %arg11[%swap3A_632, %swap3A_633] {strides = array<i32>} : memref<128x64xf32, #tpu.memory_space<vmem>>, vector<1x16xf32>,
        %swap3A_635 = vector.shape_cast %swap3A_634 : vector<1x16xf32> to vector<16xf32>
        %swap3A_636 = vector.shape_cast %mul3A_631 : vector<16xf32> to vector<1x16xf32>
        tpu.vector_store %arg11[%swap3A_632, %swap3A_633], %swap3A_636 {strides = array<i32>} : memref<128x64xf32, #tpu.memory_space<vmem>>, vector<1x16xf32>,
        %swap3A_637 = arith.index_cast %add3A_569 : i32 to index
        %swap3A_638 = arith.constant 16 : index
        %swap3A_639 = tpu.vector_load %arg10[%swap3A_637, %swap3A_638] {strides = array<i32>} : memref<128x64xf32, #tpu.memory_space<vmem>>, vector<1x16xf32>,
        %swap3A_640 = vector.shape_cast %swap3A_639 : vector<1x16xf32> to vector<16xf32>
        %swap3A_641 = vector.shape_cast %broadcast_in_dim3A_3 : vector<16xf32> to vector<1x16xf32>
        tpu.vector_store %arg10[%swap3A_637, %swap3A_638], %swap3A_641 {strides = array<i32>} : memref<128x64xf32, #tpu.memory_space<vmem>>, vector<1x16xf32>,
        %get3A_642 = arith.index_cast %add3A_569 : i32 to index
        %get3A_643 = arith.constant 32 : index
        %get3A_644 = tpu.vector_load %arg11[%get3A_642, %get3A_643] {strides = array<i32>} : memref<128x64xf32, #tpu.memory_space<vmem>>, vector<1x16xf32>,
        %get3A_645 = vector.shape_cast %get3A_644 : vector<1x16xf32> to vector<16xf32>
        %mul3A_646 = arith.mulf %get3A_175, %get3A_645 : vector<16xf32>
        %swap3A_647 = arith.index_cast %add3A_569 : i32 to index
        %swap3A_648 = arith.constant 32 : index
        %swap3A_649 = tpu.vector_load %arg12[%swap3A_647, %swap3A_648] {strides = array<i32>} : memref<128x64xf32, #tpu.memory_space<vmem>>, vector<1x16xf32>,
        %swap3A_650 = vector.shape_cast %swap3A_649 : vector<1x16xf32> to vector<16xf32>
        %swap3A_651 = vector.shape_cast %mul3A_646 : vector<16xf32> to vector<1x16xf32>
        tpu.vector_store %arg12[%swap3A_647, %swap3A_648], %swap3A_651 {strides = array<i32>} : memref<128x64xf32, #tpu.memory_space<vmem>>, vector<1x16xf32>,
        %mul3A_652 = arith.mulf %mul3A_591, %get3A_645 : vector<16xf32>
        %swap3A_653 = arith.index_cast %add3A_569 : i32 to index
        %swap3A_654 = arith.constant 32 : index
        %swap3A_655 = tpu.vector_load %arg11[%swap3A_653, %swap3A_654] {strides = array<i32>} : memref<128x64xf32, #tpu.memory_space<vmem>>, vector<1x16xf32>,
        %swap3A_656 = vector.shape_cast %swap3A_655 : vector<1x16xf32> to vector<16xf32>
        %swap3A_657 = vector.shape_cast %mul3A_652 : vector<16xf32> to vector<1x16xf32>
        tpu.vector_store %arg11[%swap3A_653, %swap3A_654], %swap3A_657 {strides = array<i32>} : memref<128x64xf32, #tpu.memory_space<vmem>>, vector<1x16xf32>,
        %swap3A_658 = arith.index_cast %add3A_569 : i32 to index
        %swap3A_659 = arith.constant 32 : index
        %swap3A_660 = tpu.vector_load %arg10[%swap3A_658, %swap3A_659] {strides = array<i32>} : memref<128x64xf32, #tpu.memory_space<vmem>>, vector<1x16xf32>,
        %swap3A_661 = vector.shape_cast %swap3A_660 : vector<1x16xf32> to vector<16xf32>
        %swap3A_662 = vector.shape_cast %broadcast_in_dim3A_3 : vector<16xf32> to vector<1x16xf32>
        tpu.vector_store %arg10[%swap3A_658, %swap3A_659], %swap3A_662 {strides = array<i32>} : memref<128x64xf32, #tpu.memory_space<vmem>>, vector<1x16xf32>,
        %get3A_663 = arith.index_cast %add3A_569 : i32 to index
        %get3A_664 = arith.constant 48 : index
        %get3A_665 = tpu.vector_load %arg11[%get3A_663, %get3A_664] {strides = array<i32>} : memref<128x64xf32, #tpu.memory_space<vmem>>, vector<1x16xf32>,
        %get3A_666 = vector.shape_cast %get3A_665 : vector<1x16xf32> to vector<16xf32>
        %mul3A_667 = arith.mulf %get3A_175, %get3A_666 : vector<16xf32>
        %swap3A_668 = arith.index_cast %add3A_569 : i32 to index
        %swap3A_669 = arith.constant 48 : index
        %swap3A_670 = tpu.vector_load %arg12[%swap3A_668, %swap3A_669] {strides = array<i32>} : memref<128x64xf32, #tpu.memory_space<vmem>>, vector<1x16xf32>,
        %swap3A_671 = vector.shape_cast %swap3A_670 : vector<1x16xf32> to vector<16xf32>
        %swap3A_672 = vector.shape_cast %mul3A_667 : vector<16xf32> to vector<1x16xf32>
        tpu.vector_store %arg12[%swap3A_668, %swap3A_669], %swap3A_672 {strides = array<i32>} : memref<128x64xf32, #tpu.memory_space<vmem>>, vector<1x16xf32>,
        %mul3A_673 = arith.mulf %mul3A_591, %get3A_666 : vector<16xf32>
        %swap3A_674 = arith.index_cast %add3A_569 : i32 to index
        %swap3A_675 = arith.constant 48 : index
        %swap3A_676 = tpu.vector_load %arg11[%swap3A_674, %swap3A_675] {strides = array<i32>} : memref<128x64xf32, #tpu.memory_space<vmem>>, vector<1x16xf32>,
        %swap3A_677 = vector.shape_cast %swap3A_676 : vector<1x16xf32> to vector<16xf32>
        %swap3A_678 = vector.shape_cast %mul3A_673 : vector<16xf32> to vector<1x16xf32>
        tpu.vector_store %arg11[%swap3A_674, %swap3A_675], %swap3A_678 {strides = array<i32>} : memref<128x64xf32, #tpu.memory_space<vmem>>, vector<1x16xf32>,
        %swap3A_679 = arith.index_cast %add3A_569 : i32 to index
        %swap3A_680 = arith.constant 48 : index
        %swap3A_681 = tpu.vector_load %arg10[%swap3A_679, %swap3A_680] {strides = array<i32>} : memref<128x64xf32, #tpu.memory_space<vmem>>, vector<1x16xf32>,
        %swap3A_682 = vector.shape_cast %swap3A_681 : vector<1x16xf32> to vector<16xf32>
        %swap3A_683 = vector.shape_cast %broadcast_in_dim3A_3 : vector<16xf32> to vector<1x16xf32>
        tpu.vector_store %arg10[%swap3A_679, %swap3A_680], %swap3A_683 {strides = array<i32>} : memref<128x64xf32, #tpu.memory_space<vmem>>, vector<1x16xf32>,
      }
      %scan3A_180 = arith.constant 128 : i32
      %dma_start3A_181 = arith.constant 0 : i32
      %dma_start3A_182 = tpu.memref_slice %arg6[%add3A_151, %dma_start3A_181] : memref<10240x64xf32, #tpu.memory_space<vmem_shared>> -> memref<128x64xf32, #tpu.memory_space<vmem_shared>>
      %dma_start3A_183 = arith.constant 0 : i32
      %dma_start3A_184 = tpu.memref_slice %arg6[%add3A_151, %dma_start3A_183] : memref<10240x64xf32, #tpu.memory_space<vmem_shared>> -> memref<128x64xf32, #tpu.memory_space<vmem_shared>>
      tpu.enqueue_dma source(%arg11 : memref<128x64xf32, #tpu.memory_space<vmem>>) target(%dma_start3A_184 : memref<128x64xf32, #tpu.memory_space<vmem_shared>>) target_semaphore(%arg27 : memref<!tpu.dma_semaphore, #tpu.memory_space<semaphore_mem>>)
      %dma_start3A_185 = arith.constant 0 : i32
      %dma_start3A_186 = tpu.memref_slice %arg5[%arg0, %add3A_151, %dma_start3A_185] : memref<2x10240x64xf32, #tpu.memory_space<hbm>> -> memref<1x128x64xf32, #tpu.memory_space<hbm>>
      %dma_start3A_187 = tpu.memref_squeeze %dma_start3A_186 : memref<1x128x64xf32, #tpu.memory_space<hbm>> -> memref<128x64xf32, #tpu.memory_space<hbm>>
      %dma_start3A_188 = arith.constant 0 : i32
      %dma_start3A_189 = tpu.memref_slice %arg5[%arg0, %add3A_151, %dma_start3A_188] : memref<2x10240x64xf32, #tpu.memory_space<hbm>> -> memref<1x128x64xf32, #tpu.memory_space<hbm>>
      %dma_start3A_190 = tpu.memref_squeeze %dma_start3A_189 : memref<1x128x64xf32, #tpu.memory_space<hbm>> -> memref<128x64xf32, #tpu.memory_space<hbm>>
      tpu.enqueue_dma source(%arg12 : memref<128x64xf32, #tpu.memory_space<vmem>>) target(%dma_start3A_190 : memref<128x64xf32, #tpu.memory_space<hbm>>) target_semaphore(%arg28 : memref<!tpu.dma_semaphore, #tpu.memory_space<semaphore_mem>>)
      %dma_start3A_191 = arith.constant 0 : i32
      %dma_start3A_192 = tpu.memref_slice %arg7[%add3A_151, %dma_start3A_191] : memref<10240x64xf32, #tpu.memory_space<vmem_shared>> -> memref<128x64xf32, #tpu.memory_space<vmem_shared>>
      %dma_start3A_193 = arith.constant 0 : i32
      %dma_start3A_194 = tpu.memref_slice %arg7[%add3A_151, %dma_start3A_193] : memref<10240x64xf32, #tpu.memory_space<vmem_shared>> -> memref<128x64xf32, #tpu.memory_space<vmem_shared>>
      tpu.enqueue_dma source(%arg10 : memref<128x64xf32, #tpu.memory_space<vmem>>) target(%dma_start3A_194 : memref<128x64xf32, #tpu.memory_space<vmem_shared>>) target_semaphore(%arg29 : memref<!tpu.dma_semaphore, #tpu.memory_space<semaphore_mem>>)
      %dma_wait3A_195 = arith.constant 0 : i32
      %dma_wait3A_196 = tpu.memref_slice %arg6[%add3A_151, %dma_wait3A_195] : memref<10240x64xf32, #tpu.memory_space<vmem_shared>> -> memref<128x64xf32, #tpu.memory_space<vmem_shared>>
      %dma_wait3A_197 = arith.constant 0 : i32
      %dma_wait3A_198 = tpu.memref_slice %arg6[%add3A_151, %dma_wait3A_197] : memref<10240x64xf32, #tpu.memory_space<vmem_shared>> -> memref<128x64xf32, #tpu.memory_space<vmem_shared>>
      tpu.wait_dma2 semaphore(%arg27 : memref<!tpu.dma_semaphore, #tpu.memory_space<semaphore_mem>>) src(%arg11 : memref<128x64xf32, #tpu.memory_space<vmem>>) dst(%dma_wait3A_198 : memref<128x64xf32, #tpu.memory_space<vmem_shared>>)
      %dma_wait3A_199 = arith.constant 0 : i32
      %dma_wait3A_200 = tpu.memref_slice %arg5[%arg0, %add3A_151, %dma_wait3A_199] : memref<2x10240x64xf32, #tpu.memory_space<hbm>> -> memref<1x128x64xf32, #tpu.memory_space<hbm>>
      %dma_wait3A_201 = tpu.memref_squeeze %dma_wait3A_200 : memref<1x128x64xf32, #tpu.memory_space<hbm>> -> memref<128x64xf32, #tpu.memory_space<hbm>>
      %dma_wait3A_202 = arith.constant 0 : i32
      %dma_wait3A_203 = tpu.memref_slice %arg5[%arg0, %add3A_151, %dma_wait3A_202] : memref<2x10240x64xf32, #tpu.memory_space<hbm>> -> memref<1x128x64xf32, #tpu.memory_space<hbm>>
      %dma_wait3A_204 = tpu.memref_squeeze %dma_wait3A_203 : memref<1x128x64xf32, #tpu.memory_space<hbm>> -> memref<128x64xf32, #tpu.memory_space<hbm>>
      tpu.wait_dma2 semaphore(%arg28 : memref<!tpu.dma_semaphore, #tpu.memory_space<semaphore_mem>>) src(%arg12 : memref<128x64xf32, #tpu.memory_space<vmem>>) dst(%dma_wait3A_204 : memref<128x64xf32, #tpu.memory_space<hbm>>)
      %dma_wait3A_205 = arith.constant 0 : i32
      %dma_wait3A_206 = tpu.memref_slice %arg7[%add3A_151, %dma_wait3A_205] : memref<10240x64xf32, #tpu.memory_space<vmem_shared>> -> memref<128x64xf32, #tpu.memory_space<vmem_shared>>
      %dma_wait3A_207 = arith.constant 0 : i32
      %dma_wait3A_208 = tpu.memref_slice %arg7[%add3A_151, %dma_wait3A_207] : memref<10240x64xf32, #tpu.memory_space<vmem_shared>> -> memref<128x64xf32, #tpu.memory_space<vmem_shared>>
      tpu.wait_dma2 semaphore(%arg29 : memref<!tpu.dma_semaphore, #tpu.memory_space<semaphore_mem>>) src(%arg10 : memref<128x64xf32, #tpu.memory_space<vmem>>) dst(%dma_wait3A_208 : memref<128x64xf32, #tpu.memory_space<vmem_shared>>)
    }
    %scan3A_138 = arith.constant 5 : i32
    %barrier3A_139 = arith.constant 0 : index
    tpu.barrier barrier_id(%barrier3A_139)
    %scan3A_140 = arith.constant 0 : i32
    %scan3A_141 = arith.constant 10 : i32
    %scan3A_142 = arith.addi %scan3A_140, %scan3A_141 : i32
    %scan3A_143 = arith.constant 1 : i32
    scf.for %scan3A_145 = %scan3A_140 to %scan3A_142 step %scan3A_143  : i32 {
      %mul3A_146 = arith.constant 1 : i32
      %mul3A_147 = arith.muli %scan3A_145, %mul3A_146 : i32
      %add3A = arith.constant 0 : i32
      %add3A_148 = arith.addi %add3A, %mul3A_147 : i32
      %dma_start3A_149 = arith.constant 0 : i32
      %dma_start3A_150 = arith.constant 0 : i32
      %dma_start3A_151 = arith.constant 0 : i32
      %dma_start3A_152 = arith.constant 0 : i32
      %dma_start3A_153 = tpu.memref_slice %arg8[%dma_start3A_150, %dma_start3A_151, %dma_start3A_152] : memref<8x2x128xi32, #tpu.memory_space<vmem>> -> memref<1x2x128xi32, #tpu.memory_space<vmem>>
      %dma_start3A_154 = tpu.memref_squeeze %dma_start3A_153 : memref<1x2x128xi32, #tpu.memory_space<vmem>> -> memref<2x128xi32, #tpu.memory_space<vmem>>
      %dma_start3A_155 = arith.constant 0 : i32
      %dma_start3A_156 = arith.constant 0 : i32
      %dma_start3A_157 = tpu.memref_slice %arg3[%arg1, %dma_start3A_149, %dma_start3A_155, %dma_start3A_156] : memref<16x160x2x128xi32, #tpu.memory_space<hbm>> -> memref<1x1x2x128xi32, #tpu.memory_space<hbm>>
      %dma_start3A_158 = tpu.memref_squeeze %dma_start3A_157 : memref<1x1x2x128xi32, #tpu.memory_space<hbm>> -> memref<2x128xi32, #tpu.memory_space<hbm>>
      %dma_start3A_159 = arith.constant 0 : i32
      %dma_start3A_160 = arith.constant 0 : i32
      %dma_start3A_161 = tpu.memref_slice %arg8[%dma_start3A_150, %dma_start3A_159, %dma_start3A_160] : memref<8x2x128xi32, #tpu.memory_space<vmem>> -> memref<1x2x128xi32, #tpu.memory_space<vmem>>
      %dma_start3A_162 = tpu.memref_squeeze %dma_start3A_161 : memref<1x2x128xi32, #tpu.memory_space<vmem>> -> memref<2x128xi32, #tpu.memory_space<vmem>>
      %dma_start3A_163 = arith.constant 0 : i32
      %dma_start3A_164 = arith.constant 0 : i32
      %dma_start3A_165 = tpu.memref_slice %arg3[%arg1, %dma_start3A_149, %dma_start3A_163, %dma_start3A_164] : memref<16x160x2x128xi32, #tpu.memory_space<hbm>> -> memref<1x1x2x128xi32, #tpu.memory_space<hbm>>
      %dma_start3A_166 = tpu.memref_squeeze %dma_start3A_165 : memref<1x1x2x128xi32, #tpu.memory_space<hbm>> -> memref<2x128xi32, #tpu.memory_space<hbm>>
      tpu.enqueue_dma source(%dma_start3A_166 : memref<2x128xi32, #tpu.memory_space<hbm>>) target(%dma_start3A_162 : memref<2x128xi32, #tpu.memory_space<vmem>>) target_semaphore(%arg15 : memref<!tpu.dma_semaphore, #tpu.memory_space<semaphore_mem>>)
      %dma_start3A_167 = arith.constant 1 : i32
      %dma_start3A_168 = arith.constant 1 : i32
      %dma_start3A_169 = arith.constant 0 : i32
      %dma_start3A_170 = arith.constant 0 : i32
      %dma_start3A_171 = tpu.memref_slice %arg8[%dma_start3A_168, %dma_start3A_169, %dma_start3A_170] : memref<8x2x128xi32, #tpu.memory_space<vmem>> -> memref<1x2x128xi32, #tpu.memory_space<vmem>>
      %dma_start3A_172 = tpu.memref_squeeze %dma_start3A_171 : memref<1x2x128xi32, #tpu.memory_space<vmem>> -> memref<2x128xi32, #tpu.memory_space<vmem>>
      %dma_start3A_173 = arith.constant 0 : i32
      %dma_start3A_174 = arith.constant 0 : i32
      %dma_start3A_175 = tpu.memref_slice %arg3[%arg1, %dma_start3A_167, %dma_start3A_173, %dma_start3A_174] : memref<16x160x2x128xi32, #tpu.memory_space<hbm>> -> memref<1x1x2x128xi32, #tpu.memory_space<hbm>>
      %dma_start3A_176 = tpu.memref_squeeze %dma_start3A_175 : memref<1x1x2x128xi32, #tpu.memory_space<hbm>> -> memref<2x128xi32, #tpu.memory_space<hbm>>
      %dma_start3A_177 = arith.constant 0 : i32
      %dma_start3A_178 = arith.constant 0 : i32
      %dma_start3A_179 = tpu.memref_slice %arg8[%dma_start3A_168, %dma_start3A_177, %dma_start3A_178] : memref<8x2x128xi32, #tpu.memory_space<vmem>> -> memref<1x2x128xi32, #tpu.memory_space<vmem>>
      %dma_start3A_180 = tpu.memref_squeeze %dma_start3A_179 : memref<1x2x128xi32, #tpu.memory_space<vmem>> -> memref<2x128xi32, #tpu.memory_space<vmem>>
      %dma_start3A_181 = arith.constant 0 : i32
      %dma_start3A_182 = arith.constant 0 : i32
      %dma_start3A_183 = tpu.memref_slice %arg3[%arg1, %dma_start3A_167, %dma_start3A_181, %dma_start3A_182] : memref<16x160x2x128xi32, #tpu.memory_space<hbm>> -> memref<1x1x2x128xi32, #tpu.memory_space<hbm>>
      %dma_start3A_184 = tpu.memref_squeeze %dma_start3A_183 : memref<1x1x2x128xi32, #tpu.memory_space<hbm>> -> memref<2x128xi32, #tpu.memory_space<hbm>>
      tpu.enqueue_dma source(%dma_start3A_184 : memref<2x128xi32, #tpu.memory_space<hbm>>) target(%dma_start3A_180 : memref<2x128xi32, #tpu.memory_space<vmem>>) target_semaphore(%arg16 : memref<!tpu.dma_semaphore, #tpu.memory_space<semaphore_mem>>)
      %dma_start3A_185 = arith.constant 2 : i32
      %dma_start3A_186 = arith.constant 2 : i32
      %dma_start3A_187 = arith.constant 0 : i32
      %dma_start3A_188 = arith.constant 0 : i32
      %dma_start3A_189 = tpu.memref_slice %arg8[%dma_start3A_186, %dma_start3A_187, %dma_start3A_188] : memref<8x2x128xi32, #tpu.memory_space<vmem>> -> memref<1x2x128xi32, #tpu.memory_space<vmem>>
      %dma_start3A_190 = tpu.memref_squeeze %dma_start3A_189 : memref<1x2x128xi32, #tpu.memory_space<vmem>> -> memref<2x128xi32, #tpu.memory_space<vmem>>
      %dma_start3A_191 = arith.constant 0 : i32
      %dma_start3A_192 = arith.constant 0 : i32
      %dma_start3A_193 = tpu.memref_slice %arg3[%arg1, %dma_start3A_185, %dma_start3A_191, %dma_start3A_192] : memref<16x160x2x128xi32, #tpu.memory_space<hbm>> -> memref<1x1x2x128xi32, #tpu.memory_space<hbm>>
      %dma_start3A_194 = tpu.memref_squeeze %dma_start3A_193 : memref<1x1x2x128xi32, #tpu.memory_space<hbm>> -> memref<2x128xi32, #tpu.memory_space<hbm>>
      %dma_start3A_195 = arith.constant 0 : i32
      %dma_start3A_196 = arith.constant 0 : i32
      %dma_start3A_197 = tpu.memref_slice %arg8[%dma_start3A_186, %dma_start3A_195, %dma_start3A_196] : memref<8x2x128xi32, #tpu.memory_space<vmem>> -> memref<1x2x128xi32, #tpu.memory_space<vmem>>
      %dma_start3A_198 = tpu.memref_squeeze %dma_start3A_197 : memref<1x2x128xi32, #tpu.memory_space<vmem>> -> memref<2x128xi32, #tpu.memory_space<vmem>>
      %dma_start3A_199 = arith.constant 0 : i32
      %dma_start3A_200 = arith.constant 0 : i32
      %dma_start3A_201 = tpu.memref_slice %arg3[%arg1, %dma_start3A_185, %dma_start3A_199, %dma_start3A_200] : memref<16x160x2x128xi32, #tpu.memory_space<hbm>> -> memref<1x1x2x128xi32, #tpu.memory_space<hbm>>
      %dma_start3A_202 = tpu.memref_squeeze %dma_start3A_201 : memref<1x1x2x128xi32, #tpu.memory_space<hbm>> -> memref<2x128xi32, #tpu.memory_space<hbm>>
      tpu.enqueue_dma source(%dma_start3A_202 : memref<2x128xi32, #tpu.memory_space<hbm>>) target(%dma_start3A_198 : memref<2x128xi32, #tpu.memory_space<vmem>>) target_semaphore(%arg17 : memref<!tpu.dma_semaphore, #tpu.memory_space<semaphore_mem>>)
      %dma_start3A_203 = arith.constant 3 : i32
      %dma_start3A_204 = arith.constant 3 : i32
      %dma_start3A_205 = arith.constant 0 : i32
      %dma_start3A_206 = arith.constant 0 : i32
      %dma_start3A_207 = tpu.memref_slice %arg8[%dma_start3A_204, %dma_start3A_205, %dma_start3A_206] : memref<8x2x128xi32, #tpu.memory_space<vmem>> -> memref<1x2x128xi32, #tpu.memory_space<vmem>>
      %dma_start3A_208 = tpu.memref_squeeze %dma_start3A_207 : memref<1x2x128xi32, #tpu.memory_space<vmem>> -> memref<2x128xi32, #tpu.memory_space<vmem>>
      %dma_start3A_209 = arith.constant 0 : i32
      %dma_start3A_210 = arith.constant 0 : i32
      %dma_start3A_211 = tpu.memref_slice %arg3[%arg1, %dma_start3A_203, %dma_start3A_209, %dma_start3A_210] : memref<16x160x2x128xi32, #tpu.memory_space<hbm>> -> memref<1x1x2x128xi32, #tpu.memory_space<hbm>>
      %dma_start3A_212 = tpu.memref_squeeze %dma_start3A_211 : memref<1x1x2x128xi32, #tpu.memory_space<hbm>> -> memref<2x128xi32, #tpu.memory_space<hbm>>
      %dma_start3A_213 = arith.constant 0 : i32
      %dma_start3A_214 = arith.constant 0 : i32
      %dma_start3A_215 = tpu.memref_slice %arg8[%dma_start3A_204, %dma_start3A_213, %dma_start3A_214] : memref<8x2x128xi32, #tpu.memory_space<vmem>> -> memref<1x2x128xi32, #tpu.memory_space<vmem>>
      %dma_start3A_216 = tpu.memref_squeeze %dma_start3A_215 : memref<1x2x128xi32, #tpu.memory_space<vmem>> -> memref<2x128xi32, #tpu.memory_space<vmem>>
      %dma_start3A_217 = arith.constant 0 : i32
      %dma_start3A_218 = arith.constant 0 : i32
      %dma_start3A_219 = tpu.memref_slice %arg3[%arg1, %dma_start3A_203, %dma_start3A_217, %dma_start3A_218] : memref<16x160x2x128xi32, #tpu.memory_space<hbm>> -> memref<1x1x2x128xi32, #tpu.memory_space<hbm>>
      %dma_start3A_220 = tpu.memref_squeeze %dma_start3A_219 : memref<1x1x2x128xi32, #tpu.memory_space<hbm>> -> memref<2x128xi32, #tpu.memory_space<hbm>>
      tpu.enqueue_dma source(%dma_start3A_220 : memref<2x128xi32, #tpu.memory_space<hbm>>) target(%dma_start3A_216 : memref<2x128xi32, #tpu.memory_space<vmem>>) target_semaphore(%arg18 : memref<!tpu.dma_semaphore, #tpu.memory_space<semaphore_mem>>)
      %dma_start3A_221 = arith.constant 4 : i32
      %dma_start3A_222 = arith.constant 4 : i32
      %dma_start3A_223 = arith.constant 0 : i32
      %dma_start3A_224 = arith.constant 0 : i32
      %dma_start3A_225 = tpu.memref_slice %arg8[%dma_start3A_222, %dma_start3A_223, %dma_start3A_224] : memref<8x2x128xi32, #tpu.memory_space<vmem>> -> memref<1x2x128xi32, #tpu.memory_space<vmem>>
      %dma_start3A_226 = tpu.memref_squeeze %dma_start3A_225 : memref<1x2x128xi32, #tpu.memory_space<vmem>> -> memref<2x128xi32, #tpu.memory_space<vmem>>
      %dma_start3A_227 = arith.constant 0 : i32
      %dma_start3A_228 = arith.constant 0 : i32
      %dma_start3A_229 = tpu.memref_slice %arg3[%arg1, %dma_start3A_221, %dma_start3A_227, %dma_start3A_228] : memref<16x160x2x128xi32, #tpu.memory_space<hbm>> -> memref<1x1x2x128xi32, #tpu.memory_space<hbm>>
      %dma_start3A_230 = tpu.memref_squeeze %dma_start3A_229 : memref<1x1x2x128xi32, #tpu.memory_space<hbm>> -> memref<2x128xi32, #tpu.memory_space<hbm>>
      %dma_start3A_231 = arith.constant 0 : i32
      %dma_start3A_232 = arith.constant 0 : i32
      %dma_start3A_233 = tpu.memref_slice %arg8[%dma_start3A_222, %dma_start3A_231, %dma_start3A_232] : memref<8x2x128xi32, #tpu.memory_space<vmem>> -> memref<1x2x128xi32, #tpu.memory_space<vmem>>
      %dma_start3A_234 = tpu.memref_squeeze %dma_start3A_233 : memref<1x2x128xi32, #tpu.memory_space<vmem>> -> memref<2x128xi32, #tpu.memory_space<vmem>>
      %dma_start3A_235 = arith.constant 0 : i32
      %dma_start3A_236 = arith.constant 0 : i32
      %dma_start3A_237 = tpu.memref_slice %arg3[%arg1, %dma_start3A_221, %dma_start3A_235, %dma_start3A_236] : memref<16x160x2x128xi32, #tpu.memory_space<hbm>> -> memref<1x1x2x128xi32, #tpu.memory_space<hbm>>
      %dma_start3A_238 = tpu.memref_squeeze %dma_start3A_237 : memref<1x1x2x128xi32, #tpu.memory_space<hbm>> -> memref<2x128xi32, #tpu.memory_space<hbm>>
      tpu.enqueue_dma source(%dma_start3A_238 : memref<2x128xi32, #tpu.memory_space<hbm>>) target(%dma_start3A_234 : memref<2x128xi32, #tpu.memory_space<vmem>>) target_semaphore(%arg19 : memref<!tpu.dma_semaphore, #tpu.memory_space<semaphore_mem>>)
      %dma_start3A_239 = arith.constant 5 : i32
      %dma_start3A_240 = arith.constant 5 : i32
      %dma_start3A_241 = arith.constant 0 : i32
      %dma_start3A_242 = arith.constant 0 : i32
      %dma_start3A_243 = tpu.memref_slice %arg8[%dma_start3A_240, %dma_start3A_241, %dma_start3A_242] : memref<8x2x128xi32, #tpu.memory_space<vmem>> -> memref<1x2x128xi32, #tpu.memory_space<vmem>>
      %dma_start3A_244 = tpu.memref_squeeze %dma_start3A_243 : memref<1x2x128xi32, #tpu.memory_space<vmem>> -> memref<2x128xi32, #tpu.memory_space<vmem>>
      %dma_start3A_245 = arith.constant 0 : i32
      %dma_start3A_246 = arith.constant 0 : i32
      %dma_start3A_247 = tpu.memref_slice %arg3[%arg1, %dma_start3A_239, %dma_start3A_245, %dma_start3A_246] : memref<16x160x2x128xi32, #tpu.memory_space<hbm>> -> memref<1x1x2x128xi32, #tpu.memory_space<hbm>>
      %dma_start3A_248 = tpu.memref_squeeze %dma_start3A_247 : memref<1x1x2x128xi32, #tpu.memory_space<hbm>> -> memref<2x128xi32, #tpu.memory_space<hbm>>
      %dma_start3A_249 = arith.constant 0 : i32
      %dma_start3A_250 = arith.constant 0 : i32
      %dma_start3A_251 = tpu.memref_slice %arg8[%dma_start3A_240, %dma_start3A_249, %dma_start3A_250] : memref<8x2x128xi32, #tpu.memory_space<vmem>> -> memref<1x2x128xi32, #tpu.memory_space<vmem>>
      %dma_start3A_252 = tpu.memref_squeeze %dma_start3A_251 : memref<1x2x128xi32, #tpu.memory_space<vmem>> -> memref<2x128xi32, #tpu.memory_space<vmem>>
      %dma_start3A_253 = arith.constant 0 : i32
      %dma_start3A_254 = arith.constant 0 : i32
      %dma_start3A_255 = tpu.memref_slice %arg3[%arg1, %dma_start3A_239, %dma_start3A_253, %dma_start3A_254] : memref<16x160x2x128xi32, #tpu.memory_space<hbm>> -> memref<1x1x2x128xi32, #tpu.memory_space<hbm>>
      %dma_start3A_256 = tpu.memref_squeeze %dma_start3A_255 : memref<1x1x2x128xi32, #tpu.memory_space<hbm>> -> memref<2x128xi32, #tpu.memory_space<hbm>>
      tpu.enqueue_dma source(%dma_start3A_256 : memref<2x128xi32, #tpu.memory_space<hbm>>) target(%dma_start3A_252 : memref<2x128xi32, #tpu.memory_space<vmem>>) target_semaphore(%arg20 : memref<!tpu.dma_semaphore, #tpu.memory_space<semaphore_mem>>)
      %dma_wait3A_257 = arith.constant 0 : i32
      %dma_wait3A_258 = arith.constant 0 : i32
      %dma_wait3A_259 = arith.constant 0 : i32
      %dma_wait3A_260 = arith.constant 0 : i32
      %dma_wait3A_261 = tpu.memref_slice %arg8[%dma_wait3A_258, %dma_wait3A_259, %dma_wait3A_260] : memref<8x2x128xi32, #tpu.memory_space<vmem>> -> memref<1x2x128xi32, #tpu.memory_space<vmem>>
      %dma_wait3A_262 = tpu.memref_squeeze %dma_wait3A_261 : memref<1x2x128xi32, #tpu.memory_space<vmem>> -> memref<2x128xi32, #tpu.memory_space<vmem>>
      %dma_wait3A_263 = arith.constant 0 : i32
      %dma_wait3A_264 = arith.constant 0 : i32
      %dma_wait3A_265 = tpu.memref_slice %arg3[%arg1, %dma_wait3A_257, %dma_wait3A_263, %dma_wait3A_264] : memref<16x160x2x128xi32, #tpu.memory_space<hbm>> -> memref<1x1x2x128xi32, #tpu.memory_space<hbm>>
      %dma_wait3A_266 = tpu.memref_squeeze %dma_wait3A_265 : memref<1x1x2x128xi32, #tpu.memory_space<hbm>> -> memref<2x128xi32, #tpu.memory_space<hbm>>
      %dma_wait3A_267 = arith.constant 0 : i32
      %dma_wait3A_268 = arith.constant 0 : i32
      %dma_wait3A_269 = tpu.memref_slice %arg8[%dma_wait3A_258, %dma_wait3A_267, %dma_wait3A_268] : memref<8x2x128xi32, #tpu.memory_space<vmem>> -> memref<1x2x128xi32, #tpu.memory_space<vmem>>
      %dma_wait3A_270 = tpu.memref_squeeze %dma_wait3A_269 : memref<1x2x128xi32, #tpu.memory_space<vmem>> -> memref<2x128xi32, #tpu.memory_space<vmem>>
      %dma_wait3A_271 = arith.constant 0 : i32
      %dma_wait3A_272 = arith.constant 0 : i32
      %dma_wait3A_273 = tpu.memref_slice %arg3[%arg1, %dma_wait3A_257, %dma_wait3A_271, %dma_wait3A_272] : memref<16x160x2x128xi32, #tpu.memory_space<hbm>> -> memref<1x1x2x128xi32, #tpu.memory_space<hbm>>
      %dma_wait3A_274 = tpu.memref_squeeze %dma_wait3A_273 : memref<1x1x2x128xi32, #tpu.memory_space<hbm>> -> memref<2x128xi32, #tpu.memory_space<hbm>>
      tpu.wait_dma2 semaphore(%arg15 : memref<!tpu.dma_semaphore, #tpu.memory_space<semaphore_mem>>) src(%dma_wait3A_274 : memref<2x128xi32, #tpu.memory_space<hbm>>) dst(%dma_wait3A_270 : memref<2x128xi32, #tpu.memory_space<vmem>>)
      %dma_start3A_275 = arith.constant 0 : i32
      %dma_start3A_276 = arith.constant 0 : i32
      %dma_start3A_277 = arith.constant 0 : i32
      %dma_start3A_278 = tpu.memref_slice %arg8[%dma_start3A_275, %dma_start3A_276, %dma_start3A_277] : memref<8x2x128xi32, #tpu.memory_space<vmem>> -> memref<1x1x128xi32, #tpu.memory_space<vmem>>
      %dma_start3A_279 = tpu.memref_squeeze %dma_start3A_278 : memref<1x1x128xi32, #tpu.memory_space<vmem>> -> memref<128xi32, #tpu.memory_space<vmem>>
      %dma_start3A_280 = arith.constant 0 : i32
      %dma_start3A_281 = arith.constant 0 : i32
      %dma_start3A_282 = tpu.memref_slice %arg6[%dma_start3A_280, %dma_start3A_281] : memref<10240x64xf32, #tpu.memory_space<vmem_shared>> -> memref<10240x64xf32, #tpu.memory_space<vmem_shared>>
      tpu.enqueue_indirect_dma source(%dma_start3A_282 : memref<10240x64xf32, #tpu.memory_space<vmem_shared>>) target(%arg10 : memref<128x64xf32, #tpu.memory_space<vmem>>) offsets(%dma_start3A_279 : memref<128xi32, #tpu.memory_space<vmem>>) semaphore(%arg23 : memref<!tpu.dma_semaphore, #tpu.memory_space<semaphore_mem>>)
      %dma_wait3A_283 = arith.constant 1 : i32
      %dma_wait3A_284 = arith.constant 1 : i32
      %dma_wait3A_285 = arith.constant 0 : i32
      %dma_wait3A_286 = arith.constant 0 : i32
      %dma_wait3A_287 = tpu.memref_slice %arg8[%dma_wait3A_284, %dma_wait3A_285, %dma_wait3A_286] : memref<8x2x128xi32, #tpu.memory_space<vmem>> -> memref<1x2x128xi32, #tpu.memory_space<vmem>>
      %dma_wait3A_288 = tpu.memref_squeeze %dma_wait3A_287 : memref<1x2x128xi32, #tpu.memory_space<vmem>> -> memref<2x128xi32, #tpu.memory_space<vmem>>
      %dma_wait3A_289 = arith.constant 0 : i32
      %dma_wait3A_290 = arith.constant 0 : i32
      %dma_wait3A_291 = tpu.memref_slice %arg3[%arg1, %dma_wait3A_283, %dma_wait3A_289, %dma_wait3A_290] : memref<16x160x2x128xi32, #tpu.memory_space<hbm>> -> memref<1x1x2x128xi32, #tpu.memory_space<hbm>>
      %dma_wait3A_292 = tpu.memref_squeeze %dma_wait3A_291 : memref<1x1x2x128xi32, #tpu.memory_space<hbm>> -> memref<2x128xi32, #tpu.memory_space<hbm>>
      %dma_wait3A_293 = arith.constant 0 : i32
      %dma_wait3A_294 = arith.constant 0 : i32
      %dma_wait3A_295 = tpu.memref_slice %arg8[%dma_wait3A_284, %dma_wait3A_293, %dma_wait3A_294] : memref<8x2x128xi32, #tpu.memory_space<vmem>> -> memref<1x2x128xi32, #tpu.memory_space<vmem>>
      %dma_wait3A_296 = tpu.memref_squeeze %dma_wait3A_295 : memref<1x2x128xi32, #tpu.memory_space<vmem>> -> memref<2x128xi32, #tpu.memory_space<vmem>>
      %dma_wait3A_297 = arith.constant 0 : i32
      %dma_wait3A_298 = arith.constant 0 : i32
      %dma_wait3A_299 = tpu.memref_slice %arg3[%arg1, %dma_wait3A_283, %dma_wait3A_297, %dma_wait3A_298] : memref<16x160x2x128xi32, #tpu.memory_space<hbm>> -> memref<1x1x2x128xi32, #tpu.memory_space<hbm>>
      %dma_wait3A_300 = tpu.memref_squeeze %dma_wait3A_299 : memref<1x1x2x128xi32, #tpu.memory_space<hbm>> -> memref<2x128xi32, #tpu.memory_space<hbm>>
      tpu.wait_dma2 semaphore(%arg16 : memref<!tpu.dma_semaphore, #tpu.memory_space<semaphore_mem>>) src(%dma_wait3A_300 : memref<2x128xi32, #tpu.memory_space<hbm>>) dst(%dma_wait3A_296 : memref<2x128xi32, #tpu.memory_space<vmem>>)
      %dma_start3A_301 = arith.constant 1 : i32
      %dma_start3A_302 = arith.constant 0 : i32
      %dma_start3A_303 = arith.constant 0 : i32
      %dma_start3A_304 = tpu.memref_slice %arg8[%dma_start3A_301, %dma_start3A_302, %dma_start3A_303] : memref<8x2x128xi32, #tpu.memory_space<vmem>> -> memref<1x1x128xi32, #tpu.memory_space<vmem>>
      %dma_start3A_305 = tpu.memref_squeeze %dma_start3A_304 : memref<1x1x128xi32, #tpu.memory_space<vmem>> -> memref<128xi32, #tpu.memory_space<vmem>>
      %dma_start3A_306 = arith.constant 0 : i32
      %dma_start3A_307 = arith.constant 0 : i32
      %dma_start3A_308 = tpu.memref_slice %arg6[%dma_start3A_306, %dma_start3A_307] : memref<10240x64xf32, #tpu.memory_space<vmem_shared>> -> memref<10240x64xf32, #tpu.memory_space<vmem_shared>>
      tpu.enqueue_indirect_dma source(%dma_start3A_308 : memref<10240x64xf32, #tpu.memory_space<vmem_shared>>) target(%arg11 : memref<128x64xf32, #tpu.memory_space<vmem>>) offsets(%dma_start3A_305 : memref<128xi32, #tpu.memory_space<vmem>>) semaphore(%arg24 : memref<!tpu.dma_semaphore, #tpu.memory_space<semaphore_mem>>)
      %scan3A_309 = arith.constant 0 : i32
      %scan3A_310 = arith.constant 20 : i32
      %scan3A_311 = arith.addi %scan3A_309, %scan3A_310 : i32
      %scan3A_312 = arith.constant 1 : i32
      scf.for %scan3A_342 = %scan3A_309 to %scan3A_311 step %scan3A_312  : i32 {
        %mul3A_343 = arith.constant 8 : i32
        %mul3A_344 = arith.muli %scan3A_342, %mul3A_343 : i32
        %add3A_345 = arith.constant 0 : i32
        %add3A_346 = arith.addi %add3A_345, %mul3A_344 : i32
        %add3A_347 = arith.constant 0 : i32
        %add3A_348 = arith.addi %add3A_346, %add3A_347 : i32
        %dma_wait3A_349 = arith.constant 0 : i32
        %dma_wait3A_350 = arith.constant 0 : i32
        %dma_wait3A_351 = arith.constant 0 : i32
        %dma_wait3A_352 = tpu.memref_slice %arg8[%dma_wait3A_349, %dma_wait3A_350, %dma_wait3A_351] : memref<8x2x128xi32, #tpu.memory_space<vmem>> -> memref<1x1x128xi32, #tpu.memory_space<vmem>>
        %dma_wait3A_353 = tpu.memref_squeeze %dma_wait3A_352 : memref<1x1x128xi32, #tpu.memory_space<vmem>> -> memref<128xi32, #tpu.memory_space<vmem>>
        %dma_wait3A_354 = arith.constant 0 : i32
        %dma_wait3A_355 = arith.constant 0 : i32
        %dma_wait3A_356 = tpu.memref_slice %arg6[%dma_wait3A_354, %dma_wait3A_355] : memref<10240x64xf32, #tpu.memory_space<vmem_shared>> -> memref<10240x64xf32, #tpu.memory_space<vmem_shared>>
        tpu.wait_indirect_dma semaphore(%arg23 : memref<!tpu.dma_semaphore, #tpu.memory_space<semaphore_mem>>) src(%dma_wait3A_356 : memref<10240x64xf32, #tpu.memory_space<vmem_shared>>) dst(%arg10 : memref<128x64xf32, #tpu.memory_space<vmem>>)
        %ge3A = arith.constant 2 : i32
        %ge3A_357 = arith.cmpi sge, %add3A_348, %ge3A : i32
        %convert_element_type3A = arith.extui %ge3A_357 : i1 to i32
        %cond3A = arith.constant 0 : i32
        %cond3A_358 = arith.cmpi ne, %convert_element_type3A, %cond3A : i32
        scf.if %cond3A_358 {
          %dma_wait3A_639 = arith.constant 6 : i32
          %dma_wait3A_640 = arith.constant 1 : i32
          %dma_wait3A_641 = arith.constant 0 : i32
          %dma_wait3A_642 = tpu.memref_slice %arg8[%dma_wait3A_639, %dma_wait3A_640, %dma_wait3A_641] : memref<8x2x128xi32, #tpu.memory_space<vmem>> -> memref<1x1x128xi32, #tpu.memory_space<vmem>>
          %dma_wait3A_643 = tpu.memref_squeeze %dma_wait3A_642 : memref<1x1x128xi32, #tpu.memory_space<vmem>> -> memref<128xi32, #tpu.memory_space<vmem>>
          %dma_wait3A_644 = arith.constant 0 : i32
          %dma_wait3A_645 = arith.constant 0 : i32
          %dma_wait3A_646 = tpu.memref_slice %arg7[%dma_wait3A_644, %dma_wait3A_645] : memref<10240x64xf32, #tpu.memory_space<vmem_shared>> -> memref<10240x64xf32, #tpu.memory_space<vmem_shared>>
          tpu.wait_indirect_dma semaphore(%arg29 : memref<!tpu.dma_semaphore, #tpu.memory_space<semaphore_mem>>) src(%arg12 : memref<128x64xf32, #tpu.memory_space<vmem>>) dst(%dma_wait3A_646 : memref<10240x64xf32, #tpu.memory_space<vmem_shared>>)
        } else {
        }
        %dma_start3A_359 = arith.constant 0 : i32
        %dma_start3A_360 = arith.constant 1 : i32
        %dma_start3A_361 = arith.constant 0 : i32
        %dma_start3A_362 = tpu.memref_slice %arg8[%dma_start3A_359, %dma_start3A_360, %dma_start3A_361] : memref<8x2x128xi32, #tpu.memory_space<vmem>> -> memref<1x1x128xi32, #tpu.memory_space<vmem>>
        %dma_start3A_363 = tpu.memref_squeeze %dma_start3A_362 : memref<1x1x128xi32, #tpu.memory_space<vmem>> -> memref<128xi32, #tpu.memory_space<vmem>>
        %dma_start3A_364 = arith.constant 0 : i32
        %dma_start3A_365 = arith.constant 0 : i32
        %dma_start3A_366 = tpu.memref_slice %arg7[%dma_start3A_364, %dma_start3A_365] : memref<10240x64xf32, #tpu.memory_space<vmem_shared>> -> memref<10240x64xf32, #tpu.memory_space<vmem_shared>>
        tpu.enqueue_indirect_dma source(%arg10 : memref<128x64xf32, #tpu.memory_space<vmem>>) target(%dma_start3A_366 : memref<10240x64xf32, #tpu.memory_space<vmem_shared>>) offsets(%dma_start3A_363 : memref<128xi32, #tpu.memory_space<vmem>>) semaphore(%arg27 : memref<!tpu.dma_semaphore, #tpu.memory_space<semaphore_mem>>) {add = true}
        %add3A_367 = arith.constant 2 : i32
        %add3A_368 = arith.addi %add3A_348, %add3A_367 : i32
        %lt3A = arith.constant 160 : i32
        %lt3A_369 = arith.cmpi slt, %add3A_368, %lt3A : i32
        %convert_element_type3A_370 = arith.extui %lt3A_369 : i1 to i32
        %cond3A_371 = arith.constant 0 : i32
        %cond3A_372 = arith.cmpi ne, %convert_element_type3A_370, %cond3A_371 : i32
        scf.if %cond3A_372 {
          %add3A_639 = arith.constant 2 : i32
          %add3A_640 = arith.addi %add3A_348, %add3A_639 : i32
          %dma_wait3A_641 = arith.constant 2 : i32
          %dma_wait3A_642 = arith.constant 0 : i32
          %dma_wait3A_643 = arith.constant 0 : i32
          %dma_wait3A_644 = tpu.memref_slice %arg8[%dma_wait3A_641, %dma_wait3A_642, %dma_wait3A_643] : memref<8x2x128xi32, #tpu.memory_space<vmem>> -> memref<1x2x128xi32, #tpu.memory_space<vmem>>
          %dma_wait3A_645 = tpu.memref_squeeze %dma_wait3A_644 : memref<1x2x128xi32, #tpu.memory_space<vmem>> -> memref<2x128xi32, #tpu.memory_space<vmem>>
          %dma_wait3A_646 = arith.constant 0 : i32
          %dma_wait3A_647 = arith.constant 0 : i32
          %dma_wait3A_648 = tpu.memref_slice %arg3[%arg1, %add3A_640, %dma_wait3A_646, %dma_wait3A_647] : memref<16x160x2x128xi32, #tpu.memory_space<hbm>> -> memref<1x1x2x128xi32, #tpu.memory_space<hbm>>
          %dma_wait3A_649 = tpu.memref_squeeze %dma_wait3A_648 : memref<1x1x2x128xi32, #tpu.memory_space<hbm>> -> memref<2x128xi32, #tpu.memory_space<hbm>>
          %dma_wait3A_650 = arith.constant 0 : i32
          %dma_wait3A_651 = arith.constant 0 : i32
          %dma_wait3A_652 = tpu.memref_slice %arg8[%dma_wait3A_641, %dma_wait3A_650, %dma_wait3A_651] : memref<8x2x128xi32, #tpu.memory_space<vmem>> -> memref<1x2x128xi32, #tpu.memory_space<vmem>>
          %dma_wait3A_653 = tpu.memref_squeeze %dma_wait3A_652 : memref<1x2x128xi32, #tpu.memory_space<vmem>> -> memref<2x128xi32, #tpu.memory_space<vmem>>
          %dma_wait3A_654 = arith.constant 0 : i32
          %dma_wait3A_655 = arith.constant 0 : i32
          %dma_wait3A_656 = tpu.memref_slice %arg3[%arg1, %add3A_640, %dma_wait3A_654, %dma_wait3A_655] : memref<16x160x2x128xi32, #tpu.memory_space<hbm>> -> memref<1x1x2x128xi32, #tpu.memory_space<hbm>>
          %dma_wait3A_657 = tpu.memref_squeeze %dma_wait3A_656 : memref<1x1x2x128xi32, #tpu.memory_space<hbm>> -> memref<2x128xi32, #tpu.memory_space<hbm>>
          tpu.wait_dma2 semaphore(%arg17 : memref<!tpu.dma_semaphore, #tpu.memory_space<semaphore_mem>>) src(%dma_wait3A_657 : memref<2x128xi32, #tpu.memory_space<hbm>>) dst(%dma_wait3A_653 : memref<2x128xi32, #tpu.memory_space<vmem>>)
          %dma_start3A_658 = arith.constant 2 : i32
          %dma_start3A_659 = arith.constant 0 : i32
          %dma_start3A_660 = arith.constant 0 : i32
          %dma_start3A_661 = tpu.memref_slice %arg8[%dma_start3A_658, %dma_start3A_659, %dma_start3A_660] : memref<8x2x128xi32, #tpu.memory_space<vmem>> -> memref<1x1x128xi32, #tpu.memory_space<vmem>>
          %dma_start3A_662 = tpu.memref_squeeze %dma_start3A_661 : memref<1x1x128xi32, #tpu.memory_space<vmem>> -> memref<128xi32, #tpu.memory_space<vmem>>
          %dma_start3A_663 = arith.constant 0 : i32
          %dma_start3A_664 = arith.constant 0 : i32
          %dma_start3A_665 = tpu.memref_slice %arg6[%dma_start3A_663, %dma_start3A_664] : memref<10240x64xf32, #tpu.memory_space<vmem_shared>> -> memref<10240x64xf32, #tpu.memory_space<vmem_shared>>
          tpu.enqueue_indirect_dma source(%dma_start3A_665 : memref<10240x64xf32, #tpu.memory_space<vmem_shared>>) target(%arg12 : memref<128x64xf32, #tpu.memory_space<vmem>>) offsets(%dma_start3A_662 : memref<128xi32, #tpu.memory_space<vmem>>) semaphore(%arg25 : memref<!tpu.dma_semaphore, #tpu.memory_space<semaphore_mem>>)
        } else {
        }
        %add3A_373 = arith.constant 6 : i32
        %add3A_374 = arith.addi %add3A_348, %add3A_373 : i32
        %lt3A_375 = arith.constant 160 : i32
        %lt3A_376 = arith.cmpi slt, %add3A_374, %lt3A_375 : i32
        %convert_element_type3A_377 = arith.extui %lt3A_376 : i1 to i32
        %cond3A_378 = arith.constant 0 : i32
        %cond3A_379 = arith.cmpi ne, %convert_element_type3A_377, %cond3A_378 : i32
        scf.if %cond3A_379 {
          %add3A_639 = arith.constant 6 : i32
          %add3A_640 = arith.addi %add3A_348, %add3A_639 : i32
          %dma_start3A_641 = arith.constant 6 : i32
          %dma_start3A_642 = arith.constant 0 : i32
          %dma_start3A_643 = arith.constant 0 : i32
          %dma_start3A_644 = tpu.memref_slice %arg8[%dma_start3A_641, %dma_start3A_642, %dma_start3A_643] : memref<8x2x128xi32, #tpu.memory_space<vmem>> -> memref<1x2x128xi32, #tpu.memory_space<vmem>>
          %dma_start3A_645 = tpu.memref_squeeze %dma_start3A_644 : memref<1x2x128xi32, #tpu.memory_space<vmem>> -> memref<2x128xi32, #tpu.memory_space<vmem>>
          %dma_start3A_646 = arith.constant 0 : i32
          %dma_start3A_647 = arith.constant 0 : i32
          %dma_start3A_648 = tpu.memref_slice %arg3[%arg1, %add3A_640, %dma_start3A_646, %dma_start3A_647] : memref<16x160x2x128xi32, #tpu.memory_space<hbm>> -> memref<1x1x2x128xi32, #tpu.memory_space<hbm>>
          %dma_start3A_649 = tpu.memref_squeeze %dma_start3A_648 : memref<1x1x2x128xi32, #tpu.memory_space<hbm>> -> memref<2x128xi32, #tpu.memory_space<hbm>>
          %dma_start3A_650 = arith.constant 0 : i32
          %dma_start3A_651 = arith.constant 0 : i32
          %dma_start3A_652 = tpu.memref_slice %arg8[%dma_start3A_641, %dma_start3A_650, %dma_start3A_651] : memref<8x2x128xi32, #tpu.memory_space<vmem>> -> memref<1x2x128xi32, #tpu.memory_space<vmem>>
          %dma_start3A_653 = tpu.memref_squeeze %dma_start3A_652 : memref<1x2x128xi32, #tpu.memory_space<vmem>> -> memref<2x128xi32, #tpu.memory_space<vmem>>
          %dma_start3A_654 = arith.constant 0 : i32
          %dma_start3A_655 = arith.constant 0 : i32
          %dma_start3A_656 = tpu.memref_slice %arg3[%arg1, %add3A_640, %dma_start3A_654, %dma_start3A_655] : memref<16x160x2x128xi32, #tpu.memory_space<hbm>> -> memref<1x1x2x128xi32, #tpu.memory_space<hbm>>
          %dma_start3A_657 = tpu.memref_squeeze %dma_start3A_656 : memref<1x1x2x128xi32, #tpu.memory_space<hbm>> -> memref<2x128xi32, #tpu.memory_space<hbm>>
          tpu.enqueue_dma source(%dma_start3A_657 : memref<2x128xi32, #tpu.memory_space<hbm>>) target(%dma_start3A_653 : memref<2x128xi32, #tpu.memory_space<vmem>>) target_semaphore(%arg21 : memref<!tpu.dma_semaphore, #tpu.memory_space<semaphore_mem>>)
        } else {
        }
        %add3A_380 = arith.constant 1 : i32
        %add3A_381 = arith.addi %add3A_346, %add3A_380 : i32
        %dma_wait3A_382 = arith.constant 1 : i32
        %dma_wait3A_383 = arith.constant 0 : i32
        %dma_wait3A_384 = arith.constant 0 : i32
        %dma_wait3A_385 = tpu.memref_slice %arg8[%dma_wait3A_382, %dma_wait3A_383, %dma_wait3A_384] : memref<8x2x128xi32, #tpu.memory_space<vmem>> -> memref<1x1x128xi32, #tpu.memory_space<vmem>>
        %dma_wait3A_386 = tpu.memref_squeeze %dma_wait3A_385 : memref<1x1x128xi32, #tpu.memory_space<vmem>> -> memref<128xi32, #tpu.memory_space<vmem>>
        %dma_wait3A_387 = arith.constant 0 : i32
        %dma_wait3A_388 = arith.constant 0 : i32
        %dma_wait3A_389 = tpu.memref_slice %arg6[%dma_wait3A_387, %dma_wait3A_388] : memref<10240x64xf32, #tpu.memory_space<vmem_shared>> -> memref<10240x64xf32, #tpu.memory_space<vmem_shared>>
        tpu.wait_indirect_dma semaphore(%arg24 : memref<!tpu.dma_semaphore, #tpu.memory_space<semaphore_mem>>) src(%dma_wait3A_389 : memref<10240x64xf32, #tpu.memory_space<vmem_shared>>) dst(%arg11 : memref<128x64xf32, #tpu.memory_space<vmem>>)
        %ge3A_390 = arith.constant 2 : i32
        %ge3A_391 = arith.cmpi sge, %add3A_381, %ge3A_390 : i32
        %convert_element_type3A_392 = arith.extui %ge3A_391 : i1 to i32
        %cond3A_393 = arith.constant 0 : i32
        %cond3A_394 = arith.cmpi ne, %convert_element_type3A_392, %cond3A_393 : i32
        scf.if %cond3A_394 {
          %dma_wait3A_639 = arith.constant 7 : i32
          %dma_wait3A_640 = arith.constant 1 : i32
          %dma_wait3A_641 = arith.constant 0 : i32
          %dma_wait3A_642 = tpu.memref_slice %arg8[%dma_wait3A_639, %dma_wait3A_640, %dma_wait3A_641] : memref<8x2x128xi32, #tpu.memory_space<vmem>> -> memref<1x1x128xi32, #tpu.memory_space<vmem>>
          %dma_wait3A_643 = tpu.memref_squeeze %dma_wait3A_642 : memref<1x1x128xi32, #tpu.memory_space<vmem>> -> memref<128xi32, #tpu.memory_space<vmem>>
          %dma_wait3A_644 = arith.constant 0 : i32
          %dma_wait3A_645 = arith.constant 0 : i32
          %dma_wait3A_646 = tpu.memref_slice %arg7[%dma_wait3A_644, %dma_wait3A_645] : memref<10240x64xf32, #tpu.memory_space<vmem_shared>> -> memref<10240x64xf32, #tpu.memory_space<vmem_shared>>
          tpu.wait_indirect_dma semaphore(%arg30 : memref<!tpu.dma_semaphore, #tpu.memory_space<semaphore_mem>>) src(%arg13 : memref<128x64xf32, #tpu.memory_space<vmem>>) dst(%dma_wait3A_646 : memref<10240x64xf32, #tpu.memory_space<vmem_shared>>)
        } else {
        }
        %dma_start3A_395 = arith.constant 1 : i32
        %dma_start3A_396 = arith.constant 1 : i32
        %dma_start3A_397 = arith.constant 0 : i32
        %dma_start3A_398 = tpu.memref_slice %arg8[%dma_start3A_395, %dma_start3A_396, %dma_start3A_397] : memref<8x2x128xi32, #tpu.memory_space<vmem>> -> memref<1x1x128xi32, #tpu.memory_space<vmem>>
        %dma_start3A_399 = tpu.memref_squeeze %dma_start3A_398 : memref<1x1x128xi32, #tpu.memory_space<vmem>> -> memref<128xi32, #tpu.memory_space<vmem>>
        %dma_start3A_400 = arith.constant 0 : i32
        %dma_start3A_401 = arith.constant 0 : i32
        %dma_start3A_402 = tpu.memref_slice %arg7[%dma_start3A_400, %dma_start3A_401] : memref<10240x64xf32, #tpu.memory_space<vmem_shared>> -> memref<10240x64xf32, #tpu.memory_space<vmem_shared>>
        tpu.enqueue_indirect_dma source(%arg11 : memref<128x64xf32, #tpu.memory_space<vmem>>) target(%dma_start3A_402 : memref<10240x64xf32, #tpu.memory_space<vmem_shared>>) offsets(%dma_start3A_399 : memref<128xi32, #tpu.memory_space<vmem>>) semaphore(%arg28 : memref<!tpu.dma_semaphore, #tpu.memory_space<semaphore_mem>>) {add = true}
        %add3A_403 = arith.constant 2 : i32
        %add3A_404 = arith.addi %add3A_381, %add3A_403 : i32
        %lt3A_405 = arith.constant 160 : i32
        %lt3A_406 = arith.cmpi slt, %add3A_404, %lt3A_405 : i32
        %convert_element_type3A_407 = arith.extui %lt3A_406 : i1 to i32
        %cond3A_408 = arith.constant 0 : i32
        %cond3A_409 = arith.cmpi ne, %convert_element_type3A_407, %cond3A_408 : i32
        scf.if %cond3A_409 {
          %add3A_639 = arith.constant 2 : i32
          %add3A_640 = arith.addi %add3A_381, %add3A_639 : i32
          %dma_wait3A_641 = arith.constant 3 : i32
          %dma_wait3A_642 = arith.constant 0 : i32
          %dma_wait3A_643 = arith.constant 0 : i32
          %dma_wait3A_644 = tpu.memref_slice %arg8[%dma_wait3A_641, %dma_wait3A_642, %dma_wait3A_643] : memref<8x2x128xi32, #tpu.memory_space<vmem>> -> memref<1x2x128xi32, #tpu.memory_space<vmem>>
          %dma_wait3A_645 = tpu.memref_squeeze %dma_wait3A_644 : memref<1x2x128xi32, #tpu.memory_space<vmem>> -> memref<2x128xi32, #tpu.memory_space<vmem>>
          %dma_wait3A_646 = arith.constant 0 : i32
          %dma_wait3A_647 = arith.constant 0 : i32
          %dma_wait3A_648 = tpu.memref_slice %arg3[%arg1, %add3A_640, %dma_wait3A_646, %dma_wait3A_647] : memref<16x160x2x128xi32, #tpu.memory_space<hbm>> -> memref<1x1x2x128xi32, #tpu.memory_space<hbm>>
          %dma_wait3A_649 = tpu.memref_squeeze %dma_wait3A_648 : memref<1x1x2x128xi32, #tpu.memory_space<hbm>> -> memref<2x128xi32, #tpu.memory_space<hbm>>
          %dma_wait3A_650 = arith.constant 0 : i32
          %dma_wait3A_651 = arith.constant 0 : i32
          %dma_wait3A_652 = tpu.memref_slice %arg8[%dma_wait3A_641, %dma_wait3A_650, %dma_wait3A_651] : memref<8x2x128xi32, #tpu.memory_space<vmem>> -> memref<1x2x128xi32, #tpu.memory_space<vmem>>
          %dma_wait3A_653 = tpu.memref_squeeze %dma_wait3A_652 : memref<1x2x128xi32, #tpu.memory_space<vmem>> -> memref<2x128xi32, #tpu.memory_space<vmem>>
          %dma_wait3A_654 = arith.constant 0 : i32
          %dma_wait3A_655 = arith.constant 0 : i32
          %dma_wait3A_656 = tpu.memref_slice %arg3[%arg1, %add3A_640, %dma_wait3A_654, %dma_wait3A_655] : memref<16x160x2x128xi32, #tpu.memory_space<hbm>> -> memref<1x1x2x128xi32, #tpu.memory_space<hbm>>
          %dma_wait3A_657 = tpu.memref_squeeze %dma_wait3A_656 : memref<1x1x2x128xi32, #tpu.memory_space<hbm>> -> memref<2x128xi32, #tpu.memory_space<hbm>>
          tpu.wait_dma2 semaphore(%arg18 : memref<!tpu.dma_semaphore, #tpu.memory_space<semaphore_mem>>) src(%dma_wait3A_657 : memref<2x128xi32, #tpu.memory_space<hbm>>) dst(%dma_wait3A_653 : memref<2x128xi32, #tpu.memory_space<vmem>>)
          %dma_start3A_658 = arith.constant 3 : i32
          %dma_start3A_659 = arith.constant 0 : i32
          %dma_start3A_660 = arith.constant 0 : i32
          %dma_start3A_661 = tpu.memref_slice %arg8[%dma_start3A_658, %dma_start3A_659, %dma_start3A_660] : memref<8x2x128xi32, #tpu.memory_space<vmem>> -> memref<1x1x128xi32, #tpu.memory_space<vmem>>
          %dma_start3A_662 = tpu.memref_squeeze %dma_start3A_661 : memref<1x1x128xi32, #tpu.memory_space<vmem>> -> memref<128xi32, #tpu.memory_space<vmem>>
          %dma_start3A_663 = arith.constant 0 : i32
          %dma_start3A_664 = arith.constant 0 : i32
          %dma_start3A_665 = tpu.memref_slice %arg6[%dma_start3A_663, %dma_start3A_664] : memref<10240x64xf32, #tpu.memory_space<vmem_shared>> -> memref<10240x64xf32, #tpu.memory_space<vmem_shared>>
          tpu.enqueue_indirect_dma source(%dma_start3A_665 : memref<10240x64xf32, #tpu.memory_space<vmem_shared>>) target(%arg13 : memref<128x64xf32, #tpu.memory_space<vmem>>) offsets(%dma_start3A_662 : memref<128xi32, #tpu.memory_space<vmem>>) semaphore(%arg26 : memref<!tpu.dma_semaphore, #tpu.memory_space<semaphore_mem>>)
        } else {
        }
        %add3A_410 = arith.constant 6 : i32
        %add3A_411 = arith.addi %add3A_381, %add3A_410 : i32
        %lt3A_412 = arith.constant 160 : i32
        %lt3A_413 = arith.cmpi slt, %add3A_411, %lt3A_412 : i32
        %convert_element_type3A_414 = arith.extui %lt3A_413 : i1 to i32
        %cond3A_415 = arith.constant 0 : i32
        %cond3A_416 = arith.cmpi ne, %convert_element_type3A_414, %cond3A_415 : i32
        scf.if %cond3A_416 {
          %add3A_639 = arith.constant 6 : i32
          %add3A_640 = arith.addi %add3A_381, %add3A_639 : i32
          %dma_start3A_641 = arith.constant 7 : i32
          %dma_start3A_642 = arith.constant 0 : i32
          %dma_start3A_643 = arith.constant 0 : i32
          %dma_start3A_644 = tpu.memref_slice %arg8[%dma_start3A_641, %dma_start3A_642, %dma_start3A_643] : memref<8x2x128xi32, #tpu.memory_space<vmem>> -> memref<1x2x128xi32, #tpu.memory_space<vmem>>
          %dma_start3A_645 = tpu.memref_squeeze %dma_start3A_644 : memref<1x2x128xi32, #tpu.memory_space<vmem>> -> memref<2x128xi32, #tpu.memory_space<vmem>>
          %dma_start3A_646 = arith.constant 0 : i32
          %dma_start3A_647 = arith.constant 0 : i32
          %dma_start3A_648 = tpu.memref_slice %arg3[%arg1, %add3A_640, %dma_start3A_646, %dma_start3A_647] : memref<16x160x2x128xi32, #tpu.memory_space<hbm>> -> memref<1x1x2x128xi32, #tpu.memory_space<hbm>>
          %dma_start3A_649 = tpu.memref_squeeze %dma_start3A_648 : memref<1x1x2x128xi32, #tpu.memory_space<hbm>> -> memref<2x128xi32, #tpu.memory_space<hbm>>
          %dma_start3A_650 = arith.constant 0 : i32
          %dma_start3A_651 = arith.constant 0 : i32
          %dma_start3A_652 = tpu.memref_slice %arg8[%dma_start3A_641, %dma_start3A_650, %dma_start3A_651] : memref<8x2x128xi32, #tpu.memory_space<vmem>> -> memref<1x2x128xi32, #tpu.memory_space<vmem>>
          %dma_start3A_653 = tpu.memref_squeeze %dma_start3A_652 : memref<1x2x128xi32, #tpu.memory_space<vmem>> -> memref<2x128xi32, #tpu.memory_space<vmem>>
          %dma_start3A_654 = arith.constant 0 : i32
          %dma_start3A_655 = arith.constant 0 : i32
          %dma_start3A_656 = tpu.memref_slice %arg3[%arg1, %add3A_640, %dma_start3A_654, %dma_start3A_655] : memref<16x160x2x128xi32, #tpu.memory_space<hbm>> -> memref<1x1x2x128xi32, #tpu.memory_space<hbm>>
          %dma_start3A_657 = tpu.memref_squeeze %dma_start3A_656 : memref<1x1x2x128xi32, #tpu.memory_space<hbm>> -> memref<2x128xi32, #tpu.memory_space<hbm>>
          tpu.enqueue_dma source(%dma_start3A_657 : memref<2x128xi32, #tpu.memory_space<hbm>>) target(%dma_start3A_653 : memref<2x128xi32, #tpu.memory_space<vmem>>) target_semaphore(%arg22 : memref<!tpu.dma_semaphore, #tpu.memory_space<semaphore_mem>>)
        } else {
        }
        %add3A_417 = arith.constant 2 : i32
        %add3A_418 = arith.addi %add3A_346, %add3A_417 : i32
        %dma_wait3A_419 = arith.constant 2 : i32
        %dma_wait3A_420 = arith.constant 0 : i32
        %dma_wait3A_421 = arith.constant 0 : i32
        %dma_wait3A_422 = tpu.memref_slice %arg8[%dma_wait3A_419, %dma_wait3A_420, %dma_wait3A_421] : memref<8x2x128xi32, #tpu.memory_space<vmem>> -> memref<1x1x128xi32, #tpu.memory_space<vmem>>
        %dma_wait3A_423 = tpu.memref_squeeze %dma_wait3A_422 : memref<1x1x128xi32, #tpu.memory_space<vmem>> -> memref<128xi32, #tpu.memory_space<vmem>>
        %dma_wait3A_424 = arith.constant 0 : i32
        %dma_wait3A_425 = arith.constant 0 : i32
        %dma_wait3A_426 = tpu.memref_slice %arg6[%dma_wait3A_424, %dma_wait3A_425] : memref<10240x64xf32, #tpu.memory_space<vmem_shared>> -> memref<10240x64xf32, #tpu.memory_space<vmem_shared>>
        tpu.wait_indirect_dma semaphore(%arg25 : memref<!tpu.dma_semaphore, #tpu.memory_space<semaphore_mem>>) src(%dma_wait3A_426 : memref<10240x64xf32, #tpu.memory_space<vmem_shared>>) dst(%arg12 : memref<128x64xf32, #tpu.memory_space<vmem>>)
        %ge3A_427 = arith.constant 2 : i32
        %ge3A_428 = arith.cmpi sge, %add3A_418, %ge3A_427 : i32
        %convert_element_type3A_429 = arith.extui %ge3A_428 : i1 to i32
        %cond3A_430 = arith.constant 0 : i32
        %cond3A_431 = arith.cmpi ne, %convert_element_type3A_429, %cond3A_430 : i32
        scf.if %cond3A_431 {
          %dma_wait3A_639 = arith.constant 0 : i32
          %dma_wait3A_640 = arith.constant 1 : i32
          %dma_wait3A_641 = arith.constant 0 : i32
          %dma_wait3A_642 = tpu.memref_slice %arg8[%dma_wait3A_639, %dma_wait3A_640, %dma_wait3A_641] : memref<8x2x128xi32, #tpu.memory_space<vmem>> -> memref<1x1x128xi32, #tpu.memory_space<vmem>>
          %dma_wait3A_643 = tpu.memref_squeeze %dma_wait3A_642 : memref<1x1x128xi32, #tpu.memory_space<vmem>> -> memref<128xi32, #tpu.memory_space<vmem>>
          %dma_wait3A_644 = arith.constant 0 : i32
          %dma_wait3A_645 = arith.constant 0 : i32
          %dma_wait3A_646 = tpu.memref_slice %arg7[%dma_wait3A_644, %dma_wait3A_645] : memref<10240x64xf32, #tpu.memory_space<vmem_shared>> -> memref<10240x64xf32, #tpu.memory_space<vmem_shared>>
          tpu.wait_indirect_dma semaphore(%arg27 : memref<!tpu.dma_semaphore, #tpu.memory_space<semaphore_mem>>) src(%arg10 : memref<128x64xf32, #tpu.memory_space<vmem>>) dst(%dma_wait3A_646 : memref<10240x64xf32, #tpu.memory_space<vmem_shared>>)
        } else {
        }
        %dma_start3A_432 = arith.constant 2 : i32
        %dma_start3A_433 = arith.constant 1 : i32
        %dma_start3A_434 = arith.constant 0 : i32
        %dma_start3A_435 = tpu.memref_slice %arg8[%dma_start3A_432, %dma_start3A_433, %dma_start3A_434] : memref<8x2x128xi32, #tpu.memory_space<vmem>> -> memref<1x1x128xi32, #tpu.memory_space<vmem>>
        %dma_start3A_436 = tpu.memref_squeeze %dma_start3A_435 : memref<1x1x128xi32, #tpu.memory_space<vmem>> -> memref<128xi32, #tpu.memory_space<vmem>>
        %dma_start3A_437 = arith.constant 0 : i32
        %dma_start3A_438 = arith.constant 0 : i32
        %dma_start3A_439 = tpu.memref_slice %arg7[%dma_start3A_437, %dma_start3A_438] : memref<10240x64xf32, #tpu.memory_space<vmem_shared>> -> memref<10240x64xf32, #tpu.memory_space<vmem_shared>>
        tpu.enqueue_indirect_dma source(%arg12 : memref<128x64xf32, #tpu.memory_space<vmem>>) target(%dma_start3A_439 : memref<10240x64xf32, #tpu.memory_space<vmem_shared>>) offsets(%dma_start3A_436 : memref<128xi32, #tpu.memory_space<vmem>>) semaphore(%arg29 : memref<!tpu.dma_semaphore, #tpu.memory_space<semaphore_mem>>) {add = true}
        %add3A_440 = arith.constant 2 : i32
        %add3A_441 = arith.addi %add3A_418, %add3A_440 : i32
        %lt3A_442 = arith.constant 160 : i32
        %lt3A_443 = arith.cmpi slt, %add3A_441, %lt3A_442 : i32
        %convert_element_type3A_444 = arith.extui %lt3A_443 : i1 to i32
        %cond3A_445 = arith.constant 0 : i32
        %cond3A_446 = arith.cmpi ne, %convert_element_type3A_444, %cond3A_445 : i32
        scf.if %cond3A_446 {
          %add3A_639 = arith.constant 2 : i32
          %add3A_640 = arith.addi %add3A_418, %add3A_639 : i32
          %dma_wait3A_641 = arith.constant 4 : i32
          %dma_wait3A_642 = arith.constant 0 : i32
          %dma_wait3A_643 = arith.constant 0 : i32
          %dma_wait3A_644 = tpu.memref_slice %arg8[%dma_wait3A_641, %dma_wait3A_642, %dma_wait3A_643] : memref<8x2x128xi32, #tpu.memory_space<vmem>> -> memref<1x2x128xi32, #tpu.memory_space<vmem>>
          %dma_wait3A_645 = tpu.memref_squeeze %dma_wait3A_644 : memref<1x2x128xi32, #tpu.memory_space<vmem>> -> memref<2x128xi32, #tpu.memory_space<vmem>>
          %dma_wait3A_646 = arith.constant 0 : i32
          %dma_wait3A_647 = arith.constant 0 : i32
          %dma_wait3A_648 = tpu.memref_slice %arg3[%arg1, %add3A_640, %dma_wait3A_646, %dma_wait3A_647] : memref<16x160x2x128xi32, #tpu.memory_space<hbm>> -> memref<1x1x2x128xi32, #tpu.memory_space<hbm>>
          %dma_wait3A_649 = tpu.memref_squeeze %dma_wait3A_648 : memref<1x1x2x128xi32, #tpu.memory_space<hbm>> -> memref<2x128xi32, #tpu.memory_space<hbm>>
          %dma_wait3A_650 = arith.constant 0 : i32
          %dma_wait3A_651 = arith.constant 0 : i32
          %dma_wait3A_652 = tpu.memref_slice %arg8[%dma_wait3A_641, %dma_wait3A_650, %dma_wait3A_651] : memref<8x2x128xi32, #tpu.memory_space<vmem>> -> memref<1x2x128xi32, #tpu.memory_space<vmem>>
          %dma_wait3A_653 = tpu.memref_squeeze %dma_wait3A_652 : memref<1x2x128xi32, #tpu.memory_space<vmem>> -> memref<2x128xi32, #tpu.memory_space<vmem>>
          %dma_wait3A_654 = arith.constant 0 : i32
          %dma_wait3A_655 = arith.constant 0 : i32
          %dma_wait3A_656 = tpu.memref_slice %arg3[%arg1, %add3A_640, %dma_wait3A_654, %dma_wait3A_655] : memref<16x160x2x128xi32, #tpu.memory_space<hbm>> -> memref<1x1x2x128xi32, #tpu.memory_space<hbm>>
          %dma_wait3A_657 = tpu.memref_squeeze %dma_wait3A_656 : memref<1x1x2x128xi32, #tpu.memory_space<hbm>> -> memref<2x128xi32, #tpu.memory_space<hbm>>
          tpu.wait_dma2 semaphore(%arg19 : memref<!tpu.dma_semaphore, #tpu.memory_space<semaphore_mem>>) src(%dma_wait3A_657 : memref<2x128xi32, #tpu.memory_space<hbm>>) dst(%dma_wait3A_653 : memref<2x128xi32, #tpu.memory_space<vmem>>)
          %dma_start3A_658 = arith.constant 4 : i32
          %dma_start3A_659 = arith.constant 0 : i32
          %dma_start3A_660 = arith.constant 0 : i32
          %dma_start3A_661 = tpu.memref_slice %arg8[%dma_start3A_658, %dma_start3A_659, %dma_start3A_660] : memref<8x2x128xi32, #tpu.memory_space<vmem>> -> memref<1x1x128xi32, #tpu.memory_space<vmem>>
          %dma_start3A_662 = tpu.memref_squeeze %dma_start3A_661 : memref<1x1x128xi32, #tpu.memory_space<vmem>> -> memref<128xi32, #tpu.memory_space<vmem>>
          %dma_start3A_663 = arith.constant 0 : i32
          %dma_start3A_664 = arith.constant 0 : i32
          %dma_start3A_665 = tpu.memref_slice %arg6[%dma_start3A_663, %dma_start3A_664] : memref<10240x64xf32, #tpu.memory_space<vmem_shared>> -> memref<10240x64xf32, #tpu.memory_space<vmem_shared>>
          tpu.enqueue_indirect_dma source(%dma_start3A_665 : memref<10240x64xf32, #tpu.memory_space<vmem_shared>>) target(%arg10 : memref<128x64xf32, #tpu.memory_space<vmem>>) offsets(%dma_start3A_662 : memref<128xi32, #tpu.memory_space<vmem>>) semaphore(%arg23 : memref<!tpu.dma_semaphore, #tpu.memory_space<semaphore_mem>>)
        } else {
        }
        %add3A_447 = arith.constant 6 : i32
        %add3A_448 = arith.addi %add3A_418, %add3A_447 : i32
        %lt3A_449 = arith.constant 160 : i32
        %lt3A_450 = arith.cmpi slt, %add3A_448, %lt3A_449 : i32
        %convert_element_type3A_451 = arith.extui %lt3A_450 : i1 to i32
        %cond3A_452 = arith.constant 0 : i32
        %cond3A_453 = arith.cmpi ne, %convert_element_type3A_451, %cond3A_452 : i32
        scf.if %cond3A_453 {
          %add3A_639 = arith.constant 6 : i32
          %add3A_640 = arith.addi %add3A_418, %add3A_639 : i32
          %dma_start3A_641 = arith.constant 0 : i32
          %dma_start3A_642 = arith.constant 0 : i32
          %dma_start3A_643 = arith.constant 0 : i32
          %dma_start3A_644 = tpu.memref_slice %arg8[%dma_start3A_641, %dma_start3A_642, %dma_start3A_643] : memref<8x2x128xi32, #tpu.memory_space<vmem>> -> memref<1x2x128xi32, #tpu.memory_space<vmem>>
          %dma_start3A_645 = tpu.memref_squeeze %dma_start3A_644 : memref<1x2x128xi32, #tpu.memory_space<vmem>> -> memref<2x128xi32, #tpu.memory_space<vmem>>
          %dma_start3A_646 = arith.constant 0 : i32
          %dma_start3A_647 = arith.constant 0 : i32
          %dma_start3A_648 = tpu.memref_slice %arg3[%arg1, %add3A_640, %dma_start3A_646, %dma_start3A_647] : memref<16x160x2x128xi32, #tpu.memory_space<hbm>> -> memref<1x1x2x128xi32, #tpu.memory_space<hbm>>
          %dma_start3A_649 = tpu.memref_squeeze %dma_start3A_648 : memref<1x1x2x128xi32, #tpu.memory_space<hbm>> -> memref<2x128xi32, #tpu.memory_space<hbm>>
          %dma_start3A_650 = arith.constant 0 : i32
          %dma_start3A_651 = arith.constant 0 : i32
          %dma_start3A_652 = tpu.memref_slice %arg8[%dma_start3A_641, %dma_start3A_650, %dma_start3A_651] : memref<8x2x128xi32, #tpu.memory_space<vmem>> -> memref<1x2x128xi32, #tpu.memory_space<vmem>>
          %dma_start3A_653 = tpu.memref_squeeze %dma_start3A_652 : memref<1x2x128xi32, #tpu.memory_space<vmem>> -> memref<2x128xi32, #tpu.memory_space<vmem>>
          %dma_start3A_654 = arith.constant 0 : i32
          %dma_start3A_655 = arith.constant 0 : i32
          %dma_start3A_656 = tpu.memref_slice %arg3[%arg1, %add3A_640, %dma_start3A_654, %dma_start3A_655] : memref<16x160x2x128xi32, #tpu.memory_space<hbm>> -> memref<1x1x2x128xi32, #tpu.memory_space<hbm>>
          %dma_start3A_657 = tpu.memref_squeeze %dma_start3A_656 : memref<1x1x2x128xi32, #tpu.memory_space<hbm>> -> memref<2x128xi32, #tpu.memory_space<hbm>>
          tpu.enqueue_dma source(%dma_start3A_657 : memref<2x128xi32, #tpu.memory_space<hbm>>) target(%dma_start3A_653 : memref<2x128xi32, #tpu.memory_space<vmem>>) target_semaphore(%arg15 : memref<!tpu.dma_semaphore, #tpu.memory_space<semaphore_mem>>)
        } else {
        }
        %add3A_454 = arith.constant 3 : i32
        %add3A_455 = arith.addi %add3A_346, %add3A_454 : i32
        %dma_wait3A_456 = arith.constant 3 : i32
        %dma_wait3A_457 = arith.constant 0 : i32
        %dma_wait3A_458 = arith.constant 0 : i32
        %dma_wait3A_459 = tpu.memref_slice %arg8[%dma_wait3A_456, %dma_wait3A_457, %dma_wait3A_458] : memref<8x2x128xi32, #tpu.memory_space<vmem>> -> memref<1x1x128xi32, #tpu.memory_space<vmem>>
        %dma_wait3A_460 = tpu.memref_squeeze %dma_wait3A_459 : memref<1x1x128xi32, #tpu.memory_space<vmem>> -> memref<128xi32, #tpu.memory_space<vmem>>
        %dma_wait3A_461 = arith.constant 0 : i32
        %dma_wait3A_462 = arith.constant 0 : i32
        %dma_wait3A_463 = tpu.memref_slice %arg6[%dma_wait3A_461, %dma_wait3A_462] : memref<10240x64xf32, #tpu.memory_space<vmem_shared>> -> memref<10240x64xf32, #tpu.memory_space<vmem_shared>>
        tpu.wait_indirect_dma semaphore(%arg26 : memref<!tpu.dma_semaphore, #tpu.memory_space<semaphore_mem>>) src(%dma_wait3A_463 : memref<10240x64xf32, #tpu.memory_space<vmem_shared>>) dst(%arg13 : memref<128x64xf32, #tpu.memory_space<vmem>>)
        %ge3A_464 = arith.constant 2 : i32
        %ge3A_465 = arith.cmpi sge, %add3A_455, %ge3A_464 : i32
        %convert_element_type3A_466 = arith.extui %ge3A_465 : i1 to i32
        %cond3A_467 = arith.constant 0 : i32
        %cond3A_468 = arith.cmpi ne, %convert_element_type3A_466, %cond3A_467 : i32
        scf.if %cond3A_468 {
          %dma_wait3A_639 = arith.constant 1 : i32
          %dma_wait3A_640 = arith.constant 1 : i32
          %dma_wait3A_641 = arith.constant 0 : i32
          %dma_wait3A_642 = tpu.memref_slice %arg8[%dma_wait3A_639, %dma_wait3A_640, %dma_wait3A_641] : memref<8x2x128xi32, #tpu.memory_space<vmem>> -> memref<1x1x128xi32, #tpu.memory_space<vmem>>
          %dma_wait3A_643 = tpu.memref_squeeze %dma_wait3A_642 : memref<1x1x128xi32, #tpu.memory_space<vmem>> -> memref<128xi32, #tpu.memory_space<vmem>>
          %dma_wait3A_644 = arith.constant 0 : i32
          %dma_wait3A_645 = arith.constant 0 : i32
          %dma_wait3A_646 = tpu.memref_slice %arg7[%dma_wait3A_644, %dma_wait3A_645] : memref<10240x64xf32, #tpu.memory_space<vmem_shared>> -> memref<10240x64xf32, #tpu.memory_space<vmem_shared>>
          tpu.wait_indirect_dma semaphore(%arg28 : memref<!tpu.dma_semaphore, #tpu.memory_space<semaphore_mem>>) src(%arg11 : memref<128x64xf32, #tpu.memory_space<vmem>>) dst(%dma_wait3A_646 : memref<10240x64xf32, #tpu.memory_space<vmem_shared>>)
        } else {
        }
        %dma_start3A_469 = arith.constant 3 : i32
        %dma_start3A_470 = arith.constant 1 : i32
        %dma_start3A_471 = arith.constant 0 : i32
        %dma_start3A_472 = tpu.memref_slice %arg8[%dma_start3A_469, %dma_start3A_470, %dma_start3A_471] : memref<8x2x128xi32, #tpu.memory_space<vmem>> -> memref<1x1x128xi32, #tpu.memory_space<vmem>>
        %dma_start3A_473 = tpu.memref_squeeze %dma_start3A_472 : memref<1x1x128xi32, #tpu.memory_space<vmem>> -> memref<128xi32, #tpu.memory_space<vmem>>
        %dma_start3A_474 = arith.constant 0 : i32
        %dma_start3A_475 = arith.constant 0 : i32
        %dma_start3A_476 = tpu.memref_slice %arg7[%dma_start3A_474, %dma_start3A_475] : memref<10240x64xf32, #tpu.memory_space<vmem_shared>> -> memref<10240x64xf32, #tpu.memory_space<vmem_shared>>
        tpu.enqueue_indirect_dma source(%arg13 : memref<128x64xf32, #tpu.memory_space<vmem>>) target(%dma_start3A_476 : memref<10240x64xf32, #tpu.memory_space<vmem_shared>>) offsets(%dma_start3A_473 : memref<128xi32, #tpu.memory_space<vmem>>) semaphore(%arg30 : memref<!tpu.dma_semaphore, #tpu.memory_space<semaphore_mem>>) {add = true}
        %add3A_477 = arith.constant 2 : i32
        %add3A_478 = arith.addi %add3A_455, %add3A_477 : i32
        %lt3A_479 = arith.constant 160 : i32
        %lt3A_480 = arith.cmpi slt, %add3A_478, %lt3A_479 : i32
        %convert_element_type3A_481 = arith.extui %lt3A_480 : i1 to i32
        %cond3A_482 = arith.constant 0 : i32
        %cond3A_483 = arith.cmpi ne, %convert_element_type3A_481, %cond3A_482 : i32
        scf.if %cond3A_483 {
          %add3A_639 = arith.constant 2 : i32
          %add3A_640 = arith.addi %add3A_455, %add3A_639 : i32
          %dma_wait3A_641 = arith.constant 5 : i32
          %dma_wait3A_642 = arith.constant 0 : i32
          %dma_wait3A_643 = arith.constant 0 : i32
          %dma_wait3A_644 = tpu.memref_slice %arg8[%dma_wait3A_641, %dma_wait3A_642, %dma_wait3A_643] : memref<8x2x128xi32, #tpu.memory_space<vmem>> -> memref<1x2x128xi32, #tpu.memory_space<vmem>>
          %dma_wait3A_645 = tpu.memref_squeeze %dma_wait3A_644 : memref<1x2x128xi32, #tpu.memory_space<vmem>> -> memref<2x128xi32, #tpu.memory_space<vmem>>
          %dma_wait3A_646 = arith.constant 0 : i32
          %dma_wait3A_647 = arith.constant 0 : i32
          %dma_wait3A_648 = tpu.memref_slice %arg3[%arg1, %add3A_640, %dma_wait3A_646, %dma_wait3A_647] : memref<16x160x2x128xi32, #tpu.memory_space<hbm>> -> memref<1x1x2x128xi32, #tpu.memory_space<hbm>>
          %dma_wait3A_649 = tpu.memref_squeeze %dma_wait3A_648 : memref<1x1x2x128xi32, #tpu.memory_space<hbm>> -> memref<2x128xi32, #tpu.memory_space<hbm>>
          %dma_wait3A_650 = arith.constant 0 : i32
          %dma_wait3A_651 = arith.constant 0 : i32
          %dma_wait3A_652 = tpu.memref_slice %arg8[%dma_wait3A_641, %dma_wait3A_650, %dma_wait3A_651] : memref<8x2x128xi32, #tpu.memory_space<vmem>> -> memref<1x2x128xi32, #tpu.memory_space<vmem>>
          %dma_wait3A_653 = tpu.memref_squeeze %dma_wait3A_652 : memref<1x2x128xi32, #tpu.memory_space<vmem>> -> memref<2x128xi32, #tpu.memory_space<vmem>>
          %dma_wait3A_654 = arith.constant 0 : i32
          %dma_wait3A_655 = arith.constant 0 : i32
          %dma_wait3A_656 = tpu.memref_slice %arg3[%arg1, %add3A_640, %dma_wait3A_654, %dma_wait3A_655] : memref<16x160x2x128xi32, #tpu.memory_space<hbm>> -> memref<1x1x2x128xi32, #tpu.memory_space<hbm>>
          %dma_wait3A_657 = tpu.memref_squeeze %dma_wait3A_656 : memref<1x1x2x128xi32, #tpu.memory_space<hbm>> -> memref<2x128xi32, #tpu.memory_space<hbm>>
          tpu.wait_dma2 semaphore(%arg20 : memref<!tpu.dma_semaphore, #tpu.memory_space<semaphore_mem>>) src(%dma_wait3A_657 : memref<2x128xi32, #tpu.memory_space<hbm>>) dst(%dma_wait3A_653 : memref<2x128xi32, #tpu.memory_space<vmem>>)
          %dma_start3A_658 = arith.constant 5 : i32
          %dma_start3A_659 = arith.constant 0 : i32
          %dma_start3A_660 = arith.constant 0 : i32
          %dma_start3A_661 = tpu.memref_slice %arg8[%dma_start3A_658, %dma_start3A_659, %dma_start3A_660] : memref<8x2x128xi32, #tpu.memory_space<vmem>> -> memref<1x1x128xi32, #tpu.memory_space<vmem>>
          %dma_start3A_662 = tpu.memref_squeeze %dma_start3A_661 : memref<1x1x128xi32, #tpu.memory_space<vmem>> -> memref<128xi32, #tpu.memory_space<vmem>>
          %dma_start3A_663 = arith.constant 0 : i32
          %dma_start3A_664 = arith.constant 0 : i32
          %dma_start3A_665 = tpu.memref_slice %arg6[%dma_start3A_663, %dma_start3A_664] : memref<10240x64xf32, #tpu.memory_space<vmem_shared>> -> memref<10240x64xf32, #tpu.memory_space<vmem_shared>>
          tpu.enqueue_indirect_dma source(%dma_start3A_665 : memref<10240x64xf32, #tpu.memory_space<vmem_shared>>) target(%arg11 : memref<128x64xf32, #tpu.memory_space<vmem>>) offsets(%dma_start3A_662 : memref<128xi32, #tpu.memory_space<vmem>>) semaphore(%arg24 : memref<!tpu.dma_semaphore, #tpu.memory_space<semaphore_mem>>)
        } else {
        }
        %add3A_484 = arith.constant 6 : i32
        %add3A_485 = arith.addi %add3A_455, %add3A_484 : i32
        %lt3A_486 = arith.constant 160 : i32
        %lt3A_487 = arith.cmpi slt, %add3A_485, %lt3A_486 : i32
        %convert_element_type3A_488 = arith.extui %lt3A_487 : i1 to i32
        %cond3A_489 = arith.constant 0 : i32
        %cond3A_490 = arith.cmpi ne, %convert_element_type3A_488, %cond3A_489 : i32
        scf.if %cond3A_490 {
          %add3A_639 = arith.constant 6 : i32
          %add3A_640 = arith.addi %add3A_455, %add3A_639 : i32
          %dma_start3A_641 = arith.constant 1 : i32
          %dma_start3A_642 = arith.constant 0 : i32
          %dma_start3A_643 = arith.constant 0 : i32
          %dma_start3A_644 = tpu.memref_slice %arg8[%dma_start3A_641, %dma_start3A_642, %dma_start3A_643] : memref<8x2x128xi32, #tpu.memory_space<vmem>> -> memref<1x2x128xi32, #tpu.memory_space<vmem>>
          %dma_start3A_645 = tpu.memref_squeeze %dma_start3A_644 : memref<1x2x128xi32, #tpu.memory_space<vmem>> -> memref<2x128xi32, #tpu.memory_space<vmem>>
          %dma_start3A_646 = arith.constant 0 : i32
          %dma_start3A_647 = arith.constant 0 : i32
          %dma_start3A_648 = tpu.memref_slice %arg3[%arg1, %add3A_640, %dma_start3A_646, %dma_start3A_647] : memref<16x160x2x128xi32, #tpu.memory_space<hbm>> -> memref<1x1x2x128xi32, #tpu.memory_space<hbm>>
          %dma_start3A_649 = tpu.memref_squeeze %dma_start3A_648 : memref<1x1x2x128xi32, #tpu.memory_space<hbm>> -> memref<2x128xi32, #tpu.memory_space<hbm>>
          %dma_start3A_650 = arith.constant 0 : i32
          %dma_start3A_651 = arith.constant 0 : i32
          %dma_start3A_652 = tpu.memref_slice %arg8[%dma_start3A_641, %dma_start3A_650, %dma_start3A_651] : memref<8x2x128xi32, #tpu.memory_space<vmem>> -> memref<1x2x128xi32, #tpu.memory_space<vmem>>
          %dma_start3A_653 = tpu.memref_squeeze %dma_start3A_652 : memref<1x2x128xi32, #tpu.memory_space<vmem>> -> memref<2x128xi32, #tpu.memory_space<vmem>>
          %dma_start3A_654 = arith.constant 0 : i32
          %dma_start3A_655 = arith.constant 0 : i32
          %dma_start3A_656 = tpu.memref_slice %arg3[%arg1, %add3A_640, %dma_start3A_654, %dma_start3A_655] : memref<16x160x2x128xi32, #tpu.memory_space<hbm>> -> memref<1x1x2x128xi32, #tpu.memory_space<hbm>>
          %dma_start3A_657 = tpu.memref_squeeze %dma_start3A_656 : memref<1x1x2x128xi32, #tpu.memory_space<hbm>> -> memref<2x128xi32, #tpu.memory_space<hbm>>
          tpu.enqueue_dma source(%dma_start3A_657 : memref<2x128xi32, #tpu.memory_space<hbm>>) target(%dma_start3A_653 : memref<2x128xi32, #tpu.memory_space<vmem>>) target_semaphore(%arg16 : memref<!tpu.dma_semaphore, #tpu.memory_space<semaphore_mem>>)
        } else {
        }
        %add3A_491 = arith.constant 4 : i32
        %add3A_492 = arith.addi %add3A_346, %add3A_491 : i32
        %dma_wait3A_493 = arith.constant 4 : i32
        %dma_wait3A_494 = arith.constant 0 : i32
        %dma_wait3A_495 = arith.constant 0 : i32
        %dma_wait3A_496 = tpu.memref_slice %arg8[%dma_wait3A_493, %dma_wait3A_494, %dma_wait3A_495] : memref<8x2x128xi32, #tpu.memory_space<vmem>> -> memref<1x1x128xi32, #tpu.memory_space<vmem>>
        %dma_wait3A_497 = tpu.memref_squeeze %dma_wait3A_496 : memref<1x1x128xi32, #tpu.memory_space<vmem>> -> memref<128xi32, #tpu.memory_space<vmem>>
        %dma_wait3A_498 = arith.constant 0 : i32
        %dma_wait3A_499 = arith.constant 0 : i32
        %dma_wait3A_500 = tpu.memref_slice %arg6[%dma_wait3A_498, %dma_wait3A_499] : memref<10240x64xf32, #tpu.memory_space<vmem_shared>> -> memref<10240x64xf32, #tpu.memory_space<vmem_shared>>
        tpu.wait_indirect_dma semaphore(%arg23 : memref<!tpu.dma_semaphore, #tpu.memory_space<semaphore_mem>>) src(%dma_wait3A_500 : memref<10240x64xf32, #tpu.memory_space<vmem_shared>>) dst(%arg10 : memref<128x64xf32, #tpu.memory_space<vmem>>)
        %ge3A_501 = arith.constant 2 : i32
        %ge3A_502 = arith.cmpi sge, %add3A_492, %ge3A_501 : i32
        %convert_element_type3A_503 = arith.extui %ge3A_502 : i1 to i32
        %cond3A_504 = arith.constant 0 : i32
        %cond3A_505 = arith.cmpi ne, %convert_element_type3A_503, %cond3A_504 : i32
        scf.if %cond3A_505 {
          %dma_wait3A_639 = arith.constant 2 : i32
          %dma_wait3A_640 = arith.constant 1 : i32
          %dma_wait3A_641 = arith.constant 0 : i32
          %dma_wait3A_642 = tpu.memref_slice %arg8[%dma_wait3A_639, %dma_wait3A_640, %dma_wait3A_641] : memref<8x2x128xi32, #tpu.memory_space<vmem>> -> memref<1x1x128xi32, #tpu.memory_space<vmem>>
          %dma_wait3A_643 = tpu.memref_squeeze %dma_wait3A_642 : memref<1x1x128xi32, #tpu.memory_space<vmem>> -> memref<128xi32, #tpu.memory_space<vmem>>
          %dma_wait3A_644 = arith.constant 0 : i32
          %dma_wait3A_645 = arith.constant 0 : i32
          %dma_wait3A_646 = tpu.memref_slice %arg7[%dma_wait3A_644, %dma_wait3A_645] : memref<10240x64xf32, #tpu.memory_space<vmem_shared>> -> memref<10240x64xf32, #tpu.memory_space<vmem_shared>>
          tpu.wait_indirect_dma semaphore(%arg29 : memref<!tpu.dma_semaphore, #tpu.memory_space<semaphore_mem>>) src(%arg12 : memref<128x64xf32, #tpu.memory_space<vmem>>) dst(%dma_wait3A_646 : memref<10240x64xf32, #tpu.memory_space<vmem_shared>>)
        } else {
        }
        %dma_start3A_506 = arith.constant 4 : i32
        %dma_start3A_507 = arith.constant 1 : i32
        %dma_start3A_508 = arith.constant 0 : i32
        %dma_start3A_509 = tpu.memref_slice %arg8[%dma_start3A_506, %dma_start3A_507, %dma_start3A_508] : memref<8x2x128xi32, #tpu.memory_space<vmem>> -> memref<1x1x128xi32, #tpu.memory_space<vmem>>
        %dma_start3A_510 = tpu.memref_squeeze %dma_start3A_509 : memref<1x1x128xi32, #tpu.memory_space<vmem>> -> memref<128xi32, #tpu.memory_space<vmem>>
        %dma_start3A_511 = arith.constant 0 : i32
        %dma_start3A_512 = arith.constant 0 : i32
        %dma_start3A_513 = tpu.memref_slice %arg7[%dma_start3A_511, %dma_start3A_512] : memref<10240x64xf32, #tpu.memory_space<vmem_shared>> -> memref<10240x64xf32, #tpu.memory_space<vmem_shared>>
        tpu.enqueue_indirect_dma source(%arg10 : memref<128x64xf32, #tpu.memory_space<vmem>>) target(%dma_start3A_513 : memref<10240x64xf32, #tpu.memory_space<vmem_shared>>) offsets(%dma_start3A_510 : memref<128xi32, #tpu.memory_space<vmem>>) semaphore(%arg27 : memref<!tpu.dma_semaphore, #tpu.memory_space<semaphore_mem>>) {add = true}
        %add3A_514 = arith.constant 2 : i32
        %add3A_515 = arith.addi %add3A_492, %add3A_514 : i32
        %lt3A_516 = arith.constant 160 : i32
        %lt3A_517 = arith.cmpi slt, %add3A_515, %lt3A_516 : i32
        %convert_element_type3A_518 = arith.extui %lt3A_517 : i1 to i32
        %cond3A_519 = arith.constant 0 : i32
        %cond3A_520 = arith.cmpi ne, %convert_element_type3A_518, %cond3A_519 : i32
        scf.if %cond3A_520 {
          %add3A_639 = arith.constant 2 : i32
          %add3A_640 = arith.addi %add3A_492, %add3A_639 : i32
          %dma_wait3A_641 = arith.constant 6 : i32
          %dma_wait3A_642 = arith.constant 0 : i32
          %dma_wait3A_643 = arith.constant 0 : i32
          %dma_wait3A_644 = tpu.memref_slice %arg8[%dma_wait3A_641, %dma_wait3A_642, %dma_wait3A_643] : memref<8x2x128xi32, #tpu.memory_space<vmem>> -> memref<1x2x128xi32, #tpu.memory_space<vmem>>
          %dma_wait3A_645 = tpu.memref_squeeze %dma_wait3A_644 : memref<1x2x128xi32, #tpu.memory_space<vmem>> -> memref<2x128xi32, #tpu.memory_space<vmem>>
          %dma_wait3A_646 = arith.constant 0 : i32
          %dma_wait3A_647 = arith.constant 0 : i32
          %dma_wait3A_648 = tpu.memref_slice %arg3[%arg1, %add3A_640, %dma_wait3A_646, %dma_wait3A_647] : memref<16x160x2x128xi32, #tpu.memory_space<hbm>> -> memref<1x1x2x128xi32, #tpu.memory_space<hbm>>
          %dma_wait3A_649 = tpu.memref_squeeze %dma_wait3A_648 : memref<1x1x2x128xi32, #tpu.memory_space<hbm>> -> memref<2x128xi32, #tpu.memory_space<hbm>>
          %dma_wait3A_650 = arith.constant 0 : i32
          %dma_wait3A_651 = arith.constant 0 : i32
          %dma_wait3A_652 = tpu.memref_slice %arg8[%dma_wait3A_641, %dma_wait3A_650, %dma_wait3A_651] : memref<8x2x128xi32, #tpu.memory_space<vmem>> -> memref<1x2x128xi32, #tpu.memory_space<vmem>>
          %dma_wait3A_653 = tpu.memref_squeeze %dma_wait3A_652 : memref<1x2x128xi32, #tpu.memory_space<vmem>> -> memref<2x128xi32, #tpu.memory_space<vmem>>
          %dma_wait3A_654 = arith.constant 0 : i32
          %dma_wait3A_655 = arith.constant 0 : i32
          %dma_wait3A_656 = tpu.memref_slice %arg3[%arg1, %add3A_640, %dma_wait3A_654, %dma_wait3A_655] : memref<16x160x2x128xi32, #tpu.memory_space<hbm>> -> memref<1x1x2x128xi32, #tpu.memory_space<hbm>>
          %dma_wait3A_657 = tpu.memref_squeeze %dma_wait3A_656 : memref<1x1x2x128xi32, #tpu.memory_space<hbm>> -> memref<2x128xi32, #tpu.memory_space<hbm>>
          tpu.wait_dma2 semaphore(%arg21 : memref<!tpu.dma_semaphore, #tpu.memory_space<semaphore_mem>>) src(%dma_wait3A_657 : memref<2x128xi32, #tpu.memory_space<hbm>>) dst(%dma_wait3A_653 : memref<2x128xi32, #tpu.memory_space<vmem>>)
          %dma_start3A_658 = arith.constant 6 : i32
          %dma_start3A_659 = arith.constant 0 : i32
          %dma_start3A_660 = arith.constant 0 : i32
          %dma_start3A_661 = tpu.memref_slice %arg8[%dma_start3A_658, %dma_start3A_659, %dma_start3A_660] : memref<8x2x128xi32, #tpu.memory_space<vmem>> -> memref<1x1x128xi32, #tpu.memory_space<vmem>>
          %dma_start3A_662 = tpu.memref_squeeze %dma_start3A_661 : memref<1x1x128xi32, #tpu.memory_space<vmem>> -> memref<128xi32, #tpu.memory_space<vmem>>
          %dma_start3A_663 = arith.constant 0 : i32
          %dma_start3A_664 = arith.constant 0 : i32
          %dma_start3A_665 = tpu.memref_slice %arg6[%dma_start3A_663, %dma_start3A_664] : memref<10240x64xf32, #tpu.memory_space<vmem_shared>> -> memref<10240x64xf32, #tpu.memory_space<vmem_shared>>
          tpu.enqueue_indirect_dma source(%dma_start3A_665 : memref<10240x64xf32, #tpu.memory_space<vmem_shared>>) target(%arg12 : memref<128x64xf32, #tpu.memory_space<vmem>>) offsets(%dma_start3A_662 : memref<128xi32, #tpu.memory_space<vmem>>) semaphore(%arg25 : memref<!tpu.dma_semaphore, #tpu.memory_space<semaphore_mem>>)
        } else {
        }
        %add3A_521 = arith.constant 6 : i32
        %add3A_522 = arith.addi %add3A_492, %add3A_521 : i32
        %lt3A_523 = arith.constant 160 : i32
        %lt3A_524 = arith.cmpi slt, %add3A_522, %lt3A_523 : i32
        %convert_element_type3A_525 = arith.extui %lt3A_524 : i1 to i32
        %cond3A_526 = arith.constant 0 : i32
        %cond3A_527 = arith.cmpi ne, %convert_element_type3A_525, %cond3A_526 : i32
        scf.if %cond3A_527 {
          %add3A_639 = arith.constant 6 : i32
          %add3A_640 = arith.addi %add3A_492, %add3A_639 : i32
          %dma_start3A_641 = arith.constant 2 : i32
          %dma_start3A_642 = arith.constant 0 : i32
          %dma_start3A_643 = arith.constant 0 : i32
          %dma_start3A_644 = tpu.memref_slice %arg8[%dma_start3A_641, %dma_start3A_642, %dma_start3A_643] : memref<8x2x128xi32, #tpu.memory_space<vmem>> -> memref<1x2x128xi32, #tpu.memory_space<vmem>>
          %dma_start3A_645 = tpu.memref_squeeze %dma_start3A_644 : memref<1x2x128xi32, #tpu.memory_space<vmem>> -> memref<2x128xi32, #tpu.memory_space<vmem>>
          %dma_start3A_646 = arith.constant 0 : i32
          %dma_start3A_647 = arith.constant 0 : i32
          %dma_start3A_648 = tpu.memref_slice %arg3[%arg1, %add3A_640, %dma_start3A_646, %dma_start3A_647] : memref<16x160x2x128xi32, #tpu.memory_space<hbm>> -> memref<1x1x2x128xi32, #tpu.memory_space<hbm>>
          %dma_start3A_649 = tpu.memref_squeeze %dma_start3A_648 : memref<1x1x2x128xi32, #tpu.memory_space<hbm>> -> memref<2x128xi32, #tpu.memory_space<hbm>>
          %dma_start3A_650 = arith.constant 0 : i32
          %dma_start3A_651 = arith.constant 0 : i32
          %dma_start3A_652 = tpu.memref_slice %arg8[%dma_start3A_641, %dma_start3A_650, %dma_start3A_651] : memref<8x2x128xi32, #tpu.memory_space<vmem>> -> memref<1x2x128xi32, #tpu.memory_space<vmem>>
          %dma_start3A_653 = tpu.memref_squeeze %dma_start3A_652 : memref<1x2x128xi32, #tpu.memory_space<vmem>> -> memref<2x128xi32, #tpu.memory_space<vmem>>
          %dma_start3A_654 = arith.constant 0 : i32
          %dma_start3A_655 = arith.constant 0 : i32
          %dma_start3A_656 = tpu.memref_slice %arg3[%arg1, %add3A_640, %dma_start3A_654, %dma_start3A_655] : memref<16x160x2x128xi32, #tpu.memory_space<hbm>> -> memref<1x1x2x128xi32, #tpu.memory_space<hbm>>
          %dma_start3A_657 = tpu.memref_squeeze %dma_start3A_656 : memref<1x1x2x128xi32, #tpu.memory_space<hbm>> -> memref<2x128xi32, #tpu.memory_space<hbm>>
          tpu.enqueue_dma source(%dma_start3A_657 : memref<2x128xi32, #tpu.memory_space<hbm>>) target(%dma_start3A_653 : memref<2x128xi32, #tpu.memory_space<vmem>>) target_semaphore(%arg17 : memref<!tpu.dma_semaphore, #tpu.memory_space<semaphore_mem>>)
        } else {
        }
        %add3A_528 = arith.constant 5 : i32
        %add3A_529 = arith.addi %add3A_346, %add3A_528 : i32
        %dma_wait3A_530 = arith.constant 5 : i32
        %dma_wait3A_531 = arith.constant 0 : i32
        %dma_wait3A_532 = arith.constant 0 : i32
        %dma_wait3A_533 = tpu.memref_slice %arg8[%dma_wait3A_530, %dma_wait3A_531, %dma_wait3A_532] : memref<8x2x128xi32, #tpu.memory_space<vmem>> -> memref<1x1x128xi32, #tpu.memory_space<vmem>>
        %dma_wait3A_534 = tpu.memref_squeeze %dma_wait3A_533 : memref<1x1x128xi32, #tpu.memory_space<vmem>> -> memref<128xi32, #tpu.memory_space<vmem>>
        %dma_wait3A_535 = arith.constant 0 : i32
        %dma_wait3A_536 = arith.constant 0 : i32
        %dma_wait3A_537 = tpu.memref_slice %arg6[%dma_wait3A_535, %dma_wait3A_536] : memref<10240x64xf32, #tpu.memory_space<vmem_shared>> -> memref<10240x64xf32, #tpu.memory_space<vmem_shared>>
        tpu.wait_indirect_dma semaphore(%arg24 : memref<!tpu.dma_semaphore, #tpu.memory_space<semaphore_mem>>) src(%dma_wait3A_537 : memref<10240x64xf32, #tpu.memory_space<vmem_shared>>) dst(%arg11 : memref<128x64xf32, #tpu.memory_space<vmem>>)
        %ge3A_538 = arith.constant 2 : i32
        %ge3A_539 = arith.cmpi sge, %add3A_529, %ge3A_538 : i32
        %convert_element_type3A_540 = arith.extui %ge3A_539 : i1 to i32
        %cond3A_541 = arith.constant 0 : i32
        %cond3A_542 = arith.cmpi ne, %convert_element_type3A_540, %cond3A_541 : i32
        scf.if %cond3A_542 {
          %dma_wait3A_639 = arith.constant 3 : i32
          %dma_wait3A_640 = arith.constant 1 : i32
          %dma_wait3A_641 = arith.constant 0 : i32
          %dma_wait3A_642 = tpu.memref_slice %arg8[%dma_wait3A_639, %dma_wait3A_640, %dma_wait3A_641] : memref<8x2x128xi32, #tpu.memory_space<vmem>> -> memref<1x1x128xi32, #tpu.memory_space<vmem>>
          %dma_wait3A_643 = tpu.memref_squeeze %dma_wait3A_642 : memref<1x1x128xi32, #tpu.memory_space<vmem>> -> memref<128xi32, #tpu.memory_space<vmem>>
          %dma_wait3A_644 = arith.constant 0 : i32
          %dma_wait3A_645 = arith.constant 0 : i32
          %dma_wait3A_646 = tpu.memref_slice %arg7[%dma_wait3A_644, %dma_wait3A_645] : memref<10240x64xf32, #tpu.memory_space<vmem_shared>> -> memref<10240x64xf32, #tpu.memory_space<vmem_shared>>
          tpu.wait_indirect_dma semaphore(%arg30 : memref<!tpu.dma_semaphore, #tpu.memory_space<semaphore_mem>>) src(%arg13 : memref<128x64xf32, #tpu.memory_space<vmem>>) dst(%dma_wait3A_646 : memref<10240x64xf32, #tpu.memory_space<vmem_shared>>)
        } else {
        }
        %dma_start3A_543 = arith.constant 5 : i32
        %dma_start3A_544 = arith.constant 1 : i32
        %dma_start3A_545 = arith.constant 0 : i32
        %dma_start3A_546 = tpu.memref_slice %arg8[%dma_start3A_543, %dma_start3A_544, %dma_start3A_545] : memref<8x2x128xi32, #tpu.memory_space<vmem>> -> memref<1x1x128xi32, #tpu.memory_space<vmem>>
        %dma_start3A_547 = tpu.memref_squeeze %dma_start3A_546 : memref<1x1x128xi32, #tpu.memory_space<vmem>> -> memref<128xi32, #tpu.memory_space<vmem>>
        %dma_start3A_548 = arith.constant 0 : i32
        %dma_start3A_549 = arith.constant 0 : i32
        %dma_start3A_550 = tpu.memref_slice %arg7[%dma_start3A_548, %dma_start3A_549] : memref<10240x64xf32, #tpu.memory_space<vmem_shared>> -> memref<10240x64xf32, #tpu.memory_space<vmem_shared>>
        tpu.enqueue_indirect_dma source(%arg11 : memref<128x64xf32, #tpu.memory_space<vmem>>) target(%dma_start3A_550 : memref<10240x64xf32, #tpu.memory_space<vmem_shared>>) offsets(%dma_start3A_547 : memref<128xi32, #tpu.memory_space<vmem>>) semaphore(%arg28 : memref<!tpu.dma_semaphore, #tpu.memory_space<semaphore_mem>>) {add = true}
        %add3A_551 = arith.constant 2 : i32
        %add3A_552 = arith.addi %add3A_529, %add3A_551 : i32
        %lt3A_553 = arith.constant 160 : i32
        %lt3A_554 = arith.cmpi slt, %add3A_552, %lt3A_553 : i32
        %convert_element_type3A_555 = arith.extui %lt3A_554 : i1 to i32
        %cond3A_556 = arith.constant 0 : i32
        %cond3A_557 = arith.cmpi ne, %convert_element_type3A_555, %cond3A_556 : i32
        scf.if %cond3A_557 {
          %add3A_639 = arith.constant 2 : i32
          %add3A_640 = arith.addi %add3A_529, %add3A_639 : i32
          %dma_wait3A_641 = arith.constant 7 : i32
          %dma_wait3A_642 = arith.constant 0 : i32
          %dma_wait3A_643 = arith.constant 0 : i32
          %dma_wait3A_644 = tpu.memref_slice %arg8[%dma_wait3A_641, %dma_wait3A_642, %dma_wait3A_643] : memref<8x2x128xi32, #tpu.memory_space<vmem>> -> memref<1x2x128xi32, #tpu.memory_space<vmem>>
          %dma_wait3A_645 = tpu.memref_squeeze %dma_wait3A_644 : memref<1x2x128xi32, #tpu.memory_space<vmem>> -> memref<2x128xi32, #tpu.memory_space<vmem>>
          %dma_wait3A_646 = arith.constant 0 : i32
          %dma_wait3A_647 = arith.constant 0 : i32
          %dma_wait3A_648 = tpu.memref_slice %arg3[%arg1, %add3A_640, %dma_wait3A_646, %dma_wait3A_647] : memref<16x160x2x128xi32, #tpu.memory_space<hbm>> -> memref<1x1x2x128xi32, #tpu.memory_space<hbm>>
          %dma_wait3A_649 = tpu.memref_squeeze %dma_wait3A_648 : memref<1x1x2x128xi32, #tpu.memory_space<hbm>> -> memref<2x128xi32, #tpu.memory_space<hbm>>
          %dma_wait3A_650 = arith.constant 0 : i32
          %dma_wait3A_651 = arith.constant 0 : i32
          %dma_wait3A_652 = tpu.memref_slice %arg8[%dma_wait3A_641, %dma_wait3A_650, %dma_wait3A_651] : memref<8x2x128xi32, #tpu.memory_space<vmem>> -> memref<1x2x128xi32, #tpu.memory_space<vmem>>
          %dma_wait3A_653 = tpu.memref_squeeze %dma_wait3A_652 : memref<1x2x128xi32, #tpu.memory_space<vmem>> -> memref<2x128xi32, #tpu.memory_space<vmem>>
          %dma_wait3A_654 = arith.constant 0 : i32
          %dma_wait3A_655 = arith.constant 0 : i32
          %dma_wait3A_656 = tpu.memref_slice %arg3[%arg1, %add3A_640, %dma_wait3A_654, %dma_wait3A_655] : memref<16x160x2x128xi32, #tpu.memory_space<hbm>> -> memref<1x1x2x128xi32, #tpu.memory_space<hbm>>
          %dma_wait3A_657 = tpu.memref_squeeze %dma_wait3A_656 : memref<1x1x2x128xi32, #tpu.memory_space<hbm>> -> memref<2x128xi32, #tpu.memory_space<hbm>>
          tpu.wait_dma2 semaphore(%arg22 : memref<!tpu.dma_semaphore, #tpu.memory_space<semaphore_mem>>) src(%dma_wait3A_657 : memref<2x128xi32, #tpu.memory_space<hbm>>) dst(%dma_wait3A_653 : memref<2x128xi32, #tpu.memory_space<vmem>>)
          %dma_start3A_658 = arith.constant 7 : i32
          %dma_start3A_659 = arith.constant 0 : i32
          %dma_start3A_660 = arith.constant 0 : i32
          %dma_start3A_661 = tpu.memref_slice %arg8[%dma_start3A_658, %dma_start3A_659, %dma_start3A_660] : memref<8x2x128xi32, #tpu.memory_space<vmem>> -> memref<1x1x128xi32, #tpu.memory_space<vmem>>
          %dma_start3A_662 = tpu.memref_squeeze %dma_start3A_661 : memref<1x1x128xi32, #tpu.memory_space<vmem>> -> memref<128xi32, #tpu.memory_space<vmem>>
          %dma_start3A_663 = arith.constant 0 : i32
          %dma_start3A_664 = arith.constant 0 : i32
          %dma_start3A_665 = tpu.memref_slice %arg6[%dma_start3A_663, %dma_start3A_664] : memref<10240x64xf32, #tpu.memory_space<vmem_shared>> -> memref<10240x64xf32, #tpu.memory_space<vmem_shared>>
          tpu.enqueue_indirect_dma source(%dma_start3A_665 : memref<10240x64xf32, #tpu.memory_space<vmem_shared>>) target(%arg13 : memref<128x64xf32, #tpu.memory_space<vmem>>) offsets(%dma_start3A_662 : memref<128xi32, #tpu.memory_space<vmem>>) semaphore(%arg26 : memref<!tpu.dma_semaphore, #tpu.memory_space<semaphore_mem>>)
        } else {
        }
        %add3A_558 = arith.constant 6 : i32
        %add3A_559 = arith.addi %add3A_529, %add3A_558 : i32
        %lt3A_560 = arith.constant 160 : i32
        %lt3A_561 = arith.cmpi slt, %add3A_559, %lt3A_560 : i32
        %convert_element_type3A_562 = arith.extui %lt3A_561 : i1 to i32
        %cond3A_563 = arith.constant 0 : i32
        %cond3A_564 = arith.cmpi ne, %convert_element_type3A_562, %cond3A_563 : i32
        scf.if %cond3A_564 {
          %add3A_639 = arith.constant 6 : i32
          %add3A_640 = arith.addi %add3A_529, %add3A_639 : i32
          %dma_start3A_641 = arith.constant 3 : i32
          %dma_start3A_642 = arith.constant 0 : i32
          %dma_start3A_643 = arith.constant 0 : i32
          %dma_start3A_644 = tpu.memref_slice %arg8[%dma_start3A_641, %dma_start3A_642, %dma_start3A_643] : memref<8x2x128xi32, #tpu.memory_space<vmem>> -> memref<1x2x128xi32, #tpu.memory_space<vmem>>
          %dma_start3A_645 = tpu.memref_squeeze %dma_start3A_644 : memref<1x2x128xi32, #tpu.memory_space<vmem>> -> memref<2x128xi32, #tpu.memory_space<vmem>>
          %dma_start3A_646 = arith.constant 0 : i32
          %dma_start3A_647 = arith.constant 0 : i32
          %dma_start3A_648 = tpu.memref_slice %arg3[%arg1, %add3A_640, %dma_start3A_646, %dma_start3A_647] : memref<16x160x2x128xi32, #tpu.memory_space<hbm>> -> memref<1x1x2x128xi32, #tpu.memory_space<hbm>>
          %dma_start3A_649 = tpu.memref_squeeze %dma_start3A_648 : memref<1x1x2x128xi32, #tpu.memory_space<hbm>> -> memref<2x128xi32, #tpu.memory_space<hbm>>
          %dma_start3A_650 = arith.constant 0 : i32
          %dma_start3A_651 = arith.constant 0 : i32
          %dma_start3A_652 = tpu.memref_slice %arg8[%dma_start3A_641, %dma_start3A_650, %dma_start3A_651] : memref<8x2x128xi32, #tpu.memory_space<vmem>> -> memref<1x2x128xi32, #tpu.memory_space<vmem>>
          %dma_start3A_653 = tpu.memref_squeeze %dma_start3A_652 : memref<1x2x128xi32, #tpu.memory_space<vmem>> -> memref<2x128xi32, #tpu.memory_space<vmem>>
          %dma_start3A_654 = arith.constant 0 : i32
          %dma_start3A_655 = arith.constant 0 : i32
          %dma_start3A_656 = tpu.memref_slice %arg3[%arg1, %add3A_640, %dma_start3A_654, %dma_start3A_655] : memref<16x160x2x128xi32, #tpu.memory_space<hbm>> -> memref<1x1x2x128xi32, #tpu.memory_space<hbm>>
          %dma_start3A_657 = tpu.memref_squeeze %dma_start3A_656 : memref<1x1x2x128xi32, #tpu.memory_space<hbm>> -> memref<2x128xi32, #tpu.memory_space<hbm>>
          tpu.enqueue_dma source(%dma_start3A_657 : memref<2x128xi32, #tpu.memory_space<hbm>>) target(%dma_start3A_653 : memref<2x128xi32, #tpu.memory_space<vmem>>) target_semaphore(%arg18 : memref<!tpu.dma_semaphore, #tpu.memory_space<semaphore_mem>>)
        } else {
        }
        %add3A_565 = arith.constant 6 : i32
        %add3A_566 = arith.addi %add3A_346, %add3A_565 : i32
        %dma_wait3A_567 = arith.constant 6 : i32
        %dma_wait3A_568 = arith.constant 0 : i32
        %dma_wait3A_569 = arith.constant 0 : i32
        %dma_wait3A_570 = tpu.memref_slice %arg8[%dma_wait3A_567, %dma_wait3A_568, %dma_wait3A_569] : memref<8x2x128xi32, #tpu.memory_space<vmem>> -> memref<1x1x128xi32, #tpu.memory_space<vmem>>
        %dma_wait3A_571 = tpu.memref_squeeze %dma_wait3A_570 : memref<1x1x128xi32, #tpu.memory_space<vmem>> -> memref<128xi32, #tpu.memory_space<vmem>>
        %dma_wait3A_572 = arith.constant 0 : i32
        %dma_wait3A_573 = arith.constant 0 : i32
        %dma_wait3A_574 = tpu.memref_slice %arg6[%dma_wait3A_572, %dma_wait3A_573] : memref<10240x64xf32, #tpu.memory_space<vmem_shared>> -> memref<10240x64xf32, #tpu.memory_space<vmem_shared>>
        tpu.wait_indirect_dma semaphore(%arg25 : memref<!tpu.dma_semaphore, #tpu.memory_space<semaphore_mem>>) src(%dma_wait3A_574 : memref<10240x64xf32, #tpu.memory_space<vmem_shared>>) dst(%arg12 : memref<128x64xf32, #tpu.memory_space<vmem>>)
        %ge3A_575 = arith.constant 2 : i32
        %ge3A_576 = arith.cmpi sge, %add3A_566, %ge3A_575 : i32
        %convert_element_type3A_577 = arith.extui %ge3A_576 : i1 to i32
        %cond3A_578 = arith.constant 0 : i32
        %cond3A_579 = arith.cmpi ne, %convert_element_type3A_577, %cond3A_578 : i32
        scf.if %cond3A_579 {
          %dma_wait3A_639 = arith.constant 4 : i32
          %dma_wait3A_640 = arith.constant 1 : i32
          %dma_wait3A_641 = arith.constant 0 : i32
          %dma_wait3A_642 = tpu.memref_slice %arg8[%dma_wait3A_639, %dma_wait3A_640, %dma_wait3A_641] : memref<8x2x128xi32, #tpu.memory_space<vmem>> -> memref<1x1x128xi32, #tpu.memory_space<vmem>>
          %dma_wait3A_643 = tpu.memref_squeeze %dma_wait3A_642 : memref<1x1x128xi32, #tpu.memory_space<vmem>> -> memref<128xi32, #tpu.memory_space<vmem>>
          %dma_wait3A_644 = arith.constant 0 : i32
          %dma_wait3A_645 = arith.constant 0 : i32
          %dma_wait3A_646 = tpu.memref_slice %arg7[%dma_wait3A_644, %dma_wait3A_645] : memref<10240x64xf32, #tpu.memory_space<vmem_shared>> -> memref<10240x64xf32, #tpu.memory_space<vmem_shared>>
          tpu.wait_indirect_dma semaphore(%arg27 : memref<!tpu.dma_semaphore, #tpu.memory_space<semaphore_mem>>) src(%arg10 : memref<128x64xf32, #tpu.memory_space<vmem>>) dst(%dma_wait3A_646 : memref<10240x64xf32, #tpu.memory_space<vmem_shared>>)
        } else {
        }
        %dma_start3A_580 = arith.constant 6 : i32
        %dma_start3A_581 = arith.constant 1 : i32
        %dma_start3A_582 = arith.constant 0 : i32
        %dma_start3A_583 = tpu.memref_slice %arg8[%dma_start3A_580, %dma_start3A_581, %dma_start3A_582] : memref<8x2x128xi32, #tpu.memory_space<vmem>> -> memref<1x1x128xi32, #tpu.memory_space<vmem>>
        %dma_start3A_584 = tpu.memref_squeeze %dma_start3A_583 : memref<1x1x128xi32, #tpu.memory_space<vmem>> -> memref<128xi32, #tpu.memory_space<vmem>>
        %dma_start3A_585 = arith.constant 0 : i32
        %dma_start3A_586 = arith.constant 0 : i32
        %dma_start3A_587 = tpu.memref_slice %arg7[%dma_start3A_585, %dma_start3A_586] : memref<10240x64xf32, #tpu.memory_space<vmem_shared>> -> memref<10240x64xf32, #tpu.memory_space<vmem_shared>>
        tpu.enqueue_indirect_dma source(%arg12 : memref<128x64xf32, #tpu.memory_space<vmem>>) target(%dma_start3A_587 : memref<10240x64xf32, #tpu.memory_space<vmem_shared>>) offsets(%dma_start3A_584 : memref<128xi32, #tpu.memory_space<vmem>>) semaphore(%arg29 : memref<!tpu.dma_semaphore, #tpu.memory_space<semaphore_mem>>) {add = true}
        %add3A_588 = arith.constant 2 : i32
        %add3A_589 = arith.addi %add3A_566, %add3A_588 : i32
        %lt3A_590 = arith.constant 160 : i32
        %lt3A_591 = arith.cmpi slt, %add3A_589, %lt3A_590 : i32
        %convert_element_type3A_592 = arith.extui %lt3A_591 : i1 to i32
        %cond3A_593 = arith.constant 0 : i32
        %cond3A_594 = arith.cmpi ne, %convert_element_type3A_592, %cond3A_593 : i32
        scf.if %cond3A_594 {
          %add3A_639 = arith.constant 2 : i32
          %add3A_640 = arith.addi %add3A_566, %add3A_639 : i32
          %dma_wait3A_641 = arith.constant 0 : i32
          %dma_wait3A_642 = arith.constant 0 : i32
          %dma_wait3A_643 = arith.constant 0 : i32
          %dma_wait3A_644 = tpu.memref_slice %arg8[%dma_wait3A_641, %dma_wait3A_642, %dma_wait3A_643] : memref<8x2x128xi32, #tpu.memory_space<vmem>> -> memref<1x2x128xi32, #tpu.memory_space<vmem>>
          %dma_wait3A_645 = tpu.memref_squeeze %dma_wait3A_644 : memref<1x2x128xi32, #tpu.memory_space<vmem>> -> memref<2x128xi32, #tpu.memory_space<vmem>>
          %dma_wait3A_646 = arith.constant 0 : i32
          %dma_wait3A_647 = arith.constant 0 : i32
          %dma_wait3A_648 = tpu.memref_slice %arg3[%arg1, %add3A_640, %dma_wait3A_646, %dma_wait3A_647] : memref<16x160x2x128xi32, #tpu.memory_space<hbm>> -> memref<1x1x2x128xi32, #tpu.memory_space<hbm>>
          %dma_wait3A_649 = tpu.memref_squeeze %dma_wait3A_648 : memref<1x1x2x128xi32, #tpu.memory_space<hbm>> -> memref<2x128xi32, #tpu.memory_space<hbm>>
          %dma_wait3A_650 = arith.constant 0 : i32
          %dma_wait3A_651 = arith.constant 0 : i32
          %dma_wait3A_652 = tpu.memref_slice %arg8[%dma_wait3A_641, %dma_wait3A_650, %dma_wait3A_651] : memref<8x2x128xi32, #tpu.memory_space<vmem>> -> memref<1x2x128xi32, #tpu.memory_space<vmem>>
          %dma_wait3A_653 = tpu.memref_squeeze %dma_wait3A_652 : memref<1x2x128xi32, #tpu.memory_space<vmem>> -> memref<2x128xi32, #tpu.memory_space<vmem>>
          %dma_wait3A_654 = arith.constant 0 : i32
          %dma_wait3A_655 = arith.constant 0 : i32
          %dma_wait3A_656 = tpu.memref_slice %arg3[%arg1, %add3A_640, %dma_wait3A_654, %dma_wait3A_655] : memref<16x160x2x128xi32, #tpu.memory_space<hbm>> -> memref<1x1x2x128xi32, #tpu.memory_space<hbm>>
          %dma_wait3A_657 = tpu.memref_squeeze %dma_wait3A_656 : memref<1x1x2x128xi32, #tpu.memory_space<hbm>> -> memref<2x128xi32, #tpu.memory_space<hbm>>
          tpu.wait_dma2 semaphore(%arg15 : memref<!tpu.dma_semaphore, #tpu.memory_space<semaphore_mem>>) src(%dma_wait3A_657 : memref<2x128xi32, #tpu.memory_space<hbm>>) dst(%dma_wait3A_653 : memref<2x128xi32, #tpu.memory_space<vmem>>)
          %dma_start3A_658 = arith.constant 0 : i32
          %dma_start3A_659 = arith.constant 0 : i32
          %dma_start3A_660 = arith.constant 0 : i32
          %dma_start3A_661 = tpu.memref_slice %arg8[%dma_start3A_658, %dma_start3A_659, %dma_start3A_660] : memref<8x2x128xi32, #tpu.memory_space<vmem>> -> memref<1x1x128xi32, #tpu.memory_space<vmem>>
          %dma_start3A_662 = tpu.memref_squeeze %dma_start3A_661 : memref<1x1x128xi32, #tpu.memory_space<vmem>> -> memref<128xi32, #tpu.memory_space<vmem>>
          %dma_start3A_663 = arith.constant 0 : i32
          %dma_start3A_664 = arith.constant 0 : i32
          %dma_start3A_665 = tpu.memref_slice %arg6[%dma_start3A_663, %dma_start3A_664] : memref<10240x64xf32, #tpu.memory_space<vmem_shared>> -> memref<10240x64xf32, #tpu.memory_space<vmem_shared>>
          tpu.enqueue_indirect_dma source(%dma_start3A_665 : memref<10240x64xf32, #tpu.memory_space<vmem_shared>>) target(%arg10 : memref<128x64xf32, #tpu.memory_space<vmem>>) offsets(%dma_start3A_662 : memref<128xi32, #tpu.memory_space<vmem>>) semaphore(%arg23 : memref<!tpu.dma_semaphore, #tpu.memory_space<semaphore_mem>>)
        } else {
        }
        %add3A_595 = arith.constant 6 : i32
        %add3A_596 = arith.addi %add3A_566, %add3A_595 : i32
        %lt3A_597 = arith.constant 160 : i32
        %lt3A_598 = arith.cmpi slt, %add3A_596, %lt3A_597 : i32
        %convert_element_type3A_599 = arith.extui %lt3A_598 : i1 to i32
        %cond3A_600 = arith.constant 0 : i32
        %cond3A_601 = arith.cmpi ne, %convert_element_type3A_599, %cond3A_600 : i32
        scf.if %cond3A_601 {
          %add3A_639 = arith.constant 6 : i32
          %add3A_640 = arith.addi %add3A_566, %add3A_639 : i32
          %dma_start3A_641 = arith.constant 4 : i32
          %dma_start3A_642 = arith.constant 0 : i32
          %dma_start3A_643 = arith.constant 0 : i32
          %dma_start3A_644 = tpu.memref_slice %arg8[%dma_start3A_641, %dma_start3A_642, %dma_start3A_643] : memref<8x2x128xi32, #tpu.memory_space<vmem>> -> memref<1x2x128xi32, #tpu.memory_space<vmem>>
          %dma_start3A_645 = tpu.memref_squeeze %dma_start3A_644 : memref<1x2x128xi32, #tpu.memory_space<vmem>> -> memref<2x128xi32, #tpu.memory_space<vmem>>
          %dma_start3A_646 = arith.constant 0 : i32
          %dma_start3A_647 = arith.constant 0 : i32
          %dma_start3A_648 = tpu.memref_slice %arg3[%arg1, %add3A_640, %dma_start3A_646, %dma_start3A_647] : memref<16x160x2x128xi32, #tpu.memory_space<hbm>> -> memref<1x1x2x128xi32, #tpu.memory_space<hbm>>
          %dma_start3A_649 = tpu.memref_squeeze %dma_start3A_648 : memref<1x1x2x128xi32, #tpu.memory_space<hbm>> -> memref<2x128xi32, #tpu.memory_space<hbm>>
          %dma_start3A_650 = arith.constant 0 : i32
          %dma_start3A_651 = arith.constant 0 : i32
          %dma_start3A_652 = tpu.memref_slice %arg8[%dma_start3A_641, %dma_start3A_650, %dma_start3A_651] : memref<8x2x128xi32, #tpu.memory_space<vmem>> -> memref<1x2x128xi32, #tpu.memory_space<vmem>>
          %dma_start3A_653 = tpu.memref_squeeze %dma_start3A_652 : memref<1x2x128xi32, #tpu.memory_space<vmem>> -> memref<2x128xi32, #tpu.memory_space<vmem>>
          %dma_start3A_654 = arith.constant 0 : i32
          %dma_start3A_655 = arith.constant 0 : i32
          %dma_start3A_656 = tpu.memref_slice %arg3[%arg1, %add3A_640, %dma_start3A_654, %dma_start3A_655] : memref<16x160x2x128xi32, #tpu.memory_space<hbm>> -> memref<1x1x2x128xi32, #tpu.memory_space<hbm>>
          %dma_start3A_657 = tpu.memref_squeeze %dma_start3A_656 : memref<1x1x2x128xi32, #tpu.memory_space<hbm>> -> memref<2x128xi32, #tpu.memory_space<hbm>>
          tpu.enqueue_dma source(%dma_start3A_657 : memref<2x128xi32, #tpu.memory_space<hbm>>) target(%dma_start3A_653 : memref<2x128xi32, #tpu.memory_space<vmem>>) target_semaphore(%arg19 : memref<!tpu.dma_semaphore, #tpu.memory_space<semaphore_mem>>)
        } else {
        }
        %add3A_602 = arith.constant 7 : i32
        %add3A_603 = arith.addi %add3A_346, %add3A_602 : i32
        %dma_wait3A_604 = arith.constant 7 : i32
        %dma_wait3A_605 = arith.constant 0 : i32
        %dma_wait3A_606 = arith.constant 0 : i32
        %dma_wait3A_607 = tpu.memref_slice %arg8[%dma_wait3A_604, %dma_wait3A_605, %dma_wait3A_606] : memref<8x2x128xi32, #tpu.memory_space<vmem>> -> memref<1x1x128xi32, #tpu.memory_space<vmem>>
        %dma_wait3A_608 = tpu.memref_squeeze %dma_wait3A_607 : memref<1x1x128xi32, #tpu.memory_space<vmem>> -> memref<128xi32, #tpu.memory_space<vmem>>
        %dma_wait3A_609 = arith.constant 0 : i32
        %dma_wait3A_610 = arith.constant 0 : i32
        %dma_wait3A_611 = tpu.memref_slice %arg6[%dma_wait3A_609, %dma_wait3A_610] : memref<10240x64xf32, #tpu.memory_space<vmem_shared>> -> memref<10240x64xf32, #tpu.memory_space<vmem_shared>>
        tpu.wait_indirect_dma semaphore(%arg26 : memref<!tpu.dma_semaphore, #tpu.memory_space<semaphore_mem>>) src(%dma_wait3A_611 : memref<10240x64xf32, #tpu.memory_space<vmem_shared>>) dst(%arg13 : memref<128x64xf32, #tpu.memory_space<vmem>>)
        %ge3A_612 = arith.constant 2 : i32
        %ge3A_613 = arith.cmpi sge, %add3A_603, %ge3A_612 : i32
        %convert_element_type3A_614 = arith.extui %ge3A_613 : i1 to i32
        %cond3A_615 = arith.constant 0 : i32
        %cond3A_616 = arith.cmpi ne, %convert_element_type3A_614, %cond3A_615 : i32
        scf.if %cond3A_616 {
          %dma_wait3A_639 = arith.constant 5 : i32
          %dma_wait3A_640 = arith.constant 1 : i32
          %dma_wait3A_641 = arith.constant 0 : i32
          %dma_wait3A_642 = tpu.memref_slice %arg8[%dma_wait3A_639, %dma_wait3A_640, %dma_wait3A_641] : memref<8x2x128xi32, #tpu.memory_space<vmem>> -> memref<1x1x128xi32, #tpu.memory_space<vmem>>
          %dma_wait3A_643 = tpu.memref_squeeze %dma_wait3A_642 : memref<1x1x128xi32, #tpu.memory_space<vmem>> -> memref<128xi32, #tpu.memory_space<vmem>>
          %dma_wait3A_644 = arith.constant 0 : i32
          %dma_wait3A_645 = arith.constant 0 : i32
          %dma_wait3A_646 = tpu.memref_slice %arg7[%dma_wait3A_644, %dma_wait3A_645] : memref<10240x64xf32, #tpu.memory_space<vmem_shared>> -> memref<10240x64xf32, #tpu.memory_space<vmem_shared>>
          tpu.wait_indirect_dma semaphore(%arg28 : memref<!tpu.dma_semaphore, #tpu.memory_space<semaphore_mem>>) src(%arg11 : memref<128x64xf32, #tpu.memory_space<vmem>>) dst(%dma_wait3A_646 : memref<10240x64xf32, #tpu.memory_space<vmem_shared>>)
        } else {
        }
        %dma_start3A_617 = arith.constant 7 : i32
        %dma_start3A_618 = arith.constant 1 : i32
        %dma_start3A_619 = arith.constant 0 : i32
        %dma_start3A_620 = tpu.memref_slice %arg8[%dma_start3A_617, %dma_start3A_618, %dma_start3A_619] : memref<8x2x128xi32, #tpu.memory_space<vmem>> -> memref<1x1x128xi32, #tpu.memory_space<vmem>>
        %dma_start3A_621 = tpu.memref_squeeze %dma_start3A_620 : memref<1x1x128xi32, #tpu.memory_space<vmem>> -> memref<128xi32, #tpu.memory_space<vmem>>
        %dma_start3A_622 = arith.constant 0 : i32
        %dma_start3A_623 = arith.constant 0 : i32
        %dma_start3A_624 = tpu.memref_slice %arg7[%dma_start3A_622, %dma_start3A_623] : memref<10240x64xf32, #tpu.memory_space<vmem_shared>> -> memref<10240x64xf32, #tpu.memory_space<vmem_shared>>
        tpu.enqueue_indirect_dma source(%arg13 : memref<128x64xf32, #tpu.memory_space<vmem>>) target(%dma_start3A_624 : memref<10240x64xf32, #tpu.memory_space<vmem_shared>>) offsets(%dma_start3A_621 : memref<128xi32, #tpu.memory_space<vmem>>) semaphore(%arg30 : memref<!tpu.dma_semaphore, #tpu.memory_space<semaphore_mem>>) {add = true}
        %add3A_625 = arith.constant 2 : i32
        %add3A_626 = arith.addi %add3A_603, %add3A_625 : i32
        %lt3A_627 = arith.constant 160 : i32
        %lt3A_628 = arith.cmpi slt, %add3A_626, %lt3A_627 : i32
        %convert_element_type3A_629 = arith.extui %lt3A_628 : i1 to i32
        %cond3A_630 = arith.constant 0 : i32
        %cond3A_631 = arith.cmpi ne, %convert_element_type3A_629, %cond3A_630 : i32
        scf.if %cond3A_631 {
          %add3A_639 = arith.constant 2 : i32
          %add3A_640 = arith.addi %add3A_603, %add3A_639 : i32
          %dma_wait3A_641 = arith.constant 1 : i32
          %dma_wait3A_642 = arith.constant 0 : i32
          %dma_wait3A_643 = arith.constant 0 : i32
          %dma_wait3A_644 = tpu.memref_slice %arg8[%dma_wait3A_641, %dma_wait3A_642, %dma_wait3A_643] : memref<8x2x128xi32, #tpu.memory_space<vmem>> -> memref<1x2x128xi32, #tpu.memory_space<vmem>>
          %dma_wait3A_645 = tpu.memref_squeeze %dma_wait3A_644 : memref<1x2x128xi32, #tpu.memory_space<vmem>> -> memref<2x128xi32, #tpu.memory_space<vmem>>
          %dma_wait3A_646 = arith.constant 0 : i32
          %dma_wait3A_647 = arith.constant 0 : i32
          %dma_wait3A_648 = tpu.memref_slice %arg3[%arg1, %add3A_640, %dma_wait3A_646, %dma_wait3A_647] : memref<16x160x2x128xi32, #tpu.memory_space<hbm>> -> memref<1x1x2x128xi32, #tpu.memory_space<hbm>>
          %dma_wait3A_649 = tpu.memref_squeeze %dma_wait3A_648 : memref<1x1x2x128xi32, #tpu.memory_space<hbm>> -> memref<2x128xi32, #tpu.memory_space<hbm>>
          %dma_wait3A_650 = arith.constant 0 : i32
          %dma_wait3A_651 = arith.constant 0 : i32
          %dma_wait3A_652 = tpu.memref_slice %arg8[%dma_wait3A_641, %dma_wait3A_650, %dma_wait3A_651] : memref<8x2x128xi32, #tpu.memory_space<vmem>> -> memref<1x2x128xi32, #tpu.memory_space<vmem>>
          %dma_wait3A_653 = tpu.memref_squeeze %dma_wait3A_652 : memref<1x2x128xi32, #tpu.memory_space<vmem>> -> memref<2x128xi32, #tpu.memory_space<vmem>>
          %dma_wait3A_654 = arith.constant 0 : i32
          %dma_wait3A_655 = arith.constant 0 : i32
          %dma_wait3A_656 = tpu.memref_slice %arg3[%arg1, %add3A_640, %dma_wait3A_654, %dma_wait3A_655] : memref<16x160x2x128xi32, #tpu.memory_space<hbm>> -> memref<1x1x2x128xi32, #tpu.memory_space<hbm>>
          %dma_wait3A_657 = tpu.memref_squeeze %dma_wait3A_656 : memref<1x1x2x128xi32, #tpu.memory_space<hbm>> -> memref<2x128xi32, #tpu.memory_space<hbm>>
          tpu.wait_dma2 semaphore(%arg16 : memref<!tpu.dma_semaphore, #tpu.memory_space<semaphore_mem>>) src(%dma_wait3A_657 : memref<2x128xi32, #tpu.memory_space<hbm>>) dst(%dma_wait3A_653 : memref<2x128xi32, #tpu.memory_space<vmem>>)
          %dma_start3A_658 = arith.constant 1 : i32
          %dma_start3A_659 = arith.constant 0 : i32
          %dma_start3A_660 = arith.constant 0 : i32
          %dma_start3A_661 = tpu.memref_slice %arg8[%dma_start3A_658, %dma_start3A_659, %dma_start3A_660] : memref<8x2x128xi32, #tpu.memory_space<vmem>> -> memref<1x1x128xi32, #tpu.memory_space<vmem>>
          %dma_start3A_662 = tpu.memref_squeeze %dma_start3A_661 : memref<1x1x128xi32, #tpu.memory_space<vmem>> -> memref<128xi32, #tpu.memory_space<vmem>>
          %dma_start3A_663 = arith.constant 0 : i32
          %dma_start3A_664 = arith.constant 0 : i32
          %dma_start3A_665 = tpu.memref_slice %arg6[%dma_start3A_663, %dma_start3A_664] : memref<10240x64xf32, #tpu.memory_space<vmem_shared>> -> memref<10240x64xf32, #tpu.memory_space<vmem_shared>>
          tpu.enqueue_indirect_dma source(%dma_start3A_665 : memref<10240x64xf32, #tpu.memory_space<vmem_shared>>) target(%arg11 : memref<128x64xf32, #tpu.memory_space<vmem>>) offsets(%dma_start3A_662 : memref<128xi32, #tpu.memory_space<vmem>>) semaphore(%arg24 : memref<!tpu.dma_semaphore, #tpu.memory_space<semaphore_mem>>)
        } else {
        }
        %add3A_632 = arith.constant 6 : i32
        %add3A_633 = arith.addi %add3A_603, %add3A_632 : i32
        %lt3A_634 = arith.constant 160 : i32
        %lt3A_635 = arith.cmpi slt, %add3A_633, %lt3A_634 : i32
        %convert_element_type3A_636 = arith.extui %lt3A_635 : i1 to i32
        %cond3A_637 = arith.constant 0 : i32
        %cond3A_638 = arith.cmpi ne, %convert_element_type3A_636, %cond3A_637 : i32
        scf.if %cond3A_638 {
          %add3A_639 = arith.constant 6 : i32
          %add3A_640 = arith.addi %add3A_603, %add3A_639 : i32
          %dma_start3A_641 = arith.constant 5 : i32
          %dma_start3A_642 = arith.constant 0 : i32
          %dma_start3A_643 = arith.constant 0 : i32
          %dma_start3A_644 = tpu.memref_slice %arg8[%dma_start3A_641, %dma_start3A_642, %dma_start3A_643] : memref<8x2x128xi32, #tpu.memory_space<vmem>> -> memref<1x2x128xi32, #tpu.memory_space<vmem>>
          %dma_start3A_645 = tpu.memref_squeeze %dma_start3A_644 : memref<1x2x128xi32, #tpu.memory_space<vmem>> -> memref<2x128xi32, #tpu.memory_space<vmem>>
          %dma_start3A_646 = arith.constant 0 : i32
          %dma_start3A_647 = arith.constant 0 : i32
          %dma_start3A_648 = tpu.memref_slice %arg3[%arg1, %add3A_640, %dma_start3A_646, %dma_start3A_647] : memref<16x160x2x128xi32, #tpu.memory_space<hbm>> -> memref<1x1x2x128xi32, #tpu.memory_space<hbm>>
          %dma_start3A_649 = tpu.memref_squeeze %dma_start3A_648 : memref<1x1x2x128xi32, #tpu.memory_space<hbm>> -> memref<2x128xi32, #tpu.memory_space<hbm>>
          %dma_start3A_650 = arith.constant 0 : i32
          %dma_start3A_651 = arith.constant 0 : i32
          %dma_start3A_652 = tpu.memref_slice %arg8[%dma_start3A_641, %dma_start3A_650, %dma_start3A_651] : memref<8x2x128xi32, #tpu.memory_space<vmem>> -> memref<1x2x128xi32, #tpu.memory_space<vmem>>
          %dma_start3A_653 = tpu.memref_squeeze %dma_start3A_652 : memref<1x2x128xi32, #tpu.memory_space<vmem>> -> memref<2x128xi32, #tpu.memory_space<vmem>>
          %dma_start3A_654 = arith.constant 0 : i32
          %dma_start3A_655 = arith.constant 0 : i32
          %dma_start3A_656 = tpu.memref_slice %arg3[%arg1, %add3A_640, %dma_start3A_654, %dma_start3A_655] : memref<16x160x2x128xi32, #tpu.memory_space<hbm>> -> memref<1x1x2x128xi32, #tpu.memory_space<hbm>>
          %dma_start3A_657 = tpu.memref_squeeze %dma_start3A_656 : memref<1x1x2x128xi32, #tpu.memory_space<hbm>> -> memref<2x128xi32, #tpu.memory_space<hbm>>
          tpu.enqueue_dma source(%dma_start3A_657 : memref<2x128xi32, #tpu.memory_space<hbm>>) target(%dma_start3A_653 : memref<2x128xi32, #tpu.memory_space<vmem>>) target_semaphore(%arg20 : memref<!tpu.dma_semaphore, #tpu.memory_space<semaphore_mem>>)
        } else {
        }
      }
      %scan3A_313 = arith.constant 20 : i32
      %dma_wait3A_314 = arith.constant 6 : i32
      %dma_wait3A_315 = arith.constant 1 : i32
      %dma_wait3A_316 = arith.constant 0 : i32
      %dma_wait3A_317 = tpu.memref_slice %arg8[%dma_wait3A_314, %dma_wait3A_315, %dma_wait3A_316] : memref<8x2x128xi32, #tpu.memory_space<vmem>> -> memref<1x1x128xi32, #tpu.memory_space<vmem>>
      %dma_wait3A_318 = tpu.memref_squeeze %dma_wait3A_317 : memref<1x1x128xi32, #tpu.memory_space<vmem>> -> memref<128xi32, #tpu.memory_space<vmem>>
      %dma_wait3A_319 = arith.constant 0 : i32
      %dma_wait3A_320 = arith.constant 0 : i32
      %dma_wait3A_321 = tpu.memref_slice %arg7[%dma_wait3A_319, %dma_wait3A_320] : memref<10240x64xf32, #tpu.memory_space<vmem_shared>> -> memref<10240x64xf32, #tpu.memory_space<vmem_shared>>
      tpu.wait_indirect_dma semaphore(%arg29 : memref<!tpu.dma_semaphore, #tpu.memory_space<semaphore_mem>>) src(%arg12 : memref<128x64xf32, #tpu.memory_space<vmem>>) dst(%dma_wait3A_321 : memref<10240x64xf32, #tpu.memory_space<vmem_shared>>)
      %dma_wait3A_322 = arith.constant 7 : i32
      %dma_wait3A_323 = arith.constant 1 : i32
      %dma_wait3A_324 = arith.constant 0 : i32
      %dma_wait3A_325 = tpu.memref_slice %arg8[%dma_wait3A_322, %dma_wait3A_323, %dma_wait3A_324] : memref<8x2x128xi32, #tpu.memory_space<vmem>> -> memref<1x1x128xi32, #tpu.memory_space<vmem>>
      %dma_wait3A_326 = tpu.memref_squeeze %dma_wait3A_325 : memref<1x1x128xi32, #tpu.memory_space<vmem>> -> memref<128xi32, #tpu.memory_space<vmem>>
      %dma_wait3A_327 = arith.constant 0 : i32
      %dma_wait3A_328 = arith.constant 0 : i32
      %dma_wait3A_329 = tpu.memref_slice %arg7[%dma_wait3A_327, %dma_wait3A_328] : memref<10240x64xf32, #tpu.memory_space<vmem_shared>> -> memref<10240x64xf32, #tpu.memory_space<vmem_shared>>
      tpu.wait_indirect_dma semaphore(%arg30 : memref<!tpu.dma_semaphore, #tpu.memory_space<semaphore_mem>>) src(%arg13 : memref<128x64xf32, #tpu.memory_space<vmem>>) dst(%dma_wait3A_329 : memref<10240x64xf32, #tpu.memory_space<vmem_shared>>)
      %barrier3A_330 = arith.constant 0 : index
      tpu.barrier barrier_id(%barrier3A_330)
      %add3A_331 = arith.constant 1 : i32
      %add3A_332 = arith.addi %add3A_148, %add3A_331 : i32
      %get3A = arith.index_cast %add3A_332 : i32 to index
      %get3A_333 = arith.constant 0 : index
      %get3A_334 = tpu.vector_load %arg14[%get3A, %get3A_333] {strides = array<i32>} : memref<16x16xf32, #tpu.memory_space<vmem>>, vector<1x16xf32>,
      %get3A_335 = vector.shape_cast %get3A_334 : vector<1x16xf32> to vector<16xf32>
      %scan3A_336 = arith.constant 0 : i32
      %scan3A_337 = arith.constant 5 : i32
      %scan3A_338 = arith.addi %scan3A_336, %scan3A_337 : i32
      %scan3A_339 = arith.constant 1 : i32
      scf.for %scan3A_342 = %scan3A_336 to %scan3A_338 step %scan3A_339  : i32 {
        %mul3A_343 = arith.constant 1 : i32
        %mul3A_344 = arith.muli %scan3A_342, %mul3A_343 : i32
        %add3A_345 = arith.constant 0 : i32
        %add3A_346 = arith.addi %add3A_345, %mul3A_344 : i32
        %mul3A_347 = arith.constant 128 : i32
        %mul3A_348 = arith.muli %add3A_346, %mul3A_347 : i32
        %add3A_349 = arith.addi %mul3A_0, %mul3A_348 : i32
        %dma_start3A_350 = arith.constant 0 : i32
        %dma_start3A_351 = tpu.memref_slice %arg7[%add3A_349, %dma_start3A_350] : memref<10240x64xf32, #tpu.memory_space<vmem_shared>> -> memref<128x64xf32, #tpu.memory_space<vmem_shared>>
        %dma_start3A_352 = arith.constant 0 : i32
        %dma_start3A_353 = tpu.memref_slice %arg7[%add3A_349, %dma_start3A_352] : memref<10240x64xf32, #tpu.memory_space<vmem_shared>> -> memref<128x64xf32, #tpu.memory_space<vmem_shared>>
        tpu.enqueue_dma source(%dma_start3A_353 : memref<128x64xf32, #tpu.memory_space<vmem_shared>>) target(%arg10 : memref<128x64xf32, #tpu.memory_space<vmem>>) target_semaphore(%arg23 : memref<!tpu.dma_semaphore, #tpu.memory_space<semaphore_mem>>)
        %dma_start3A_354 = arith.constant 0 : i32
        %dma_start3A_355 = tpu.memref_slice %arg6[%add3A_349, %dma_start3A_354] : memref<10240x64xf32, #tpu.memory_space<vmem_shared>> -> memref<128x64xf32, #tpu.memory_space<vmem_shared>>
        %dma_start3A_356 = arith.constant 0 : i32
        %dma_start3A_357 = tpu.memref_slice %arg6[%add3A_349, %dma_start3A_356] : memref<10240x64xf32, #tpu.memory_space<vmem_shared>> -> memref<128x64xf32, #tpu.memory_space<vmem_shared>>
        tpu.enqueue_dma source(%dma_start3A_357 : memref<128x64xf32, #tpu.memory_space<vmem_shared>>) target(%arg11 : memref<128x64xf32, #tpu.memory_space<vmem>>) target_semaphore(%arg24 : memref<!tpu.dma_semaphore, #tpu.memory_space<semaphore_mem>>)
        %dma_start3A_358 = arith.constant 0 : i32
        %dma_start3A_359 = tpu.memref_slice %arg5[%arg0, %add3A_349, %dma_start3A_358] : memref<2x10240x64xf32, #tpu.memory_space<hbm>> -> memref<1x128x64xf32, #tpu.memory_space<hbm>>
        %dma_start3A_360 = tpu.memref_squeeze %dma_start3A_359 : memref<1x128x64xf32, #tpu.memory_space<hbm>> -> memref<128x64xf32, #tpu.memory_space<hbm>>
        %dma_start3A_361 = arith.constant 0 : i32
        %dma_start3A_362 = tpu.memref_slice %arg5[%arg0, %add3A_349, %dma_start3A_361] : memref<2x10240x64xf32, #tpu.memory_space<hbm>> -> memref<1x128x64xf32, #tpu.memory_space<hbm>>
        %dma_start3A_363 = tpu.memref_squeeze %dma_start3A_362 : memref<1x128x64xf32, #tpu.memory_space<hbm>> -> memref<128x64xf32, #tpu.memory_space<hbm>>
        tpu.enqueue_dma source(%dma_start3A_363 : memref<128x64xf32, #tpu.memory_space<hbm>>) target(%arg12 : memref<128x64xf32, #tpu.memory_space<vmem>>) target_semaphore(%arg25 : memref<!tpu.dma_semaphore, #tpu.memory_space<semaphore_mem>>)
        %dma_wait3A_364 = arith.constant 0 : i32
        %dma_wait3A_365 = tpu.memref_slice %arg7[%add3A_349, %dma_wait3A_364] : memref<10240x64xf32, #tpu.memory_space<vmem_shared>> -> memref<128x64xf32, #tpu.memory_space<vmem_shared>>
        %dma_wait3A_366 = arith.constant 0 : i32
        %dma_wait3A_367 = tpu.memref_slice %arg7[%add3A_349, %dma_wait3A_366] : memref<10240x64xf32, #tpu.memory_space<vmem_shared>> -> memref<128x64xf32, #tpu.memory_space<vmem_shared>>
        tpu.wait_dma2 semaphore(%arg23 : memref<!tpu.dma_semaphore, #tpu.memory_space<semaphore_mem>>) src(%dma_wait3A_367 : memref<128x64xf32, #tpu.memory_space<vmem_shared>>) dst(%arg10 : memref<128x64xf32, #tpu.memory_space<vmem>>)
        %dma_wait3A_368 = arith.constant 0 : i32
        %dma_wait3A_369 = tpu.memref_slice %arg6[%add3A_349, %dma_wait3A_368] : memref<10240x64xf32, #tpu.memory_space<vmem_shared>> -> memref<128x64xf32, #tpu.memory_space<vmem_shared>>
        %dma_wait3A_370 = arith.constant 0 : i32
        %dma_wait3A_371 = tpu.memref_slice %arg6[%add3A_349, %dma_wait3A_370] : memref<10240x64xf32, #tpu.memory_space<vmem_shared>> -> memref<128x64xf32, #tpu.memory_space<vmem_shared>>
        tpu.wait_dma2 semaphore(%arg24 : memref<!tpu.dma_semaphore, #tpu.memory_space<semaphore_mem>>) src(%dma_wait3A_371 : memref<128x64xf32, #tpu.memory_space<vmem_shared>>) dst(%arg11 : memref<128x64xf32, #tpu.memory_space<vmem>>)
        %dma_wait3A_372 = arith.constant 0 : i32
        %dma_wait3A_373 = tpu.memref_slice %arg5[%arg0, %add3A_349, %dma_wait3A_372] : memref<2x10240x64xf32, #tpu.memory_space<hbm>> -> memref<1x128x64xf32, #tpu.memory_space<hbm>>
        %dma_wait3A_374 = tpu.memref_squeeze %dma_wait3A_373 : memref<1x128x64xf32, #tpu.memory_space<hbm>> -> memref<128x64xf32, #tpu.memory_space<hbm>>
        %dma_wait3A_375 = arith.constant 0 : i32
        %dma_wait3A_376 = tpu.memref_slice %arg5[%arg0, %add3A_349, %dma_wait3A_375] : memref<2x10240x64xf32, #tpu.memory_space<hbm>> -> memref<1x128x64xf32, #tpu.memory_space<hbm>>
        %dma_wait3A_377 = tpu.memref_squeeze %dma_wait3A_376 : memref<1x128x64xf32, #tpu.memory_space<hbm>> -> memref<128x64xf32, #tpu.memory_space<hbm>>
        tpu.wait_dma2 semaphore(%arg25 : memref<!tpu.dma_semaphore, #tpu.memory_space<semaphore_mem>>) src(%dma_wait3A_377 : memref<128x64xf32, #tpu.memory_space<hbm>>) dst(%arg12 : memref<128x64xf32, #tpu.memory_space<vmem>>)
        %scan3A_378 = arith.constant 0 : i32
        %scan3A_379 = arith.constant 128 : i32
        %scan3A_380 = arith.addi %scan3A_378, %scan3A_379 : i32
        %scan3A_381 = arith.constant 4 : i32
        scf.for %scan3A_411 = %scan3A_378 to %scan3A_380 step %scan3A_381  : i32 {
          %mul3A_412 = arith.constant 1 : i32
          %mul3A_413 = arith.muli %scan3A_411, %mul3A_412 : i32
          %add3A_414 = arith.constant 0 : i32
          %add3A_415 = arith.addi %add3A_414, %mul3A_413 : i32
          %mul3A_416 = arith.constant 128 : i32
          %mul3A_417 = arith.muli %add3A_346, %mul3A_416 : i32
          %add3A_418 = arith.addi %add3A_415, %mul3A_417 : i32
          %get3A_419 = arith.index_cast %add3A_418 : i32 to index
          %get3A_420 = arith.constant 0 : index
          %get3A_421 = tpu.vector_load %arg9[%get3A_419, %get3A_420] {strides = array<i32>} : memref<640x16xf32, #tpu.memory_space<vmem>>, vector<1x16xf32>,
          %get3A_422 = vector.shape_cast %get3A_421 : vector<1x16xf32> to vector<16xf32>
          %get3A_423 = arith.index_cast %add3A_415 : i32 to index
          %get3A_424 = arith.constant 0 : index
          %get3A_425 = tpu.vector_load %arg10[%get3A_423, %get3A_424] {strides = array<i32>} : memref<128x64xf32, #tpu.memory_space<vmem>>, vector<1x16xf32>,
          %get3A_426 = vector.shape_cast %get3A_425 : vector<1x16xf32> to vector<16xf32>
          %get3A_427 = arith.index_cast %add3A_415 : i32 to index
          %get3A_428 = arith.constant 0 : index
          %get3A_429 = tpu.vector_load %arg11[%get3A_427, %get3A_428] {strides = array<i32>} : memref<128x64xf32, #tpu.memory_space<vmem>>, vector<1x16xf32>,
          %get3A_430 = vector.shape_cast %get3A_429 : vector<1x16xf32> to vector<16xf32>
          %add3A_431 = arith.addf %get3A_426, %get3A_430 : vector<16xf32>
          %mul3A_432 = arith.mulf %get3A_422, %add3A_431 : vector<16xf32>
          %get3A_433 = arith.index_cast %add3A_415 : i32 to index
          %get3A_434 = arith.constant 0 : index
          %get3A_435 = tpu.vector_load %arg12[%get3A_433, %get3A_434] {strides = array<i32>} : memref<128x64xf32, #tpu.memory_space<vmem>>, vector<1x16xf32>,
          %get3A_436 = vector.shape_cast %get3A_435 : vector<1x16xf32> to vector<16xf32>
          %mul3A_437 = arith.mulf %get3A_335, %mul3A_432 : vector<16xf32>
          %add3A_438 = arith.addf %get3A_436, %mul3A_437 : vector<16xf32>
          %swap3A = arith.index_cast %add3A_415 : i32 to index
          %swap3A_439 = arith.constant 0 : index
          %swap3A_440 = tpu.vector_load %arg12[%swap3A, %swap3A_439] {strides = array<i32>} : memref<128x64xf32, #tpu.memory_space<vmem>>, vector<1x16xf32>,
          %swap3A_441 = vector.shape_cast %swap3A_440 : vector<1x16xf32> to vector<16xf32>
          %swap3A_442 = vector.shape_cast %add3A_438 : vector<16xf32> to vector<1x16xf32>
          tpu.vector_store %arg12[%swap3A, %swap3A_439], %swap3A_442 {strides = array<i32>} : memref<128x64xf32, #tpu.memory_space<vmem>>, vector<1x16xf32>,
          %mul3A_443 = arith.mulf %get3A_422, %mul3A_432 : vector<16xf32>
          %swap3A_444 = arith.index_cast %add3A_415 : i32 to index
          %swap3A_445 = arith.constant 0 : index
          %swap3A_446 = tpu.vector_load %arg11[%swap3A_444, %swap3A_445] {strides = array<i32>} : memref<128x64xf32, #tpu.memory_space<vmem>>, vector<1x16xf32>,
          %swap3A_447 = vector.shape_cast %swap3A_446 : vector<1x16xf32> to vector<16xf32>
          %swap3A_448 = vector.shape_cast %mul3A_443 : vector<16xf32> to vector<1x16xf32>
          tpu.vector_store %arg11[%swap3A_444, %swap3A_445], %swap3A_448 {strides = array<i32>} : memref<128x64xf32, #tpu.memory_space<vmem>>, vector<1x16xf32>,
          %swap3A_449 = arith.index_cast %add3A_415 : i32 to index
          %swap3A_450 = arith.constant 0 : index
          %swap3A_451 = tpu.vector_load %arg10[%swap3A_449, %swap3A_450] {strides = array<i32>} : memref<128x64xf32, #tpu.memory_space<vmem>>, vector<1x16xf32>,
          %swap3A_452 = vector.shape_cast %swap3A_451 : vector<1x16xf32> to vector<16xf32>
          %swap3A_453 = vector.shape_cast %broadcast_in_dim3A_3 : vector<16xf32> to vector<1x16xf32>
          tpu.vector_store %arg10[%swap3A_449, %swap3A_450], %swap3A_453 {strides = array<i32>} : memref<128x64xf32, #tpu.memory_space<vmem>>, vector<1x16xf32>,
          %get3A_454 = arith.index_cast %add3A_415 : i32 to index
          %get3A_455 = arith.constant 16 : index
          %get3A_456 = tpu.vector_load %arg10[%get3A_454, %get3A_455] {strides = array<i32>} : memref<128x64xf32, #tpu.memory_space<vmem>>, vector<1x16xf32>,
          %get3A_457 = vector.shape_cast %get3A_456 : vector<1x16xf32> to vector<16xf32>
          %get3A_458 = arith.index_cast %add3A_415 : i32 to index
          %get3A_459 = arith.constant 16 : index
          %get3A_460 = tpu.vector_load %arg11[%get3A_458, %get3A_459] {strides = array<i32>} : memref<128x64xf32, #tpu.memory_space<vmem>>, vector<1x16xf32>,
          %get3A_461 = vector.shape_cast %get3A_460 : vector<1x16xf32> to vector<16xf32>
          %add3A_462 = arith.addf %get3A_457, %get3A_461 : vector<16xf32>
          %mul3A_463 = arith.mulf %get3A_422, %add3A_462 : vector<16xf32>
          %get3A_464 = arith.index_cast %add3A_415 : i32 to index
          %get3A_465 = arith.constant 16 : index
          %get3A_466 = tpu.vector_load %arg12[%get3A_464, %get3A_465] {strides = array<i32>} : memref<128x64xf32, #tpu.memory_space<vmem>>, vector<1x16xf32>,
          %get3A_467 = vector.shape_cast %get3A_466 : vector<1x16xf32> to vector<16xf32>
          %mul3A_468 = arith.mulf %get3A_335, %mul3A_463 : vector<16xf32>
          %add3A_469 = arith.addf %get3A_467, %mul3A_468 : vector<16xf32>
          %swap3A_470 = arith.index_cast %add3A_415 : i32 to index
          %swap3A_471 = arith.constant 16 : index
          %swap3A_472 = tpu.vector_load %arg12[%swap3A_470, %swap3A_471] {strides = array<i32>} : memref<128x64xf32, #tpu.memory_space<vmem>>, vector<1x16xf32>,
          %swap3A_473 = vector.shape_cast %swap3A_472 : vector<1x16xf32> to vector<16xf32>
          %swap3A_474 = vector.shape_cast %add3A_469 : vector<16xf32> to vector<1x16xf32>
          tpu.vector_store %arg12[%swap3A_470, %swap3A_471], %swap3A_474 {strides = array<i32>} : memref<128x64xf32, #tpu.memory_space<vmem>>, vector<1x16xf32>,
          %mul3A_475 = arith.mulf %get3A_422, %mul3A_463 : vector<16xf32>
          %swap3A_476 = arith.index_cast %add3A_415 : i32 to index
          %swap3A_477 = arith.constant 16 : index
          %swap3A_478 = tpu.vector_load %arg11[%swap3A_476, %swap3A_477] {strides = array<i32>} : memref<128x64xf32, #tpu.memory_space<vmem>>, vector<1x16xf32>,
          %swap3A_479 = vector.shape_cast %swap3A_478 : vector<1x16xf32> to vector<16xf32>
          %swap3A_480 = vector.shape_cast %mul3A_475 : vector<16xf32> to vector<1x16xf32>
          tpu.vector_store %arg11[%swap3A_476, %swap3A_477], %swap3A_480 {strides = array<i32>} : memref<128x64xf32, #tpu.memory_space<vmem>>, vector<1x16xf32>,
          %swap3A_481 = arith.index_cast %add3A_415 : i32 to index
          %swap3A_482 = arith.constant 16 : index
          %swap3A_483 = tpu.vector_load %arg10[%swap3A_481, %swap3A_482] {strides = array<i32>} : memref<128x64xf32, #tpu.memory_space<vmem>>, vector<1x16xf32>,
          %swap3A_484 = vector.shape_cast %swap3A_483 : vector<1x16xf32> to vector<16xf32>
          %swap3A_485 = vector.shape_cast %broadcast_in_dim3A_3 : vector<16xf32> to vector<1x16xf32>
          tpu.vector_store %arg10[%swap3A_481, %swap3A_482], %swap3A_485 {strides = array<i32>} : memref<128x64xf32, #tpu.memory_space<vmem>>, vector<1x16xf32>,
          %get3A_486 = arith.index_cast %add3A_415 : i32 to index
          %get3A_487 = arith.constant 32 : index
          %get3A_488 = tpu.vector_load %arg10[%get3A_486, %get3A_487] {strides = array<i32>} : memref<128x64xf32, #tpu.memory_space<vmem>>, vector<1x16xf32>,
          %get3A_489 = vector.shape_cast %get3A_488 : vector<1x16xf32> to vector<16xf32>
          %get3A_490 = arith.index_cast %add3A_415 : i32 to index
          %get3A_491 = arith.constant 32 : index
          %get3A_492 = tpu.vector_load %arg11[%get3A_490, %get3A_491] {strides = array<i32>} : memref<128x64xf32, #tpu.memory_space<vmem>>, vector<1x16xf32>,
          %get3A_493 = vector.shape_cast %get3A_492 : vector<1x16xf32> to vector<16xf32>
          %add3A_494 = arith.addf %get3A_489, %get3A_493 : vector<16xf32>
          %mul3A_495 = arith.mulf %get3A_422, %add3A_494 : vector<16xf32>
          %get3A_496 = arith.index_cast %add3A_415 : i32 to index
          %get3A_497 = arith.constant 32 : index
          %get3A_498 = tpu.vector_load %arg12[%get3A_496, %get3A_497] {strides = array<i32>} : memref<128x64xf32, #tpu.memory_space<vmem>>, vector<1x16xf32>,
          %get3A_499 = vector.shape_cast %get3A_498 : vector<1x16xf32> to vector<16xf32>
          %mul3A_500 = arith.mulf %get3A_335, %mul3A_495 : vector<16xf32>
          %add3A_501 = arith.addf %get3A_499, %mul3A_500 : vector<16xf32>
          %swap3A_502 = arith.index_cast %add3A_415 : i32 to index
          %swap3A_503 = arith.constant 32 : index
          %swap3A_504 = tpu.vector_load %arg12[%swap3A_502, %swap3A_503] {strides = array<i32>} : memref<128x64xf32, #tpu.memory_space<vmem>>, vector<1x16xf32>,
          %swap3A_505 = vector.shape_cast %swap3A_504 : vector<1x16xf32> to vector<16xf32>
          %swap3A_506 = vector.shape_cast %add3A_501 : vector<16xf32> to vector<1x16xf32>
          tpu.vector_store %arg12[%swap3A_502, %swap3A_503], %swap3A_506 {strides = array<i32>} : memref<128x64xf32, #tpu.memory_space<vmem>>, vector<1x16xf32>,
          %mul3A_507 = arith.mulf %get3A_422, %mul3A_495 : vector<16xf32>
          %swap3A_508 = arith.index_cast %add3A_415 : i32 to index
          %swap3A_509 = arith.constant 32 : index
          %swap3A_510 = tpu.vector_load %arg11[%swap3A_508, %swap3A_509] {strides = array<i32>} : memref<128x64xf32, #tpu.memory_space<vmem>>, vector<1x16xf32>,
          %swap3A_511 = vector.shape_cast %swap3A_510 : vector<1x16xf32> to vector<16xf32>
          %swap3A_512 = vector.shape_cast %mul3A_507 : vector<16xf32> to vector<1x16xf32>
          tpu.vector_store %arg11[%swap3A_508, %swap3A_509], %swap3A_512 {strides = array<i32>} : memref<128x64xf32, #tpu.memory_space<vmem>>, vector<1x16xf32>,
          %swap3A_513 = arith.index_cast %add3A_415 : i32 to index
          %swap3A_514 = arith.constant 32 : index
          %swap3A_515 = tpu.vector_load %arg10[%swap3A_513, %swap3A_514] {strides = array<i32>} : memref<128x64xf32, #tpu.memory_space<vmem>>, vector<1x16xf32>,
          %swap3A_516 = vector.shape_cast %swap3A_515 : vector<1x16xf32> to vector<16xf32>
          %swap3A_517 = vector.shape_cast %broadcast_in_dim3A_3 : vector<16xf32> to vector<1x16xf32>
          tpu.vector_store %arg10[%swap3A_513, %swap3A_514], %swap3A_517 {strides = array<i32>} : memref<128x64xf32, #tpu.memory_space<vmem>>, vector<1x16xf32>,
          %get3A_518 = arith.index_cast %add3A_415 : i32 to index
          %get3A_519 = arith.constant 48 : index
          %get3A_520 = tpu.vector_load %arg10[%get3A_518, %get3A_519] {strides = array<i32>} : memref<128x64xf32, #tpu.memory_space<vmem>>, vector<1x16xf32>,
          %get3A_521 = vector.shape_cast %get3A_520 : vector<1x16xf32> to vector<16xf32>
          %get3A_522 = arith.index_cast %add3A_415 : i32 to index
          %get3A_523 = arith.constant 48 : index
          %get3A_524 = tpu.vector_load %arg11[%get3A_522, %get3A_523] {strides = array<i32>} : memref<128x64xf32, #tpu.memory_space<vmem>>, vector<1x16xf32>,
          %get3A_525 = vector.shape_cast %get3A_524 : vector<1x16xf32> to vector<16xf32>
          %add3A_526 = arith.addf %get3A_521, %get3A_525 : vector<16xf32>
          %mul3A_527 = arith.mulf %get3A_422, %add3A_526 : vector<16xf32>
          %get3A_528 = arith.index_cast %add3A_415 : i32 to index
          %get3A_529 = arith.constant 48 : index
          %get3A_530 = tpu.vector_load %arg12[%get3A_528, %get3A_529] {strides = array<i32>} : memref<128x64xf32, #tpu.memory_space<vmem>>, vector<1x16xf32>,
          %get3A_531 = vector.shape_cast %get3A_530 : vector<1x16xf32> to vector<16xf32>
          %mul3A_532 = arith.mulf %get3A_335, %mul3A_527 : vector<16xf32>
          %add3A_533 = arith.addf %get3A_531, %mul3A_532 : vector<16xf32>
          %swap3A_534 = arith.index_cast %add3A_415 : i32 to index
          %swap3A_535 = arith.constant 48 : index
          %swap3A_536 = tpu.vector_load %arg12[%swap3A_534, %swap3A_535] {strides = array<i32>} : memref<128x64xf32, #tpu.memory_space<vmem>>, vector<1x16xf32>,
          %swap3A_537 = vector.shape_cast %swap3A_536 : vector<1x16xf32> to vector<16xf32>
          %swap3A_538 = vector.shape_cast %add3A_533 : vector<16xf32> to vector<1x16xf32>
          tpu.vector_store %arg12[%swap3A_534, %swap3A_535], %swap3A_538 {strides = array<i32>} : memref<128x64xf32, #tpu.memory_space<vmem>>, vector<1x16xf32>,
          %mul3A_539 = arith.mulf %get3A_422, %mul3A_527 : vector<16xf32>
          %swap3A_540 = arith.index_cast %add3A_415 : i32 to index
          %swap3A_541 = arith.constant 48 : index
          %swap3A_542 = tpu.vector_load %arg11[%swap3A_540, %swap3A_541] {strides = array<i32>} : memref<128x64xf32, #tpu.memory_space<vmem>>, vector<1x16xf32>,
          %swap3A_543 = vector.shape_cast %swap3A_542 : vector<1x16xf32> to vector<16xf32>
          %swap3A_544 = vector.shape_cast %mul3A_539 : vector<16xf32> to vector<1x16xf32>
          tpu.vector_store %arg11[%swap3A_540, %swap3A_541], %swap3A_544 {strides = array<i32>} : memref<128x64xf32, #tpu.memory_space<vmem>>, vector<1x16xf32>,
          %swap3A_545 = arith.index_cast %add3A_415 : i32 to index
          %swap3A_546 = arith.constant 48 : index
          %swap3A_547 = tpu.vector_load %arg10[%swap3A_545, %swap3A_546] {strides = array<i32>} : memref<128x64xf32, #tpu.memory_space<vmem>>, vector<1x16xf32>,
          %swap3A_548 = vector.shape_cast %swap3A_547 : vector<1x16xf32> to vector<16xf32>
          %swap3A_549 = vector.shape_cast %broadcast_in_dim3A_3 : vector<16xf32> to vector<1x16xf32>
          tpu.vector_store %arg10[%swap3A_545, %swap3A_546], %swap3A_549 {strides = array<i32>} : memref<128x64xf32, #tpu.memory_space<vmem>>, vector<1x16xf32>,
          %scan3A_550 = arith.constant 1 : i32
          %scan3A_551 = arith.addi %scan3A_411, %scan3A_550 : i32
          %mul3A_552 = arith.constant 1 : i32
          %mul3A_553 = arith.muli %scan3A_551, %mul3A_552 : i32
          %add3A_554 = arith.constant 0 : i32
          %add3A_555 = arith.addi %add3A_554, %mul3A_553 : i32
          %mul3A_556 = arith.constant 128 : i32
          %mul3A_557 = arith.muli %add3A_346, %mul3A_556 : i32
          %add3A_558 = arith.addi %add3A_555, %mul3A_557 : i32
          %get3A_559 = arith.index_cast %add3A_558 : i32 to index
          %get3A_560 = arith.constant 0 : index
          %get3A_561 = tpu.vector_load %arg9[%get3A_559, %get3A_560] {strides = array<i32>} : memref<640x16xf32, #tpu.memory_space<vmem>>, vector<1x16xf32>,
          %get3A_562 = vector.shape_cast %get3A_561 : vector<1x16xf32> to vector<16xf32>
          %get3A_563 = arith.index_cast %add3A_555 : i32 to index
          %get3A_564 = arith.constant 0 : index
          %get3A_565 = tpu.vector_load %arg10[%get3A_563, %get3A_564] {strides = array<i32>} : memref<128x64xf32, #tpu.memory_space<vmem>>, vector<1x16xf32>,
          %get3A_566 = vector.shape_cast %get3A_565 : vector<1x16xf32> to vector<16xf32>
          %get3A_567 = arith.index_cast %add3A_555 : i32 to index
          %get3A_568 = arith.constant 0 : index
          %get3A_569 = tpu.vector_load %arg11[%get3A_567, %get3A_568] {strides = array<i32>} : memref<128x64xf32, #tpu.memory_space<vmem>>, vector<1x16xf32>,
          %get3A_570 = vector.shape_cast %get3A_569 : vector<1x16xf32> to vector<16xf32>
          %add3A_571 = arith.addf %get3A_566, %get3A_570 : vector<16xf32>
          %mul3A_572 = arith.mulf %get3A_562, %add3A_571 : vector<16xf32>
          %get3A_573 = arith.index_cast %add3A_555 : i32 to index
          %get3A_574 = arith.constant 0 : index
          %get3A_575 = tpu.vector_load %arg12[%get3A_573, %get3A_574] {strides = array<i32>} : memref<128x64xf32, #tpu.memory_space<vmem>>, vector<1x16xf32>,
          %get3A_576 = vector.shape_cast %get3A_575 : vector<1x16xf32> to vector<16xf32>
          %mul3A_577 = arith.mulf %get3A_335, %mul3A_572 : vector<16xf32>
          %add3A_578 = arith.addf %get3A_576, %mul3A_577 : vector<16xf32>
          %swap3A_579 = arith.index_cast %add3A_555 : i32 to index
          %swap3A_580 = arith.constant 0 : index
          %swap3A_581 = tpu.vector_load %arg12[%swap3A_579, %swap3A_580] {strides = array<i32>} : memref<128x64xf32, #tpu.memory_space<vmem>>, vector<1x16xf32>,
          %swap3A_582 = vector.shape_cast %swap3A_581 : vector<1x16xf32> to vector<16xf32>
          %swap3A_583 = vector.shape_cast %add3A_578 : vector<16xf32> to vector<1x16xf32>
          tpu.vector_store %arg12[%swap3A_579, %swap3A_580], %swap3A_583 {strides = array<i32>} : memref<128x64xf32, #tpu.memory_space<vmem>>, vector<1x16xf32>,
          %mul3A_584 = arith.mulf %get3A_562, %mul3A_572 : vector<16xf32>
          %swap3A_585 = arith.index_cast %add3A_555 : i32 to index
          %swap3A_586 = arith.constant 0 : index
          %swap3A_587 = tpu.vector_load %arg11[%swap3A_585, %swap3A_586] {strides = array<i32>} : memref<128x64xf32, #tpu.memory_space<vmem>>, vector<1x16xf32>,
          %swap3A_588 = vector.shape_cast %swap3A_587 : vector<1x16xf32> to vector<16xf32>
          %swap3A_589 = vector.shape_cast %mul3A_584 : vector<16xf32> to vector<1x16xf32>
          tpu.vector_store %arg11[%swap3A_585, %swap3A_586], %swap3A_589 {strides = array<i32>} : memref<128x64xf32, #tpu.memory_space<vmem>>, vector<1x16xf32>,
          %swap3A_590 = arith.index_cast %add3A_555 : i32 to index
          %swap3A_591 = arith.constant 0 : index
          %swap3A_592 = tpu.vector_load %arg10[%swap3A_590, %swap3A_591] {strides = array<i32>} : memref<128x64xf32, #tpu.memory_space<vmem>>, vector<1x16xf32>,
          %swap3A_593 = vector.shape_cast %swap3A_592 : vector<1x16xf32> to vector<16xf32>
          %swap3A_594 = vector.shape_cast %broadcast_in_dim3A_3 : vector<16xf32> to vector<1x16xf32>
          tpu.vector_store %arg10[%swap3A_590, %swap3A_591], %swap3A_594 {strides = array<i32>} : memref<128x64xf32, #tpu.memory_space<vmem>>, vector<1x16xf32>,
          %get3A_595 = arith.index_cast %add3A_555 : i32 to index
          %get3A_596 = arith.constant 16 : index
          %get3A_597 = tpu.vector_load %arg10[%get3A_595, %get3A_596] {strides = array<i32>} : memref<128x64xf32, #tpu.memory_space<vmem>>, vector<1x16xf32>,
          %get3A_598 = vector.shape_cast %get3A_597 : vector<1x16xf32> to vector<16xf32>
          %get3A_599 = arith.index_cast %add3A_555 : i32 to index
          %get3A_600 = arith.constant 16 : index
          %get3A_601 = tpu.vector_load %arg11[%get3A_599, %get3A_600] {strides = array<i32>} : memref<128x64xf32, #tpu.memory_space<vmem>>, vector<1x16xf32>,
          %get3A_602 = vector.shape_cast %get3A_601 : vector<1x16xf32> to vector<16xf32>
          %add3A_603 = arith.addf %get3A_598, %get3A_602 : vector<16xf32>
          %mul3A_604 = arith.mulf %get3A_562, %add3A_603 : vector<16xf32>
          %get3A_605 = arith.index_cast %add3A_555 : i32 to index
          %get3A_606 = arith.constant 16 : index
          %get3A_607 = tpu.vector_load %arg12[%get3A_605, %get3A_606] {strides = array<i32>} : memref<128x64xf32, #tpu.memory_space<vmem>>, vector<1x16xf32>,
          %get3A_608 = vector.shape_cast %get3A_607 : vector<1x16xf32> to vector<16xf32>
          %mul3A_609 = arith.mulf %get3A_335, %mul3A_604 : vector<16xf32>
          %add3A_610 = arith.addf %get3A_608, %mul3A_609 : vector<16xf32>
          %swap3A_611 = arith.index_cast %add3A_555 : i32 to index
          %swap3A_612 = arith.constant 16 : index
          %swap3A_613 = tpu.vector_load %arg12[%swap3A_611, %swap3A_612] {strides = array<i32>} : memref<128x64xf32, #tpu.memory_space<vmem>>, vector<1x16xf32>,
          %swap3A_614 = vector.shape_cast %swap3A_613 : vector<1x16xf32> to vector<16xf32>
          %swap3A_615 = vector.shape_cast %add3A_610 : vector<16xf32> to vector<1x16xf32>
          tpu.vector_store %arg12[%swap3A_611, %swap3A_612], %swap3A_615 {strides = array<i32>} : memref<128x64xf32, #tpu.memory_space<vmem>>, vector<1x16xf32>,
          %mul3A_616 = arith.mulf %get3A_562, %mul3A_604 : vector<16xf32>
          %swap3A_617 = arith.index_cast %add3A_555 : i32 to index
          %swap3A_618 = arith.constant 16 : index
          %swap3A_619 = tpu.vector_load %arg11[%swap3A_617, %swap3A_618] {strides = array<i32>} : memref<128x64xf32, #tpu.memory_space<vmem>>, vector<1x16xf32>,
          %swap3A_620 = vector.shape_cast %swap3A_619 : vector<1x16xf32> to vector<16xf32>
          %swap3A_621 = vector.shape_cast %mul3A_616 : vector<16xf32> to vector<1x16xf32>
          tpu.vector_store %arg11[%swap3A_617, %swap3A_618], %swap3A_621 {strides = array<i32>} : memref<128x64xf32, #tpu.memory_space<vmem>>, vector<1x16xf32>,
          %swap3A_622 = arith.index_cast %add3A_555 : i32 to index
          %swap3A_623 = arith.constant 16 : index
          %swap3A_624 = tpu.vector_load %arg10[%swap3A_622, %swap3A_623] {strides = array<i32>} : memref<128x64xf32, #tpu.memory_space<vmem>>, vector<1x16xf32>,
          %swap3A_625 = vector.shape_cast %swap3A_624 : vector<1x16xf32> to vector<16xf32>
          %swap3A_626 = vector.shape_cast %broadcast_in_dim3A_3 : vector<16xf32> to vector<1x16xf32>
          tpu.vector_store %arg10[%swap3A_622, %swap3A_623], %swap3A_626 {strides = array<i32>} : memref<128x64xf32, #tpu.memory_space<vmem>>, vector<1x16xf32>,
          %get3A_627 = arith.index_cast %add3A_555 : i32 to index
          %get3A_628 = arith.constant 32 : index
          %get3A_629 = tpu.vector_load %arg10[%get3A_627, %get3A_628] {strides = array<i32>} : memref<128x64xf32, #tpu.memory_space<vmem>>, vector<1x16xf32>,
          %get3A_630 = vector.shape_cast %get3A_629 : vector<1x16xf32> to vector<16xf32>
          %get3A_631 = arith.index_cast %add3A_555 : i32 to index
          %get3A_632 = arith.constant 32 : index
          %get3A_633 = tpu.vector_load %arg11[%get3A_631, %get3A_632] {strides = array<i32>} : memref<128x64xf32, #tpu.memory_space<vmem>>, vector<1x16xf32>,
          %get3A_634 = vector.shape_cast %get3A_633 : vector<1x16xf32> to vector<16xf32>
          %add3A_635 = arith.addf %get3A_630, %get3A_634 : vector<16xf32>
          %mul3A_636 = arith.mulf %get3A_562, %add3A_635 : vector<16xf32>
          %get3A_637 = arith.index_cast %add3A_555 : i32 to index
          %get3A_638 = arith.constant 32 : index
          %get3A_639 = tpu.vector_load %arg12[%get3A_637, %get3A_638] {strides = array<i32>} : memref<128x64xf32, #tpu.memory_space<vmem>>, vector<1x16xf32>,
          %get3A_640 = vector.shape_cast %get3A_639 : vector<1x16xf32> to vector<16xf32>
          %mul3A_641 = arith.mulf %get3A_335, %mul3A_636 : vector<16xf32>
          %add3A_642 = arith.addf %get3A_640, %mul3A_641 : vector<16xf32>
          %swap3A_643 = arith.index_cast %add3A_555 : i32 to index
          %swap3A_644 = arith.constant 32 : index
          %swap3A_645 = tpu.vector_load %arg12[%swap3A_643, %swap3A_644] {strides = array<i32>} : memref<128x64xf32, #tpu.memory_space<vmem>>, vector<1x16xf32>,
          %swap3A_646 = vector.shape_cast %swap3A_645 : vector<1x16xf32> to vector<16xf32>
          %swap3A_647 = vector.shape_cast %add3A_642 : vector<16xf32> to vector<1x16xf32>
          tpu.vector_store %arg12[%swap3A_643, %swap3A_644], %swap3A_647 {strides = array<i32>} : memref<128x64xf32, #tpu.memory_space<vmem>>, vector<1x16xf32>,
          %mul3A_648 = arith.mulf %get3A_562, %mul3A_636 : vector<16xf32>
          %swap3A_649 = arith.index_cast %add3A_555 : i32 to index
          %swap3A_650 = arith.constant 32 : index
          %swap3A_651 = tpu.vector_load %arg11[%swap3A_649, %swap3A_650] {strides = array<i32>} : memref<128x64xf32, #tpu.memory_space<vmem>>, vector<1x16xf32>,
          %swap3A_652 = vector.shape_cast %swap3A_651 : vector<1x16xf32> to vector<16xf32>
          %swap3A_653 = vector.shape_cast %mul3A_648 : vector<16xf32> to vector<1x16xf32>
          tpu.vector_store %arg11[%swap3A_649, %swap3A_650], %swap3A_653 {strides = array<i32>} : memref<128x64xf32, #tpu.memory_space<vmem>>, vector<1x16xf32>,
          %swap3A_654 = arith.index_cast %add3A_555 : i32 to index
          %swap3A_655 = arith.constant 32 : index
          %swap3A_656 = tpu.vector_load %arg10[%swap3A_654, %swap3A_655] {strides = array<i32>} : memref<128x64xf32, #tpu.memory_space<vmem>>, vector<1x16xf32>,
          %swap3A_657 = vector.shape_cast %swap3A_656 : vector<1x16xf32> to vector<16xf32>
          %swap3A_658 = vector.shape_cast %broadcast_in_dim3A_3 : vector<16xf32> to vector<1x16xf32>
          tpu.vector_store %arg10[%swap3A_654, %swap3A_655], %swap3A_658 {strides = array<i32>} : memref<128x64xf32, #tpu.memory_space<vmem>>, vector<1x16xf32>,
          %get3A_659 = arith.index_cast %add3A_555 : i32 to index
          %get3A_660 = arith.constant 48 : index
          %get3A_661 = tpu.vector_load %arg10[%get3A_659, %get3A_660] {strides = array<i32>} : memref<128x64xf32, #tpu.memory_space<vmem>>, vector<1x16xf32>,
          %get3A_662 = vector.shape_cast %get3A_661 : vector<1x16xf32> to vector<16xf32>
          %get3A_663 = arith.index_cast %add3A_555 : i32 to index
          %get3A_664 = arith.constant 48 : index
          %get3A_665 = tpu.vector_load %arg11[%get3A_663, %get3A_664] {strides = array<i32>} : memref<128x64xf32, #tpu.memory_space<vmem>>, vector<1x16xf32>,
          %get3A_666 = vector.shape_cast %get3A_665 : vector<1x16xf32> to vector<16xf32>
          %add3A_667 = arith.addf %get3A_662, %get3A_666 : vector<16xf32>
          %mul3A_668 = arith.mulf %get3A_562, %add3A_667 : vector<16xf32>
          %get3A_669 = arith.index_cast %add3A_555 : i32 to index
          %get3A_670 = arith.constant 48 : index
          %get3A_671 = tpu.vector_load %arg12[%get3A_669, %get3A_670] {strides = array<i32>} : memref<128x64xf32, #tpu.memory_space<vmem>>, vector<1x16xf32>,
          %get3A_672 = vector.shape_cast %get3A_671 : vector<1x16xf32> to vector<16xf32>
          %mul3A_673 = arith.mulf %get3A_335, %mul3A_668 : vector<16xf32>
          %add3A_674 = arith.addf %get3A_672, %mul3A_673 : vector<16xf32>
          %swap3A_675 = arith.index_cast %add3A_555 : i32 to index
          %swap3A_676 = arith.constant 48 : index
          %swap3A_677 = tpu.vector_load %arg12[%swap3A_675, %swap3A_676] {strides = array<i32>} : memref<128x64xf32, #tpu.memory_space<vmem>>, vector<1x16xf32>,
          %swap3A_678 = vector.shape_cast %swap3A_677 : vector<1x16xf32> to vector<16xf32>
          %swap3A_679 = vector.shape_cast %add3A_674 : vector<16xf32> to vector<1x16xf32>
          tpu.vector_store %arg12[%swap3A_675, %swap3A_676], %swap3A_679 {strides = array<i32>} : memref<128x64xf32, #tpu.memory_space<vmem>>, vector<1x16xf32>,
          %mul3A_680 = arith.mulf %get3A_562, %mul3A_668 : vector<16xf32>
          %swap3A_681 = arith.index_cast %add3A_555 : i32 to index
          %swap3A_682 = arith.constant 48 : index
          %swap3A_683 = tpu.vector_load %arg11[%swap3A_681, %swap3A_682] {strides = array<i32>} : memref<128x64xf32, #tpu.memory_space<vmem>>, vector<1x16xf32>,
          %swap3A_684 = vector.shape_cast %swap3A_683 : vector<1x16xf32> to vector<16xf32>
          %swap3A_685 = vector.shape_cast %mul3A_680 : vector<16xf32> to vector<1x16xf32>
          tpu.vector_store %arg11[%swap3A_681, %swap3A_682], %swap3A_685 {strides = array<i32>} : memref<128x64xf32, #tpu.memory_space<vmem>>, vector<1x16xf32>,
          %swap3A_686 = arith.index_cast %add3A_555 : i32 to index
          %swap3A_687 = arith.constant 48 : index
          %swap3A_688 = tpu.vector_load %arg10[%swap3A_686, %swap3A_687] {strides = array<i32>} : memref<128x64xf32, #tpu.memory_space<vmem>>, vector<1x16xf32>,
          %swap3A_689 = vector.shape_cast %swap3A_688 : vector<1x16xf32> to vector<16xf32>
          %swap3A_690 = vector.shape_cast %broadcast_in_dim3A_3 : vector<16xf32> to vector<1x16xf32>
          tpu.vector_store %arg10[%swap3A_686, %swap3A_687], %swap3A_690 {strides = array<i32>} : memref<128x64xf32, #tpu.memory_space<vmem>>, vector<1x16xf32>,
          %scan3A_691 = arith.constant 2 : i32
          %scan3A_692 = arith.addi %scan3A_411, %scan3A_691 : i32
          %mul3A_693 = arith.constant 1 : i32
          %mul3A_694 = arith.muli %scan3A_692, %mul3A_693 : i32
          %add3A_695 = arith.constant 0 : i32
          %add3A_696 = arith.addi %add3A_695, %mul3A_694 : i32
          %mul3A_697 = arith.constant 128 : i32
          %mul3A_698 = arith.muli %add3A_346, %mul3A_697 : i32
          %add3A_699 = arith.addi %add3A_696, %mul3A_698 : i32
          %get3A_700 = arith.index_cast %add3A_699 : i32 to index
          %get3A_701 = arith.constant 0 : index
          %get3A_702 = tpu.vector_load %arg9[%get3A_700, %get3A_701] {strides = array<i32>} : memref<640x16xf32, #tpu.memory_space<vmem>>, vector<1x16xf32>,
          %get3A_703 = vector.shape_cast %get3A_702 : vector<1x16xf32> to vector<16xf32>
          %get3A_704 = arith.index_cast %add3A_696 : i32 to index
          %get3A_705 = arith.constant 0 : index
          %get3A_706 = tpu.vector_load %arg10[%get3A_704, %get3A_705] {strides = array<i32>} : memref<128x64xf32, #tpu.memory_space<vmem>>, vector<1x16xf32>,
          %get3A_707 = vector.shape_cast %get3A_706 : vector<1x16xf32> to vector<16xf32>
          %get3A_708 = arith.index_cast %add3A_696 : i32 to index
          %get3A_709 = arith.constant 0 : index
          %get3A_710 = tpu.vector_load %arg11[%get3A_708, %get3A_709] {strides = array<i32>} : memref<128x64xf32, #tpu.memory_space<vmem>>, vector<1x16xf32>,
          %get3A_711 = vector.shape_cast %get3A_710 : vector<1x16xf32> to vector<16xf32>
          %add3A_712 = arith.addf %get3A_707, %get3A_711 : vector<16xf32>
          %mul3A_713 = arith.mulf %get3A_703, %add3A_712 : vector<16xf32>
          %get3A_714 = arith.index_cast %add3A_696 : i32 to index
          %get3A_715 = arith.constant 0 : index
          %get3A_716 = tpu.vector_load %arg12[%get3A_714, %get3A_715] {strides = array<i32>} : memref<128x64xf32, #tpu.memory_space<vmem>>, vector<1x16xf32>,
          %get3A_717 = vector.shape_cast %get3A_716 : vector<1x16xf32> to vector<16xf32>
          %mul3A_718 = arith.mulf %get3A_335, %mul3A_713 : vector<16xf32>
          %add3A_719 = arith.addf %get3A_717, %mul3A_718 : vector<16xf32>
          %swap3A_720 = arith.index_cast %add3A_696 : i32 to index
          %swap3A_721 = arith.constant 0 : index
          %swap3A_722 = tpu.vector_load %arg12[%swap3A_720, %swap3A_721] {strides = array<i32>} : memref<128x64xf32, #tpu.memory_space<vmem>>, vector<1x16xf32>,
          %swap3A_723 = vector.shape_cast %swap3A_722 : vector<1x16xf32> to vector<16xf32>
          %swap3A_724 = vector.shape_cast %add3A_719 : vector<16xf32> to vector<1x16xf32>
          tpu.vector_store %arg12[%swap3A_720, %swap3A_721], %swap3A_724 {strides = array<i32>} : memref<128x64xf32, #tpu.memory_space<vmem>>, vector<1x16xf32>,
          %mul3A_725 = arith.mulf %get3A_703, %mul3A_713 : vector<16xf32>
          %swap3A_726 = arith.index_cast %add3A_696 : i32 to index
          %swap3A_727 = arith.constant 0 : index
          %swap3A_728 = tpu.vector_load %arg11[%swap3A_726, %swap3A_727] {strides = array<i32>} : memref<128x64xf32, #tpu.memory_space<vmem>>, vector<1x16xf32>,
          %swap3A_729 = vector.shape_cast %swap3A_728 : vector<1x16xf32> to vector<16xf32>
          %swap3A_730 = vector.shape_cast %mul3A_725 : vector<16xf32> to vector<1x16xf32>
          tpu.vector_store %arg11[%swap3A_726, %swap3A_727], %swap3A_730 {strides = array<i32>} : memref<128x64xf32, #tpu.memory_space<vmem>>, vector<1x16xf32>,
          %swap3A_731 = arith.index_cast %add3A_696 : i32 to index
          %swap3A_732 = arith.constant 0 : index
          %swap3A_733 = tpu.vector_load %arg10[%swap3A_731, %swap3A_732] {strides = array<i32>} : memref<128x64xf32, #tpu.memory_space<vmem>>, vector<1x16xf32>,
          %swap3A_734 = vector.shape_cast %swap3A_733 : vector<1x16xf32> to vector<16xf32>
          %swap3A_735 = vector.shape_cast %broadcast_in_dim3A_3 : vector<16xf32> to vector<1x16xf32>
          tpu.vector_store %arg10[%swap3A_731, %swap3A_732], %swap3A_735 {strides = array<i32>} : memref<128x64xf32, #tpu.memory_space<vmem>>, vector<1x16xf32>,
          %get3A_736 = arith.index_cast %add3A_696 : i32 to index
          %get3A_737 = arith.constant 16 : index
          %get3A_738 = tpu.vector_load %arg10[%get3A_736, %get3A_737] {strides = array<i32>} : memref<128x64xf32, #tpu.memory_space<vmem>>, vector<1x16xf32>,
          %get3A_739 = vector.shape_cast %get3A_738 : vector<1x16xf32> to vector<16xf32>
          %get3A_740 = arith.index_cast %add3A_696 : i32 to index
          %get3A_741 = arith.constant 16 : index
          %get3A_742 = tpu.vector_load %arg11[%get3A_740, %get3A_741] {strides = array<i32>} : memref<128x64xf32, #tpu.memory_space<vmem>>, vector<1x16xf32>,
          %get3A_743 = vector.shape_cast %get3A_742 : vector<1x16xf32> to vector<16xf32>
          %add3A_744 = arith.addf %get3A_739, %get3A_743 : vector<16xf32>
          %mul3A_745 = arith.mulf %get3A_703, %add3A_744 : vector<16xf32>
          %get3A_746 = arith.index_cast %add3A_696 : i32 to index
          %get3A_747 = arith.constant 16 : index
          %get3A_748 = tpu.vector_load %arg12[%get3A_746, %get3A_747] {strides = array<i32>} : memref<128x64xf32, #tpu.memory_space<vmem>>, vector<1x16xf32>,
          %get3A_749 = vector.shape_cast %get3A_748 : vector<1x16xf32> to vector<16xf32>
          %mul3A_750 = arith.mulf %get3A_335, %mul3A_745 : vector<16xf32>
          %add3A_751 = arith.addf %get3A_749, %mul3A_750 : vector<16xf32>
          %swap3A_752 = arith.index_cast %add3A_696 : i32 to index
          %swap3A_753 = arith.constant 16 : index
          %swap3A_754 = tpu.vector_load %arg12[%swap3A_752, %swap3A_753] {strides = array<i32>} : memref<128x64xf32, #tpu.memory_space<vmem>>, vector<1x16xf32>,
          %swap3A_755 = vector.shape_cast %swap3A_754 : vector<1x16xf32> to vector<16xf32>
          %swap3A_756 = vector.shape_cast %add3A_751 : vector<16xf32> to vector<1x16xf32>
          tpu.vector_store %arg12[%swap3A_752, %swap3A_753], %swap3A_756 {strides = array<i32>} : memref<128x64xf32, #tpu.memory_space<vmem>>, vector<1x16xf32>,
          %mul3A_757 = arith.mulf %get3A_703, %mul3A_745 : vector<16xf32>
          %swap3A_758 = arith.index_cast %add3A_696 : i32 to index
          %swap3A_759 = arith.constant 16 : index
          %swap3A_760 = tpu.vector_load %arg11[%swap3A_758, %swap3A_759] {strides = array<i32>} : memref<128x64xf32, #tpu.memory_space<vmem>>, vector<1x16xf32>,
          %swap3A_761 = vector.shape_cast %swap3A_760 : vector<1x16xf32> to vector<16xf32>
          %swap3A_762 = vector.shape_cast %mul3A_757 : vector<16xf32> to vector<1x16xf32>
          tpu.vector_store %arg11[%swap3A_758, %swap3A_759], %swap3A_762 {strides = array<i32>} : memref<128x64xf32, #tpu.memory_space<vmem>>, vector<1x16xf32>,
          %swap3A_763 = arith.index_cast %add3A_696 : i32 to index
          %swap3A_764 = arith.constant 16 : index
          %swap3A_765 = tpu.vector_load %arg10[%swap3A_763, %swap3A_764] {strides = array<i32>} : memref<128x64xf32, #tpu.memory_space<vmem>>, vector<1x16xf32>,
          %swap3A_766 = vector.shape_cast %swap3A_765 : vector<1x16xf32> to vector<16xf32>
          %swap3A_767 = vector.shape_cast %broadcast_in_dim3A_3 : vector<16xf32> to vector<1x16xf32>
          tpu.vector_store %arg10[%swap3A_763, %swap3A_764], %swap3A_767 {strides = array<i32>} : memref<128x64xf32, #tpu.memory_space<vmem>>, vector<1x16xf32>,
          %get3A_768 = arith.index_cast %add3A_696 : i32 to index
          %get3A_769 = arith.constant 32 : index
          %get3A_770 = tpu.vector_load %arg10[%get3A_768, %get3A_769] {strides = array<i32>} : memref<128x64xf32, #tpu.memory_space<vmem>>, vector<1x16xf32>,
          %get3A_771 = vector.shape_cast %get3A_770 : vector<1x16xf32> to vector<16xf32>
          %get3A_772 = arith.index_cast %add3A_696 : i32 to index
          %get3A_773 = arith.constant 32 : index
          %get3A_774 = tpu.vector_load %arg11[%get3A_772, %get3A_773] {strides = array<i32>} : memref<128x64xf32, #tpu.memory_space<vmem>>, vector<1x16xf32>,
          %get3A_775 = vector.shape_cast %get3A_774 : vector<1x16xf32> to vector<16xf32>
          %add3A_776 = arith.addf %get3A_771, %get3A_775 : vector<16xf32>
          %mul3A_777 = arith.mulf %get3A_703, %add3A_776 : vector<16xf32>
          %get3A_778 = arith.index_cast %add3A_696 : i32 to index
          %get3A_779 = arith.constant 32 : index
          %get3A_780 = tpu.vector_load %arg12[%get3A_778, %get3A_779] {strides = array<i32>} : memref<128x64xf32, #tpu.memory_space<vmem>>, vector<1x16xf32>,
          %get3A_781 = vector.shape_cast %get3A_780 : vector<1x16xf32> to vector<16xf32>
          %mul3A_782 = arith.mulf %get3A_335, %mul3A_777 : vector<16xf32>
          %add3A_783 = arith.addf %get3A_781, %mul3A_782 : vector<16xf32>
          %swap3A_784 = arith.index_cast %add3A_696 : i32 to index
          %swap3A_785 = arith.constant 32 : index
          %swap3A_786 = tpu.vector_load %arg12[%swap3A_784, %swap3A_785] {strides = array<i32>} : memref<128x64xf32, #tpu.memory_space<vmem>>, vector<1x16xf32>,
          %swap3A_787 = vector.shape_cast %swap3A_786 : vector<1x16xf32> to vector<16xf32>
          %swap3A_788 = vector.shape_cast %add3A_783 : vector<16xf32> to vector<1x16xf32>
          tpu.vector_store %arg12[%swap3A_784, %swap3A_785], %swap3A_788 {strides = array<i32>} : memref<128x64xf32, #tpu.memory_space<vmem>>, vector<1x16xf32>,
          %mul3A_789 = arith.mulf %get3A_703, %mul3A_777 : vector<16xf32>
          %swap3A_790 = arith.index_cast %add3A_696 : i32 to index
          %swap3A_791 = arith.constant 32 : index
          %swap3A_792 = tpu.vector_load %arg11[%swap3A_790, %swap3A_791] {strides = array<i32>} : memref<128x64xf32, #tpu.memory_space<vmem>>, vector<1x16xf32>,
          %swap3A_793 = vector.shape_cast %swap3A_792 : vector<1x16xf32> to vector<16xf32>
          %swap3A_794 = vector.shape_cast %mul3A_789 : vector<16xf32> to vector<1x16xf32>
          tpu.vector_store %arg11[%swap3A_790, %swap3A_791], %swap3A_794 {strides = array<i32>} : memref<128x64xf32, #tpu.memory_space<vmem>>, vector<1x16xf32>,
          %swap3A_795 = arith.index_cast %add3A_696 : i32 to index
          %swap3A_796 = arith.constant 32 : index
          %swap3A_797 = tpu.vector_load %arg10[%swap3A_795, %swap3A_796] {strides = array<i32>} : memref<128x64xf32, #tpu.memory_space<vmem>>, vector<1x16xf32>,
          %swap3A_798 = vector.shape_cast %swap3A_797 : vector<1x16xf32> to vector<16xf32>
          %swap3A_799 = vector.shape_cast %broadcast_in_dim3A_3 : vector<16xf32> to vector<1x16xf32>
          tpu.vector_store %arg10[%swap3A_795, %swap3A_796], %swap3A_799 {strides = array<i32>} : memref<128x64xf32, #tpu.memory_space<vmem>>, vector<1x16xf32>,
          %get3A_800 = arith.index_cast %add3A_696 : i32 to index
          %get3A_801 = arith.constant 48 : index
          %get3A_802 = tpu.vector_load %arg10[%get3A_800, %get3A_801] {strides = array<i32>} : memref<128x64xf32, #tpu.memory_space<vmem>>, vector<1x16xf32>,
          %get3A_803 = vector.shape_cast %get3A_802 : vector<1x16xf32> to vector<16xf32>
          %get3A_804 = arith.index_cast %add3A_696 : i32 to index
          %get3A_805 = arith.constant 48 : index
          %get3A_806 = tpu.vector_load %arg11[%get3A_804, %get3A_805] {strides = array<i32>} : memref<128x64xf32, #tpu.memory_space<vmem>>, vector<1x16xf32>,
          %get3A_807 = vector.shape_cast %get3A_806 : vector<1x16xf32> to vector<16xf32>
          %add3A_808 = arith.addf %get3A_803, %get3A_807 : vector<16xf32>
          %mul3A_809 = arith.mulf %get3A_703, %add3A_808 : vector<16xf32>
          %get3A_810 = arith.index_cast %add3A_696 : i32 to index
          %get3A_811 = arith.constant 48 : index
          %get3A_812 = tpu.vector_load %arg12[%get3A_810, %get3A_811] {strides = array<i32>} : memref<128x64xf32, #tpu.memory_space<vmem>>, vector<1x16xf32>,
          %get3A_813 = vector.shape_cast %get3A_812 : vector<1x16xf32> to vector<16xf32>
          %mul3A_814 = arith.mulf %get3A_335, %mul3A_809 : vector<16xf32>
          %add3A_815 = arith.addf %get3A_813, %mul3A_814 : vector<16xf32>
          %swap3A_816 = arith.index_cast %add3A_696 : i32 to index
          %swap3A_817 = arith.constant 48 : index
          %swap3A_818 = tpu.vector_load %arg12[%swap3A_816, %swap3A_817] {strides = array<i32>} : memref<128x64xf32, #tpu.memory_space<vmem>>, vector<1x16xf32>,
          %swap3A_819 = vector.shape_cast %swap3A_818 : vector<1x16xf32> to vector<16xf32>
          %swap3A_820 = vector.shape_cast %add3A_815 : vector<16xf32> to vector<1x16xf32>
          tpu.vector_store %arg12[%swap3A_816, %swap3A_817], %swap3A_820 {strides = array<i32>} : memref<128x64xf32, #tpu.memory_space<vmem>>, vector<1x16xf32>,
          %mul3A_821 = arith.mulf %get3A_703, %mul3A_809 : vector<16xf32>
          %swap3A_822 = arith.index_cast %add3A_696 : i32 to index
          %swap3A_823 = arith.constant 48 : index
          %swap3A_824 = tpu.vector_load %arg11[%swap3A_822, %swap3A_823] {strides = array<i32>} : memref<128x64xf32, #tpu.memory_space<vmem>>, vector<1x16xf32>,
          %swap3A_825 = vector.shape_cast %swap3A_824 : vector<1x16xf32> to vector<16xf32>
          %swap3A_826 = vector.shape_cast %mul3A_821 : vector<16xf32> to vector<1x16xf32>
          tpu.vector_store %arg11[%swap3A_822, %swap3A_823], %swap3A_826 {strides = array<i32>} : memref<128x64xf32, #tpu.memory_space<vmem>>, vector<1x16xf32>,
          %swap3A_827 = arith.index_cast %add3A_696 : i32 to index
          %swap3A_828 = arith.constant 48 : index
          %swap3A_829 = tpu.vector_load %arg10[%swap3A_827, %swap3A_828] {strides = array<i32>} : memref<128x64xf32, #tpu.memory_space<vmem>>, vector<1x16xf32>,
          %swap3A_830 = vector.shape_cast %swap3A_829 : vector<1x16xf32> to vector<16xf32>
          %swap3A_831 = vector.shape_cast %broadcast_in_dim3A_3 : vector<16xf32> to vector<1x16xf32>
          tpu.vector_store %arg10[%swap3A_827, %swap3A_828], %swap3A_831 {strides = array<i32>} : memref<128x64xf32, #tpu.memory_space<vmem>>, vector<1x16xf32>,
          %scan3A_832 = arith.constant 3 : i32
          %scan3A_833 = arith.addi %scan3A_411, %scan3A_832 : i32
          %mul3A_834 = arith.constant 1 : i32
          %mul3A_835 = arith.muli %scan3A_833, %mul3A_834 : i32
          %add3A_836 = arith.constant 0 : i32
          %add3A_837 = arith.addi %add3A_836, %mul3A_835 : i32
          %mul3A_838 = arith.constant 128 : i32
          %mul3A_839 = arith.muli %add3A_346, %mul3A_838 : i32
          %add3A_840 = arith.addi %add3A_837, %mul3A_839 : i32
          %get3A_841 = arith.index_cast %add3A_840 : i32 to index
          %get3A_842 = arith.constant 0 : index
          %get3A_843 = tpu.vector_load %arg9[%get3A_841, %get3A_842] {strides = array<i32>} : memref<640x16xf32, #tpu.memory_space<vmem>>, vector<1x16xf32>,
          %get3A_844 = vector.shape_cast %get3A_843 : vector<1x16xf32> to vector<16xf32>
          %get3A_845 = arith.index_cast %add3A_837 : i32 to index
          %get3A_846 = arith.constant 0 : index
          %get3A_847 = tpu.vector_load %arg10[%get3A_845, %get3A_846] {strides = array<i32>} : memref<128x64xf32, #tpu.memory_space<vmem>>, vector<1x16xf32>,
          %get3A_848 = vector.shape_cast %get3A_847 : vector<1x16xf32> to vector<16xf32>
          %get3A_849 = arith.index_cast %add3A_837 : i32 to index
          %get3A_850 = arith.constant 0 : index
          %get3A_851 = tpu.vector_load %arg11[%get3A_849, %get3A_850] {strides = array<i32>} : memref<128x64xf32, #tpu.memory_space<vmem>>, vector<1x16xf32>,
          %get3A_852 = vector.shape_cast %get3A_851 : vector<1x16xf32> to vector<16xf32>
          %add3A_853 = arith.addf %get3A_848, %get3A_852 : vector<16xf32>
          %mul3A_854 = arith.mulf %get3A_844, %add3A_853 : vector<16xf32>
          %get3A_855 = arith.index_cast %add3A_837 : i32 to index
          %get3A_856 = arith.constant 0 : index
          %get3A_857 = tpu.vector_load %arg12[%get3A_855, %get3A_856] {strides = array<i32>} : memref<128x64xf32, #tpu.memory_space<vmem>>, vector<1x16xf32>,
          %get3A_858 = vector.shape_cast %get3A_857 : vector<1x16xf32> to vector<16xf32>
          %mul3A_859 = arith.mulf %get3A_335, %mul3A_854 : vector<16xf32>
          %add3A_860 = arith.addf %get3A_858, %mul3A_859 : vector<16xf32>
          %swap3A_861 = arith.index_cast %add3A_837 : i32 to index
          %swap3A_862 = arith.constant 0 : index
          %swap3A_863 = tpu.vector_load %arg12[%swap3A_861, %swap3A_862] {strides = array<i32>} : memref<128x64xf32, #tpu.memory_space<vmem>>, vector<1x16xf32>,
          %swap3A_864 = vector.shape_cast %swap3A_863 : vector<1x16xf32> to vector<16xf32>
          %swap3A_865 = vector.shape_cast %add3A_860 : vector<16xf32> to vector<1x16xf32>
          tpu.vector_store %arg12[%swap3A_861, %swap3A_862], %swap3A_865 {strides = array<i32>} : memref<128x64xf32, #tpu.memory_space<vmem>>, vector<1x16xf32>,
          %mul3A_866 = arith.mulf %get3A_844, %mul3A_854 : vector<16xf32>
          %swap3A_867 = arith.index_cast %add3A_837 : i32 to index
          %swap3A_868 = arith.constant 0 : index
          %swap3A_869 = tpu.vector_load %arg11[%swap3A_867, %swap3A_868] {strides = array<i32>} : memref<128x64xf32, #tpu.memory_space<vmem>>, vector<1x16xf32>,
          %swap3A_870 = vector.shape_cast %swap3A_869 : vector<1x16xf32> to vector<16xf32>
          %swap3A_871 = vector.shape_cast %mul3A_866 : vector<16xf32> to vector<1x16xf32>
          tpu.vector_store %arg11[%swap3A_867, %swap3A_868], %swap3A_871 {strides = array<i32>} : memref<128x64xf32, #tpu.memory_space<vmem>>, vector<1x16xf32>,
          %swap3A_872 = arith.index_cast %add3A_837 : i32 to index
          %swap3A_873 = arith.constant 0 : index
          %swap3A_874 = tpu.vector_load %arg10[%swap3A_872, %swap3A_873] {strides = array<i32>} : memref<128x64xf32, #tpu.memory_space<vmem>>, vector<1x16xf32>,
          %swap3A_875 = vector.shape_cast %swap3A_874 : vector<1x16xf32> to vector<16xf32>
          %swap3A_876 = vector.shape_cast %broadcast_in_dim3A_3 : vector<16xf32> to vector<1x16xf32>
          tpu.vector_store %arg10[%swap3A_872, %swap3A_873], %swap3A_876 {strides = array<i32>} : memref<128x64xf32, #tpu.memory_space<vmem>>, vector<1x16xf32>,
          %get3A_877 = arith.index_cast %add3A_837 : i32 to index
          %get3A_878 = arith.constant 16 : index
          %get3A_879 = tpu.vector_load %arg10[%get3A_877, %get3A_878] {strides = array<i32>} : memref<128x64xf32, #tpu.memory_space<vmem>>, vector<1x16xf32>,
          %get3A_880 = vector.shape_cast %get3A_879 : vector<1x16xf32> to vector<16xf32>
          %get3A_881 = arith.index_cast %add3A_837 : i32 to index
          %get3A_882 = arith.constant 16 : index
          %get3A_883 = tpu.vector_load %arg11[%get3A_881, %get3A_882] {strides = array<i32>} : memref<128x64xf32, #tpu.memory_space<vmem>>, vector<1x16xf32>,
          %get3A_884 = vector.shape_cast %get3A_883 : vector<1x16xf32> to vector<16xf32>
          %add3A_885 = arith.addf %get3A_880, %get3A_884 : vector<16xf32>
          %mul3A_886 = arith.mulf %get3A_844, %add3A_885 : vector<16xf32>
          %get3A_887 = arith.index_cast %add3A_837 : i32 to index
          %get3A_888 = arith.constant 16 : index
          %get3A_889 = tpu.vector_load %arg12[%get3A_887, %get3A_888] {strides = array<i32>} : memref<128x64xf32, #tpu.memory_space<vmem>>, vector<1x16xf32>,
          %get3A_890 = vector.shape_cast %get3A_889 : vector<1x16xf32> to vector<16xf32>
          %mul3A_891 = arith.mulf %get3A_335, %mul3A_886 : vector<16xf32>
          %add3A_892 = arith.addf %get3A_890, %mul3A_891 : vector<16xf32>
          %swap3A_893 = arith.index_cast %add3A_837 : i32 to index
          %swap3A_894 = arith.constant 16 : index
          %swap3A_895 = tpu.vector_load %arg12[%swap3A_893, %swap3A_894] {strides = array<i32>} : memref<128x64xf32, #tpu.memory_space<vmem>>, vector<1x16xf32>,
          %swap3A_896 = vector.shape_cast %swap3A_895 : vector<1x16xf32> to vector<16xf32>
          %swap3A_897 = vector.shape_cast %add3A_892 : vector<16xf32> to vector<1x16xf32>
          tpu.vector_store %arg12[%swap3A_893, %swap3A_894], %swap3A_897 {strides = array<i32>} : memref<128x64xf32, #tpu.memory_space<vmem>>, vector<1x16xf32>,
          %mul3A_898 = arith.mulf %get3A_844, %mul3A_886 : vector<16xf32>
          %swap3A_899 = arith.index_cast %add3A_837 : i32 to index
          %swap3A_900 = arith.constant 16 : index
          %swap3A_901 = tpu.vector_load %arg11[%swap3A_899, %swap3A_900] {strides = array<i32>} : memref<128x64xf32, #tpu.memory_space<vmem>>, vector<1x16xf32>,
          %swap3A_902 = vector.shape_cast %swap3A_901 : vector<1x16xf32> to vector<16xf32>
          %swap3A_903 = vector.shape_cast %mul3A_898 : vector<16xf32> to vector<1x16xf32>
          tpu.vector_store %arg11[%swap3A_899, %swap3A_900], %swap3A_903 {strides = array<i32>} : memref<128x64xf32, #tpu.memory_space<vmem>>, vector<1x16xf32>,
          %swap3A_904 = arith.index_cast %add3A_837 : i32 to index
          %swap3A_905 = arith.constant 16 : index
          %swap3A_906 = tpu.vector_load %arg10[%swap3A_904, %swap3A_905] {strides = array<i32>} : memref<128x64xf32, #tpu.memory_space<vmem>>, vector<1x16xf32>,
          %swap3A_907 = vector.shape_cast %swap3A_906 : vector<1x16xf32> to vector<16xf32>
          %swap3A_908 = vector.shape_cast %broadcast_in_dim3A_3 : vector<16xf32> to vector<1x16xf32>
          tpu.vector_store %arg10[%swap3A_904, %swap3A_905], %swap3A_908 {strides = array<i32>} : memref<128x64xf32, #tpu.memory_space<vmem>>, vector<1x16xf32>,
          %get3A_909 = arith.index_cast %add3A_837 : i32 to index
          %get3A_910 = arith.constant 32 : index
          %get3A_911 = tpu.vector_load %arg10[%get3A_909, %get3A_910] {strides = array<i32>} : memref<128x64xf32, #tpu.memory_space<vmem>>, vector<1x16xf32>,
          %get3A_912 = vector.shape_cast %get3A_911 : vector<1x16xf32> to vector<16xf32>
          %get3A_913 = arith.index_cast %add3A_837 : i32 to index
          %get3A_914 = arith.constant 32 : index
          %get3A_915 = tpu.vector_load %arg11[%get3A_913, %get3A_914] {strides = array<i32>} : memref<128x64xf32, #tpu.memory_space<vmem>>, vector<1x16xf32>,
          %get3A_916 = vector.shape_cast %get3A_915 : vector<1x16xf32> to vector<16xf32>
          %add3A_917 = arith.addf %get3A_912, %get3A_916 : vector<16xf32>
          %mul3A_918 = arith.mulf %get3A_844, %add3A_917 : vector<16xf32>
          %get3A_919 = arith.index_cast %add3A_837 : i32 to index
          %get3A_920 = arith.constant 32 : index
          %get3A_921 = tpu.vector_load %arg12[%get3A_919, %get3A_920] {strides = array<i32>} : memref<128x64xf32, #tpu.memory_space<vmem>>, vector<1x16xf32>,
          %get3A_922 = vector.shape_cast %get3A_921 : vector<1x16xf32> to vector<16xf32>
          %mul3A_923 = arith.mulf %get3A_335, %mul3A_918 : vector<16xf32>
          %add3A_924 = arith.addf %get3A_922, %mul3A_923 : vector<16xf32>
          %swap3A_925 = arith.index_cast %add3A_837 : i32 to index
          %swap3A_926 = arith.constant 32 : index
          %swap3A_927 = tpu.vector_load %arg12[%swap3A_925, %swap3A_926] {strides = array<i32>} : memref<128x64xf32, #tpu.memory_space<vmem>>, vector<1x16xf32>,
          %swap3A_928 = vector.shape_cast %swap3A_927 : vector<1x16xf32> to vector<16xf32>
          %swap3A_929 = vector.shape_cast %add3A_924 : vector<16xf32> to vector<1x16xf32>
          tpu.vector_store %arg12[%swap3A_925, %swap3A_926], %swap3A_929 {strides = array<i32>} : memref<128x64xf32, #tpu.memory_space<vmem>>, vector<1x16xf32>,
          %mul3A_930 = arith.mulf %get3A_844, %mul3A_918 : vector<16xf32>
          %swap3A_931 = arith.index_cast %add3A_837 : i32 to index
          %swap3A_932 = arith.constant 32 : index
          %swap3A_933 = tpu.vector_load %arg11[%swap3A_931, %swap3A_932] {strides = array<i32>} : memref<128x64xf32, #tpu.memory_space<vmem>>, vector<1x16xf32>,
          %swap3A_934 = vector.shape_cast %swap3A_933 : vector<1x16xf32> to vector<16xf32>
          %swap3A_935 = vector.shape_cast %mul3A_930 : vector<16xf32> to vector<1x16xf32>
          tpu.vector_store %arg11[%swap3A_931, %swap3A_932], %swap3A_935 {strides = array<i32>} : memref<128x64xf32, #tpu.memory_space<vmem>>, vector<1x16xf32>,
          %swap3A_936 = arith.index_cast %add3A_837 : i32 to index
          %swap3A_937 = arith.constant 32 : index
          %swap3A_938 = tpu.vector_load %arg10[%swap3A_936, %swap3A_937] {strides = array<i32>} : memref<128x64xf32, #tpu.memory_space<vmem>>, vector<1x16xf32>,
          %swap3A_939 = vector.shape_cast %swap3A_938 : vector<1x16xf32> to vector<16xf32>
          %swap3A_940 = vector.shape_cast %broadcast_in_dim3A_3 : vector<16xf32> to vector<1x16xf32>
          tpu.vector_store %arg10[%swap3A_936, %swap3A_937], %swap3A_940 {strides = array<i32>} : memref<128x64xf32, #tpu.memory_space<vmem>>, vector<1x16xf32>,
          %get3A_941 = arith.index_cast %add3A_837 : i32 to index
          %get3A_942 = arith.constant 48 : index
          %get3A_943 = tpu.vector_load %arg10[%get3A_941, %get3A_942] {strides = array<i32>} : memref<128x64xf32, #tpu.memory_space<vmem>>, vector<1x16xf32>,
          %get3A_944 = vector.shape_cast %get3A_943 : vector<1x16xf32> to vector<16xf32>
          %get3A_945 = arith.index_cast %add3A_837 : i32 to index
          %get3A_946 = arith.constant 48 : index
          %get3A_947 = tpu.vector_load %arg11[%get3A_945, %get3A_946] {strides = array<i32>} : memref<128x64xf32, #tpu.memory_space<vmem>>, vector<1x16xf32>,
          %get3A_948 = vector.shape_cast %get3A_947 : vector<1x16xf32> to vector<16xf32>
          %add3A_949 = arith.addf %get3A_944, %get3A_948 : vector<16xf32>
          %mul3A_950 = arith.mulf %get3A_844, %add3A_949 : vector<16xf32>
          %get3A_951 = arith.index_cast %add3A_837 : i32 to index
          %get3A_952 = arith.constant 48 : index
          %get3A_953 = tpu.vector_load %arg12[%get3A_951, %get3A_952] {strides = array<i32>} : memref<128x64xf32, #tpu.memory_space<vmem>>, vector<1x16xf32>,
          %get3A_954 = vector.shape_cast %get3A_953 : vector<1x16xf32> to vector<16xf32>
          %mul3A_955 = arith.mulf %get3A_335, %mul3A_950 : vector<16xf32>
          %add3A_956 = arith.addf %get3A_954, %mul3A_955 : vector<16xf32>
          %swap3A_957 = arith.index_cast %add3A_837 : i32 to index
          %swap3A_958 = arith.constant 48 : index
          %swap3A_959 = tpu.vector_load %arg12[%swap3A_957, %swap3A_958] {strides = array<i32>} : memref<128x64xf32, #tpu.memory_space<vmem>>, vector<1x16xf32>,
          %swap3A_960 = vector.shape_cast %swap3A_959 : vector<1x16xf32> to vector<16xf32>
          %swap3A_961 = vector.shape_cast %add3A_956 : vector<16xf32> to vector<1x16xf32>
          tpu.vector_store %arg12[%swap3A_957, %swap3A_958], %swap3A_961 {strides = array<i32>} : memref<128x64xf32, #tpu.memory_space<vmem>>, vector<1x16xf32>,
          %mul3A_962 = arith.mulf %get3A_844, %mul3A_950 : vector<16xf32>
          %swap3A_963 = arith.index_cast %add3A_837 : i32 to index
          %swap3A_964 = arith.constant 48 : index
          %swap3A_965 = tpu.vector_load %arg11[%swap3A_963, %swap3A_964] {strides = array<i32>} : memref<128x64xf32, #tpu.memory_space<vmem>>, vector<1x16xf32>,
          %swap3A_966 = vector.shape_cast %swap3A_965 : vector<1x16xf32> to vector<16xf32>
          %swap3A_967 = vector.shape_cast %mul3A_962 : vector<16xf32> to vector<1x16xf32>
          tpu.vector_store %arg11[%swap3A_963, %swap3A_964], %swap3A_967 {strides = array<i32>} : memref<128x64xf32, #tpu.memory_space<vmem>>, vector<1x16xf32>,
          %swap3A_968 = arith.index_cast %add3A_837 : i32 to index
          %swap3A_969 = arith.constant 48 : index
          %swap3A_970 = tpu.vector_load %arg10[%swap3A_968, %swap3A_969] {strides = array<i32>} : memref<128x64xf32, #tpu.memory_space<vmem>>, vector<1x16xf32>,
          %swap3A_971 = vector.shape_cast %swap3A_970 : vector<1x16xf32> to vector<16xf32>
          %swap3A_972 = vector.shape_cast %broadcast_in_dim3A_3 : vector<16xf32> to vector<1x16xf32>
          tpu.vector_store %arg10[%swap3A_968, %swap3A_969], %swap3A_972 {strides = array<i32>} : memref<128x64xf32, #tpu.memory_space<vmem>>, vector<1x16xf32>,
        }
        %scan3A_382 = arith.constant 128 : i32
        %dma_start3A_383 = arith.constant 0 : i32
        %dma_start3A_384 = tpu.memref_slice %arg6[%add3A_349, %dma_start3A_383] : memref<10240x64xf32, #tpu.memory_space<vmem_shared>> -> memref<128x64xf32, #tpu.memory_space<vmem_shared>>
        %dma_start3A_385 = arith.constant 0 : i32
        %dma_start3A_386 = tpu.memref_slice %arg6[%add3A_349, %dma_start3A_385] : memref<10240x64xf32, #tpu.memory_space<vmem_shared>> -> memref<128x64xf32, #tpu.memory_space<vmem_shared>>
        tpu.enqueue_dma source(%arg11 : memref<128x64xf32, #tpu.memory_space<vmem>>) target(%dma_start3A_386 : memref<128x64xf32, #tpu.memory_space<vmem_shared>>) target_semaphore(%arg27 : memref<!tpu.dma_semaphore, #tpu.memory_space<semaphore_mem>>)
        %dma_start3A_387 = arith.constant 0 : i32
        %dma_start3A_388 = tpu.memref_slice %arg5[%arg0, %add3A_349, %dma_start3A_387] : memref<2x10240x64xf32, #tpu.memory_space<hbm>> -> memref<1x128x64xf32, #tpu.memory_space<hbm>>
        %dma_start3A_389 = tpu.memref_squeeze %dma_start3A_388 : memref<1x128x64xf32, #tpu.memory_space<hbm>> -> memref<128x64xf32, #tpu.memory_space<hbm>>
        %dma_start3A_390 = arith.constant 0 : i32
        %dma_start3A_391 = tpu.memref_slice %arg5[%arg0, %add3A_349, %dma_start3A_390] : memref<2x10240x64xf32, #tpu.memory_space<hbm>> -> memref<1x128x64xf32, #tpu.memory_space<hbm>>
        %dma_start3A_392 = tpu.memref_squeeze %dma_start3A_391 : memref<1x128x64xf32, #tpu.memory_space<hbm>> -> memref<128x64xf32, #tpu.memory_space<hbm>>
        tpu.enqueue_dma source(%arg12 : memref<128x64xf32, #tpu.memory_space<vmem>>) target(%dma_start3A_392 : memref<128x64xf32, #tpu.memory_space<hbm>>) target_semaphore(%arg28 : memref<!tpu.dma_semaphore, #tpu.memory_space<semaphore_mem>>)
        %dma_start3A_393 = arith.constant 0 : i32
        %dma_start3A_394 = tpu.memref_slice %arg7[%add3A_349, %dma_start3A_393] : memref<10240x64xf32, #tpu.memory_space<vmem_shared>> -> memref<128x64xf32, #tpu.memory_space<vmem_shared>>
        %dma_start3A_395 = arith.constant 0 : i32
        %dma_start3A_396 = tpu.memref_slice %arg7[%add3A_349, %dma_start3A_395] : memref<10240x64xf32, #tpu.memory_space<vmem_shared>> -> memref<128x64xf32, #tpu.memory_space<vmem_shared>>
        tpu.enqueue_dma source(%arg10 : memref<128x64xf32, #tpu.memory_space<vmem>>) target(%dma_start3A_396 : memref<128x64xf32, #tpu.memory_space<vmem_shared>>) target_semaphore(%arg29 : memref<!tpu.dma_semaphore, #tpu.memory_space<semaphore_mem>>)
        %dma_wait3A_397 = arith.constant 0 : i32
        %dma_wait3A_398 = tpu.memref_slice %arg6[%add3A_349, %dma_wait3A_397] : memref<10240x64xf32, #tpu.memory_space<vmem_shared>> -> memref<128x64xf32, #tpu.memory_space<vmem_shared>>
        %dma_wait3A_399 = arith.constant 0 : i32
        %dma_wait3A_400 = tpu.memref_slice %arg6[%add3A_349, %dma_wait3A_399] : memref<10240x64xf32, #tpu.memory_space<vmem_shared>> -> memref<128x64xf32, #tpu.memory_space<vmem_shared>>
        tpu.wait_dma2 semaphore(%arg27 : memref<!tpu.dma_semaphore, #tpu.memory_space<semaphore_mem>>) src(%arg11 : memref<128x64xf32, #tpu.memory_space<vmem>>) dst(%dma_wait3A_400 : memref<128x64xf32, #tpu.memory_space<vmem_shared>>)
        %dma_wait3A_401 = arith.constant 0 : i32
        %dma_wait3A_402 = tpu.memref_slice %arg5[%arg0, %add3A_349, %dma_wait3A_401] : memref<2x10240x64xf32, #tpu.memory_space<hbm>> -> memref<1x128x64xf32, #tpu.memory_space<hbm>>
        %dma_wait3A_403 = tpu.memref_squeeze %dma_wait3A_402 : memref<1x128x64xf32, #tpu.memory_space<hbm>> -> memref<128x64xf32, #tpu.memory_space<hbm>>
        %dma_wait3A_404 = arith.constant 0 : i32
        %dma_wait3A_405 = tpu.memref_slice %arg5[%arg0, %add3A_349, %dma_wait3A_404] : memref<2x10240x64xf32, #tpu.memory_space<hbm>> -> memref<1x128x64xf32, #tpu.memory_space<hbm>>
        %dma_wait3A_406 = tpu.memref_squeeze %dma_wait3A_405 : memref<1x128x64xf32, #tpu.memory_space<hbm>> -> memref<128x64xf32, #tpu.memory_space<hbm>>
        tpu.wait_dma2 semaphore(%arg28 : memref<!tpu.dma_semaphore, #tpu.memory_space<semaphore_mem>>) src(%arg12 : memref<128x64xf32, #tpu.memory_space<vmem>>) dst(%dma_wait3A_406 : memref<128x64xf32, #tpu.memory_space<hbm>>)
        %dma_wait3A_407 = arith.constant 0 : i32
        %dma_wait3A_408 = tpu.memref_slice %arg7[%add3A_349, %dma_wait3A_407] : memref<10240x64xf32, #tpu.memory_space<vmem_shared>> -> memref<128x64xf32, #tpu.memory_space<vmem_shared>>
        %dma_wait3A_409 = arith.constant 0 : i32
        %dma_wait3A_410 = tpu.memref_slice %arg7[%add3A_349, %dma_wait3A_409] : memref<10240x64xf32, #tpu.memory_space<vmem_shared>> -> memref<128x64xf32, #tpu.memory_space<vmem_shared>>
        tpu.wait_dma2 semaphore(%arg29 : memref<!tpu.dma_semaphore, #tpu.memory_space<semaphore_mem>>) src(%arg10 : memref<128x64xf32, #tpu.memory_space<vmem>>) dst(%dma_wait3A_410 : memref<128x64xf32, #tpu.memory_space<vmem_shared>>)
      }
      %scan3A_340 = arith.constant 5 : i32
      %barrier3A_341 = arith.constant 0 : index
      tpu.barrier barrier_id(%barrier3A_341)
    }
    %scan3A_144 = arith.constant 10 : i32
    return
  }
}

module attributes {stable_mosaic.version = 14 : i64} {
  func.func @_mlp_body(%arg0: i32, %arg1: memref<1000x128xf32, #tpu.memory_space<vmem>>, %arg2: memref<128x128xf32, #tpu.memory_space<vmem>>, %arg3: memref<1x128xf32, #tpu.memory_space<vmem>>, %arg4: memref<128x128xf32, #tpu.memory_space<vmem>>, %arg5: memref<1x128xf32, #tpu.memory_space<vmem>>, %arg6: memref<2x1000x64xf32, #tpu.memory_space<vmem>>) attributes {dimension_semantics = [#tpu.dimension_semantics<arbitrary>], iteration_bounds = array<i64: 10>, scalar_prefetch = 0 : i64, scratch_operands = 0 : i64, tpu.core_type = #tpu.core_type<tc>, window_params = [{transform_indices = @transform_0, window_bounds = array<i64: 1000, 128>}, {pipeline_mode = #tpu.pipeline_mode<synchronous>, transform_indices = @transform_1, window_bounds = array<i64: 128, 128>}, {pipeline_mode = #tpu.pipeline_mode<synchronous>, transform_indices = @transform_2, window_bounds = array<i64: 1, 128>}, {pipeline_mode = #tpu.pipeline_mode<synchronous>, transform_indices = @transform_3, window_bounds = array<i64: 128, 128>}, {pipeline_mode = #tpu.pipeline_mode<synchronous>, transform_indices = @transform_4, window_bounds = array<i64: 1, 128>}, {transform_indices = @transform_5, window_bounds = array<i64: 2, 1000, 64>}]} {
    %get3A = arith.constant 0 : index
    %get3A_0 = arith.constant 0 : index
    %get3A_1 = vector.load %arg1[%get3A, %get3A_0] : memref<1000x128xf32, #tpu.memory_space<vmem>>, vector<1000x128xf32>
    %get3A_2 = arith.constant 0 : index
    %get3A_3 = arith.constant 0 : index
    %get3A_4 = vector.load %arg2[%get3A_2, %get3A_3] : memref<128x128xf32, #tpu.memory_space<vmem>>, vector<128x128xf32>
    %dot_general3A = arith.constant dense<0.000000e+00> : vector<1000x128xf32>
    %dot_general3A_5 = tpu.matmul %get3A_1, %get3A_4, %dot_general3A {dimension_numbers = #tpu.dot_dimension_numbers<[1], [1], [0], [0], [0, 0, 1, 0], [], []>, transpose_lhs_hint = false} : vector<1000x128xf32>, vector<128x128xf32>, vector<1000x128xf32> -> vector<1000x128xf32>
    %get3A_6 = arith.constant 0 : index
    %get3A_7 = arith.constant 0 : index
    %get3A_8 = vector.load %arg3[%get3A_6, %get3A_7] : memref<1x128xf32, #tpu.memory_space<vmem>>, vector<1x128xf32>
    %add3A = vector.broadcast %get3A_8 : vector<1x128xf32> to vector<1000x128xf32>
    %add3A_9 = arith.addf %dot_general3A_5, %add3A : vector<1000x128xf32>
    %max3A = arith.constant 0.000000e+00 : f32
    %max3A_10 = vector.broadcast %max3A : f32 to vector<1000x128xf32>
    %max3A_11 = arith.maximumf %add3A_9, %max3A_10 : vector<1000x128xf32>
    %get3A_12 = arith.constant 0 : index
    %get3A_13 = arith.constant 0 : index
    %get3A_14 = vector.load %arg4[%get3A_12, %get3A_13] : memref<128x128xf32, #tpu.memory_space<vmem>>, vector<128x128xf32>
    %dot_general3A_15 = arith.constant dense<0.000000e+00> : vector<1000x128xf32>
    %dot_general3A_16 = tpu.matmul %max3A_11, %get3A_14, %dot_general3A_15 {dimension_numbers = #tpu.dot_dimension_numbers<[1], [1], [0], [0], [0, 0, 1, 0], [], []>, transpose_lhs_hint = false} : vector<1000x128xf32>, vector<128x128xf32>, vector<1000x128xf32> -> vector<1000x128xf32>
    %get3A_17 = arith.constant 0 : index
    %get3A_18 = arith.constant 0 : index
    %get3A_19 = vector.load %arg5[%get3A_17, %get3A_18] : memref<1x128xf32, #tpu.memory_space<vmem>>, vector<1x128xf32>
    %add3A_20 = vector.broadcast %get3A_19 : vector<1x128xf32> to vector<1000x128xf32>
    %add3A_21 = arith.addf %dot_general3A_16, %add3A_20 : vector<1000x128xf32>
    %slice3A = vector.extract_strided_slice %add3A_21 {offsets = [0, 0], sizes = [1000, 64], strides = [1, 1]} : vector<1000x128xf32> to vector<1000x64xf32>
    %swap3A = arith.constant 0 : index
    %swap3A_22 = arith.constant 0 : index
    %swap3A_23 = arith.constant 0 : index
    %swap3A_24 = vector.load %arg6[%swap3A, %swap3A_22, %swap3A_23] : memref<2x1000x64xf32, #tpu.memory_space<vmem>>, vector<1x1000x64xf32>
    %swap3A_25 = vector.shape_cast %swap3A_24 : vector<1x1000x64xf32> to vector<1000x64xf32>
    %swap3A_26 = vector.shape_cast %slice3A : vector<1000x64xf32> to vector<1x1000x64xf32>
    tpu.vector_store %arg6[%swap3A, %swap3A_22, %swap3A_23], %swap3A_26 {strides = array<i32>} : memref<2x1000x64xf32, #tpu.memory_space<vmem>>, vector<1x1000x64xf32>,
    %slice3A_27 = vector.extract_strided_slice %add3A_21 {offsets = [0, 64], sizes = [1000, 64], strides = [1, 1]} : vector<1000x128xf32> to vector<1000x64xf32>
    %swap3A_28 = arith.constant 1 : index
    %swap3A_29 = arith.constant 0 : index
    %swap3A_30 = arith.constant 0 : index
    %swap3A_31 = vector.load %arg6[%swap3A_28, %swap3A_29, %swap3A_30] : memref<2x1000x64xf32, #tpu.memory_space<vmem>>, vector<1x1000x64xf32>
    %swap3A_32 = vector.shape_cast %swap3A_31 : vector<1x1000x64xf32> to vector<1000x64xf32>
    %swap3A_33 = vector.shape_cast %slice3A_27 : vector<1000x64xf32> to vector<1x1000x64xf32>
    tpu.vector_store %arg6[%swap3A_28, %swap3A_29, %swap3A_30], %swap3A_33 {strides = array<i32>} : memref<2x1000x64xf32, #tpu.memory_space<vmem>>, vector<1x1000x64xf32>,
    return
  }
  func.func @transform_0(%arg0: i32) -> (i32, i32) {
    %c0_i32 = arith.constant 0 : i32
    %c0_i32_0 = arith.constant 0 : i32
    return %arg0, %c0_i32 : i32, i32
  }
  func.func @transform_1(%arg0: i32) -> (i32, i32) {
    %c0_i32 = arith.constant 0 : i32
    %c0_i32_0 = arith.constant 0 : i32
    %c0_i32_1 = arith.constant 0 : i32
    return %c0_i32, %c0_i32_0 : i32, i32
  }
  func.func @transform_2(%arg0: i32) -> (i32, i32) {
    %c0_i32 = arith.constant 0 : i32
    %c0_i32_0 = arith.constant 0 : i32
    %c0_i32_1 = arith.constant 0 : i32
    return %c0_i32, %c0_i32_0 : i32, i32
  }
  func.func @transform_3(%arg0: i32) -> (i32, i32) {
    %c0_i32 = arith.constant 0 : i32
    %c0_i32_0 = arith.constant 0 : i32
    %c0_i32_1 = arith.constant 0 : i32
    return %c0_i32, %c0_i32_0 : i32, i32
  }
  func.func @transform_4(%arg0: i32) -> (i32, i32) {
    %c0_i32 = arith.constant 0 : i32
    %c0_i32_0 = arith.constant 0 : i32
    %c0_i32_1 = arith.constant 0 : i32
    return %c0_i32, %c0_i32_0 : i32, i32
  }
  func.func @transform_5(%arg0: i32) -> (i32, i32, i32) {
    %c0_i32 = arith.constant 0 : i32
    %c0_i32_0 = arith.constant 0 : i32
    %c0_i32_1 = arith.constant 0 : i32
    return %c0_i32, %arg0, %c0_i32_0 : i32, i32, i32
  }
}

</mosaic_0001>

<sc_bundles>
// kernel: kernel.4.cloned.1.call-start
scs
__scs_entry_jumppad:
0x0: {  	(pc) =	sbr.rel $0x88, $3  }
0x1: {  	(tag) =	ssettag $0x0;
	lr =	simm.s32 $0x1  }
0x2: {  	[smem:$0x3F9A] =	sst lr;
	_ =	strace $0xD0000000  }
0x3: {  	_ = 	snop  }
0x4: {  	_ = 	snop  }
0x5: {  	_ = 	snop  }
0x6: {  	_ = 	snop  }
0x7: {  	_ = 	snop  }
__scs_overlays_trampoline_lowered:
0x8: {  	[smem:$0x3FA9] =	sst s0  }
0x9: {  	[smem:$0x3FAA] =	sst s1  }
0xa: {  	[smem:$0x3FAB] =	sst s2  }
0xb: {  	[smem:$0x3FAC] =	sst s3  }
0xc: {  	[smem:$0x3FAD] =	sst s4  }
0xd: {  	[smem:$0x3FAE] =	sst s5  }
0xe: {  	[smem:$0x3FAF] =	sst s6  }
0xf: {  	[smem:$0x3FB0] =	sst s7  }
0x10: {  	[smem:$0x3FB1] =	sst s8  }
0x11: {  	[smem:$0x3FB2] =	sst s9;
	s0 =	simm.s32 @!p0 $0x0  }
0x12: {  	s1 =	sld [smem:$0x3F98];
	s0 =	simm.s32 @p0 $0x1  }
0x13: {  	[smem:$0x3FB3] =	sst s0;
	s0 =	simm.s32 @!p1 $0x0  }
0x14: {  	s2 =	sld [smem:$0x3F97];
	s0 =	simm.s32 @p1 $0x1  }
0x15: {  	[smem:$0x3FB4] =	sst s0;
	s0 =	simm.s32 @!p2 $0x0  }
0x16: {  	s3 =	sld [smem:$0x3FDB];
	s0 =	simm.s32 @p2 $0x1  }
0x17: {  	s4 =	simm.s32 $0x1BF5;
	[smem:$0x3FB6] =	sst s0  }
0x18: {  	s0 =	sld [smem:$0x3F99];
	_ =	swait.ge [sflag:s4], $0x0  }
0x19: {  	s7 =	sld [smem:$0x3F9A]  }
0x1a: {  	s8 =	sadd.s32 $0xFFFFE003, lr  }
0x1b: {  	s9 =	sadd.s32 $0xFFFFFEF7, lr;
	s5 =	simm.s32 $0xFFFFFFFF;
	p2 =	slt.u32 s8, $0xFFFFF086  }
0x1c: {  	p1 =	slt.u32 s9, $0xF7A;
	s5 =	simm.s32 @!p2 $0x0  }
0x1d: {  	s5 =	simm.s32 @p1 $0x1;
	p0 =	seq.s32 s7, s2  }
0x1e: {  	s7 =	smul.u32 @!p0 $0xF7A, s2;
	p2 =	seq.s32 @!p0 s5, $0x0  }
0x1f: {  	s9 =	smul.u32 $0xF7A, s1;
	s8 =	simm.s32 @!p0 $0x1BF5;
	p2 =	por !p2, p0  }
0x20: {  	[sflag:s8] =	ssyncset.s32 @!p0 $0xFFFFF086;
	s6 =	sadd.s32 @!p0 s3, s7;
	s7 =	simm.s32 @!p0 $0x108  }
0x21: {  	s3 =	sadd.s32 s3, s9;
	s6 =	sadd.s32 @!p0 $0x88, s6;
	s7 =	simm.s32 @p2 $0x1082  }
0x22: {  	[simem:s7], [sflag:s8] =	dma.local @!p0 [hbm:s6], $0xF7A  }
0x23: {  	s9 =	sor.u32 $0xD0000000, s2;
	s6 =	simm.s32 $0x108;
	_ =	swait.ge @!p0 [sflag:s8], $0x0  }
0x24: {  	s3 =	sadd.s32 $0x88, s3;
	s6 =	simm.s32 @!p1 $0x1082;
	[sflag:s4] =	ssyncset.s32 $0xFFFFF086  }
0x25: {  	[simem:s6], [sflag:s4] =	dma.local [hbm:s3], $0xF7A  }
0x26: {  	[smem:$0x3F9A] =	sst s1;
	(tag) =	ssettag s2;
	_ =	strace s9  }
0x27: {  	s1 =	sld [smem:$0x3FAA]  }
0x28: {  	s2 =	sld [smem:$0x3FAB]  }
0x29: {  	s4 =	sld [smem:$0x3FAD]  }
0x2a: {  	p0 =	seq.s32 s5, $0x0;
	s5 =	sld [smem:$0x3FAE]  }
0x2b: {  	s6 =	sld [smem:$0x3FAF]  }
0x2c: {  	s7 =	sld [smem:$0x3FB0]  }
0x2d: {  	s3 =	simm.s32 $0x108;
	s8 =	sld [smem:$0x3FB1]  }
0x2e: {  	s3 =	simm.s32 @!p0 $0x1082;
	s9 =	sld [smem:$0x3FB2]  }
0x2f: {  	lr =	sadd.s32 s0, s3;
	s0 =	sld [smem:$0x3FA9]  }
0x30: {  	s3 =	sld [smem:$0x3FAC]  }
0x31: {  	[smem:$0x3FB5] =	sst s10  }
0x32: {  	s10 =	sld [smem:$0x3FB3];
	_ =	sdelay $0x3  }
0x33: {  	p0 =	seq.s32 s10, $0x1;
	s10 =	sld [smem:$0x3FB5];
	_ =	sdelay $0x3  }
0x34: {  	[smem:$0x3FB5] =	sst s10  }
0x35: {  	s10 =	sld [smem:$0x3FB4];
	_ =	sdelay $0x3  }
0x36: {  	p1 =	seq.s32 s10, $0x1;
	s10 =	sld [smem:$0x3FB5];
	_ =	sdelay $0x3  }
0x37: {  	[smem:$0x3FB5] =	sst s10  }
0x38: {  	s10 =	sld [smem:$0x3FB6]  }
0x39: {  	_ = 	snop;
	(pc) =	sbr.ind lr, $3  }
0x3a: {  	_ = 	snop  }
0x3b: {  	_ = 	snop  }
0x3c: {  	p2 =	seq.s32 s10, $0x1;
	s10 =	sld [smem:$0x3FB5]  }
0x3d: {  	_ =	shalt  }
0x3e: {  	_ =	shalt  }
0x3f: {  	_ =	shalt  }
0x40: {  	_ =	shalt  }
0x41: {  	_ =	shalt  }
0x42: {  	_ =	shalt  }
0x43: {  	_ =	shalt  }
0x44: {  	_ =	shalt  }
0x45: {  	_ =	shalt  }
0x46: {  	_ =	shalt  }
0x47: {  	_ =	shalt  }
0x48: {  	_ =	shalt  }
0x49: {  	_ =	shalt  }
0x4a: {  	_ =	shalt  }
0x4b: {  	_ =	shalt  }
0x4c: {  	_ =	shalt  }
0x4d: {  	_ =	shalt  }
0x4e: {  	_ =	shalt  }
0x4f: {  	_ =	shalt  }
0x50: {  	_ =	shalt  }
0x51: {  	_ =	shalt  }
0x52: {  	_ =	shalt  }
0x53: {  	_ =	shalt  }
0x54: {  	_ =	shalt  }
0x55: {  	_ =	shalt  }
0x56: {  	_ =	shalt  }
0x57: {  	_ =	shalt  }
0x58: {  	_ =	shalt  }
0x59: {  	_ =	shalt  }
0x5a: {  	_ =	shalt  }
0x5b: {  	_ =	shalt  }
0x5c: {  	_ =	shalt  }
0x5d: {  	_ =	shalt  }
0x5e: {  	_ =	shalt  }
0x5f: {  	_ =	shalt  }
0x60: {  	_ =	shalt  }
0x61: {  	_ =	shalt  }
0x62: {  	_ =	shalt  }
0x63: {  	_ =	shalt  }
0x64: {  	_ =	shalt  }
0x65: {  	_ =	shalt  }
0x66: {  	_ =	shalt  }
0x67: {  	_ =	shalt  }
0x68: {  	_ =	shalt  }
0x69: {  	_ =	shalt  }
0x6a: {  	_ =	shalt  }
0x6b: {  	_ =	shalt  }
0x6c: {  	_ =	shalt  }
0x6d: {  	_ =	shalt  }
0x6e: {  	_ =	shalt  }
0x6f: {  	_ =	shalt  }
0x70: {  	_ =	shalt  }
0x71: {  	_ =	shalt  }
0x72: {  	_ =	shalt  }
0x73: {  	_ =	shalt  }
0x74: {  	_ =	shalt  }
0x75: {  	_ =	shalt  }
0x76: {  	_ =	shalt  }
0x77: {  	_ =	shalt  }
0x78: {  	_ =	shalt  }
0x79: {  	_ =	shalt  }
0x7a: {  	_ =	shalt  }
0x7b: {  	_ =	shalt  }
0x7c: {  	_ =	shalt  }
0x7d: {  	_ =	shalt  }
0x7e: {  	_ =	shalt  }
0x7f: {  	_ =	shalt  }
0x80: {  	_ =	shalt  }
0x81: {  	_ =	shalt  }
0x82: {  	_ =	shalt  }
0x83: {  	_ =	shalt  }
0x84: {  	_ =	shalt  }
0x85: {  	_ =	shalt  }
0x86: {  	_ =	shalt  }
0x87: {  	_ =	shalt  }
.Lfunc_end0:
.L_simem_size_0:
called_computation_lowered:
.L_overlay_start_0:
0x88: {  	s2 =	sld [smem:$0x3FD9]  }
0x89: {  	s3 =	sld [smem:$0x3FFE];
	_ =	sdelay $0x1  }
0x8a: {  	s1 =	srdreg.scid  }
0x8b: {  	s0 =	sand.u32 $0x1, s1  }
0x8c: {  	s17 =	sshll.u32 s0, $0xA;
	s2 =	sadd.s32 s3, s2  }
0x8d: {  	s2 =	sadd.s32 s2, s17  }
0x8e: {  	[smem:$0x3FC1] =	sst s2  }
0x8f: {  	_ = 	snop  }
0x90: {  	s2 =	sld [smem:$0x3FD0];
	(tm) =	ssettm $0x1  }
0x91: {  	s18 =	sld [smem:$0x3FFB];
	_ =	sdelay $0x3  }
0x92: {  	_ =	strace s18  }
0x93: {  	s3 =	sld [smem:$0x3FFC];
	_ =	sdelay $0x3  }
0x94: {  	_ =	strace s3  }
0x95: {  	s3 =	sld [smem:$0x3FFD];
	_ =	sdelay $0x3  }
0x96: {  	_ =	strace s3  }
0x97: {  	_ =	strace $0x8FFFFFFF  }
0x98: {  	s19 =	sld [smem:$0x3FDB];
	_ =	sdelay $0x1  }
0x99: {  	s4 =	simm.s32 $_scs_section_size  }
0x9a: {  	s5 =	simm.s32 $_size__tile_overlayer_lowered;
	s6 =	simm.s32 $_tile_overlayer_lowered  }
0x9b: {  	s22 =	simm.s32 $0x1BFF;
	s21 =	sshll.u32 s6, $0x1;
	s3 =	sadd.s32 s4, s19  }
0x9c: {  	s7 =	simm.s32 $0x0;
	s20 =	sshll.u32 s5, $0x1;
	s5 =	sadd.s32 s21, s3  }
0x9d: {  	[timem:s7], [sflag:s22] =	dma.local [hbm:s5], s20  }
0x9e: {  	_ =	swait.ge [sflag:s22], s20  }
0x9f: {  	s4 =	ssub.s32 $0x0, s20;
	[sflag:s22] =	ssyncset.done $0x0  }
0xa0: {  	[sflag:s22] =	ssyncadd.s32 s4;
	_ =	sdelay $0x1  }
0xa1: {  	s23 =	simm.s32 $0x1B8B  }
0xa2: {  	_ =	swait.ge [sflag:s23], $0x1  }
0xa3: {  	[sflag:s23] =	ssyncset.done $0x0  }
0xa4: {  	s25 =	simm.s32 $0x1B8E;
	s24 =	sld [smem:$0x3FFE];
	[sflag:s23] =	ssyncadd.s32 $0xFFFFFFFF  }
0xa5: {  	s26 =	simm.s32 $execute0_lowered;
	[smem:$0x3FD2] =	sst s25  }
0xa6: {  	s5 =	sshll.u32 s26, $0x1;
	_ =	strace $0x80000046;
	[dreg:$0x1] =	wrdreg $0xFFFFFFFF  }
0xa7: {  	s28 =	simm.s32 $_size_execute0_lowered;
	s3 =	sadd.s32 s3, s5;
	[dreg:$0x0] =	wrdreg $0x0  }
0xa8: {  	s5 =	sshll.u32 s28, $0x1;
	[dreg:$0x2] =	wrdreg s3  }
0xa9: {  	[dreg:$0x3] =	wrdreg s5  }
0xaa: {  	[dreg:$0x4] =	wrdreg $0xC0  }
0xab: {  	_ =	task [dreg:s7], $0x5FFFF  }
0xac: {  	[dreg:$0x1] =	wrdreg $0xFFFFFFFF  }
0xad: {  	[dreg:$0x0] =	wrdreg $0x60  }
0xae: {  	[dreg:$0x2] =	wrdreg s24  }
0xaf: {  	[dreg:$0x3] =	wrdreg s2  }
0xb0: {  	[dreg:$0x4] =	wrdreg $0xA0000  }
0xb1: {  	[dreg:$0x5] =	wrdreg $0x0  }
0xb2: {  	[dreg:$0x6] =	wrdreg $0x9  }
0xb3: {  	_ =	task.clear_ibuf [dreg:s7], $0x7FFFF;
	_ =	strace $0x90000046  }
0xb4: {  	s29 =	simm.s32 $0x9;
	_ =	strace $0x80000048  }
0xb5: {  	_ =	swait.ge [sflag:s29], $0x1  }
0xb6: {  	[sflag:s29] =	ssyncadd.s32 $0xFFFFFFFF  }
0xb7: {  	_ =	strace $0x90000048  }
0xb8: {  	_ =	sfence  }
0xb9: {  	s30 =	sld [smem:$0x0];
	_ =	sdelay $0x2  }
0xba: {  	s31 =	sshll.u32 s1, $0xD;
	s1 =	sshrl.u32 s1, $0x2  }
0xbb: {  	s3 =	sand.u32 $0x4000, s31;
	s1 =	sadd.s32 s1, s30  }
0xbc: {  	s0 =	sor.u32 s3, s0;
	s1 =	sshll.u32 s1, $0x11  }
0xbd: {  	s0 =	sor.u32 s1, s0  }
0xbe: {  	s0 =	sadd.s32 $0x8F2B, s0  }
0xbf: {  	[sflag:s0] =	ssyncadd.remote.s32 $0x1  }
0xc0: {  	_ =	sfence.sel $0xFFFF  }
0xc1: {  	[dreg:$0x0] =	wrdreg $0xFFFFFFFF;
	(pc) =	sbr.abs _section_cstart, $3  }
0xc2: {  	[dreg:$0x1] =	wrdreg $0xFFFFFFFF  }
0xc3: {  	_ =	task.clear_ibuf [dreg:s7], $0x2FFFF;
	_ =	strace $0x9FFFFFFF  }
0xc4: {  	(tm) =	ssettm $0x7FFFFFFF  }
0xc5: {  	_ =	shalt  }
tec
execute0_lowered:
.L_overlay_start_1:
0x0: {  	(tag) =	ssettag $0x1  }
0x1: {  	s0 =	rddreg [dreg:$0x0]  }
0x2: {  	s3 =	rddreg [dreg:$0x1]  }
0x3: {  	s1 =	rddreg [dreg:$0x2]  }
0x4: {  	s2 =	rddreg [dreg:$0x3];
	s4 =	simm.s32 $0x0  }
0x5: {  	s5 =	srdreg.scid;
	s10 =	stileid.u32;
	s30 =	simm.s32 $0x14300  }
0x6: {  	[smem:$0x7FF] =	sst s4;
	s5 =	sand.u32 $0x1, s5;
	s7 =	smul.u32 $0xA000, s10  }
0x7: {  	s14 =	sadd.s32 $0xA00, s0;
	s8 =	sadd.s32 $0x800, s0;
	s9 =	smul.u32 $0x28000, s10  }
0x8: {  	s0 =	sadd.s32 $0x28A00, s0;
	_ =	strace $0x80000047;
	[dreg:$0x6] =	wrdreg s8  }
0x9: {  	s15 =	smul.u32 $0x280, s10;
	s6 =	ssub.s32 $0x2, s5;
	[dreg:$0x7] =	wrdreg s0  }
0xa: {  	s5 =	smul.u32 $0xA0000, s5;
	[dreg:$0x5] =	wrdreg s14;
	s11 =	sshrl.u32 s6, $0x1  }
0xb: {  	s13 =	sshrl.u32 s7, $0x3;
	[dreg:$0x8] =	wrdreg s15;
	s16 =	sshrl.u32 s9, $0x2  }
0xc: {  	s12 =	ssub.s32 s6, s11;
	s6 =	sadd.s32 s3, s13;
	[dreg:$0xe] =	wrdreg s5  }
0xd: {  	s31 =	simm.s32 $0x10;
	s7 =	sadd.s32 s16, s1;
	[dreg:$0x9] =	wrdreg s6  }
0xe: {  	s28 =	simm.s32 $0xB;
	s17 =	sadd.s32 $0x20, s6;
	[dreg:$0xa] =	wrdreg s7  }
0xf: {  	s29 =	simm.s32 $0xC;
	s18 =	sadd.s32 $0x40, s6;
	[dreg:$0xb] =	wrdreg s17  }
0x10: {  	s22 =	smul.u32 $0x1400, s10;
	s19 =	sadd.s32 $0x60, s6;
	[dreg:$0xc] =	wrdreg s18  }
0x11: {  	s10 =	simm.s32 $0x11;
	s20 =	sadd.s32 $0x80, s6;
	[dreg:$0xd] =	wrdreg s19  }
0x12: {  	s22 =	sadd.s32 s22, s3;
	s21 =	sadd.s32 $0xA0, s6;
	[dreg:$0xf] =	wrdreg s20  }
0x13: {  	s9 =	simm.s32 $0x14700;
	s0 =	smax.u32 s12, $0x1;
	[dreg:$0x10] =	wrdreg s21  }
0x14: {  	s13 =	simm.s32 $0xF;
	s23 =	sadd.s32 $0x2000, s7;
	[dreg:$0x11] =	wrdreg s0  }
0x15: {  	s3 =	simm.s32 $0xE;
	s24 =	sadd.s32 $0x4000, s7;
	[dreg:$0x12] =	wrdreg s23  }
0x16: {  	s5 =	simm.s32 $0x1B000;
	s25 =	sadd.s32 $0x6000, s7;
	[dreg:$0x13] =	wrdreg s24  }
0x17: {  	s11 =	simm.s32 $0x1D000;
	s26 =	sadd.s32 $0x8000, s7;
	[dreg:$0x14] =	wrdreg s25  }
0x18: {  	s12 =	simm.s32 $0x14600;
	s7 =	simm.s32 $0x0;
	[dreg:$0x15] =	wrdreg s26  }
0x19: {  	s25 =	simm.s32 $0x19000;
	s20 =	simm.s32 $0x14100;
	s24 =	simm.s32 $0x14200  }
0x1a: {  	s0 =	simm.s32 $0x80;
	s23 =	simm.s32 $0x17000;
	s19 =	simm.s32 $0x14500  }
0x1b: {  	v0 =	vimm.f32 $1.000000000e+00;
	v1 =	vimm.f32 $0.0e+00;
	s26 =	simm.s32 $0xD;
	s18 =	simm.s32 $0x9;
	s21 =	simm.s32 $0xA  }
.LBB2_1:
0x1c: {  	[dreg:$0x16] =	wrdreg s7  }
0x1d: {  	s6 =	rddreg [dreg:$0x6];
	s17 =	simm.s32 $0x1F000  }
0x1e: {  	[tilespmem:s17], [sflag:$0x11] =	stream.linear.gather [hbm4b:s6+s4], $0x100, $0x38;
	[tilespmem:$0x1F100] =	vst v63  }
0x1f: {  	_ =	swait.ge [sflag:s10], $0x100  }
0x20: {  	[sflag:s10] =	ssyncset.done $0x0  }
0x21: {  	s7 =	simm.s32 $0x17080;
	[sflag:s10] =	ssyncadd.s32 $0xFFFFFF00  }
0x22: {  	[tilespmem:s7+$0xFFFFFF80] =	vst v0  }
0x23: {  	[tilespmem:s7+$0x70] =	vst v0  }
0x24: {  	[tilespmem:s7+$0x60] =	vst v0  }
0x25: {  	[tilespmem:s7+$0x50] =	vst v0  }
0x26: {  	[tilespmem:s7+$0x40] =	vst v0  }
0x27: {  	[tilespmem:s7+$0x30] =	vst v0  }
0x28: {  	[tilespmem:s7+$0x20] =	vst v0  }
0x29: {  	[tilespmem:s7+$0x10] =	vst v0  }
0x2a: {  	[tilespmem:s7+$0x0] =	vst v0  }
0x2b: {  	[tilespmem:s7+$0xFFFFFFF0] =	vst v0  }
0x2c: {  	[tilespmem:s7+$0xFFFFFFE0] =	vst v0  }
0x2d: {  	[tilespmem:s7+$0xFFFFFFD0] =	vst v0  }
0x2e: {  	[tilespmem:s7+$0xFFFFFFC0] =	vst v0  }
0x2f: {  	[tilespmem:s7+$0xFFFFFFB0] =	vst v0  }
0x30: {  	s8 =	simm.s32 $0x0;
	[tilespmem:s7+$0xFFFFFFA0] =	vst v0  }
.LBB2_2:
0x31: {  	s8 =	sadd.s32 $0x4, s8;
	[tilespmem:s7+$0xFFFFFF90] =	vst v0;
	s7 =	sadd.s32 $0x100, s7;
	s6 =	simm.s32 $0x19080  }
0x32: {  	[tilespmem:s7+$0xFFFFFF80] =	vst v0;
	p0 =	slt.u32 s8, $0x7C  }
0x33: {  	[tilespmem:s7+$0x70] =	vst v0  }
0x34: {  	[tilespmem:s7+$0x60] =	vst v0  }
0x35: {  	[tilespmem:s7+$0x50] =	vst v0  }
0x36: {  	[tilespmem:s7+$0x40] =	vst v0  }
0x37: {  	[tilespmem:s7+$0x30] =	vst v0  }
0x38: {  	[tilespmem:s7+$0x20] =	vst v0  }
0x39: {  	[tilespmem:s7+$0x10] =	vst v0  }
0x3a: {  	[tilespmem:s7+$0x0] =	vst v0  }
0x3b: {  	[tilespmem:s7+$0xFFFFFFF0] =	vst v0  }
.Ltmp0:
0x3c: {  	[tilespmem:s7+$0xFFFFFFE0] =	vst v0;
	(pc) =	sbr.rel @p0 .LBB2_2-.Ltmp0, $4  }
0x3d: {  	[tilespmem:s7+$0xFFFFFFD0] =	vst v0  }
0x3e: {  	[tilespmem:s7+$0xFFFFFFC0] =	vst v0  }
0x3f: {  	[tilespmem:s7+$0xFFFFFFB0] =	vst v0  }
0x40: {  	[tilespmem:s7+$0xFFFFFFA0] =	vst v0  }
0x41: {  	[tilespmem:s7+$0xFFFFFF90] =	vst v0  }
0x42: {  	[tilespmem:s6+$0xFFFFFF80] =	vst v1  }
0x43: {  	[tilespmem:s6+$0x70] =	vst v1  }
0x44: {  	[tilespmem:s6+$0x60] =	vst v1  }
0x45: {  	[tilespmem:s6+$0x50] =	vst v1  }
0x46: {  	[tilespmem:s6+$0x40] =	vst v1  }
0x47: {  	[tilespmem:s6+$0x30] =	vst v1  }
0x48: {  	[tilespmem:s6+$0x20] =	vst v1  }
0x49: {  	[tilespmem:s6+$0x10] =	vst v1  }
0x4a: {  	[tilespmem:s6+$0x0] =	vst v1  }
0x4b: {  	[tilespmem:s6+$0xFFFFFFF0] =	vst v1  }
0x4c: {  	[tilespmem:s6+$0xFFFFFFE0] =	vst v1  }
0x4d: {  	[tilespmem:s6+$0xFFFFFFD0] =	vst v1  }
0x4e: {  	[tilespmem:s6+$0xFFFFFFC0] =	vst v1  }
0x4f: {  	[tilespmem:s6+$0xFFFFFFB0] =	vst v1  }
0x50: {  	s7 =	simm.s32 $0x0;
	[tilespmem:s6+$0xFFFFFFA0] =	vst v1  }
.LBB2_4:
0x51: {  	s7 =	sadd.s32 $0x4, s7;
	[tilespmem:s6+$0xFFFFFF90] =	vst v1;
	s6 =	sadd.s32 $0x100, s6  }
0x52: {  	[tilespmem:s6+$0xFFFFFF80] =	vst v1;
	p0 =	slt.u32 s7, $0x7C  }
0x53: {  	[tilespmem:s6+$0x70] =	vst v1  }
0x54: {  	[tilespmem:s6+$0x60] =	vst v1  }
0x55: {  	[tilespmem:s6+$0x50] =	vst v1  }
0x56: {  	[tilespmem:s6+$0x40] =	vst v1  }
0x57: {  	[tilespmem:s6+$0x30] =	vst v1  }
0x58: {  	[tilespmem:s6+$0x20] =	vst v1  }
0x59: {  	[tilespmem:s6+$0x10] =	vst v1  }
0x5a: {  	[tilespmem:s6+$0x0] =	vst v1  }
0x5b: {  	[tilespmem:s6+$0xFFFFFFF0] =	vst v1  }
.Ltmp1:
0x5c: {  	[tilespmem:s6+$0xFFFFFFE0] =	vst v1;
	(pc) =	sbr.rel @p0 .LBB2_4-.Ltmp1, $4  }
0x5d: {  	[tilespmem:s6+$0xFFFFFFD0] =	vst v1  }
0x5e: {  	[tilespmem:s6+$0xFFFFFFC0] =	vst v1  }
0x5f: {  	[tilespmem:s6+$0xFFFFFFB0] =	vst v1  }
0x60: {  	[tilespmem:s6+$0xFFFFFFA0] =	vst v1  }
0x61: {  	[tilespmem:s6+$0xFFFFFF90] =	vst v1;
	s16 =	rddreg [dreg:$0xa]  }
0x62: {  	[spmem:s16] =	stream.linear.scatter [tilespmem:s25], [sflag:$0x11], $0x2000, $0x38;
	[tilespmem:$0x1F100] =	vst v63  }
0x63: {  	_ =	swait.ge [sflag:s10], $0x2000  }
0x64: {  	[sflag:s10] =	ssyncset.done $0x0  }
0x65: {  	s17 =	rddreg [dreg:$0x12];
	[sflag:s10] =	ssyncadd.s32 $0xFFFFE000  }
0x66: {  	[spmem:s17] =	stream.linear.scatter [tilespmem:s25], [sflag:$0x11], $0x2000, $0x38;
	[tilespmem:$0x1F100] =	vst v63  }
0x67: {  	_ =	swait.ge [sflag:s10], $0x2000  }
0x68: {  	[sflag:s10] =	ssyncset.done $0x0  }
0x69: {  	s7 =	rddreg [dreg:$0x13];
	[sflag:s10] =	ssyncadd.s32 $0xFFFFE000  }
0x6a: {  	[spmem:s7] =	stream.linear.scatter [tilespmem:s25], [sflag:$0x11], $0x2000, $0x38;
	[tilespmem:$0x1F100] =	vst v63  }
0x6b: {  	_ =	swait.ge [sflag:s10], $0x2000  }
0x6c: {  	[sflag:s10] =	ssyncset.done $0x0  }
0x6d: {  	s8 =	rddreg [dreg:$0x14];
	[sflag:s10] =	ssyncadd.s32 $0xFFFFE000  }
0x6e: {  	[spmem:s8] =	stream.linear.scatter [tilespmem:s25], [sflag:$0x11], $0x2000, $0x38;
	[tilespmem:$0x1F100] =	vst v63  }
0x6f: {  	_ =	swait.ge [sflag:s10], $0x2000  }
0x70: {  	[sflag:s10] =	ssyncset.done $0x0  }
0x71: {  	s14 =	rddreg [dreg:$0x15];
	[sflag:s10] =	ssyncadd.s32 $0xFFFFE000  }
0x72: {  	[spmem:s14] =	stream.linear.scatter [tilespmem:s25], [sflag:$0x11], $0x2000, $0x38;
	[tilespmem:$0x1F100] =	vst v63  }
0x73: {  	_ =	swait.ge [sflag:s10], $0x2000  }
0x74: {  	[sflag:s10] =	ssyncset.done $0x0  }
0x75: {  	[sflag:s10] =	ssyncadd.s32 $0xFFFFE000  }
0x76: {  	[bflag:$0x0] =	sbarrier.arrive $0xFFFF  }
0x77: {  	s6 =	simm.s32 $0x0;
	s8 =	simm.s32 $0x14000;
	s7 =	rddreg [dreg:$0x9]  }
0x78: {  	[tilespmem:s8], [sflag:$0x1] =	stream.linear.gather [hbm4b:s7+s6], $0x100, $0x38;
	[tilespmem:$0x1F100] =	vst v63  }
0x79: {  	s15 =	rddreg [dreg:$0xb]  }
0x7a: {  	[tilespmem:s20], [sflag:$0x2] =	stream.linear.gather [hbm4b:s15+s6], $0x100, $0x38;
	[tilespmem:$0x1F100] =	vst v63  }
0x7b: {  	s16 =	rddreg [dreg:$0xc]  }
0x7c: {  	[tilespmem:s24], [sflag:$0x3] =	stream.linear.gather [hbm4b:s16+s6], $0x100, $0x38;
	[tilespmem:$0x1F100] =	vst v63  }
0x7d: {  	s17 =	rddreg [dreg:$0xd]  }
0x7e: {  	[tilespmem:s30], [sflag:$0x4] =	stream.linear.gather [hbm4b:s17+s6], $0x100, $0x38;
	[tilespmem:$0x1F100] =	vst v63  }
.LBB2_6:
0x7f: {  	s7 =	simm.s32 $0x1  }
0x80: {  	_ =	swait.ge [sflag:s7], $0x100  }
0x81: {  	p0 =	seq.s32 s6, $0x0;
	[sflag:s7] =	ssyncset.done $0x0  }
0x82: {  	[sflag:s7] =	ssyncadd.s32 $0xFFFFFF00;
	s7 =	simm.s32 @!p0 $0xD  }
0x83: {  	_ =	swait.ge @!p0 [sflag:s7], $0x2000  }
0x84: {  	[sflag:s7] =	ssyncset.done @!p0 $0x0  }
0x85: {  	s14 =	simm.s32 $0x14080;
	[sflag:s7] =	ssyncadd.s32 @!p0 $0xFFFFE000;
	s7 =	sadd.s32 s6, s22  }
0x86: {  	[spmem:s1] =	stream.indirect.scatter.add.f32 [tilespmem:s23], [sflag:$0xD], $0x40, s14, s0, $0xb8;
	[tilespmem:$0x1F100] =	vst v63  }
0x87: {  	s10 =	simm.s32 $0x14400;
	s15 =	simm.s32 $0x2;
	s8 =	sadd.s32 $0x80, s7  }
0x88: {  	[tilespmem:s10], [sflag:$0x5] =	stream.linear.gather [hbm4b:s8+s4], $0x100, $0x38;
	[tilespmem:$0x1F100] =	vst v63  }
0x89: {  	_ =	swait.ge [sflag:s15], $0x100  }
0x8a: {  	[sflag:s15] =	ssyncset.done $0x0  }
0x8b: {  	s8 =	simm.s32 @!p0 $0xE;
	[sflag:s15] =	ssyncadd.s32 $0xFFFFFF00  }
0x8c: {  	_ =	swait.ge @!p0 [sflag:s8], $0x2000  }
0x8d: {  	[sflag:s8] =	ssyncset.done @!p0 $0x0  }
0x8e: {  	s16 =	simm.s32 $0x14180;
	[sflag:s8] =	ssyncadd.s32 @!p0 $0xFFFFE000  }
0x8f: {  	[spmem:s1] =	stream.indirect.scatter.add.f32 [tilespmem:s23], [sflag:$0xE], $0x40, s16, s0, $0xb8;
	[tilespmem:$0x1F100] =	vst v63  }
0x90: {  	s17 =	sadd.s32 $0xA0, s7;
	s10 =	simm.s32 $0x3  }
0x91: {  	[tilespmem:s19], [sflag:$0x6] =	stream.linear.gather [hbm4b:s17+s4], $0x100, $0x38;
	[tilespmem:$0x1F100] =	vst v63  }
0x92: {  	_ =	swait.ge [sflag:s10], $0x100  }
0x93: {  	[sflag:s10] =	ssyncset.done $0x0  }
0x94: {  	s8 =	simm.s32 @!p0 $0xF;
	[sflag:s10] =	ssyncadd.s32 $0xFFFFFF00  }
0x95: {  	_ =	swait.ge @!p0 [sflag:s8], $0x2000  }
0x96: {  	[sflag:s8] =	ssyncset.done @!p0 $0x0  }
0x97: {  	s14 =	simm.s32 $0x14280;
	[sflag:s8] =	ssyncadd.s32 @!p0 $0xFFFFE000  }
0x98: {  	[spmem:s1] =	stream.indirect.scatter.add.f32 [tilespmem:s23], [sflag:$0xF], $0x40, s14, s0, $0xb8;
	[tilespmem:$0x1F100] =	vst v63  }
0x99: {  	s15 =	sadd.s32 $0xC0, s7;
	s16 =	simm.s32 $0x4  }
0x9a: {  	[tilespmem:s12], [sflag:$0x7] =	stream.linear.gather [hbm4b:s15+s4], $0x100, $0x38;
	[tilespmem:$0x1F100] =	vst v63  }
0x9b: {  	_ =	swait.ge [sflag:s16], $0x100  }
0x9c: {  	[sflag:s16] =	ssyncset.done $0x0  }
0x9d: {  	s8 =	simm.s32 @!p0 $0x10;
	[sflag:s16] =	ssyncadd.s32 $0xFFFFFF00  }
0x9e: {  	_ =	swait.ge @!p0 [sflag:s8], $0x2000  }
0x9f: {  	[sflag:s8] =	ssyncset.done @!p0 $0x0  }
0xa0: {  	s17 =	simm.s32 $0x14380;
	[sflag:s8] =	ssyncadd.s32 @!p0 $0xFFFFE000  }
0xa1: {  	[spmem:s1] =	stream.indirect.scatter.add.f32 [tilespmem:s23], [sflag:$0x10], $0x40, s17, s0, $0xb8;
	[tilespmem:$0x1F100] =	vst v63  }
0xa2: {  	s10 =	sadd.s32 $0xE0, s7;
	s14 =	simm.s32 $0x5  }
0xa3: {  	[tilespmem:s9], [sflag:$0x8] =	stream.linear.gather [hbm4b:s10+s4], $0x100, $0x38;
	[tilespmem:$0x1F100] =	vst v63  }
0xa4: {  	_ =	swait.ge [sflag:s14], $0x100  }
0xa5: {  	[sflag:s14] =	ssyncset.done $0x0  }
0xa6: {  	[sflag:s14] =	ssyncadd.s32 $0xFFFFFF00  }
0xa7: {  	_ =	swait.ge [sflag:s26], $0x2000  }
0xa8: {  	p0 =	seq.s32 s6, $0x1300;
	[sflag:s26] =	ssyncset.done $0x0  }
0xa9: {  	s15 =	simm.s32 $0x14480;
	s8 =	simm.s32 @p0 $0x6;
	[sflag:s26] =	ssyncadd.s32 $0xFFFFE000  }
0xaa: {  	[spmem:s1] =	stream.indirect.scatter.add.f32 [tilespmem:s23], [sflag:$0xD], $0x40, s15, s0, $0xb8;
	[tilespmem:$0x1F100] =	vst v63  }
0xab: {  	_ =	swait.ge @p0 [sflag:s8], $0x100  }
0xac: {  	[sflag:s8] =	ssyncset.done @p0 $0x0  }
0xad: {  	[sflag:s8] =	ssyncadd.s32 @p0 $0xFFFFFF00;
	s8 =	simm.s32 @p0 $0xE  }
0xae: {  	_ =	swait.ge @p0 [sflag:s8], $0x2000  }
0xaf: {  	s10 =	simm.s32 @p0 $0x14580;
	[sflag:s8] =	ssyncset.done @p0 $0x0  }
0xb0: {  	s14 =	simm.s32 @p0 $0x17000;
	[sflag:s8] =	ssyncadd.s32 @p0 $0xFFFFE000;
	s8 =	simm.s32 @p0 $0x80  }
0xb1: {  	[spmem:s1] =	stream.indirect.scatter.add.f32 @p0 [tilespmem:s14], [sflag:$0xE], $0x40, s10, s8, $0xb8;
	[tilespmem:$0x1F100] =	vst v63  }
0xb2: {  	s8 =	sadd.s32 @!p0 s6, s22  }
0xb3: {  	s15 =	simm.s32 @!p0 $0x14000;
	s14 =	simm.s32 @!p0 $0x0;
	s10 =	sadd.s32 @!p0 $0x100, s8  }
0xb4: {  	[tilespmem:s15], [sflag:$0x1] =	stream.linear.gather @!p0 [hbm4b:s10+s14], $0x100, $0x38;
	[tilespmem:$0x1F100] =	vst v63  }
0xb5: {  	s10 =	simm.s32 @!p0 $0x6  }
0xb6: {  	_ =	swait.ge @!p0 [sflag:s10], $0x100  }
0xb7: {  	[sflag:s10] =	ssyncset.done @!p0 $0x0  }
0xb8: {  	[sflag:s10] =	ssyncadd.s32 @!p0 $0xFFFFFF00;
	s10 =	simm.s32 @!p0 $0xE  }
0xb9: {  	_ =	swait.ge @!p0 [sflag:s10], $0x2000  }
0xba: {  	s17 =	simm.s32 @!p0 $0x17000;
	[sflag:s10] =	ssyncset.done @!p0 $0x0  }
0xbb: {  	s15 =	simm.s32 @!p0 $0x14580;
	[sflag:s10] =	ssyncadd.s32 @!p0 $0xFFFFE000;
	s10 =	simm.s32 @!p0 $0x80  }
0xbc: {  	[spmem:s1] =	stream.indirect.scatter.add.f32 @!p0 [tilespmem:s17], [sflag:$0xE], $0x40, s15, s10, $0xb8;
	[tilespmem:$0x1F100] =	vst v63  }
0xbd: {  	s16 =	simm.s32 $0x7;
	s8 =	sadd.s32 @!p0 $0x120, s8;
	s10 =	simm.s32 @!p0 $0x14100  }
0xbe: {  	[tilespmem:s10], [sflag:$0x2] =	stream.linear.gather @!p0 [hbm4b:s8+s14], $0x100, $0x38;
	[tilespmem:$0x1F100] =	vst v63  }
0xbf: {  	_ =	swait.ge [sflag:s16], $0x100  }
0xc0: {  	[sflag:s16] =	ssyncset.done $0x0  }
.Ltmp2:
0xc1: {  	[sflag:s16] =	ssyncadd.s32 $0xFFFFFF00;
	(pc) =	sbr.rel @p0 .LBB2_8-.Ltmp2, $4  }
0xc2: {  	_ =	swait.ge [sflag:s13], $0x2000  }
0xc3: {  	[sflag:s13] =	ssyncset.done $0x0  }
0xc4: {  	s17 =	simm.s32 $0x14680;
	[sflag:s13] =	ssyncadd.s32 $0xFFFFE000  }
0xc5: {  	[spmem:s1] =	stream.indirect.scatter.add.f32 [tilespmem:s23], [sflag:$0xF], $0x40, s17, s0, $0xb8;
	[tilespmem:$0x1F100] =	vst v63  }
0xc6: {  	s8 =	sadd.s32 $0x140, s7;
	s15 =	simm.s32 $0x8  }
0xc7: {  	[tilespmem:s24], [sflag:$0x3] =	stream.linear.gather [hbm4b:s8+s4], $0x100, $0x38;
	[tilespmem:$0x1F100] =	vst v63  }
0xc8: {  	_ =	swait.ge [sflag:s15], $0x100  }
0xc9: {  	[sflag:s15] =	ssyncset.done $0x0  }
0xca: {  	[sflag:s15] =	ssyncadd.s32 $0xFFFFFF00  }
0xcb: {  	_ =	swait.ge [sflag:s31], $0x2000  }
.Ltmp3:
0xcc: {  	[sflag:s31] =	ssyncset.done $0x0;
	(pc) =	sbr.rel .LBB2_6-.Ltmp3, $4  }
0xcd: {  	s16 =	simm.s32 $0x14780;
	[sflag:s31] =	ssyncadd.s32 $0xFFFFE000  }
0xce: {  	[spmem:s1] =	stream.indirect.scatter.add.f32 [tilespmem:s23], [sflag:$0x10], $0x40, s16, s0, $0xb8;
	[tilespmem:$0x1F100] =	vst v63  }
0xcf: {  	s17 =	sadd.s32 $0x160, s7;
	s6 =	sadd.s32 $0x100, s6  }
0xd0: {  	[tilespmem:s30], [sflag:$0x4] =	stream.linear.gather [hbm4b:s17+s4], $0x100, $0x38;
	[tilespmem:$0x1F100] =	vst v63  }
.LBB2_8:
0xd1: {  	s6 =	simm.s32 $0x8  }
0xd2: {  	_ =	swait.ge [sflag:s6], $0x100  }
0xd3: {  	[sflag:s6] =	ssyncset.done $0x0  }
0xd4: {  	[sflag:s6] =	ssyncadd.s32 $0xFFFFFF00  }
0xd5: {  	_ =	swait.ge [sflag:s31], $0x2000  }
0xd6: {  	[sflag:s31] =	ssyncset.done $0x0  }
0xd7: {  	s19 =	simm.s32 $0x14780;
	[sflag:s31] =	ssyncadd.s32 $0xFFFFE000  }
0xd8: {  	[spmem:s1] =	stream.indirect.scatter.add.f32 [tilespmem:s23], [sflag:$0x10], $0x40, s19, s0, $0xb8;
	[tilespmem:$0x1F100] =	vst v63  }
0xd9: {  	_ =	swait.ge [sflag:s26], $0x2000  }
0xda: {  	[sflag:s26] =	ssyncset.done $0x0  }
0xdb: {  	[sflag:s26] =	ssyncadd.s32 $0xFFFFE000  }
0xdc: {  	_ =	swait.ge [sflag:s3], $0x2000  }
0xdd: {  	[sflag:s3] =	ssyncset.done $0x0  }
0xde: {  	[sflag:s3] =	ssyncadd.s32 $0xFFFFE000  }
0xdf: {  	_ =	swait.ge [sflag:s13], $0x2000  }
0xe0: {  	[sflag:s13] =	ssyncset.done $0x0  }
0xe1: {  	[sflag:s13] =	ssyncadd.s32 $0xFFFFE000  }
0xe2: {  	_ =	swait.ge [sflag:s31], $0x2000  }
0xe3: {  	[sflag:s31] =	ssyncset.done $0x0  }
0xe4: {  	[sflag:s31] =	ssyncadd.s32 $0xFFFFE000  }
0xe5: {  	s9 =	simm.s32 $0x0;
	s6 =	simm.s32 $0x14820;
	[bflag:$0x0] =	sbarrier.arrive $0xFFFF  }
.LBB2_9:
0xe6: {  	s7 =	sshll.u32 s9, $0x7;
	s8 =	rddreg [dreg:$0x8]  }
0xe7: {  	s7 =	sadd.s32 s8, s7  }
0xe8: {  	s17 =	rddreg [dreg:$0xe];
	s16 =	sshll.u32 s7, $0x6  }
0xe9: {  	s12 =	sadd.s32 s16, s1;
	s7 =	sadd.s32 s17, s16  }
0xea: {  	[tilespmem:s23], [sflag:$0x9] =	stream.linear.gather [spmem:s12], $0x2000, $0x38;
	[tilespmem:$0x1F100] =	vst v63  }
0xeb: {  	s19 =	rddreg [dreg:$0x5];
	s7 =	sshrl.u32 s7, $0x3  }
0xec: {  	s17 =	smov.u32 s7;
	s7 =	sadd.s32 s19, s7  }
0xed: {  	[tilespmem:s25], [sflag:$0xA] =	stream.linear.gather [hbm4b:s7+s4], $0x2000, $0x38;
	[tilespmem:$0x1F100] =	vst v63  }
0xee: {  	_ =	swait.ge [sflag:s18], $0x2000  }
0xef: {  	[sflag:s18] =	ssyncset.done $0x0  }
0xf0: {  	[sflag:s18] =	ssyncadd.s32 $0xFFFFE000  }
0xf1: {  	_ =	swait.ge [sflag:s21], $0x2000  }
0xf2: {  	[sflag:s21] =	ssyncset.done $0x0  }
0xf3: {  	s7 =	simm.s32 $0x17080;
	[sflag:s21] =	ssyncadd.s32 $0xFFFFE000  }
0xf4: {  	v2 =	vld [tilespmem:s7+$0xFFFFFF80];
	_ =	sdelay $0x4  }
0xf5: {  	v2 =	vadd.f32 $1.000000000e+00, v2;
	_ =	sdelay $0x1  }
0xf6: {  	v3 =	vshra.s32 v2, $0x1;
	v2 =	vmul.f32 $5.000000000e-01, v2  }
0xf7: {  	v3 =	vsub.s32 $0x5F3759DF, v3  }
0xf8: {  	v4 =	vmul.f32 v3, v2;
	_ =	sdelay $0x1  }
0xf9: {  	v4 =	vmul.f32 v3, v4;
	_ =	sdelay $0x1  }
0xfa: {  	v4 =	vsub.f32 $1.500000000e+00, v4;
	_ =	sdelay $0x1  }
0xfb: {  	v3 =	vmul.f32 v3, v4;
	_ =	sdelay $0x1  }
0xfc: {  	v4 =	vmul.f32 v3, v2;
	_ =	sdelay $0x1  }
0xfd: {  	v4 =	vmul.f32 v4, v3;
	_ =	sdelay $0x1  }
0xfe: {  	v4 =	vsub.f32 $1.500000000e+00, v4;
	_ =	sdelay $0x1  }
0xff: {  	v3 =	vmul.f32 v4, v3;
	_ =	sdelay $0x1  }
0x100: {  	v2 =	vmul.f32 v3, v2;
	_ =	sdelay $0x1  }
0x101: {  	v2 =	vmul.f32 v2, v3;
	_ =	sdelay $0x1  }
0x102: {  	v2 =	vsub.f32 $1.500000000e+00, v2;
	_ =	sdelay $0x1  }
0x103: {  	v3 =	vmul.f32 v2, v3;
	_ =	sdelay $0x1  }
0x104: {  	s8 =	simm.s32 $0x19080;
	v2 =	vld [tilespmem:$0x1F000];
	[tilespmem:s6+$0xFFFFFFE0] =	vst v3  }
0x105: {  	v27 =	vld [tilespmem:s8+$0xFFFFFF80];
	_ =	sdelay $0x4  }
0x106: {  	v5 =	vmul.f32 v27, v2  }
0x107: {  	s10 =	simm.s32 $0x1B080;
	v4 =	vmul.f32 v3, v27  }
0x108: {  	[tilespmem:s10+$0xFFFFFF80] =	vst v5  }
0x109: {  	[tilespmem:s8+$0xFFFFFF80] =	vst v4  }
0x10a: {  	[tilespmem:s7+$0xFFFFFF80] =	vst v1  }
0x10b: {  	v28 =	vld [tilespmem:s8+$0xFFFFFF90];
	_ =	sdelay $0x4  }
0x10c: {  	v29 =	vmul.f32 v28, v2  }
0x10d: {  	v4 =	vmul.f32 v3, v28  }
0x10e: {  	[tilespmem:s10+$0xFFFFFF90] =	vst v29  }
0x10f: {  	[tilespmem:s8+$0xFFFFFF90] =	vst v4  }
0x110: {  	[tilespmem:s7+$0xFFFFFF90] =	vst v1  }
0x111: {  	v30 =	vld [tilespmem:s8+$0xFFFFFFA0];
	_ =	sdelay $0x4  }
0x112: {  	v31 =	vmul.f32 v30, v2  }
0x113: {  	v4 =	vmul.f32 v3, v30  }
0x114: {  	[tilespmem:s10+$0xFFFFFFA0] =	vst v31  }
0x115: {  	[tilespmem:s8+$0xFFFFFFA0] =	vst v4  }
0x116: {  	[tilespmem:s7+$0xFFFFFFA0] =	vst v1  }
0x117: {  	v32 =	vld [tilespmem:s8+$0xFFFFFFB0];
	_ =	sdelay $0x4  }
0x118: {  	v33 =	vmul.f32 v32, v2  }
0x119: {  	v3 =	vmul.f32 v3, v32  }
0x11a: {  	[tilespmem:s10+$0xFFFFFFB0] =	vst v33  }
0x11b: {  	[tilespmem:s8+$0xFFFFFFB0] =	vst v3  }
0x11c: {  	v3 =	vld [tilespmem:s7+$0xFFFFFFC0];
	_ =	sdelay $0x4  }
0x11d: {  	v3 =	vadd.f32 $1.000000000e+00, v3;
	_ =	sdelay $0x1  }
0x11e: {  	v34 =	vshra.s32 v3, $0x1;
	v3 =	vmul.f32 $5.000000000e-01, v3  }
0x11f: {  	v4 =	vsub.s32 $0x5F3759DF, v34  }
0x120: {  	v35 =	vmul.f32 v4, v3;
	_ =	sdelay $0x1  }
0x121: {  	v5 =	vmul.f32 v4, v35;
	_ =	sdelay $0x1  }
0x122: {  	v5 =	vsub.f32 $1.500000000e+00, v5;
	_ =	sdelay $0x1  }
0x123: {  	v4 =	vmul.f32 v4, v5;
	_ =	sdelay $0x1  }
0x124: {  	v5 =	vmul.f32 v4, v3;
	_ =	sdelay $0x1  }
0x125: {  	v5 =	vmul.f32 v5, v4;
	_ =	sdelay $0x1  }
0x126: {  	v5 =	vsub.f32 $1.500000000e+00, v5;
	_ =	sdelay $0x1  }
0x127: {  	v4 =	vmul.f32 v5, v4;
	_ =	sdelay $0x1  }
0x128: {  	v3 =	vmul.f32 v4, v3;
	_ =	sdelay $0x1  }
0x129: {  	v3 =	vmul.f32 v3, v4;
	_ =	sdelay $0x1  }
0x12a: {  	v3 =	vsub.f32 $1.500000000e+00, v3;
	_ =	sdelay $0x1  }
0x12b: {  	v3 =	vmul.f32 v3, v4  }
0x12c: {  	[tilespmem:s7+$0xFFFFFFB0] =	vst v1  }
0x12d: {  	[tilespmem:s6+$0xFFFFFFF0] =	vst v3  }
0x12e: {  	v36 =	vld [tilespmem:s8+$0xFFFFFFC0];
	_ =	sdelay $0x4  }
0x12f: {  	v37 =	vmul.f32 v36, v2  }
0x130: {  	v4 =	vmul.f32 v3, v36  }
0x131: {  	[tilespmem:s10+$0xFFFFFFC0] =	vst v37  }
0x132: {  	[tilespmem:s8+$0xFFFFFFC0] =	vst v4  }
0x133: {  	[tilespmem:s7+$0xFFFFFFC0] =	vst v1  }
0x134: {  	v38 =	vld [tilespmem:s8+$0xFFFFFFD0];
	_ =	sdelay $0x4  }
0x135: {  	v39 =	vmul.f32 v38, v2  }
0x136: {  	v4 =	vmul.f32 v3, v38  }
0x137: {  	[tilespmem:s10+$0xFFFFFFD0] =	vst v39  }
0x138: {  	[tilespmem:s8+$0xFFFFFFD0] =	vst v4  }
0x139: {  	[tilespmem:s7+$0xFFFFFFD0] =	vst v1  }
0x13a: {  	v40 =	vld [tilespmem:s8+$0xFFFFFFE0];
	_ =	sdelay $0x4  }
0x13b: {  	v41 =	vmul.f32 v40, v2  }
0x13c: {  	v4 =	vmul.f32 v3, v40  }
0x13d: {  	[tilespmem:s10+$0xFFFFFFE0] =	vst v41  }
0x13e: {  	[tilespmem:s8+$0xFFFFFFE0] =	vst v4  }
0x13f: {  	[tilespmem:s7+$0xFFFFFFE0] =	vst v1  }
0x140: {  	v42 =	vld [tilespmem:s8+$0xFFFFFFF0];
	_ =	sdelay $0x4  }
0x141: {  	v43 =	vmul.f32 v42, v2  }
0x142: {  	v3 =	vmul.f32 v3, v42  }
0x143: {  	[tilespmem:s10+$0xFFFFFFF0] =	vst v43  }
0x144: {  	[tilespmem:s8+$0xFFFFFFF0] =	vst v3  }
0x145: {  	v3 =	vld [tilespmem:s7+$0x0];
	_ =	sdelay $0x4  }
0x146: {  	v3 =	vadd.f32 $1.000000000e+00, v3;
	_ =	sdelay $0x1  }
0x147: {  	v44 =	vshra.s32 v3, $0x1;
	v3 =	vmul.f32 $5.000000000e-01, v3  }
0x148: {  	v4 =	vsub.s32 $0x5F3759DF, v44  }
0x149: {  	v45 =	vmul.f32 v4, v3;
	_ =	sdelay $0x1  }
0x14a: {  	v5 =	vmul.f32 v4, v45;
	_ =	sdelay $0x1  }
0x14b: {  	v5 =	vsub.f32 $1.500000000e+00, v5;
	_ =	sdelay $0x1  }
0x14c: {  	v4 =	vmul.f32 v4, v5;
	_ =	sdelay $0x1  }
0x14d: {  	v5 =	vmul.f32 v4, v3;
	_ =	sdelay $0x1  }
0x14e: {  	v5 =	vmul.f32 v5, v4;
	_ =	sdelay $0x1  }
0x14f: {  	v5 =	vsub.f32 $1.500000000e+00, v5;
	_ =	sdelay $0x1  }
0x150: {  	v4 =	vmul.f32 v5, v4;
	_ =	sdelay $0x1  }
0x151: {  	v3 =	vmul.f32 v4, v3;
	_ =	sdelay $0x1  }
0x152: {  	v3 =	vmul.f32 v3, v4;
	_ =	sdelay $0x1  }
0x153: {  	v3 =	vsub.f32 $1.500000000e+00, v3;
	_ =	sdelay $0x1  }
0x154: {  	v3 =	vmul.f32 v3, v4  }
0x155: {  	[tilespmem:s7+$0xFFFFFFF0] =	vst v1  }
0x156: {  	[tilespmem:s6+$0x0] =	vst v3  }
0x157: {  	v46 =	vld [tilespmem:s8+$0x0];
	_ =	sdelay $0x4  }
0x158: {  	v47 =	vmul.f32 v46, v2  }
0x159: {  	v4 =	vmul.f32 v3, v46  }
0x15a: {  	[tilespmem:s10+$0x0] =	vst v47  }
0x15b: {  	[tilespmem:s8+$0x0] =	vst v4  }
0x15c: {  	[tilespmem:s7+$0x0] =	vst v1  }
0x15d: {  	v48 =	vld [tilespmem:s8+$0x10];
	_ =	sdelay $0x4  }
0x15e: {  	v49 =	vmul.f32 v48, v2  }
0x15f: {  	v4 =	vmul.f32 v3, v48  }
0x160: {  	[tilespmem:s10+$0x10] =	vst v49  }
0x161: {  	[tilespmem:s8+$0x10] =	vst v4  }
0x162: {  	[tilespmem:s7+$0x10] =	vst v1  }
0x163: {  	v50 =	vld [tilespmem:s8+$0x20];
	_ =	sdelay $0x4  }
0x164: {  	v51 =	vmul.f32 v50, v2  }
0x165: {  	v4 =	vmul.f32 v3, v50  }
0x166: {  	[tilespmem:s10+$0x20] =	vst v51  }
0x167: {  	[tilespmem:s8+$0x20] =	vst v4  }
0x168: {  	[tilespmem:s7+$0x20] =	vst v1  }
0x169: {  	v52 =	vld [tilespmem:s8+$0x30];
	_ =	sdelay $0x4  }
0x16a: {  	v53 =	vmul.f32 v52, v2  }
0x16b: {  	v3 =	vmul.f32 v3, v52  }
0x16c: {  	[tilespmem:s10+$0x30] =	vst v53  }
0x16d: {  	[tilespmem:s8+$0x30] =	vst v3  }
0x16e: {  	v3 =	vld [tilespmem:s7+$0x40];
	_ =	sdelay $0x4  }
0x16f: {  	v3 =	vadd.f32 $1.000000000e+00, v3;
	_ =	sdelay $0x1  }
0x170: {  	v54 =	vshra.s32 v3, $0x1;
	v3 =	vmul.f32 $5.000000000e-01, v3  }
0x171: {  	v4 =	vsub.s32 $0x5F3759DF, v54  }
0x172: {  	v55 =	vmul.f32 v4, v3;
	_ =	sdelay $0x1  }
0x173: {  	v5 =	vmul.f32 v4, v55;
	_ =	sdelay $0x1  }
0x174: {  	v5 =	vsub.f32 $1.500000000e+00, v5;
	_ =	sdelay $0x1  }
0x175: {  	v4 =	vmul.f32 v4, v5;
	_ =	sdelay $0x1  }
0x176: {  	v5 =	vmul.f32 v4, v3;
	_ =	sdelay $0x1  }
0x177: {  	v5 =	vmul.f32 v5, v4;
	_ =	sdelay $0x1  }
0x178: {  	v5 =	vsub.f32 $1.500000000e+00, v5;
	_ =	sdelay $0x1  }
0x179: {  	v4 =	vmul.f32 v5, v4;
	_ =	sdelay $0x1  }
0x17a: {  	v3 =	vmul.f32 v4, v3;
	_ =	sdelay $0x1  }
0x17b: {  	v3 =	vmul.f32 v3, v4;
	_ =	sdelay $0x1  }
0x17c: {  	v3 =	vsub.f32 $1.500000000e+00, v3;
	_ =	sdelay $0x1  }
0x17d: {  	v3 =	vmul.f32 v3, v4  }
0x17e: {  	[tilespmem:s7+$0x30] =	vst v1  }
0x17f: {  	[tilespmem:s6+$0x10] =	vst v3  }
0x180: {  	v56 =	vld [tilespmem:s8+$0x40];
	_ =	sdelay $0x4  }
0x181: {  	v57 =	vmul.f32 v56, v2  }
0x182: {  	v4 =	vmul.f32 v3, v56  }
0x183: {  	[tilespmem:s10+$0x40] =	vst v57  }
0x184: {  	[tilespmem:s8+$0x40] =	vst v4  }
0x185: {  	[tilespmem:s7+$0x40] =	vst v1  }
0x186: {  	v58 =	vld [tilespmem:s8+$0x50];
	_ =	sdelay $0x4  }
0x187: {  	v59 =	vmul.f32 v58, v2  }
0x188: {  	v4 =	vmul.f32 v3, v58  }
0x189: {  	[tilespmem:s10+$0x50] =	vst v59  }
0x18a: {  	[tilespmem:s8+$0x50] =	vst v4  }
0x18b: {  	[tilespmem:s7+$0x50] =	vst v1  }
0x18c: {  	v60 =	vld [tilespmem:s8+$0x60];
	_ =	sdelay $0x4  }
0x18d: {  	v61 =	vmul.f32 v60, v2  }
0x18e: {  	v4 =	vmul.f32 v3, v60  }
0x18f: {  	[tilespmem:s10+$0x60] =	vst v61  }
0x190: {  	[tilespmem:s8+$0x60] =	vst v4  }
0x191: {  	[tilespmem:s7+$0x60] =	vst v1  }
0x192: {  	v62 =	vld [tilespmem:s8+$0x70];
	_ =	sdelay $0x4  }
0x193: {  	v63 =	vmul.f32 v62, v2  }
0x194: {  	v3 =	vmul.f32 v3, v62  }
0x195: {  	s15 =	simm.s32 $0x4;
	[tilespmem:s10+$0x70] =	vst v63  }
0x196: {  	s14 =	smov.u32 s6;
	s19 =	simm.s32 $0x1B180;
	s10 =	simm.s32 $0x17180;
	[tilespmem:s8+$0x70] =	vst v3  }
.LBB2_10:
0x197: {  	s15 =	sadd.s32 $0x4, s15;
	v3 =	vld [tilespmem:s10+$0xFFFFFF80];
	[tilespmem:s7+$0x70] =	vst v1;
	s14 =	sadd.s32 $0x40, s14;
	s8 =	sadd.s32 $0x100, s8  }
0x198: {  	s7 =	smov.u32 s10;
	p0 =	slt.u32 s15, $0x7C;
	_ =	sdelay $0x3  }
0x199: {  	v3 =	vadd.f32 $1.000000000e+00, v3;
	_ =	sdelay $0x1  }
0x19a: {  	v4 =	vshra.s32 v3, $0x1;
	v3 =	vmul.f32 $5.000000000e-01, v3  }
0x19b: {  	v4 =	vsub.s32 $0x5F3759DF, v4  }
0x19c: {  	v5 =	vmul.f32 v4, v3;
	_ =	sdelay $0x1  }
0x19d: {  	v5 =	vmul.f32 v4, v5;
	_ =	sdelay $0x1  }
0x19e: {  	v5 =	vsub.f32 $1.500000000e+00, v5;
	_ =	sdelay $0x1  }
0x19f: {  	v4 =	vmul.f32 v4, v5;
	_ =	sdelay $0x1  }
0x1a0: {  	v5 =	vmul.f32 v4, v3;
	_ =	sdelay $0x1  }
0x1a1: {  	v5 =	vmul.f32 v5, v4;
	_ =	sdelay $0x1  }
0x1a2: {  	v5 =	vsub.f32 $1.500000000e+00, v5;
	_ =	sdelay $0x1  }
0x1a3: {  	v4 =	vmul.f32 v5, v4;
	_ =	sdelay $0x1  }
0x1a4: {  	v3 =	vmul.f32 v4, v3;
	_ =	sdelay $0x1  }
0x1a5: {  	v3 =	vmul.f32 v3, v4;
	_ =	sdelay $0x1  }
0x1a6: {  	v3 =	vsub.f32 $1.500000000e+00, v3;
	_ =	sdelay $0x1  }
0x1a7: {  	v3 =	vmul.f32 v3, v4;
	_ =	sdelay $0x1  }
0x1a8: {  	[tilespmem:s14+$0xFFFFFFE0] =	vst v3  }
0x1a9: {  	v4 =	vld [tilespmem:s8+$0xFFFFFF80];
	_ =	sdelay $0x4  }
0x1aa: {  	v5 =	vmul.f32 v4, v2;
	v4 =	vmul.f32 v3, v4;
	_ =	sdelay $0x1  }
0x1ab: {  	[tilespmem:s19+$0xFFFFFF80] =	vst v5  }
0x1ac: {  	[tilespmem:s8+$0xFFFFFF80] =	vst v4  }
0x1ad: {  	[tilespmem:s10+$0xFFFFFF80] =	vst v1  }
0x1ae: {  	v4 =	vld [tilespmem:s8+$0xFFFFFF90];
	_ =	sdelay $0x4  }
0x1af: {  	v5 =	vmul.f32 v4, v2;
	v4 =	vmul.f32 v3, v4;
	_ =	sdelay $0x1  }
0x1b0: {  	[tilespmem:s19+$0xFFFFFF90] =	vst v5  }
0x1b1: {  	[tilespmem:s8+$0xFFFFFF90] =	vst v4  }
0x1b2: {  	[tilespmem:s10+$0xFFFFFF90] =	vst v1  }
0x1b3: {  	v4 =	vld [tilespmem:s8+$0xFFFFFFA0];
	_ =	sdelay $0x4  }
0x1b4: {  	v5 =	vmul.f32 v4, v2;
	v4 =	vmul.f32 v3, v4;
	_ =	sdelay $0x1  }
0x1b5: {  	[tilespmem:s19+$0xFFFFFFA0] =	vst v5  }
0x1b6: {  	[tilespmem:s8+$0xFFFFFFA0] =	vst v4  }
0x1b7: {  	[tilespmem:s10+$0xFFFFFFA0] =	vst v1  }
0x1b8: {  	v4 =	vld [tilespmem:s8+$0xFFFFFFB0];
	_ =	sdelay $0x4  }
0x1b9: {  	v5 =	vmul.f32 v4, v2;
	v3 =	vmul.f32 v3, v4;
	_ =	sdelay $0x1  }
0x1ba: {  	[tilespmem:s19+$0xFFFFFFB0] =	vst v5  }
0x1bb: {  	[tilespmem:s8+$0xFFFFFFB0] =	vst v3  }
0x1bc: {  	v3 =	vld [tilespmem:s10+$0xFFFFFFC0];
	_ =	sdelay $0x4  }
0x1bd: {  	v3 =	vadd.f32 $1.000000000e+00, v3;
	_ =	sdelay $0x1  }
0x1be: {  	v4 =	vshra.s32 v3, $0x1;
	v3 =	vmul.f32 $5.000000000e-01, v3  }
0x1bf: {  	v4 =	vsub.s32 $0x5F3759DF, v4  }
0x1c0: {  	v5 =	vmul.f32 v4, v3;
	_ =	sdelay $0x1  }
0x1c1: {  	v5 =	vmul.f32 v4, v5;
	_ =	sdelay $0x1  }
0x1c2: {  	v5 =	vsub.f32 $1.500000000e+00, v5;
	_ =	sdelay $0x1  }
0x1c3: {  	v4 =	vmul.f32 v4, v5;
	_ =	sdelay $0x1  }
0x1c4: {  	v5 =	vmul.f32 v4, v3;
	_ =	sdelay $0x1  }
0x1c5: {  	v5 =	vmul.f32 v5, v4;
	_ =	sdelay $0x1  }
0x1c6: {  	v5 =	vsub.f32 $1.500000000e+00, v5;
	_ =	sdelay $0x1  }
0x1c7: {  	v4 =	vmul.f32 v5, v4;
	_ =	sdelay $0x1  }
0x1c8: {  	v3 =	vmul.f32 v4, v3;
	_ =	sdelay $0x1  }
0x1c9: {  	v3 =	vmul.f32 v3, v4;
	_ =	sdelay $0x1  }
0x1ca: {  	v3 =	vsub.f32 $1.500000000e+00, v3;
	_ =	sdelay $0x1  }
0x1cb: {  	v3 =	vmul.f32 v3, v4  }
0x1cc: {  	[tilespmem:s10+$0xFFFFFFB0] =	vst v1  }
0x1cd: {  	[tilespmem:s14+$0xFFFFFFF0] =	vst v3  }
0x1ce: {  	v4 =	vld [tilespmem:s8+$0xFFFFFFC0];
	_ =	sdelay $0x4  }
0x1cf: {  	v5 =	vmul.f32 v4, v2;
	v4 =	vmul.f32 v3, v4;
	_ =	sdelay $0x1  }
0x1d0: {  	[tilespmem:s19+$0xFFFFFFC0] =	vst v5  }
0x1d1: {  	[tilespmem:s8+$0xFFFFFFC0] =	vst v4  }
0x1d2: {  	[tilespmem:s10+$0xFFFFFFC0] =	vst v1  }
0x1d3: {  	v4 =	vld [tilespmem:s8+$0xFFFFFFD0];
	_ =	sdelay $0x4  }
0x1d4: {  	v5 =	vmul.f32 v4, v2;
	v4 =	vmul.f32 v3, v4;
	_ =	sdelay $0x1  }
0x1d5: {  	[tilespmem:s19+$0xFFFFFFD0] =	vst v5  }
0x1d6: {  	[tilespmem:s8+$0xFFFFFFD0] =	vst v4  }
0x1d7: {  	[tilespmem:s10+$0xFFFFFFD0] =	vst v1  }
0x1d8: {  	v4 =	vld [tilespmem:s8+$0xFFFFFFE0];
	_ =	sdelay $0x4  }
0x1d9: {  	v5 =	vmul.f32 v4, v2;
	v4 =	vmul.f32 v3, v4;
	_ =	sdelay $0x1  }
0x1da: {  	[tilespmem:s19+$0xFFFFFFE0] =	vst v5  }
0x1db: {  	[tilespmem:s8+$0xFFFFFFE0] =	vst v4  }
0x1dc: {  	[tilespmem:s10+$0xFFFFFFE0] =	vst v1  }
0x1dd: {  	v4 =	vld [tilespmem:s8+$0xFFFFFFF0];
	_ =	sdelay $0x4  }
0x1de: {  	v5 =	vmul.f32 v4, v2;
	v3 =	vmul.f32 v3, v4;
	_ =	sdelay $0x1  }
0x1df: {  	[tilespmem:s19+$0xFFFFFFF0] =	vst v5  }
0x1e0: {  	[tilespmem:s8+$0xFFFFFFF0] =	vst v3  }
0x1e1: {  	v3 =	vld [tilespmem:s10+$0x0];
	_ =	sdelay $0x4  }
0x1e2: {  	v3 =	vadd.f32 $1.000000000e+00, v3;
	_ =	sdelay $0x1  }
0x1e3: {  	v4 =	vshra.s32 v3, $0x1;
	v3 =	vmul.f32 $5.000000000e-01, v3  }
0x1e4: {  	v4 =	vsub.s32 $0x5F3759DF, v4  }
0x1e5: {  	v5 =	vmul.f32 v4, v3;
	_ =	sdelay $0x1  }
0x1e6: {  	v5 =	vmul.f32 v4, v5;
	_ =	sdelay $0x1  }
0x1e7: {  	v5 =	vsub.f32 $1.500000000e+00, v5;
	_ =	sdelay $0x1  }
0x1e8: {  	v4 =	vmul.f32 v4, v5;
	_ =	sdelay $0x1  }
0x1e9: {  	v5 =	vmul.f32 v4, v3;
	_ =	sdelay $0x1  }
0x1ea: {  	v5 =	vmul.f32 v5, v4;
	_ =	sdelay $0x1  }
0x1eb: {  	v5 =	vsub.f32 $1.500000000e+00, v5;
	_ =	sdelay $0x1  }
0x1ec: {  	v4 =	vmul.f32 v5, v4;
	_ =	sdelay $0x1  }
0x1ed: {  	v3 =	vmul.f32 v4, v3;
	_ =	sdelay $0x1  }
0x1ee: {  	v3 =	vmul.f32 v3, v4;
	_ =	sdelay $0x1  }
0x1ef: {  	v3 =	vsub.f32 $1.500000000e+00, v3;
	_ =	sdelay $0x1  }
0x1f0: {  	v3 =	vmul.f32 v3, v4  }
0x1f1: {  	[tilespmem:s10+$0xFFFFFFF0] =	vst v1  }
0x1f2: {  	[tilespmem:s14+$0x0] =	vst v3  }
0x1f3: {  	v4 =	vld [tilespmem:s8+$0x0];
	_ =	sdelay $0x4  }
0x1f4: {  	v5 =	vmul.f32 v4, v2;
	v4 =	vmul.f32 v3, v4;
	_ =	sdelay $0x1  }
0x1f5: {  	[tilespmem:s19+$0x0] =	vst v5  }
0x1f6: {  	[tilespmem:s8+$0x0] =	vst v4  }
0x1f7: {  	[tilespmem:s10+$0x0] =	vst v1  }
0x1f8: {  	v4 =	vld [tilespmem:s8+$0x10];
	_ =	sdelay $0x4  }
0x1f9: {  	v5 =	vmul.f32 v4, v2;
	v4 =	vmul.f32 v3, v4;
	_ =	sdelay $0x1  }
0x1fa: {  	[tilespmem:s19+$0x10] =	vst v5  }
0x1fb: {  	[tilespmem:s8+$0x10] =	vst v4  }
0x1fc: {  	[tilespmem:s10+$0x10] =	vst v1  }
0x1fd: {  	v4 =	vld [tilespmem:s8+$0x20];
	_ =	sdelay $0x4  }
0x1fe: {  	v5 =	vmul.f32 v4, v2;
	v4 =	vmul.f32 v3, v4;
	_ =	sdelay $0x1  }
0x1ff: {  	[tilespmem:s19+$0x20] =	vst v5  }
0x200: {  	[tilespmem:s8+$0x20] =	vst v4  }
0x201: {  	[tilespmem:s10+$0x20] =	vst v1  }
0x202: {  	v4 =	vld [tilespmem:s8+$0x30];
	_ =	sdelay $0x4  }
0x203: {  	v5 =	vmul.f32 v4, v2;
	v3 =	vmul.f32 v3, v4;
	_ =	sdelay $0x1  }
0x204: {  	[tilespmem:s19+$0x30] =	vst v5  }
0x205: {  	[tilespmem:s8+$0x30] =	vst v3  }
0x206: {  	[tilespmem:s10+$0x30] =	vst v1;
	v3 =	vld [tilespmem:s10+$0x40];
	_ =	sdelay $0x4  }
0x207: {  	v3 =	vadd.f32 $1.000000000e+00, v3;
	_ =	sdelay $0x1  }
0x208: {  	v4 =	vshra.s32 v3, $0x1;
	v3 =	vmul.f32 $5.000000000e-01, v3  }
0x209: {  	v4 =	vsub.s32 $0x5F3759DF, v4  }
0x20a: {  	v5 =	vmul.f32 v4, v3;
	_ =	sdelay $0x1  }
0x20b: {  	v5 =	vmul.f32 v4, v5;
	_ =	sdelay $0x1  }
0x20c: {  	v5 =	vsub.f32 $1.500000000e+00, v5;
	_ =	sdelay $0x1  }
0x20d: {  	v4 =	vmul.f32 v4, v5;
	_ =	sdelay $0x1  }
0x20e: {  	v5 =	vmul.f32 v4, v3;
	_ =	sdelay $0x1  }
0x20f: {  	v5 =	vmul.f32 v5, v4;
	_ =	sdelay $0x1  }
0x210: {  	v5 =	vsub.f32 $1.500000000e+00, v5;
	_ =	sdelay $0x1  }
0x211: {  	v4 =	vmul.f32 v5, v4;
	_ =	sdelay $0x1  }
0x212: {  	v3 =	vmul.f32 v4, v3;
	_ =	sdelay $0x1  }
0x213: {  	v3 =	vmul.f32 v3, v4;
	_ =	sdelay $0x1  }
0x214: {  	v3 =	vsub.f32 $1.500000000e+00, v3;
	_ =	sdelay $0x1  }
0x215: {  	v3 =	vmul.f32 v3, v4;
	_ =	sdelay $0x1  }
0x216: {  	[tilespmem:s14+$0x10] =	vst v3  }
0x217: {  	v4 =	vld [tilespmem:s8+$0x40];
	_ =	sdelay $0x4  }
0x218: {  	v5 =	vmul.f32 v4, v2;
	v4 =	vmul.f32 v3, v4;
	_ =	sdelay $0x1  }
0x219: {  	[tilespmem:s19+$0x40] =	vst v5  }
0x21a: {  	[tilespmem:s8+$0x40] =	vst v4  }
0x21b: {  	[tilespmem:s10+$0x40] =	vst v1  }
0x21c: {  	v4 =	vld [tilespmem:s8+$0x50];
	_ =	sdelay $0x4  }
0x21d: {  	v5 =	vmul.f32 v4, v2;
	v4 =	vmul.f32 v3, v4;
	_ =	sdelay $0x1  }
0x21e: {  	[tilespmem:s19+$0x50] =	vst v5  }
0x21f: {  	[tilespmem:s8+$0x50] =	vst v4  }
0x220: {  	[tilespmem:s10+$0x50] =	vst v1  }
0x221: {  	v4 =	vld [tilespmem:s8+$0x60];
	_ =	sdelay $0x4  }
0x222: {  	v5 =	vmul.f32 v4, v2;
	v4 =	vmul.f32 v3, v4;
	_ =	sdelay $0x1  }
0x223: {  	[tilespmem:s19+$0x60] =	vst v5  }
0x224: {  	[tilespmem:s8+$0x60] =	vst v4  }
0x225: {  	[tilespmem:s10+$0x60] =	vst v1  }
0x226: {  	v4 =	vld [tilespmem:s8+$0x70];
	_ =	sdelay $0x3  }
.Ltmp4:
0x227: {  	(pc) =	sbr.rel @p0 .LBB2_10-.Ltmp4, $3  }
0x228: {  	v5 =	vmul.f32 v4, v2;
	v3 =	vmul.f32 v3, v4;
	_ =	sdelay $0x1  }
0x229: {  	[tilespmem:s19+$0x70] =	vst v5  }
0x22a: {  	s10 =	sadd.s32 $0x100, s10;
	s19 =	sadd.s32 $0x100, s19;
	[tilespmem:s8+$0x70] =	vst v3  }
0x22b: {  	v3 =	vld [tilespmem:s10+$0xFFFFFF80];
	_ =	sdelay $0x4  }
0x22c: {  	v3 =	vadd.f32 $1.000000000e+00, v3;
	_ =	sdelay $0x1  }
0x22d: {  	v4 =	vshra.s32 v3, $0x1;
	v3 =	vmul.f32 $5.000000000e-01, v3  }
0x22e: {  	v4 =	vsub.s32 $0x5F3759DF, v4  }
0x22f: {  	v5 =	vmul.f32 v4, v3;
	_ =	sdelay $0x1  }
0x230: {  	v5 =	vmul.f32 v4, v5;
	_ =	sdelay $0x1  }
0x231: {  	v5 =	vsub.f32 $1.500000000e+00, v5;
	_ =	sdelay $0x1  }
0x232: {  	v4 =	vmul.f32 v4, v5;
	_ =	sdelay $0x1  }
0x233: {  	v5 =	vmul.f32 v4, v3;
	_ =	sdelay $0x1  }
0x234: {  	v5 =	vmul.f32 v5, v4;
	_ =	sdelay $0x1  }
0x235: {  	v5 =	vsub.f32 $1.500000000e+00, v5;
	_ =	sdelay $0x1  }
0x236: {  	v4 =	vmul.f32 v5, v4;
	_ =	sdelay $0x1  }
0x237: {  	v3 =	vmul.f32 v4, v3;
	_ =	sdelay $0x1  }
0x238: {  	v3 =	vmul.f32 v3, v4;
	_ =	sdelay $0x1  }
0x239: {  	v3 =	vsub.f32 $1.500000000e+00, v3;
	_ =	sdelay $0x1  }
0x23a: {  	v3 =	vmul.f32 v3, v4  }
0x23b: {  	[tilespmem:s7+$0x70] =	vst v1;
	s14 =	sadd.s32 $0x40, s14  }
0x23c: {  	s15 =	sadd.s32 $0x100, s8;
	[tilespmem:s14+$0xFFFFFFE0] =	vst v3  }
0x23d: {  	v27 =	vld [tilespmem:s15+$0xFFFFFF80];
	_ =	sdelay $0x4  }
0x23e: {  	v28 =	vmul.f32 v27, v2  }
0x23f: {  	v4 =	vmul.f32 v3, v27  }
0x240: {  	[tilespmem:s19+$0xFFFFFF80] =	vst v28  }
0x241: {  	[tilespmem:s15+$0xFFFFFF80] =	vst v4  }
0x242: {  	[tilespmem:s10+$0xFFFFFF80] =	vst v1  }
0x243: {  	v29 =	vld [tilespmem:s15+$0xFFFFFF90];
	_ =	sdelay $0x4  }
0x244: {  	v30 =	vmul.f32 v29, v2  }
0x245: {  	v4 =	vmul.f32 v3, v29  }
0x246: {  	[tilespmem:s19+$0xFFFFFF90] =	vst v30  }
0x247: {  	[tilespmem:s15+$0xFFFFFF90] =	vst v4  }
0x248: {  	[tilespmem:s10+$0xFFFFFF90] =	vst v1  }
0x249: {  	v31 =	vld [tilespmem:s15+$0xFFFFFFA0];
	_ =	sdelay $0x4  }
0x24a: {  	v32 =	vmul.f32 v31, v2  }
0x24b: {  	v4 =	vmul.f32 v3, v31  }
0x24c: {  	[tilespmem:s19+$0xFFFFFFA0] =	vst v32  }
0x24d: {  	[tilespmem:s15+$0xFFFFFFA0] =	vst v4  }
0x24e: {  	[tilespmem:s10+$0xFFFFFFA0] =	vst v1  }
0x24f: {  	v33 =	vld [tilespmem:s15+$0xFFFFFFB0];
	_ =	sdelay $0x4  }
0x250: {  	v34 =	vmul.f32 v33, v2  }
0x251: {  	v3 =	vmul.f32 v3, v33  }
0x252: {  	[tilespmem:s19+$0xFFFFFFB0] =	vst v34  }
0x253: {  	[tilespmem:s15+$0xFFFFFFB0] =	vst v3  }
0x254: {  	v3 =	vld [tilespmem:s10+$0xFFFFFFC0];
	_ =	sdelay $0x4  }
0x255: {  	v3 =	vadd.f32 $1.000000000e+00, v3;
	_ =	sdelay $0x1  }
0x256: {  	v35 =	vshra.s32 v3, $0x1;
	v3 =	vmul.f32 $5.000000000e-01, v3  }
0x257: {  	v4 =	vsub.s32 $0x5F3759DF, v35  }
0x258: {  	v36 =	vmul.f32 v4, v3;
	_ =	sdelay $0x1  }
0x259: {  	v5 =	vmul.f32 v4, v36;
	_ =	sdelay $0x1  }
0x25a: {  	v5 =	vsub.f32 $1.500000000e+00, v5;
	_ =	sdelay $0x1  }
0x25b: {  	v4 =	vmul.f32 v4, v5;
	_ =	sdelay $0x1  }
0x25c: {  	v5 =	vmul.f32 v4, v3;
	_ =	sdelay $0x1  }
0x25d: {  	v5 =	vmul.f32 v5, v4;
	_ =	sdelay $0x1  }
0x25e: {  	v5 =	vsub.f32 $1.500000000e+00, v5;
	_ =	sdelay $0x1  }
0x25f: {  	v4 =	vmul.f32 v5, v4;
	_ =	sdelay $0x1  }
0x260: {  	v3 =	vmul.f32 v4, v3;
	_ =	sdelay $0x1  }
0x261: {  	v3 =	vmul.f32 v3, v4;
	_ =	sdelay $0x1  }
0x262: {  	v3 =	vsub.f32 $1.500000000e+00, v3;
	_ =	sdelay $0x1  }
0x263: {  	v3 =	vmul.f32 v3, v4  }
0x264: {  	[tilespmem:s10+$0xFFFFFFB0] =	vst v1  }
0x265: {  	[tilespmem:s14+$0xFFFFFFF0] =	vst v3  }
0x266: {  	v37 =	vld [tilespmem:s15+$0xFFFFFFC0];
	_ =	sdelay $0x4  }
0x267: {  	v38 =	vmul.f32 v37, v2  }
0x268: {  	v4 =	vmul.f32 v3, v37  }
0x269: {  	[tilespmem:s19+$0xFFFFFFC0] =	vst v38  }
0x26a: {  	[tilespmem:s15+$0xFFFFFFC0] =	vst v4  }
0x26b: {  	[tilespmem:s10+$0xFFFFFFC0] =	vst v1  }
0x26c: {  	v39 =	vld [tilespmem:s15+$0xFFFFFFD0];
	_ =	sdelay $0x4  }
0x26d: {  	v40 =	vmul.f32 v39, v2  }
0x26e: {  	v4 =	vmul.f32 v3, v39  }
0x26f: {  	[tilespmem:s19+$0xFFFFFFD0] =	vst v40  }
0x270: {  	[tilespmem:s15+$0xFFFFFFD0] =	vst v4  }
0x271: {  	[tilespmem:s10+$0xFFFFFFD0] =	vst v1  }
0x272: {  	v41 =	vld [tilespmem:s15+$0xFFFFFFE0];
	_ =	sdelay $0x4  }
0x273: {  	v42 =	vmul.f32 v41, v2  }
0x274: {  	v4 =	vmul.f32 v3, v41  }
0x275: {  	[tilespmem:s19+$0xFFFFFFE0] =	vst v42  }
0x276: {  	[tilespmem:s15+$0xFFFFFFE0] =	vst v4  }
0x277: {  	[tilespmem:s10+$0xFFFFFFE0] =	vst v1  }
0x278: {  	v43 =	vld [tilespmem:s15+$0xFFFFFFF0];
	_ =	sdelay $0x4  }
0x279: {  	v44 =	vmul.f32 v43, v2  }
0x27a: {  	v3 =	vmul.f32 v3, v43  }
0x27b: {  	[tilespmem:s19+$0xFFFFFFF0] =	vst v44  }
0x27c: {  	[tilespmem:s15+$0xFFFFFFF0] =	vst v3  }
0x27d: {  	v3 =	vld [tilespmem:s10+$0x0];
	_ =	sdelay $0x4  }
0x27e: {  	v3 =	vadd.f32 $1.000000000e+00, v3;
	_ =	sdelay $0x1  }
0x27f: {  	v45 =	vshra.s32 v3, $0x1;
	v3 =	vmul.f32 $5.000000000e-01, v3  }
0x280: {  	v4 =	vsub.s32 $0x5F3759DF, v45  }
0x281: {  	v46 =	vmul.f32 v4, v3;
	_ =	sdelay $0x1  }
0x282: {  	v5 =	vmul.f32 v4, v46;
	_ =	sdelay $0x1  }
0x283: {  	v5 =	vsub.f32 $1.500000000e+00, v5;
	_ =	sdelay $0x1  }
0x284: {  	v4 =	vmul.f32 v4, v5;
	_ =	sdelay $0x1  }
0x285: {  	v5 =	vmul.f32 v4, v3;
	_ =	sdelay $0x1  }
0x286: {  	v5 =	vmul.f32 v5, v4;
	_ =	sdelay $0x1  }
0x287: {  	v5 =	vsub.f32 $1.500000000e+00, v5;
	_ =	sdelay $0x1  }
0x288: {  	v4 =	vmul.f32 v5, v4;
	_ =	sdelay $0x1  }
0x289: {  	v3 =	vmul.f32 v4, v3;
	_ =	sdelay $0x1  }
0x28a: {  	v3 =	vmul.f32 v3, v4;
	_ =	sdelay $0x1  }
0x28b: {  	v3 =	vsub.f32 $1.500000000e+00, v3;
	_ =	sdelay $0x1  }
0x28c: {  	v3 =	vmul.f32 v3, v4  }
0x28d: {  	[tilespmem:s10+$0xFFFFFFF0] =	vst v1  }
0x28e: {  	[tilespmem:s14+$0x0] =	vst v3  }
0x28f: {  	v47 =	vld [tilespmem:s15+$0x0];
	_ =	sdelay $0x4  }
0x290: {  	v48 =	vmul.f32 v47, v2  }
0x291: {  	v4 =	vmul.f32 v3, v47  }
0x292: {  	[tilespmem:s19+$0x0] =	vst v48  }
0x293: {  	[tilespmem:s15+$0x0] =	vst v4  }
0x294: {  	[tilespmem:s10+$0x0] =	vst v1  }
0x295: {  	v49 =	vld [tilespmem:s15+$0x10];
	_ =	sdelay $0x4  }
0x296: {  	v50 =	vmul.f32 v49, v2  }
0x297: {  	v4 =	vmul.f32 v3, v49  }
0x298: {  	[tilespmem:s19+$0x10] =	vst v50  }
0x299: {  	[tilespmem:s15+$0x10] =	vst v4  }
0x29a: {  	[tilespmem:s10+$0x10] =	vst v1  }
0x29b: {  	v51 =	vld [tilespmem:s15+$0x20];
	_ =	sdelay $0x4  }
0x29c: {  	v52 =	vmul.f32 v51, v2  }
0x29d: {  	v4 =	vmul.f32 v3, v51  }
0x29e: {  	[tilespmem:s19+$0x20] =	vst v52  }
0x29f: {  	[tilespmem:s15+$0x20] =	vst v4  }
0x2a0: {  	[tilespmem:s10+$0x20] =	vst v1  }
0x2a1: {  	v53 =	vld [tilespmem:s15+$0x30];
	_ =	sdelay $0x4  }
0x2a2: {  	v54 =	vmul.f32 v53, v2  }
0x2a3: {  	v3 =	vmul.f32 v3, v53  }
0x2a4: {  	[tilespmem:s19+$0x30] =	vst v54  }
0x2a5: {  	[tilespmem:s15+$0x30] =	vst v3  }
0x2a6: {  	v3 =	vld [tilespmem:s10+$0x40];
	_ =	sdelay $0x4  }
0x2a7: {  	v3 =	vadd.f32 $1.000000000e+00, v3;
	_ =	sdelay $0x1  }
0x2a8: {  	v55 =	vshra.s32 v3, $0x1;
	v3 =	vmul.f32 $5.000000000e-01, v3  }
0x2a9: {  	v4 =	vsub.s32 $0x5F3759DF, v55  }
0x2aa: {  	v56 =	vmul.f32 v4, v3;
	_ =	sdelay $0x1  }
0x2ab: {  	v5 =	vmul.f32 v4, v56;
	_ =	sdelay $0x1  }
0x2ac: {  	v5 =	vsub.f32 $1.500000000e+00, v5;
	_ =	sdelay $0x1  }
0x2ad: {  	v4 =	vmul.f32 v4, v5;
	_ =	sdelay $0x1  }
0x2ae: {  	v5 =	vmul.f32 v4, v3;
	_ =	sdelay $0x1  }
0x2af: {  	v5 =	vmul.f32 v5, v4;
	_ =	sdelay $0x1  }
0x2b0: {  	v5 =	vsub.f32 $1.500000000e+00, v5;
	_ =	sdelay $0x1  }
0x2b1: {  	v4 =	vmul.f32 v5, v4;
	_ =	sdelay $0x1  }
0x2b2: {  	v3 =	vmul.f32 v4, v3;
	_ =	sdelay $0x1  }
0x2b3: {  	v3 =	vmul.f32 v3, v4;
	_ =	sdelay $0x1  }
0x2b4: {  	v3 =	vsub.f32 $1.500000000e+00, v3;
	_ =	sdelay $0x1  }
0x2b5: {  	v3 =	vmul.f32 v3, v4  }
0x2b6: {  	[tilespmem:s10+$0x30] =	vst v1  }
0x2b7: {  	[tilespmem:s14+$0x10] =	vst v3  }
0x2b8: {  	v57 =	vld [tilespmem:s15+$0x40];
	_ =	sdelay $0x4  }
0x2b9: {  	v58 =	vmul.f32 v57, v2  }
0x2ba: {  	v4 =	vmul.f32 v3, v57  }
0x2bb: {  	[tilespmem:s19+$0x40] =	vst v58  }
0x2bc: {  	[tilespmem:s15+$0x40] =	vst v4  }
0x2bd: {  	[tilespmem:s10+$0x40] =	vst v1  }
0x2be: {  	v59 =	vld [tilespmem:s15+$0x50];
	_ =	sdelay $0x4  }
0x2bf: {  	v60 =	vmul.f32 v59, v2  }
0x2c0: {  	v4 =	vmul.f32 v3, v59  }
0x2c1: {  	[tilespmem:s19+$0x50] =	vst v60  }
0x2c2: {  	[tilespmem:s15+$0x50] =	vst v4  }
0x2c3: {  	[tilespmem:s10+$0x50] =	vst v1  }
0x2c4: {  	v61 =	vld [tilespmem:s15+$0x60];
	_ =	sdelay $0x4  }
0x2c5: {  	v62 =	vmul.f32 v61, v2  }
0x2c6: {  	v4 =	vmul.f32 v3, v61  }
0x2c7: {  	[tilespmem:s19+$0x60] =	vst v62  }
0x2c8: {  	[tilespmem:s15+$0x60] =	vst v4  }
0x2c9: {  	[tilespmem:s10+$0x60] =	vst v1  }
0x2ca: {  	v63 =	vld [tilespmem:s15+$0x70];
	_ =	sdelay $0x4  }
0x2cb: {  	v2 =	vmul.f32 v63, v2  }
0x2cc: {  	v3 =	vmul.f32 v3, v63  }
0x2cd: {  	[tilespmem:s19+$0x70] =	vst v2  }
0x2ce: {  	[tilespmem:s15+$0x70] =	vst v3  }
0x2cf: {  	s16 =	sadd.s32 s16, s2;
	s19 =	rddreg [dreg:$0x7];
	[tilespmem:s10+$0x70] =	vst v1  }
0x2d0: {  	[spmem:s16] =	stream.linear.scatter [tilespmem:s25], [sflag:$0xD], $0x2000, $0x38;
	[tilespmem:$0x1F100] =	vst v63  }
0x2d1: {  	s7 =	sadd.s32 s19, s17  }
0x2d2: {  	[hbm4b:s7+s4] =	stream.linear.scatter [tilespmem:s5], [sflag:$0xE], $0x2000, $0x38;
	[tilespmem:$0x1F100] =	vst v63  }
0x2d3: {  	_ = 	snop  }
0x2d4: {  	[spmem:s12] =	stream.linear.scatter [tilespmem:s23], [sflag:$0xF], $0x2000, $0x38;
	[tilespmem:$0x1F100] =	vst v63  }
0x2d5: {  	_ =	swait.ge [sflag:s26], $0x2000  }
0x2d6: {  	[sflag:s26] =	ssyncset.done $0x0  }
0x2d7: {  	s9 =	sadd.s32 $0x1, s9;
	[sflag:s26] =	ssyncadd.s32 $0xFFFFE000  }
0x2d8: {  	p0 =	sne.s32 s9, $0x5;
	_ =	swait.ge [sflag:s3], $0x2000  }
.Ltmp5:
0x2d9: {  	[sflag:s3] =	ssyncset.done $0x0;
	(pc) =	sbr.rel @p0 .LBB2_9-.Ltmp5, $4  }
0x2da: {  	[sflag:s3] =	ssyncadd.s32 $0xFFFFE000  }
0x2db: {  	_ =	swait.ge [sflag:s13], $0x2000  }
0x2dc: {  	[sflag:s13] =	ssyncset.done $0x0  }
0x2dd: {  	s6 =	sadd.s32 $0x800, s6;
	[sflag:s13] =	ssyncadd.s32 $0xFFFFE000  }
0x2de: {  	[bflag:$0x0] =	sbarrier.arrive $0xFFFF;
	s16 =	simm.s32 $0x0  }
.LBB2_13:
0x2df: {  	[dreg:$0x17] =	wrdreg s16  }
0x2e0: {  	s6 =	rddreg [dreg:$0x9];
	s7 =	simm.s32 $0x14000;
	s9 =	simm.s32 $0x0  }
0x2e1: {  	[tilespmem:s7], [sflag:$0x1] =	stream.linear.gather [hbm4b:s6+s9], $0x100, $0x38;
	[tilespmem:$0x1F100] =	vst v63  }
0x2e2: {  	s8 =	rddreg [dreg:$0xb]  }
0x2e3: {  	[tilespmem:s20], [sflag:$0x2] =	stream.linear.gather [hbm4b:s8+s9], $0x100, $0x38;
	[tilespmem:$0x1F100] =	vst v63  }
0x2e4: {  	s10 =	rddreg [dreg:$0xc]  }
0x2e5: {  	[tilespmem:s24], [sflag:$0x3] =	stream.linear.gather [hbm4b:s10+s9], $0x100, $0x38;
	[tilespmem:$0x1F100] =	vst v63  }
0x2e6: {  	s12 =	rddreg [dreg:$0xd]  }
0x2e7: {  	[tilespmem:s30], [sflag:$0x4] =	stream.linear.gather [hbm4b:s12+s9], $0x100, $0x38;
	[tilespmem:$0x1F100] =	vst v63  }
0x2e8: {  	s14 =	rddreg [dreg:$0xf];
	s8 =	simm.s32 $0x14400  }
0x2e9: {  	[tilespmem:s8], [sflag:$0x5] =	stream.linear.gather [hbm4b:s14+s9], $0x100, $0x38;
	[tilespmem:$0x1F100] =	vst v63  }
0x2ea: {  	s15 =	rddreg [dreg:$0x10];
	s17 =	simm.s32 $0x14500;
	s16 =	simm.s32 $0x1  }
0x2eb: {  	[tilespmem:s17], [sflag:$0x6] =	stream.linear.gather [hbm4b:s15+s9], $0x100, $0x38;
	[tilespmem:$0x1F100] =	vst v63  }
0x2ec: {  	_ =	swait.ge [sflag:s16], $0x100  }
0x2ed: {  	[sflag:s16] =	ssyncset.done $0x0  }
0x2ee: {  	s19 =	simm.s32 $0x2;
	[sflag:s16] =	ssyncadd.s32 $0xFFFFFF00  }
0x2ef: {  	[tilespmem:s23], [sflag:$0x9] =	stream.indirect.gather [spmem:s2], $0x40, s7, s0, $0xb8;
	[tilespmem:$0x1F100] =	vst v63  }
0x2f0: {  	_ =	swait.ge [sflag:s19], $0x100  }
0x2f1: {  	[sflag:s19] =	ssyncset.done $0x0  }
0x2f2: {  	s6 =	simm.s32 $0x0;
	[sflag:s19] =	ssyncadd.s32 $0xFFFFFF00  }
0x2f3: {  	[tilespmem:s25], [sflag:$0xA] =	stream.indirect.gather [spmem:s2], $0x40, s20, s0, $0xb8;
	[tilespmem:$0x1F100] =	vst v63  }
.LBB2_14:
0x2f4: {  	_ =	swait.ge [sflag:s18], $0x2000  }
0x2f5: {  	p0 =	seq.s32 s6, $0x0;
	[sflag:s18] =	ssyncset.done $0x0  }
0x2f6: {  	s7 =	simm.s32 @!p0 $0xF;
	[sflag:s18] =	ssyncadd.s32 $0xFFFFE000  }
0x2f7: {  	_ =	swait.ge @!p0 [sflag:s7], $0x2000  }
0x2f8: {  	[sflag:s7] =	ssyncset.done @!p0 $0x0  }
0x2f9: {  	s8 =	simm.s32 $0x14080;
	s9 =	simm.s32 $0x3;
	[sflag:s7] =	ssyncadd.s32 @!p0 $0xFFFFE000  }
0x2fa: {  	[spmem:s1] =	stream.indirect.scatter.add.f32 [tilespmem:s23], [sflag:$0xD], $0x40, s8, s0, $0xb8;
	[tilespmem:$0x1F100] =	vst v63  }
0x2fb: {  	_ =	swait.ge [sflag:s9], $0x100  }
0x2fc: {  	[sflag:s9] =	ssyncset.done $0x0  }
0x2fd: {  	s7 =	sadd.s32 s6, s22;
	[sflag:s9] =	ssyncadd.s32 $0xFFFFFF00  }
0x2fe: {  	[tilespmem:s5], [sflag:$0xB] =	stream.indirect.gather [spmem:s2], $0x40, s24, s0, $0xb8;
	[tilespmem:$0x1F100] =	vst v63  }
0x2ff: {  	s16 =	simm.s32 $0x14600;
	s8 =	sadd.s32 $0xC0, s7  }
0x300: {  	[tilespmem:s16], [sflag:$0x7] =	stream.linear.gather [hbm4b:s8+s4], $0x100, $0x38;
	[tilespmem:$0x1F100] =	vst v63  }
0x301: {  	_ =	swait.ge [sflag:s21], $0x2000  }
0x302: {  	[sflag:s21] =	ssyncset.done $0x0  }
0x303: {  	s8 =	simm.s32 @!p0 $0x10;
	[sflag:s21] =	ssyncadd.s32 $0xFFFFE000  }
0x304: {  	_ =	swait.ge @!p0 [sflag:s8], $0x2000  }
0x305: {  	[sflag:s8] =	ssyncset.done @!p0 $0x0  }
0x306: {  	s10 =	simm.s32 $0x14180;
	s12 =	simm.s32 $0x4;
	[sflag:s8] =	ssyncadd.s32 @!p0 $0xFFFFE000  }
0x307: {  	[spmem:s1] =	stream.indirect.scatter.add.f32 [tilespmem:s25], [sflag:$0xE], $0x40, s10, s0, $0xb8;
	[tilespmem:$0x1F100] =	vst v63  }
0x308: {  	_ =	swait.ge [sflag:s12], $0x100  }
0x309: {  	[sflag:s12] =	ssyncset.done $0x0  }
0x30a: {  	[sflag:s12] =	ssyncadd.s32 $0xFFFFFF00  }
0x30b: {  	[tilespmem:s11], [sflag:$0xC] =	stream.indirect.gather [spmem:s2], $0x40, s30, s0, $0xb8;
	[tilespmem:$0x1F100] =	vst v63  }
0x30c: {  	s19 =	simm.s32 $0x14700;
	s14 =	sadd.s32 $0xE0, s7  }
0x30d: {  	[tilespmem:s19], [sflag:$0x8] =	stream.linear.gather [hbm4b:s14+s4], $0x100, $0x38;
	[tilespmem:$0x1F100] =	vst v63  }
0x30e: {  	_ =	swait.ge [sflag:s28], $0x2000  }
0x30f: {  	[sflag:s28] =	ssyncset.done $0x0  }
0x310: {  	[sflag:s28] =	ssyncadd.s32 $0xFFFFE000  }
0x311: {  	_ =	swait.ge [sflag:s26], $0x2000  }
0x312: {  	[sflag:s26] =	ssyncset.done $0x0  }
0x313: {  	s15 =	simm.s32 $0x14280;
	s9 =	simm.s32 $0x5;
	[sflag:s26] =	ssyncadd.s32 $0xFFFFE000  }
0x314: {  	[spmem:s1] =	stream.indirect.scatter.add.f32 [tilespmem:s5], [sflag:$0xF], $0x40, s15, s0, $0xb8;
	[tilespmem:$0x1F100] =	vst v63  }
0x315: {  	_ =	swait.ge [sflag:s9], $0x100  }
0x316: {  	p0 =	seq.s32 s6, $0x1300;
	[sflag:s9] =	ssyncset.done $0x0  }
0x317: {  	s10 =	simm.s32 $0x14400;
	s8 =	sadd.s32 @!p0 s6, s22;
	[sflag:s9] =	ssyncadd.s32 $0xFFFFFF00  }
0x318: {  	[tilespmem:s23], [sflag:$0x9] =	stream.indirect.gather [spmem:s2], $0x40, s10, s0, $0xb8;
	[tilespmem:$0x1F100] =	vst v63  }
0x319: {  	s14 =	simm.s32 @!p0 $0x14000;
	s15 =	sadd.s32 @!p0 $0x100, s8;
	s10 =	simm.s32 @!p0 $0x0  }
0x31a: {  	[tilespmem:s14], [sflag:$0x1] =	stream.linear.gather @!p0 [hbm4b:s15+s10], $0x100, $0x38;
	[tilespmem:$0x1F100] =	vst v63  }
0x31b: {  	_ =	swait.ge [sflag:s29], $0x2000  }
0x31c: {  	[sflag:s29] =	ssyncset.done $0x0  }
0x31d: {  	[sflag:s29] =	ssyncadd.s32 $0xFFFFE000  }
0x31e: {  	_ =	swait.ge [sflag:s3], $0x2000  }
0x31f: {  	[sflag:s3] =	ssyncset.done $0x0  }
0x320: {  	s12 =	simm.s32 $0x14380;
	s9 =	simm.s32 $0x6;
	[sflag:s3] =	ssyncadd.s32 $0xFFFFE000  }
0x321: {  	[spmem:s1] =	stream.indirect.scatter.add.f32 [tilespmem:s11], [sflag:$0x10], $0x40, s12, s0, $0xb8;
	[tilespmem:$0x1F100] =	vst v63  }
0x322: {  	_ =	swait.ge [sflag:s9], $0x100  }
0x323: {  	[sflag:s9] =	ssyncset.done $0x0  }
0x324: {  	[sflag:s9] =	ssyncadd.s32 $0xFFFFFF00  }
0x325: {  	[tilespmem:s25], [sflag:$0xA] =	stream.indirect.gather [spmem:s2], $0x40, s17, s0, $0xb8;
	[tilespmem:$0x1F100] =	vst v63  }
0x326: {  	s15 =	sadd.s32 @!p0 $0x120, s8;
	s17 =	simm.s32 @!p0 $0x14100  }
0x327: {  	[tilespmem:s17], [sflag:$0x2] =	stream.linear.gather @!p0 [hbm4b:s15+s10], $0x100, $0x38;
	[tilespmem:$0x1F100] =	vst v63  }
0x328: {  	_ =	swait.ge [sflag:s18], $0x2000  }
0x329: {  	[sflag:s18] =	ssyncset.done $0x0  }
0x32a: {  	[sflag:s18] =	ssyncadd.s32 $0xFFFFE000  }
0x32b: {  	_ =	swait.ge [sflag:s13], $0x2000  }
0x32c: {  	[sflag:s13] =	ssyncset.done $0x0  }
0x32d: {  	s12 =	simm.s32 $0x14480;
	s15 =	simm.s32 $0x7;
	[sflag:s13] =	ssyncadd.s32 $0xFFFFE000  }
0x32e: {  	[spmem:s1] =	stream.indirect.scatter.add.f32 [tilespmem:s23], [sflag:$0xD], $0x40, s12, s0, $0xb8;
	[tilespmem:$0x1F100] =	vst v63  }
0x32f: {  	_ =	swait.ge [sflag:s15], $0x100  }
0x330: {  	[sflag:s15] =	ssyncset.done $0x0  }
0x331: {  	[sflag:s15] =	ssyncadd.s32 $0xFFFFFF00  }
0x332: {  	[tilespmem:s5], [sflag:$0xB] =	stream.indirect.gather [spmem:s2], $0x40, s16, s0, $0xb8;
	[tilespmem:$0x1F100] =	vst v63  }
0x333: {  	s17 =	simm.s32 @!p0 $0x14200;
	s15 =	sadd.s32 @!p0 $0x140, s8  }
0x334: {  	[tilespmem:s17], [sflag:$0x3] =	stream.linear.gather @!p0 [hbm4b:s15+s10], $0x100, $0x38;
	[tilespmem:$0x1F100] =	vst v63  }
0x335: {  	_ =	swait.ge [sflag:s21], $0x2000  }
0x336: {  	[sflag:s21] =	ssyncset.done $0x0  }
0x337: {  	[sflag:s21] =	ssyncadd.s32 $0xFFFFE000  }
0x338: {  	_ =	swait.ge [sflag:s31], $0x2000  }
0x339: {  	[sflag:s31] =	ssyncset.done $0x0  }
0x33a: {  	s16 =	simm.s32 $0x14580;
	s17 =	simm.s32 $0x8;
	[sflag:s31] =	ssyncadd.s32 $0xFFFFE000  }
0x33b: {  	[spmem:s1] =	stream.indirect.scatter.add.f32 [tilespmem:s25], [sflag:$0xE], $0x40, s16, s0, $0xb8;
	[tilespmem:$0x1F100] =	vst v63  }
0x33c: {  	_ =	swait.ge [sflag:s17], $0x100  }
0x33d: {  	[sflag:s17] =	ssyncset.done $0x0  }
0x33e: {  	s15 =	simm.s32 @p0 $0xB;
	[sflag:s17] =	ssyncadd.s32 $0xFFFFFF00  }
0x33f: {  	[tilespmem:s11], [sflag:$0xC] =	stream.indirect.gather [spmem:s2], $0x40, s19, s0, $0xb8;
	[tilespmem:$0x1F100] =	vst v63  }
0x340: {  	_ =	swait.ge @p0 [sflag:s15], $0x2000  }
0x341: {  	[sflag:s15] =	ssyncset.done @p0 $0x0  }
0x342: {  	[sflag:s15] =	ssyncadd.s32 @p0 $0xFFFFE000;
	s15 =	simm.s32 @p0 $0xD  }
0x343: {  	_ =	swait.ge @p0 [sflag:s15], $0x2000  }
0x344: {  	s17 =	simm.s32 @p0 $0x14680;
	[sflag:s15] =	ssyncset.done @p0 $0x0  }
0x345: {  	s19 =	simm.s32 @p0 $0x1B000;
	[sflag:s15] =	ssyncadd.s32 @p0 $0xFFFFE000;
	s15 =	simm.s32 @p0 $0x80  }
0x346: {  	[spmem:s1] =	stream.indirect.scatter.add.f32 @p0 [tilespmem:s19], [sflag:$0xF], $0x40, s17, s15, $0xb8;
	[tilespmem:$0x1F100] =	vst v63  }
0x347: {  	s15 =	sadd.s32 @!p0 $0x160, s8;
	s17 =	simm.s32 @!p0 $0x14300  }
0x348: {  	[tilespmem:s17], [sflag:$0x4] =	stream.linear.gather @!p0 [hbm4b:s15+s10], $0x100, $0x38;
	[tilespmem:$0x1F100] =	vst v63  }
0x349: {  	s15 =	simm.s32 @!p0 $0xB  }
0x34a: {  	_ =	swait.ge @!p0 [sflag:s15], $0x2000  }
0x34b: {  	[sflag:s15] =	ssyncset.done @!p0 $0x0  }
0x34c: {  	[sflag:s15] =	ssyncadd.s32 @!p0 $0xFFFFE000;
	s15 =	simm.s32 @!p0 $0xD  }
0x34d: {  	_ =	swait.ge @!p0 [sflag:s15], $0x2000  }
0x34e: {  	s19 =	simm.s32 @!p0 $0x1B000;
	[sflag:s15] =	ssyncset.done @!p0 $0x0  }
0x34f: {  	s17 =	simm.s32 @!p0 $0x14680;
	[sflag:s15] =	ssyncadd.s32 @!p0 $0xFFFFE000;
	s15 =	simm.s32 @!p0 $0x80  }
0x350: {  	[spmem:s1] =	stream.indirect.scatter.add.f32 @!p0 [tilespmem:s19], [sflag:$0xF], $0x40, s17, s15, $0xb8;
	[tilespmem:$0x1F100] =	vst v63  }
0x351: {  	s17 =	simm.s32 @!p0 $0x1  }
0x352: {  	_ =	swait.ge @!p0 [sflag:s17], $0x100  }
0x353: {  	[sflag:s17] =	ssyncset.done @!p0 $0x0  }
0x354: {  	[sflag:s17] =	ssyncadd.s32 @!p0 $0xFFFFFF00;
	s17 =	simm.s32 @!p0 $0x17000  }
0x355: {  	[tilespmem:s17], [sflag:$0x9] =	stream.indirect.gather @!p0 [spmem:s2], $0x40, s14, s15, $0xb8;
	[tilespmem:$0x1F100] =	vst v63  }
0x356: {  	s8 =	sadd.s32 @!p0 $0x180, s8;
	s14 =	simm.s32 @!p0 $0x14400  }
0x357: {  	[tilespmem:s14], [sflag:$0x5] =	stream.linear.gather @!p0 [hbm4b:s8+s10], $0x100, $0x38;
	[tilespmem:$0x1F100] =	vst v63  }
0x358: {  	_ =	swait.ge [sflag:s29], $0x2000  }
0x359: {  	[sflag:s29] =	ssyncset.done $0x0  }
.Ltmp6:
0x35a: {  	[sflag:s29] =	ssyncadd.s32 $0xFFFFE000;
	(pc) =	sbr.rel @p0 .LBB2_16-.Ltmp6, $4  }
0x35b: {  	_ =	swait.ge [sflag:s3], $0x2000  }
0x35c: {  	s9 =	simm.s32 $0x14700;
	s12 =	simm.s32 $0x14600;
	[sflag:s3] =	ssyncset.done $0x0  }
0x35d: {  	s16 =	simm.s32 $0x14500;
	s19 =	simm.s32 $0x14780;
	[sflag:s3] =	ssyncadd.s32 $0xFFFFE000  }
0x35e: {  	[spmem:s1] =	stream.indirect.scatter.add.f32 [tilespmem:s11], [sflag:$0x10], $0x40, s19, s0, $0xb8;
	[tilespmem:$0x1F100] =	vst v63  }
0x35f: {  	s8 =	simm.s32 $0x2  }
0x360: {  	_ =	swait.ge [sflag:s8], $0x100  }
.Ltmp7:
0x361: {  	[sflag:s8] =	ssyncset.done $0x0;
	(pc) =	sbr.rel .LBB2_14-.Ltmp7, $4  }
0x362: {  	[sflag:s8] =	ssyncadd.s32 $0xFFFFFF00  }
0x363: {  	[tilespmem:s25], [sflag:$0xA] =	stream.indirect.gather [spmem:s2], $0x40, s20, s0, $0xb8;
	[tilespmem:$0x1F100] =	vst v63  }
0x364: {  	s7 =	sadd.s32 $0x1A0, s7;
	s6 =	sadd.s32 $0x100, s6;
	s17 =	simm.s32 $0x14500  }
0x365: {  	[tilespmem:s16], [sflag:$0x6] =	stream.linear.gather [hbm4b:s7+s4], $0x100, $0x38;
	[tilespmem:$0x1F100] =	vst v63  }
.LBB2_16:
0x366: {  	_ =	swait.ge [sflag:s13], $0x2000  }
0x367: {  	[sflag:s13] =	ssyncset.done $0x0  }
0x368: {  	[sflag:s13] =	ssyncadd.s32 $0xFFFFE000  }
0x369: {  	_ =	swait.ge [sflag:s31], $0x2000  }
0x36a: {  	s16 =	rddreg [dreg:$0x17]  }
0x36b: {  	[sflag:s31] =	ssyncset.done $0x0;
	s16 =	sadd.s32 $0x1, s16  }
0x36c: {  	[sflag:s31] =	ssyncadd.s32 $0xFFFFE000;
	s6 =	sshll.u32 s16, $0x4  }
0x36d: {  	[bflag:$0x0] =	sbarrier.arrive $0xFFFF;
	s6 =	sand.u32 $0x3FFFFFF0, s6  }
0x36e: {  	s24 =	simm.s32 $0x14820;
	v2 =	vld [tilespmem:s6+$0x1F000];
	s6 =	simm.s32 $0x0  }
.LBB2_17:
0x36f: {  	s7 =	sshll.u32 s6, $0x7;
	s8 =	rddreg [dreg:$0x8]  }
0x370: {  	s7 =	sadd.s32 s8, s7  }
0x371: {  	s10 =	rddreg [dreg:$0xe];
	s7 =	sshll.u32 s7, $0x6  }
0x372: {  	s19 =	sadd.s32 s7, s1;
	s8 =	sadd.s32 s7, s2;
	s7 =	sadd.s32 s10, s7  }
0x373: {  	[tilespmem:s23], [sflag:$0x9] =	stream.linear.gather [spmem:s19], $0x2000, $0x38;
	[tilespmem:$0x1F100] =	vst v63  }
0x374: {  	s17 =	rddreg [dreg:$0x7];
	s7 =	sshrl.u32 s7, $0x3  }
0x375: {  	[tilespmem:s25], [sflag:$0xA] =	stream.linear.gather [spmem:s8], $0x2000, $0x38;
	[tilespmem:$0x1F100] =	vst v63  }
0x376: {  	s10 =	sadd.s32 s17, s7  }
0x377: {  	[tilespmem:s5], [sflag:$0xB] =	stream.linear.gather [hbm4b:s10+s4], $0x2000, $0x38;
	[tilespmem:$0x1F100] =	vst v63  }
0x378: {  	_ =	swait.ge [sflag:s18], $0x2000  }
0x379: {  	[sflag:s18] =	ssyncset.done $0x0  }
0x37a: {  	[sflag:s18] =	ssyncadd.s32 $0xFFFFE000  }
0x37b: {  	_ =	swait.ge [sflag:s21], $0x2000  }
0x37c: {  	[sflag:s21] =	ssyncset.done $0x0  }
0x37d: {  	[sflag:s21] =	ssyncadd.s32 $0xFFFFE000  }
0x37e: {  	_ =	swait.ge [sflag:s28], $0x2000  }
0x37f: {  	[sflag:s28] =	ssyncset.done $0x0  }
0x380: {  	s14 =	simm.s32 $0x17080;
	[sflag:s28] =	ssyncadd.s32 $0xFFFFE000  }
0x381: {  	s15 =	simm.s32 $0x19080;
	v3 =	vld [tilespmem:s14+$0xFFFFFF80]  }
0x382: {  	v4 =	vld [tilespmem:s15+$0xFFFFFF80];
	_ =	sdelay $0x1  }
0x383: {  	v5 =	vld [tilespmem:s24+$0xFFFFFFE0];
	_ =	sdelay $0x2  }
0x384: {  	s20 =	simm.s32 $0x1B080;
	v3 =	vadd.f32 v4, v3  }
0x385: {  	v30 =	vld [tilespmem:s20+$0xFFFFFF80]  }
0x386: {  	v3 =	vmul.f32 v3, v5;
	_ =	sdelay $0x1  }
0x387: {  	v6 =	vmul.f32 v3, v2;
	_ =	sdelay $0x1  }
0x388: {  	v4 =	vadd.f32 v6, v30  }
0x389: {  	v3 =	vmul.f32 v3, v5  }
0x38a: {  	[tilespmem:s20+$0xFFFFFF80] =	vst v4  }
0x38b: {  	[tilespmem:s15+$0xFFFFFF80] =	vst v3  }
0x38c: {  	[tilespmem:s14+$0xFFFFFF80] =	vst v1;
	v3 =	vld [tilespmem:s14+$0xFFFFFF90]  }
0x38d: {  	v4 =	vld [tilespmem:s15+$0xFFFFFF90];
	_ =	sdelay $0x4  }
0x38e: {  	v3 =	vadd.f32 v4, v3  }
0x38f: {  	v31 =	vld [tilespmem:s20+$0xFFFFFF90]  }
0x390: {  	v3 =	vmul.f32 v3, v5;
	_ =	sdelay $0x1  }
0x391: {  	v32 =	vmul.f32 v3, v2;
	_ =	sdelay $0x1  }
0x392: {  	v4 =	vadd.f32 v32, v31  }
0x393: {  	v3 =	vmul.f32 v3, v5  }
0x394: {  	[tilespmem:s20+$0xFFFFFF90] =	vst v4  }
0x395: {  	[tilespmem:s15+$0xFFFFFF90] =	vst v3  }
0x396: {  	[tilespmem:s14+$0xFFFFFF90] =	vst v1;
	v3 =	vld [tilespmem:s14+$0xFFFFFFA0]  }
0x397: {  	v4 =	vld [tilespmem:s15+$0xFFFFFFA0];
	_ =	sdelay $0x4  }
0x398: {  	v3 =	vadd.f32 v4, v3  }
0x399: {  	v33 =	vld [tilespmem:s20+$0xFFFFFFA0]  }
0x39a: {  	v3 =	vmul.f32 v3, v5;
	_ =	sdelay $0x1  }
0x39b: {  	v34 =	vmul.f32 v3, v2;
	_ =	sdelay $0x1  }
0x39c: {  	v4 =	vadd.f32 v34, v33  }
0x39d: {  	v3 =	vmul.f32 v3, v5  }
0x39e: {  	[tilespmem:s20+$0xFFFFFFA0] =	vst v4  }
0x39f: {  	[tilespmem:s15+$0xFFFFFFA0] =	vst v3  }
0x3a0: {  	[tilespmem:s14+$0xFFFFFFA0] =	vst v1;
	v3 =	vld [tilespmem:s14+$0xFFFFFFB0]  }
0x3a1: {  	v4 =	vld [tilespmem:s15+$0xFFFFFFB0];
	_ =	sdelay $0x4  }
0x3a2: {  	v3 =	vadd.f32 v4, v3  }
0x3a3: {  	v35 =	vld [tilespmem:s20+$0xFFFFFFB0]  }
0x3a4: {  	v3 =	vmul.f32 v3, v5;
	_ =	sdelay $0x1  }
0x3a5: {  	v36 =	vmul.f32 v3, v2;
	_ =	sdelay $0x1  }
0x3a6: {  	v4 =	vadd.f32 v36, v35  }
0x3a7: {  	v3 =	vmul.f32 v3, v5  }
0x3a8: {  	[tilespmem:s20+$0xFFFFFFB0] =	vst v4  }
0x3a9: {  	[tilespmem:s15+$0xFFFFFFB0] =	vst v3  }
0x3aa: {  	[tilespmem:s14+$0xFFFFFFB0] =	vst v1;
	v3 =	vld [tilespmem:s14+$0xFFFFFFC0]  }
0x3ab: {  	v4 =	vld [tilespmem:s15+$0xFFFFFFC0];
	_ =	sdelay $0x1  }
0x3ac: {  	v37 =	vld [tilespmem:s24+$0xFFFFFFF0];
	_ =	sdelay $0x2  }
0x3ad: {  	v3 =	vadd.f32 v4, v3  }
0x3ae: {  	v38 =	vld [tilespmem:s20+$0xFFFFFFC0]  }
0x3af: {  	v3 =	vmul.f32 v3, v37;
	_ =	sdelay $0x1  }
0x3b0: {  	v39 =	vmul.f32 v3, v2;
	_ =	sdelay $0x1  }
0x3b1: {  	v4 =	vadd.f32 v39, v38  }
0x3b2: {  	v3 =	vmul.f32 v3, v37  }
0x3b3: {  	[tilespmem:s20+$0xFFFFFFC0] =	vst v4  }
0x3b4: {  	[tilespmem:s15+$0xFFFFFFC0] =	vst v3  }
0x3b5: {  	[tilespmem:s14+$0xFFFFFFC0] =	vst v1;
	v3 =	vld [tilespmem:s14+$0xFFFFFFD0]  }
0x3b6: {  	v4 =	vld [tilespmem:s15+$0xFFFFFFD0];
	_ =	sdelay $0x4  }
0x3b7: {  	v3 =	vadd.f32 v4, v3  }
0x3b8: {  	v40 =	vld [tilespmem:s20+$0xFFFFFFD0]  }
0x3b9: {  	v3 =	vmul.f32 v3, v37;
	_ =	sdelay $0x1  }
0x3ba: {  	v41 =	vmul.f32 v3, v2;
	_ =	sdelay $0x1  }
0x3bb: {  	v4 =	vadd.f32 v41, v40  }
0x3bc: {  	v3 =	vmul.f32 v3, v37  }
0x3bd: {  	[tilespmem:s20+$0xFFFFFFD0] =	vst v4  }
0x3be: {  	[tilespmem:s15+$0xFFFFFFD0] =	vst v3  }
0x3bf: {  	[tilespmem:s14+$0xFFFFFFD0] =	vst v1;
	v3 =	vld [tilespmem:s14+$0xFFFFFFE0]  }
0x3c0: {  	v4 =	vld [tilespmem:s15+$0xFFFFFFE0];
	_ =	sdelay $0x4  }
0x3c1: {  	v3 =	vadd.f32 v4, v3  }
0x3c2: {  	v42 =	vld [tilespmem:s20+$0xFFFFFFE0]  }
0x3c3: {  	v3 =	vmul.f32 v3, v37;
	_ =	sdelay $0x1  }
0x3c4: {  	v43 =	vmul.f32 v3, v2;
	_ =	sdelay $0x1  }
0x3c5: {  	v4 =	vadd.f32 v43, v42  }
0x3c6: {  	v3 =	vmul.f32 v3, v37  }
0x3c7: {  	[tilespmem:s20+$0xFFFFFFE0] =	vst v4  }
0x3c8: {  	[tilespmem:s15+$0xFFFFFFE0] =	vst v3  }
0x3c9: {  	[tilespmem:s14+$0xFFFFFFE0] =	vst v1;
	v3 =	vld [tilespmem:s14+$0xFFFFFFF0]  }
0x3ca: {  	v4 =	vld [tilespmem:s15+$0xFFFFFFF0];
	_ =	sdelay $0x4  }
0x3cb: {  	v3 =	vadd.f32 v4, v3  }
0x3cc: {  	v44 =	vld [tilespmem:s20+$0xFFFFFFF0]  }
0x3cd: {  	v3 =	vmul.f32 v3, v37;
	_ =	sdelay $0x1  }
0x3ce: {  	v45 =	vmul.f32 v3, v2;
	_ =	sdelay $0x1  }
0x3cf: {  	v4 =	vadd.f32 v45, v44  }
0x3d0: {  	v3 =	vmul.f32 v3, v37  }
0x3d1: {  	[tilespmem:s20+$0xFFFFFFF0] =	vst v4  }
0x3d2: {  	[tilespmem:s15+$0xFFFFFFF0] =	vst v3  }
0x3d3: {  	[tilespmem:s14+$0xFFFFFFF0] =	vst v1;
	v3 =	vld [tilespmem:s14+$0x0]  }
0x3d4: {  	v4 =	vld [tilespmem:s15+$0x0];
	_ =	sdelay $0x1  }
0x3d5: {  	v46 =	vld [tilespmem:s24+$0x0];
	_ =	sdelay $0x2  }
0x3d6: {  	v3 =	vadd.f32 v4, v3  }
0x3d7: {  	v47 =	vld [tilespmem:s20+$0x0]  }
0x3d8: {  	v3 =	vmul.f32 v3, v46;
	_ =	sdelay $0x1  }
0x3d9: {  	v48 =	vmul.f32 v3, v2;
	_ =	sdelay $0x1  }
0x3da: {  	v4 =	vadd.f32 v48, v47  }
0x3db: {  	v3 =	vmul.f32 v3, v46  }
0x3dc: {  	[tilespmem:s20+$0x0] =	vst v4  }
0x3dd: {  	[tilespmem:s15+$0x0] =	vst v3  }
0x3de: {  	[tilespmem:s14+$0x0] =	vst v1;
	v3 =	vld [tilespmem:s14+$0x10]  }
0x3df: {  	v4 =	vld [tilespmem:s15+$0x10];
	_ =	sdelay $0x4  }
0x3e0: {  	v3 =	vadd.f32 v4, v3  }
0x3e1: {  	v49 =	vld [tilespmem:s20+$0x10]  }
0x3e2: {  	v3 =	vmul.f32 v3, v46;
	_ =	sdelay $0x1  }
0x3e3: {  	v50 =	vmul.f32 v3, v2;
	_ =	sdelay $0x1  }
0x3e4: {  	v4 =	vadd.f32 v50, v49  }
0x3e5: {  	v3 =	vmul.f32 v3, v46  }
0x3e6: {  	[tilespmem:s20+$0x10] =	vst v4  }
0x3e7: {  	[tilespmem:s15+$0x10] =	vst v3  }
0x3e8: {  	[tilespmem:s14+$0x10] =	vst v1;
	v3 =	vld [tilespmem:s14+$0x20]  }
0x3e9: {  	v4 =	vld [tilespmem:s15+$0x20];
	_ =	sdelay $0x4  }
0x3ea: {  	v3 =	vadd.f32 v4, v3  }
0x3eb: {  	v51 =	vld [tilespmem:s20+$0x20]  }
0x3ec: {  	v3 =	vmul.f32 v3, v46;
	_ =	sdelay $0x1  }
0x3ed: {  	v52 =	vmul.f32 v3, v2;
	_ =	sdelay $0x1  }
0x3ee: {  	v4 =	vadd.f32 v52, v51  }
0x3ef: {  	v3 =	vmul.f32 v3, v46  }
0x3f0: {  	[tilespmem:s20+$0x20] =	vst v4  }
0x3f1: {  	[tilespmem:s15+$0x20] =	vst v3  }
0x3f2: {  	[tilespmem:s14+$0x20] =	vst v1;
	v3 =	vld [tilespmem:s14+$0x30]  }
0x3f3: {  	v4 =	vld [tilespmem:s15+$0x30];
	_ =	sdelay $0x4  }
0x3f4: {  	v3 =	vadd.f32 v4, v3  }
0x3f5: {  	v53 =	vld [tilespmem:s20+$0x30]  }
0x3f6: {  	v3 =	vmul.f32 v3, v46;
	_ =	sdelay $0x1  }
0x3f7: {  	v54 =	vmul.f32 v3, v2;
	_ =	sdelay $0x1  }
0x3f8: {  	v4 =	vadd.f32 v54, v53  }
0x3f9: {  	v3 =	vmul.f32 v3, v46  }
0x3fa: {  	[tilespmem:s20+$0x30] =	vst v4  }
0x3fb: {  	[tilespmem:s15+$0x30] =	vst v3  }
0x3fc: {  	[tilespmem:s14+$0x30] =	vst v1;
	v3 =	vld [tilespmem:s14+$0x40]  }
0x3fd: {  	v4 =	vld [tilespmem:s15+$0x40];
	_ =	sdelay $0x1  }
0x3fe: {  	v55 =	vld [tilespmem:s24+$0x10];
	_ =	sdelay $0x2  }
0x3ff: {  	v3 =	vadd.f32 v4, v3  }
0x400: {  	v56 =	vld [tilespmem:s20+$0x40]  }
0x401: {  	v3 =	vmul.f32 v3, v55;
	_ =	sdelay $0x1  }
0x402: {  	v57 =	vmul.f32 v3, v2;
	_ =	sdelay $0x1  }
0x403: {  	v4 =	vadd.f32 v57, v56  }
0x404: {  	v3 =	vmul.f32 v3, v55  }
0x405: {  	[tilespmem:s20+$0x40] =	vst v4  }
0x406: {  	[tilespmem:s15+$0x40] =	vst v3  }
0x407: {  	[tilespmem:s14+$0x40] =	vst v1;
	v3 =	vld [tilespmem:s14+$0x50]  }
0x408: {  	v4 =	vld [tilespmem:s15+$0x50];
	_ =	sdelay $0x4  }
0x409: {  	v3 =	vadd.f32 v4, v3  }
0x40a: {  	v58 =	vld [tilespmem:s20+$0x50]  }
0x40b: {  	v3 =	vmul.f32 v3, v55;
	_ =	sdelay $0x1  }
0x40c: {  	v59 =	vmul.f32 v3, v2;
	_ =	sdelay $0x1  }
0x40d: {  	v4 =	vadd.f32 v59, v58  }
0x40e: {  	v3 =	vmul.f32 v3, v55  }
0x40f: {  	[tilespmem:s20+$0x50] =	vst v4  }
0x410: {  	[tilespmem:s15+$0x50] =	vst v3  }
0x411: {  	[tilespmem:s14+$0x50] =	vst v1;
	v3 =	vld [tilespmem:s14+$0x60]  }
0x412: {  	v4 =	vld [tilespmem:s15+$0x60];
	_ =	sdelay $0x4  }
0x413: {  	v3 =	vadd.f32 v4, v3  }
0x414: {  	v60 =	vld [tilespmem:s20+$0x60]  }
0x415: {  	v3 =	vmul.f32 v3, v55;
	_ =	sdelay $0x1  }
0x416: {  	v61 =	vmul.f32 v3, v2;
	_ =	sdelay $0x1  }
0x417: {  	v4 =	vadd.f32 v61, v60  }
0x418: {  	v3 =	vmul.f32 v3, v55  }
0x419: {  	[tilespmem:s20+$0x60] =	vst v4  }
0x41a: {  	[tilespmem:s15+$0x60] =	vst v3  }
0x41b: {  	[tilespmem:s14+$0x60] =	vst v1;
	v3 =	vld [tilespmem:s14+$0x70]  }
0x41c: {  	v4 =	vld [tilespmem:s15+$0x70];
	_ =	sdelay $0x4  }
0x41d: {  	v3 =	vadd.f32 v4, v3  }
0x41e: {  	v62 =	vld [tilespmem:s20+$0x70]  }
0x41f: {  	v3 =	vmul.f32 v3, v55;
	_ =	sdelay $0x1  }
0x420: {  	v63 =	vmul.f32 v3, v2;
	_ =	sdelay $0x1  }
0x421: {  	v4 =	vadd.f32 v63, v62  }
0x422: {  	v3 =	vmul.f32 v3, v55  }
0x423: {  	s30 =	simm.s32 $0x0;
	[tilespmem:s20+$0x70] =	vst v4  }
0x424: {  	s17 =	simm.s32 $0x17180;
	s7 =	smov.u32 s24;
	s20 =	simm.s32 $0x1B180;
	[tilespmem:s15+$0x70] =	vst v3  }
.LBB2_18:
0x425: {  	v3 =	vld [tilespmem:s17+$0xFFFFFF80];
	s30 =	sadd.s32 $0x4, s30;
	[tilespmem:s14+$0x70] =	vst v1;
	s7 =	sadd.s32 $0x40, s7;
	s15 =	sadd.s32 $0x100, s15  }
0x426: {  	s14 =	smov.u32 s17;
	v4 =	vld [tilespmem:s15+$0xFFFFFF80];
	p0 =	slt.u32 s30, $0x7C;
	_ =	sdelay $0x1  }
0x427: {  	v5 =	vld [tilespmem:s7+$0xFFFFFFE0];
	_ =	sdelay $0x2  }
0x428: {  	v3 =	vadd.f32 v4, v3  }
0x429: {  	v4 =	vld [tilespmem:s20+$0xFFFFFF80]  }
0x42a: {  	v3 =	vmul.f32 v3, v5;
	_ =	sdelay $0x1  }
0x42b: {  	v6 =	vmul.f32 v3, v2;
	v3 =	vmul.f32 v3, v5;
	_ =	sdelay $0x1  }
0x42c: {  	v4 =	vadd.f32 v6, v4;
	_ =	sdelay $0x1  }
0x42d: {  	[tilespmem:s20+$0xFFFFFF80] =	vst v4  }
0x42e: {  	[tilespmem:s15+$0xFFFFFF80] =	vst v3  }
0x42f: {  	[tilespmem:s17+$0xFFFFFF80] =	vst v1;
	v3 =	vld [tilespmem:s17+$0xFFFFFF90]  }
0x430: {  	v4 =	vld [tilespmem:s15+$0xFFFFFF90];
	_ =	sdelay $0x4  }
0x431: {  	v3 =	vadd.f32 v4, v3  }
0x432: {  	v4 =	vld [tilespmem:s20+$0xFFFFFF90]  }
0x433: {  	v3 =	vmul.f32 v3, v5;
	_ =	sdelay $0x1  }
0x434: {  	v6 =	vmul.f32 v3, v2;
	v3 =	vmul.f32 v3, v5;
	_ =	sdelay $0x1  }
0x435: {  	v4 =	vadd.f32 v6, v4;
	_ =	sdelay $0x1  }
0x436: {  	[tilespmem:s20+$0xFFFFFF90] =	vst v4  }
0x437: {  	[tilespmem:s15+$0xFFFFFF90] =	vst v3  }
0x438: {  	[tilespmem:s17+$0xFFFFFF90] =	vst v1;
	v3 =	vld [tilespmem:s17+$0xFFFFFFA0]  }
0x439: {  	v4 =	vld [tilespmem:s15+$0xFFFFFFA0];
	_ =	sdelay $0x4  }
0x43a: {  	v3 =	vadd.f32 v4, v3  }
0x43b: {  	v4 =	vld [tilespmem:s20+$0xFFFFFFA0]  }
0x43c: {  	v3 =	vmul.f32 v3, v5;
	_ =	sdelay $0x1  }
0x43d: {  	v6 =	vmul.f32 v3, v2;
	v3 =	vmul.f32 v3, v5;
	_ =	sdelay $0x1  }
0x43e: {  	v4 =	vadd.f32 v6, v4;
	_ =	sdelay $0x1  }
0x43f: {  	[tilespmem:s20+$0xFFFFFFA0] =	vst v4  }
0x440: {  	[tilespmem:s15+$0xFFFFFFA0] =	vst v3  }
0x441: {  	[tilespmem:s17+$0xFFFFFFA0] =	vst v1;
	v3 =	vld [tilespmem:s17+$0xFFFFFFB0]  }
0x442: {  	v4 =	vld [tilespmem:s15+$0xFFFFFFB0];
	_ =	sdelay $0x4  }
0x443: {  	v3 =	vadd.f32 v4, v3  }
0x444: {  	v4 =	vld [tilespmem:s20+$0xFFFFFFB0]  }
0x445: {  	v3 =	vmul.f32 v3, v5;
	_ =	sdelay $0x1  }
0x446: {  	v6 =	vmul.f32 v3, v2;
	v3 =	vmul.f32 v3, v5;
	_ =	sdelay $0x1  }
0x447: {  	v4 =	vadd.f32 v6, v4;
	_ =	sdelay $0x1  }
0x448: {  	[tilespmem:s20+$0xFFFFFFB0] =	vst v4  }
0x449: {  	[tilespmem:s15+$0xFFFFFFB0] =	vst v3  }
0x44a: {  	[tilespmem:s17+$0xFFFFFFB0] =	vst v1;
	v3 =	vld [tilespmem:s17+$0xFFFFFFC0]  }
0x44b: {  	v4 =	vld [tilespmem:s15+$0xFFFFFFC0];
	_ =	sdelay $0x1  }
0x44c: {  	v5 =	vld [tilespmem:s7+$0xFFFFFFF0];
	_ =	sdelay $0x2  }
0x44d: {  	v3 =	vadd.f32 v4, v3  }
0x44e: {  	v4 =	vld [tilespmem:s20+$0xFFFFFFC0]  }
0x44f: {  	v3 =	vmul.f32 v3, v5;
	_ =	sdelay $0x1  }
0x450: {  	v6 =	vmul.f32 v3, v2;
	v3 =	vmul.f32 v3, v5;
	_ =	sdelay $0x1  }
0x451: {  	v4 =	vadd.f32 v6, v4;
	_ =	sdelay $0x1  }
0x452: {  	[tilespmem:s20+$0xFFFFFFC0] =	vst v4  }
0x453: {  	[tilespmem:s15+$0xFFFFFFC0] =	vst v3  }
0x454: {  	[tilespmem:s17+$0xFFFFFFC0] =	vst v1;
	v3 =	vld [tilespmem:s17+$0xFFFFFFD0]  }
0x455: {  	v4 =	vld [tilespmem:s15+$0xFFFFFFD0];
	_ =	sdelay $0x4  }
0x456: {  	v3 =	vadd.f32 v4, v3  }
0x457: {  	v4 =	vld [tilespmem:s20+$0xFFFFFFD0]  }
0x458: {  	v3 =	vmul.f32 v3, v5;
	_ =	sdelay $0x1  }
0x459: {  	v6 =	vmul.f32 v3, v2;
	v3 =	vmul.f32 v3, v5;
	_ =	sdelay $0x1  }
0x45a: {  	v4 =	vadd.f32 v6, v4;
	_ =	sdelay $0x1  }
0x45b: {  	[tilespmem:s20+$0xFFFFFFD0] =	vst v4  }
0x45c: {  	[tilespmem:s15+$0xFFFFFFD0] =	vst v3  }
0x45d: {  	[tilespmem:s17+$0xFFFFFFD0] =	vst v1;
	v3 =	vld [tilespmem:s17+$0xFFFFFFE0]  }
0x45e: {  	v4 =	vld [tilespmem:s15+$0xFFFFFFE0];
	_ =	sdelay $0x4  }
0x45f: {  	v3 =	vadd.f32 v4, v3  }
0x460: {  	v4 =	vld [tilespmem:s20+$0xFFFFFFE0]  }
0x461: {  	v3 =	vmul.f32 v3, v5;
	_ =	sdelay $0x1  }
0x462: {  	v6 =	vmul.f32 v3, v2;
	v3 =	vmul.f32 v3, v5;
	_ =	sdelay $0x1  }
0x463: {  	v4 =	vadd.f32 v6, v4;
	_ =	sdelay $0x1  }
0x464: {  	[tilespmem:s20+$0xFFFFFFE0] =	vst v4  }
0x465: {  	[tilespmem:s15+$0xFFFFFFE0] =	vst v3  }
0x466: {  	[tilespmem:s17+$0xFFFFFFE0] =	vst v1;
	v3 =	vld [tilespmem:s17+$0xFFFFFFF0]  }
0x467: {  	v4 =	vld [tilespmem:s15+$0xFFFFFFF0];
	_ =	sdelay $0x4  }
0x468: {  	v3 =	vadd.f32 v4, v3  }
0x469: {  	v4 =	vld [tilespmem:s20+$0xFFFFFFF0]  }
0x46a: {  	v3 =	vmul.f32 v3, v5;
	_ =	sdelay $0x1  }
0x46b: {  	v6 =	vmul.f32 v3, v2;
	v3 =	vmul.f32 v3, v5;
	_ =	sdelay $0x1  }
0x46c: {  	v4 =	vadd.f32 v6, v4;
	_ =	sdelay $0x1  }
0x46d: {  	[tilespmem:s20+$0xFFFFFFF0] =	vst v4  }
0x46e: {  	[tilespmem:s15+$0xFFFFFFF0] =	vst v3  }
0x46f: {  	[tilespmem:s17+$0xFFFFFFF0] =	vst v1;
	v3 =	vld [tilespmem:s17+$0x0]  }
0x470: {  	v4 =	vld [tilespmem:s15+$0x0];
	_ =	sdelay $0x1  }
0x471: {  	v5 =	vld [tilespmem:s7+$0x0];
	_ =	sdelay $0x2  }
0x472: {  	v3 =	vadd.f32 v4, v3  }
0x473: {  	v4 =	vld [tilespmem:s20+$0x0]  }
0x474: {  	v3 =	vmul.f32 v3, v5;
	_ =	sdelay $0x1  }
0x475: {  	v6 =	vmul.f32 v3, v2;
	v3 =	vmul.f32 v3, v5;
	_ =	sdelay $0x1  }
0x476: {  	v4 =	vadd.f32 v6, v4;
	_ =	sdelay $0x1  }
0x477: {  	[tilespmem:s20+$0x0] =	vst v4  }
0x478: {  	[tilespmem:s15+$0x0] =	vst v3  }
0x479: {  	[tilespmem:s17+$0x0] =	vst v1;
	v3 =	vld [tilespmem:s17+$0x10]  }
0x47a: {  	v4 =	vld [tilespmem:s15+$0x10]  }
0x47b: {  	v6 =	vld [tilespmem:s20+$0x10];
	_ =	sdelay $0x3  }
0x47c: {  	v3 =	vadd.f32 v4, v3;
	_ =	sdelay $0x1  }
0x47d: {  	v3 =	vmul.f32 v3, v5;
	_ =	sdelay $0x1  }
0x47e: {  	v4 =	vmul.f32 v3, v2;
	v3 =	vmul.f32 v3, v5;
	_ =	sdelay $0x1  }
0x47f: {  	v4 =	vadd.f32 v4, v6;
	_ =	sdelay $0x1  }
0x480: {  	[tilespmem:s20+$0x10] =	vst v4  }
0x481: {  	[tilespmem:s15+$0x10] =	vst v3  }
0x482: {  	[tilespmem:s17+$0x10] =	vst v1;
	v3 =	vld [tilespmem:s17+$0x20]  }
0x483: {  	v4 =	vld [tilespmem:s15+$0x20]  }
0x484: {  	v6 =	vld [tilespmem:s20+$0x20];
	_ =	sdelay $0x3  }
0x485: {  	v3 =	vadd.f32 v4, v3;
	_ =	sdelay $0x1  }
0x486: {  	v3 =	vmul.f32 v3, v5;
	_ =	sdelay $0x1  }
0x487: {  	v4 =	vmul.f32 v3, v2;
	v3 =	vmul.f32 v3, v5;
	_ =	sdelay $0x1  }
0x488: {  	v4 =	vadd.f32 v4, v6;
	_ =	sdelay $0x1  }
0x489: {  	[tilespmem:s20+$0x20] =	vst v4  }
0x48a: {  	[tilespmem:s15+$0x20] =	vst v3  }
0x48b: {  	[tilespmem:s17+$0x20] =	vst v1;
	v3 =	vld [tilespmem:s17+$0x30]  }
0x48c: {  	v4 =	vld [tilespmem:s15+$0x30]  }
0x48d: {  	v6 =	vld [tilespmem:s20+$0x30];
	_ =	sdelay $0x3  }
0x48e: {  	v3 =	vadd.f32 v4, v3;
	_ =	sdelay $0x1  }
0x48f: {  	v3 =	vmul.f32 v3, v5;
	_ =	sdelay $0x1  }
0x490: {  	v4 =	vmul.f32 v3, v2;
	v3 =	vmul.f32 v3, v5;
	_ =	sdelay $0x1  }
0x491: {  	v4 =	vadd.f32 v4, v6;
	_ =	sdelay $0x1  }
0x492: {  	[tilespmem:s20+$0x30] =	vst v4  }
0x493: {  	[tilespmem:s15+$0x30] =	vst v3  }
0x494: {  	[tilespmem:s17+$0x30] =	vst v1;
	v3 =	vld [tilespmem:s17+$0x40]  }
0x495: {  	v4 =	vld [tilespmem:s15+$0x40]  }
0x496: {  	v5 =	vld [tilespmem:s7+$0x10]  }
0x497: {  	v6 =	vld [tilespmem:s20+$0x40];
	_ =	sdelay $0x2  }
0x498: {  	v3 =	vadd.f32 v4, v3;
	_ =	sdelay $0x1  }
0x499: {  	v3 =	vmul.f32 v3, v5;
	_ =	sdelay $0x1  }
0x49a: {  	v4 =	vmul.f32 v3, v2;
	v3 =	vmul.f32 v3, v5;
	_ =	sdelay $0x1  }
0x49b: {  	v4 =	vadd.f32 v4, v6;
	_ =	sdelay $0x1  }
0x49c: {  	[tilespmem:s20+$0x40] =	vst v4  }
0x49d: {  	[tilespmem:s15+$0x40] =	vst v3  }
0x49e: {  	[tilespmem:s17+$0x40] =	vst v1;
	v3 =	vld [tilespmem:s17+$0x50]  }
0x49f: {  	v4 =	vld [tilespmem:s15+$0x50]  }
0x4a0: {  	v6 =	vld [tilespmem:s20+$0x50];
	_ =	sdelay $0x3  }
0x4a1: {  	v3 =	vadd.f32 v4, v3;
	_ =	sdelay $0x1  }
0x4a2: {  	v3 =	vmul.f32 v3, v5;
	_ =	sdelay $0x1  }
0x4a3: {  	v4 =	vmul.f32 v3, v2;
	v3 =	vmul.f32 v3, v5;
	_ =	sdelay $0x1  }
0x4a4: {  	v4 =	vadd.f32 v4, v6;
	_ =	sdelay $0x1  }
0x4a5: {  	[tilespmem:s20+$0x50] =	vst v4  }
0x4a6: {  	[tilespmem:s15+$0x50] =	vst v3  }
0x4a7: {  	[tilespmem:s17+$0x50] =	vst v1;
	v3 =	vld [tilespmem:s17+$0x60]  }
0x4a8: {  	v4 =	vld [tilespmem:s15+$0x60]  }
0x4a9: {  	v6 =	vld [tilespmem:s20+$0x60];
	_ =	sdelay $0x3  }
0x4aa: {  	v3 =	vadd.f32 v4, v3;
	_ =	sdelay $0x1  }
0x4ab: {  	v3 =	vmul.f32 v3, v5;
	_ =	sdelay $0x1  }
0x4ac: {  	v4 =	vmul.f32 v3, v2;
	v3 =	vmul.f32 v3, v5;
	_ =	sdelay $0x1  }
0x4ad: {  	v4 =	vadd.f32 v4, v6;
	_ =	sdelay $0x1  }
0x4ae: {  	[tilespmem:s20+$0x60] =	vst v4  }
0x4af: {  	[tilespmem:s15+$0x60] =	vst v3  }
0x4b0: {  	[tilespmem:s17+$0x60] =	vst v1;
	v3 =	vld [tilespmem:s17+$0x70]  }
0x4b1: {  	v4 =	vld [tilespmem:s15+$0x70]  }
0x4b2: {  	v6 =	vld [tilespmem:s20+$0x70];
	_ =	sdelay $0x3  }
0x4b3: {  	v3 =	vadd.f32 v4, v3;
	_ =	sdelay $0x1  }
0x4b4: {  	v3 =	vmul.f32 v3, v5;
	_ =	sdelay $0x1  }
0x4b5: {  	v4 =	vmul.f32 v3, v2;
	v3 =	vmul.f32 v3, v5  }
.Ltmp8:
0x4b6: {  	(pc) =	sbr.rel @p0 .LBB2_18-.Ltmp8, $3  }
0x4b7: {  	v4 =	vadd.f32 v4, v6;
	_ =	sdelay $0x1  }
0x4b8: {  	[tilespmem:s20+$0x70] =	vst v4  }
0x4b9: {  	s17 =	sadd.s32 $0x100, s17;
	s20 =	sadd.s32 $0x100, s20;
	[tilespmem:s15+$0x70] =	vst v3  }
0x4ba: {  	[tilespmem:s14+$0x70] =	vst v1  }
0x4bb: {  	[spmem:s8] =	stream.linear.scatter [tilespmem:s25], [sflag:$0xD], $0x2000, $0x38;
	[tilespmem:$0x1F100] =	vst v63  }
0x4bc: {  	_ = 	snop  }
0x4bd: {  	[hbm4b:s10+s4] =	stream.linear.scatter [tilespmem:s5], [sflag:$0xE], $0x2000, $0x38;
	[tilespmem:$0x1F100] =	vst v63  }
0x4be: {  	_ = 	snop  }
0x4bf: {  	[spmem:s19] =	stream.linear.scatter [tilespmem:s23], [sflag:$0xF], $0x2000, $0x38;
	[tilespmem:$0x1F100] =	vst v63  }
0x4c0: {  	_ =	swait.ge [sflag:s26], $0x2000  }
0x4c1: {  	[sflag:s26] =	ssyncset.done $0x0  }
0x4c2: {  	s6 =	sadd.s32 $0x1, s6;
	[sflag:s26] =	ssyncadd.s32 $0xFFFFE000  }
0x4c3: {  	p0 =	sne.s32 s6, $0x5;
	_ =	swait.ge [sflag:s3], $0x2000  }
.Ltmp9:
0x4c4: {  	[sflag:s3] =	ssyncset.done $0x0;
	(pc) =	sbr.rel @p0 .LBB2_17-.Ltmp9, $4  }
0x4c5: {  	[sflag:s3] =	ssyncadd.s32 $0xFFFFE000  }
0x4c6: {  	_ =	swait.ge [sflag:s13], $0x2000  }
0x4c7: {  	[sflag:s13] =	ssyncset.done $0x0  }
0x4c8: {  	s24 =	sadd.s32 $0x800, s24;
	[sflag:s13] =	ssyncadd.s32 $0xFFFFE000  }
0x4c9: {  	p0 =	sne.s32 s16, $0xA  }
.Ltmp10:
0x4ca: {  	_ = 	snop;
	(pc) =	sbr.rel @p0 .LBB2_13-.Ltmp10, $3  }
0x4cb: {  	_ =	sdelay $0x1  }
0x4cc: {  	[bflag:$0x0] =	sbarrier.arrive $0xFFFF  }
0x4cd: {  	s20 =	simm.s32 $0x14100;
	s24 =	simm.s32 $0x14200;
	s30 =	simm.s32 $0x14300  }
0x4ce: {  	s7 =	rddreg [dreg:$0x16]  }
0x4cf: {  	s6 =	rddreg [dreg:$0x11];
	s7 =	sadd.s32 $0x1, s7  }
0x4d0: {  	p0 =	sne.s32 s7, s6  }
.Ltmp11:
0x4d1: {  	_ = 	snop;
	(pc) =	sbr.rel @p0 .LBB2_1-.Ltmp11, $2  }
0x4d2: {  	_ =	sdelay $0x2  }
0x4d3: {  	s10 =	simm.s32 $0x11;
	s19 =	simm.s32 $0x14500  }
0x4d4: {  	_ =	sfence.sel $0x180000  }
0x4d5: {  	[bflag:$0x0] =	sbarrier.arrive $0xFFFF  }
0x4d6: {  	_ =	strace $0x90000047  }
0x4d7: {  	s0 =	stileid.u32;
	[bflag:$0x2] =	sbarrier.arrive $0xFFFF  }
0x4d8: {  	p0 =	sne.s32 s0, $0x0;
	s0 =	rddreg [dreg:$0x4]  }
0x4d9: {  	s0 =	sadd.s32 @!p0 $0x100000, s0  }
0x4da: {  	[sflag:s0] =	ssyncadd.tile.s32 @!p0 $0x1;
	_ =	shalt  }
.Lfunc_end2:
_tile_overlayer_lowered:
.L_overlay_start_2:
0x4db: {  	(tag) =	ssettag $0x2  }
0x4dc: {  	s0 =	rddreg [dreg:$0x0];
	s2 =	stileid.u32  }
0x4dd: {  	s1 =	rddreg [dreg:$0x1];
	p0 =	sne.s32 s2, $0x0  }
0x4de: {  	s3 =	rddreg [dreg:$0x2];
	[bflag:$0x3] =	sbarrier.arrive $0xFFFF;
	s2 =	simm.s32 @!p0 $0x1C11  }
0x4df: {  	[timem:s3], [sflag:s2] =	dma.local @!p0 [hbm:s0], s1  }
0x4e0: {  	s0 =	simm.s32 @!p0 $0x11  }
0x4e1: {  	_ =	swait.ge @!p0 [sflag:s0], s1  }
0x4e2: {  	s1 =	ssub.s32 @!p0 $0x0, s1;
	[sflag:s0] =	ssyncset.done @!p0 $0x0  }
0x4e3: {  	[sflag:s0] =	ssyncadd.s32 @!p0 s1  }
0x4e4: {  	[bflag:$0x3] =	sbarrier.arrive $0xFFFF  }
0x4e5: {  	_ =	shalt  }

</sc_bundles>
